<compile_context>
chip_gen: v7x
topology: tpu7x:2x2x1
jax: 0.10.2.dev20260603
libtpu: 0.0.44.dev20260713+nightly
codegen_flags: <defaults>
</compile_context>

<pallas_src>
import functools

import jax
import jax.numpy as jnp
from jax import lax
from jax.experimental import pallas as pl
from jax.experimental.pallas import tpu as pltpu
from jax.experimental.pallas import tpu_sc as plsc

T = 2048
D = 1024
F = 4096
E = 8
K = 2
CAP = int(T * K / E * 1.25)

NF = 4
FC = F // NF

NSLOT = E * CAP
TRASH = NSLOT
NROW = NSLOT + 8

NW = 32
TPW = T // NW
CH = 16
NSUB = TPW // CH


def _router_kernel(x_ref, ls_ref, lb_ref, rw_ref,
                   hb_ref, s0_ref, s1_ref, g0_ref, g1_ref, sw_ref):
    x = x_ref[...]
    mu = jnp.mean(x, axis=-1, keepdims=True)
    xc = x - mu
    var = jnp.mean(xc * xc, axis=-1, keepdims=True)
    h = xc / jnp.sqrt(var + 1e-5) * ls_ref[...][None, :] + lb_ref[...][None, :]
    hb_ref[...] = h
    logits = jnp.dot(h, rw_ref[...], preferred_element_type=jnp.float32)
    mx = jnp.max(logits, axis=-1, keepdims=True)
    ex = jnp.exp(logits - mx)
    probs = ex / jnp.sum(ex, axis=-1, keepdims=True)
    iota = jax.lax.broadcasted_iota(jnp.int32, probs.shape, 1)
    v1 = jnp.max(probs, axis=-1, keepdims=True)
    i1 = jnp.min(jnp.where(probs == v1, iota, E), axis=-1, keepdims=True)
    masked = jnp.where(iota == i1, -jnp.inf, probs)
    v2 = jnp.max(masked, axis=-1, keepdims=True)
    i2 = jnp.min(jnp.where(masked == v2, iota, E), axis=-1, keepdims=True)
    s = v1 + v2 + 1e-8
    gv = jnp.concatenate([v1 / s, v2 / s], axis=-1)

    eiota = jax.lax.broadcasted_iota(jnp.int32, (T, E), 1)
    eoh0 = (i1 == eiota).astype(jnp.float32)
    eoh1 = (i2 == eiota).astype(jnp.float32)
    c = eoh0 + eoh1
    r = jax.lax.broadcasted_iota(jnp.int32, (T, T), 0)
    col = jax.lax.broadcasted_iota(jnp.int32, (T, T), 1)
    L = (col < r).astype(jnp.float32)
    excl = jax.lax.dot_general(
        L, c, (((1,), (0,)), ((), ())),
        preferred_element_type=jnp.float32)
    pos0 = jnp.sum(excl * eoh0, axis=-1, keepdims=True)
    pos1 = jnp.sum(excl * eoh1, axis=-1, keepdims=True)
    keep0 = pos0 < CAP
    keep1 = pos1 < CAP
    slot0 = i1 * CAP + pos0.astype(jnp.int32)
    slot1 = i2 * CAP + pos1.astype(jnp.int32)
    s0_ref[...] = jnp.where(keep0, slot0, TRASH)
    s1_ref[...] = jnp.where(keep1, slot1, TRASH)

    tot = excl[T - 1:T, :] + c[T - 1:T, :]
    tmin = jnp.min(tot, axis=-1, keepdims=True)
    e_iota_row = jax.lax.broadcasted_iota(jnp.int32, (1, E), 1)
    pe = jnp.min(jnp.where(tot == tmin, e_iota_row, E), axis=-1,
                 keepdims=True)
    pad_slot = pe * CAP + (CAP - 1)
    g0_ref[...] = jnp.where(keep0, slot0, pad_slot)
    g1_ref[...] = jnp.where(keep1, slot1, pad_slot)

    p01 = jnp.concatenate([pos0, pos1], axis=-1)
    p01i = jnp.transpose(p01, (1, 0)).astype(jnp.int32)
    citer = jax.lax.broadcasted_iota(jnp.int32, (CAP, T), 0)
    P0 = p01i[0:1, :] == citer
    P1 = p01i[1:2, :] == citer
    w = gv * jnp.concatenate(
        [keep0.astype(jnp.float32), keep1.astype(jnp.float32)], axis=-1)
    W0 = eoh0 * w[:, 0:1]
    W1 = eoh1 * w[:, 1:2]
    sw_ref[...] = (
        jnp.dot(P0.astype(jnp.float32), W0, preferred_element_type=jnp.float32)
        + jnp.dot(P1.astype(jnp.float32), W1,
                  preferred_element_type=jnp.float32))


def _sc_dispatch(h_hbm, s0_hbm, s1_hbm, disp_hbm, rows_v, i0_v, i1_v, sem):
    wid = lax.axis_index("s") * 2 + lax.axis_index("c")
    base = wid * TPW
    pltpu.sync_copy(h_hbm.at[pl.ds(base, TPW)], rows_v)
    pltpu.sync_copy(s0_hbm.at[pl.ds(base, TPW)], i0_v)
    pltpu.sync_copy(s1_hbm.at[pl.ds(base, TPW)], i1_v)
    c0 = pltpu.async_copy(rows_v, disp_hbm.at[i0_v], sem)
    c1 = pltpu.async_copy(rows_v, disp_hbm.at[i1_v], sem)
    c0.wait()
    c1.wait()


def _sc_combine(eout_hbm, g0_hbm, g1_hbm, y_hbm,
                a0_v, b0_v, a1_v, b1_v, i00_v, i01_v, i10_v, i11_v,
                sem0, sem1):
    wid = lax.axis_index("s") * 2 + lax.axis_index("c")
    base = wid * TPW
    abufs = (a0_v, a1_v)
    bbufs = (b0_v, b1_v)
    i0bufs = (i00_v, i10_v)
    i1bufs = (i01_v, i11_v)
    sems = (sem0, sem1)

    def start(sub):
        slot = sub % 2
        off = base + sub * CH
        pltpu.sync_copy(g0_hbm.at[pl.ds(off, CH)], i0bufs[slot])
        pltpu.sync_copy(g1_hbm.at[pl.ds(off, CH)], i1bufs[slot])
        ca = pltpu.async_copy(eout_hbm.at[i0bufs[slot]], abufs[slot],
                              sems[slot])
        cb = pltpu.async_copy(eout_hbm.at[i1bufs[slot]], bbufs[slot],
                              sems[slot])
        return ca, cb

    pend = start(0)
    for sub in range(NSUB):
        nxt = start(sub + 1) if sub + 1 < NSUB else None
        pend[0].wait()
        pend[1].wait()
        slot = sub % 2
        a_v, b_v = abufs[slot], bbufs[slot]

        def row_body(rr, carry):
            for cc in range(0, D, 16):
                a_v[rr, pl.ds(cc, 16)] = (a_v[rr, pl.ds(cc, 16)]
                                          + b_v[rr, pl.ds(cc, 16)])
            return carry

        lax.fori_loop(0, CH, row_body, 0)
        pltpu.sync_copy(a_v, y_hbm.at[pl.ds(base + sub * CH, CH)])
        pend = nxt


def _moe_kernel(disp_ref, w1_ref, b1_ref, w2_ref, b2_ref, sw_ref,
                eout_ref, dispb_ref, acc_ref):
    f = pl.program_id(1)

    @pl.when(f == 0)
    def _sanitize():
        d = disp_ref[...]
        dispb_ref[...] = jnp.where(jnp.isfinite(d), d, 0.0).astype(jnp.bfloat16)

    hidden = jnp.maximum(
        jnp.dot(dispb_ref[...], w1_ref[0].astype(jnp.bfloat16),
                preferred_element_type=jnp.float32)
        + b1_ref[0], 0.0).astype(jnp.bfloat16)
    part = jnp.dot(hidden, w2_ref[0].astype(jnp.bfloat16),
                   preferred_element_type=jnp.float32)

    @pl.when(f == 0)
    def _init_acc():
        acc_ref[...] = part

    @pl.when((f != 0) & (f != NF - 1))
    def _add_acc():
        acc_ref[...] = acc_ref[...] + part

    @pl.when(f == NF - 1)
    def _scale_out():
        e = pl.program_id(0)
        laneiota = jax.lax.broadcasted_iota(jnp.int32, (CAP, E), 1)
        swc = jnp.sum(jnp.where(laneiota == e, sw_ref[...], 0.0),
                      axis=-1, keepdims=True)
        eout_ref[...] = (acc_ref[...] + part + b2_ref[0]) * swc


def kernel(x, ln_scale, ln_bias, router_w, w1, b1, w2, b2):
    hb, s0, s1, g0, g1, sw = pl.pallas_call(
        _router_kernel,
        out_shape=[
            jax.ShapeDtypeStruct((T, D), jnp.float32),
            jax.ShapeDtypeStruct((T, 1), jnp.int32),
            jax.ShapeDtypeStruct((T, 1), jnp.int32),
            jax.ShapeDtypeStruct((T, 1), jnp.int32),
            jax.ShapeDtypeStruct((T, 1), jnp.int32),
            jax.ShapeDtypeStruct((CAP, E), jnp.float32),
        ],
    )(x, ln_scale, ln_bias, router_w)

    mesh = plsc.VectorSubcoreMesh(core_axis_name="c", subcore_axis_name="s")

    disp = pl.kernel(
        _sc_dispatch,
        mesh=mesh,
        out_type=jax.ShapeDtypeStruct((NROW, D), jnp.float32),
        scratch_types=[
            pltpu.VMEM((TPW, D), jnp.float32),
            pltpu.VMEM((TPW,), jnp.int32),
            pltpu.VMEM((TPW,), jnp.int32),
            pltpu.SemaphoreType.DMA,
        ],
    )(hb, s0.reshape(T), s1.reshape(T))

    eout = pl.pallas_call(
        _moe_kernel,
        grid=(E, NF),
        in_specs=[
            pl.BlockSpec((CAP, D), lambda e, f: (e, 0)),
            pl.BlockSpec((1, D, FC), lambda e, f: (e, 0, f)),
            pl.BlockSpec((1, 1, FC), lambda e, f: (e, 0, f)),
            pl.BlockSpec((1, FC, D), lambda e, f: (e, f, 0)),
            pl.BlockSpec((1, 1, D), lambda e, f: (e, 0, 0)),
            pl.BlockSpec((CAP, E), lambda e, f: (0, 0)),
        ],
        out_specs=pl.BlockSpec((CAP, D), lambda e, f: (e, 0)),
        out_shape=jax.ShapeDtypeStruct((NSLOT, D), jnp.float32),
        scratch_shapes=[
            pltpu.VMEM((CAP, D), jnp.bfloat16),
            pltpu.VMEM((CAP, D), jnp.float32),
        ],
    )(disp, w1, b1.reshape(E, 1, F), w2,
      b2.reshape(E, 1, D), sw)

    y = pl.kernel(
        _sc_combine,
        mesh=mesh,
        out_type=jax.ShapeDtypeStruct((T, D), jnp.float32),
        scratch_types=[
            pltpu.VMEM((CH, D), jnp.float32),
            pltpu.VMEM((CH, D), jnp.float32),
            pltpu.VMEM((CH, D), jnp.float32),
            pltpu.VMEM((CH, D), jnp.float32),
            pltpu.VMEM((CH,), jnp.int32),
            pltpu.VMEM((CH,), jnp.int32),
            pltpu.VMEM((CH,), jnp.int32),
            pltpu.VMEM((CH,), jnp.int32),
            pltpu.SemaphoreType.DMA,
            pltpu.SemaphoreType.DMA,
        ],
    )(eout, g0.reshape(T), g1.reshape(T))
    return y

# --- scband reference (transcript-rebuilt; emitter-appended) ---
"""Pipeline reference for scband-sa-mo-e-55688545960207 (READ-ONLY COPY).

The authoritative reference and input builder live on the scoring server;
editing this copy changes nothing except your own understanding.
"""

import jax, jax.numpy as jnp
import numpy as np
import math

T = 2048   # tokens (batch*seq)
D = 1024   # d_model
F = 4096   # d_ff
E = 8      # num_experts
K = 2      # top_k
CAP = int(T * K / E * 1.25)  # expert capacity = 640


def setup_inputs(seed: int = 0) -> dict:
    key = jax.random.key(seed)
    ks = jax.random.split(key, 8)
    x = jax.random.normal(ks[0], (T, D), dtype=jnp.float32)
    ln_scale = jnp.ones((D,), jnp.float32)
    ln_bias = jnp.zeros((D,), jnp.float32)
    router_w = jax.random.normal(ks[1], (D, E), jnp.float32) * 0.02
    w1 = jax.random.normal(ks[2], (E, D, F), jnp.float32) * (1.0 / math.sqrt(D))
    b1 = jnp.zeros((E, F), jnp.float32)
    w2 = jax.random.normal(ks[3], (E, F, D), jnp.float32) * (1.0 / math.sqrt(F))
    b2 = jnp.zeros((E, D), jnp.float32)
    return {"x": x, "ln_scale": ln_scale, "ln_bias": ln_bias,
            "router_w": router_w, "w1": w1, "b1": b1, "w2": w2, "b2": b2}


def _moe_forward(x, ln_scale, ln_bias, router_w, w1, b1, w2, b2):
    # LayerNorm (pre-norm) as in SA_MoE.layer_norm
    mu = jnp.mean(x, axis=-1, keepdims=True)
    var = jnp.var(x, axis=-1, keepdims=True)
    h = (x - mu) / jnp.sqrt(var + 1e-5) * ln_scale + ln_bias
    # shared router: logits -> softmax -> top-k gating (renormalized)
    logits = h @ router_w                      # [T, E]
    probs = jax.nn.softmax(logits, axis=-1)
    top_v, top_i = jax.lax.top_k(probs, K)     # [T, K]
    top_v = top_v / (jnp.sum(top_v, axis=-1, keepdims=True) + 1e-8)
    # flatten (token, k) assignments
    ei = top_i.reshape(-1)                     # [T*K] expert ids (int)
    gv = top_v.reshape(-1)                     # [T*K] gate values
    # position within expert via cumulative one-hot counts (capacity dispatch)
    onehot = jax.nn.one_hot(ei, E, dtype=jnp.float32)          # [T*K, E]
    pos = jnp.sum((jnp.cumsum(onehot, axis=0) - onehot) * onehot, axis=1)
    pos = pos.astype(jnp.int32)                                # [T*K]
    keep = (pos < CAP).astype(jnp.float32)
    pos_c = jnp.minimum(pos, CAP - 1)
    # dispatch tokens into [E, CAP, D] buffers (scatter-add)
    h_rep = jnp.repeat(h, K, axis=0)                           # [T*K, D]
    disp = jnp.zeros((E, CAP, D), jnp.float32).at[ei, pos_c].add(h_rep * keep[:, None])
    # per-expert FFN from the shared global pool: relu(x @ w1 + b1) @ w2 + b2
    hidden = jax.nn.relu(jnp.einsum('ecd,edf->ecf', disp, w1) + b1[:, None, :])
    eout = jnp.einsum('ecf,efd->ecd', hidden, w2) + b2[:, None, :]
    # combine: gather back per (token, k) slot, weight by gate, sum over k
    gathered = eout[ei, pos_c] * (gv * keep)[:, None]          # [T*K, D]
    y = jnp.sum(gathered.reshape(T, K, D), axis=1)             # [T, D]
    return y


def reference(x, ln_scale, ln_bias, router_w, w1, b1, w2, b2):
    return _moe_forward(x, ln_scale, ln_bias, router_w, w1, b1, w2, b2)

if __name__ == "__main__":
    import jax
    _d = setup_inputs()
    print(jax.jit(kernel)(*tuple(_d.values())))

</pallas_src>

<mosaic_0001>
#map = affine_map<(d0, d1) -> (0, 0)>
#map1 = affine_map<(d0, d1) -> (0)>
module attributes {stable_mosaic.version = 14 : i64} {
  func.func @_sc_dispatch(%arg0: i32, %arg1: i32, %arg2: memref<2048x1024xf32, #tpu.memory_space<hbm>>, %arg3: memref<2048xi32, #tpu.memory_space<hbm>>, %arg4: memref<2048xi32, #tpu.memory_space<hbm>>, %arg5: memref<5128x1024xf32, #tpu.memory_space<hbm>>, %arg6: memref<64x1024xf32, #tpu.memory_space<vmem>>, %arg7: memref<64xi32, #tpu.memory_space<vmem>>, %arg8: memref<64xi32, #tpu.memory_space<vmem>>, %arg9: memref<!tpu.dma_semaphore, #tpu.memory_space<semaphore_mem>>) attributes {dimension_semantics = [#tpu.dimension_semantics<core_parallel>, #tpu.dimension_semantics<subcore_parallel>], iteration_bounds = array<i64: 2, 16>, scalar_prefetch = 0 : i64, scratch_operands = 4 : i64, tpu.core_type = #tpu.core_type<sc_vector_subcore>, window_params = [{transform_indices = #map}, {transform_indices = #map1}, {transform_indices = #map1}, {transform_indices = #map}]} {
    %mul3A = arith.constant 2 : i32
    %mul3A_0 = arith.muli %arg1, %mul3A : i32
    %add3A = arith.addi %mul3A_0, %arg0 : i32
    %mul3A_1 = arith.constant 64 : i32
    %mul3A_2 = arith.muli %add3A, %mul3A_1 : i32
    "tpu.region"() ({
      %run_scoped3A = tpu.sem_alloc : memref<!tpu.dma_semaphore, #tpu.memory_space<semaphore_mem>>
      %dma_start3A_13 = arith.constant 0 : i32
      %dma_start3A_14 = tpu.memref_slice %arg2[%mul3A_2, %dma_start3A_13] : memref<2048x1024xf32, #tpu.memory_space<hbm>> -> memref<64x1024xf32, #tpu.memory_space<hbm>>
      %dma_start3A_15 = arith.constant 0 : i32
      %dma_start3A_16 = tpu.memref_slice %arg2[%mul3A_2, %dma_start3A_15] : memref<2048x1024xf32, #tpu.memory_space<hbm>> -> memref<64x1024xf32, #tpu.memory_space<hbm>>
      tpu.enqueue_dma source(%dma_start3A_16 : memref<64x1024xf32, #tpu.memory_space<hbm>>) target(%arg6 : memref<64x1024xf32, #tpu.memory_space<vmem>>) target_semaphore(%run_scoped3A : memref<!tpu.dma_semaphore, #tpu.memory_space<semaphore_mem>>)
      %dma_wait3A_17 = arith.constant 0 : i32
      %dma_wait3A_18 = tpu.memref_slice %arg2[%mul3A_2, %dma_wait3A_17] : memref<2048x1024xf32, #tpu.memory_space<hbm>> -> memref<64x1024xf32, #tpu.memory_space<hbm>>
      %dma_wait3A_19 = arith.constant 0 : i32
      %dma_wait3A_20 = tpu.memref_slice %arg2[%mul3A_2, %dma_wait3A_19] : memref<2048x1024xf32, #tpu.memory_space<hbm>> -> memref<64x1024xf32, #tpu.memory_space<hbm>>
      tpu.wait_dma2 semaphore(%run_scoped3A : memref<!tpu.dma_semaphore, #tpu.memory_space<semaphore_mem>>) src(%dma_wait3A_20 : memref<64x1024xf32, #tpu.memory_space<hbm>>) dst(%arg6 : memref<64x1024xf32, #tpu.memory_space<vmem>>)
      tpu.yield
    }) : () -> ()
    "tpu.region"() ({
      %run_scoped3A = tpu.sem_alloc : memref<!tpu.dma_semaphore, #tpu.memory_space<semaphore_mem>>
      %dma_start3A_13 = tpu.memref_slice %arg3[%mul3A_2] : memref<2048xi32, #tpu.memory_space<hbm>> -> memref<64xi32, #tpu.memory_space<hbm>>
      %dma_start3A_14 = tpu.memref_slice %arg3[%mul3A_2] : memref<2048xi32, #tpu.memory_space<hbm>> -> memref<64xi32, #tpu.memory_space<hbm>>
      tpu.enqueue_dma source(%dma_start3A_14 : memref<64xi32, #tpu.memory_space<hbm>>) target(%arg7 : memref<64xi32, #tpu.memory_space<vmem>>) target_semaphore(%run_scoped3A : memref<!tpu.dma_semaphore, #tpu.memory_space<semaphore_mem>>)
      %dma_wait3A_15 = tpu.memref_slice %arg3[%mul3A_2] : memref<2048xi32, #tpu.memory_space<hbm>> -> memref<64xi32, #tpu.memory_space<hbm>>
      %dma_wait3A_16 = tpu.memref_slice %arg3[%mul3A_2] : memref<2048xi32, #tpu.memory_space<hbm>> -> memref<64xi32, #tpu.memory_space<hbm>>
      tpu.wait_dma2 semaphore(%run_scoped3A : memref<!tpu.dma_semaphore, #tpu.memory_space<semaphore_mem>>) src(%dma_wait3A_16 : memref<64xi32, #tpu.memory_space<hbm>>) dst(%arg7 : memref<64xi32, #tpu.memory_space<vmem>>)
      tpu.yield
    }) : () -> ()
    "tpu.region"() ({
      %run_scoped3A = tpu.sem_alloc : memref<!tpu.dma_semaphore, #tpu.memory_space<semaphore_mem>>
      %dma_start3A_13 = tpu.memref_slice %arg4[%mul3A_2] : memref<2048xi32, #tpu.memory_space<hbm>> -> memref<64xi32, #tpu.memory_space<hbm>>
      %dma_start3A_14 = tpu.memref_slice %arg4[%mul3A_2] : memref<2048xi32, #tpu.memory_space<hbm>> -> memref<64xi32, #tpu.memory_space<hbm>>
      tpu.enqueue_dma source(%dma_start3A_14 : memref<64xi32, #tpu.memory_space<hbm>>) target(%arg8 : memref<64xi32, #tpu.memory_space<vmem>>) target_semaphore(%run_scoped3A : memref<!tpu.dma_semaphore, #tpu.memory_space<semaphore_mem>>)
      %dma_wait3A_15 = tpu.memref_slice %arg4[%mul3A_2] : memref<2048xi32, #tpu.memory_space<hbm>> -> memref<64xi32, #tpu.memory_space<hbm>>
      %dma_wait3A_16 = tpu.memref_slice %arg4[%mul3A_2] : memref<2048xi32, #tpu.memory_space<hbm>> -> memref<64xi32, #tpu.memory_space<hbm>>
      tpu.wait_dma2 semaphore(%run_scoped3A : memref<!tpu.dma_semaphore, #tpu.memory_space<semaphore_mem>>) src(%dma_wait3A_16 : memref<64xi32, #tpu.memory_space<hbm>>) dst(%arg8 : memref<64xi32, #tpu.memory_space<vmem>>)
      tpu.yield
    }) : () -> ()
    %dma_start3A = arith.constant 0 : i32
    %dma_start3A_3 = arith.constant 0 : i32
    %dma_start3A_4 = tpu.memref_slice %arg5[%dma_start3A, %dma_start3A_3] : memref<5128x1024xf32, #tpu.memory_space<hbm>> -> memref<5128x1024xf32, #tpu.memory_space<hbm>>
    tpu.enqueue_indirect_dma source(%arg6 : memref<64x1024xf32, #tpu.memory_space<vmem>>) target(%dma_start3A_4 : memref<5128x1024xf32, #tpu.memory_space<hbm>>) offsets(%arg7 : memref<64xi32, #tpu.memory_space<vmem>>) semaphore(%arg9 : memref<!tpu.dma_semaphore, #tpu.memory_space<semaphore_mem>>)
    %dma_start3A_5 = arith.constant 0 : i32
    %dma_start3A_6 = arith.constant 0 : i32
    %dma_start3A_7 = tpu.memref_slice %arg5[%dma_start3A_5, %dma_start3A_6] : memref<5128x1024xf32, #tpu.memory_space<hbm>> -> memref<5128x1024xf32, #tpu.memory_space<hbm>>
    tpu.enqueue_indirect_dma source(%arg6 : memref<64x1024xf32, #tpu.memory_space<vmem>>) target(%dma_start3A_7 : memref<5128x1024xf32, #tpu.memory_space<hbm>>) offsets(%arg8 : memref<64xi32, #tpu.memory_space<vmem>>) semaphore(%arg9 : memref<!tpu.dma_semaphore, #tpu.memory_space<semaphore_mem>>)
    %dma_wait3A = arith.constant 0 : i32
    %dma_wait3A_8 = arith.constant 0 : i32
    %dma_wait3A_9 = tpu.memref_slice %arg5[%dma_wait3A, %dma_wait3A_8] : memref<5128x1024xf32, #tpu.memory_space<hbm>> -> memref<5128x1024xf32, #tpu.memory_space<hbm>>
    tpu.wait_indirect_dma semaphore(%arg9 : memref<!tpu.dma_semaphore, #tpu.memory_space<semaphore_mem>>) src(%arg6 : memref<64x1024xf32, #tpu.memory_space<vmem>>) dst(%dma_wait3A_9 : memref<5128x1024xf32, #tpu.memory_space<hbm>>)
    %dma_wait3A_10 = arith.constant 0 : i32
    %dma_wait3A_11 = arith.constant 0 : i32
    %dma_wait3A_12 = tpu.memref_slice %arg5[%dma_wait3A_10, %dma_wait3A_11] : memref<5128x1024xf32, #tpu.memory_space<hbm>> -> memref<5128x1024xf32, #tpu.memory_space<hbm>>
    tpu.wait_indirect_dma semaphore(%arg9 : memref<!tpu.dma_semaphore, #tpu.memory_space<semaphore_mem>>) src(%arg6 : memref<64x1024xf32, #tpu.memory_space<vmem>>) dst(%dma_wait3A_12 : memref<5128x1024xf32, #tpu.memory_space<hbm>>)
    return
  }
}

#map = affine_map<(d0, d1) -> (0, 0)>
#map1 = affine_map<(d0, d1) -> (0)>
module attributes {stable_mosaic.version = 14 : i64} {
  func.func @_sc_combine(%arg0: i32, %arg1: i32, %arg2: memref<5120x1024xf32, #tpu.memory_space<hbm>>, %arg3: memref<2048xi32, #tpu.memory_space<hbm>>, %arg4: memref<2048xi32, #tpu.memory_space<hbm>>, %arg5: memref<2048x1024xf32, #tpu.memory_space<hbm>>, %arg6: memref<16x1024xf32, #tpu.memory_space<vmem>>, %arg7: memref<16x1024xf32, #tpu.memory_space<vmem>>, %arg8: memref<16x1024xf32, #tpu.memory_space<vmem>>, %arg9: memref<16x1024xf32, #tpu.memory_space<vmem>>, %arg10: memref<16xi32, #tpu.memory_space<vmem>>, %arg11: memref<16xi32, #tpu.memory_space<vmem>>, %arg12: memref<16xi32, #tpu.memory_space<vmem>>, %arg13: memref<16xi32, #tpu.memory_space<vmem>>, %arg14: memref<!tpu.dma_semaphore, #tpu.memory_space<semaphore_mem>>, %arg15: memref<!tpu.dma_semaphore, #tpu.memory_space<semaphore_mem>>) attributes {dimension_semantics = [#tpu.dimension_semantics<core_parallel>, #tpu.dimension_semantics<subcore_parallel>], iteration_bounds = array<i64: 2, 16>, scalar_prefetch = 0 : i64, scratch_operands = 10 : i64, tpu.core_type = #tpu.core_type<sc_vector_subcore>, window_params = [{transform_indices = #map}, {transform_indices = #map1}, {transform_indices = #map1}, {transform_indices = #map}]} {
    %mul3A = arith.constant 2 : i32
    %mul3A_0 = arith.muli %arg1, %mul3A : i32
    %add3A = arith.addi %mul3A_0, %arg0 : i32
    %mul3A_1 = arith.constant 64 : i32
    %mul3A_2 = arith.muli %add3A, %mul3A_1 : i32
    %add3A_3 = arith.constant 0 : i32
    %add3A_4 = arith.addi %mul3A_2, %add3A_3 : i32
    "tpu.region"() ({
      %run_scoped3A = tpu.sem_alloc : memref<!tpu.dma_semaphore, #tpu.memory_space<semaphore_mem>>
      %dma_start3A_88 = tpu.memref_slice %arg3[%add3A_4] : memref<2048xi32, #tpu.memory_space<hbm>> -> memref<16xi32, #tpu.memory_space<hbm>>
      %dma_start3A_89 = tpu.memref_slice %arg3[%add3A_4] : memref<2048xi32, #tpu.memory_space<hbm>> -> memref<16xi32, #tpu.memory_space<hbm>>
      tpu.enqueue_dma source(%dma_start3A_89 : memref<16xi32, #tpu.memory_space<hbm>>) target(%arg10 : memref<16xi32, #tpu.memory_space<vmem>>) target_semaphore(%run_scoped3A : memref<!tpu.dma_semaphore, #tpu.memory_space<semaphore_mem>>)
      %dma_wait3A_90 = tpu.memref_slice %arg3[%add3A_4] : memref<2048xi32, #tpu.memory_space<hbm>> -> memref<16xi32, #tpu.memory_space<hbm>>
      %dma_wait3A_91 = tpu.memref_slice %arg3[%add3A_4] : memref<2048xi32, #tpu.memory_space<hbm>> -> memref<16xi32, #tpu.memory_space<hbm>>
      tpu.wait_dma2 semaphore(%run_scoped3A : memref<!tpu.dma_semaphore, #tpu.memory_space<semaphore_mem>>) src(%dma_wait3A_91 : memref<16xi32, #tpu.memory_space<hbm>>) dst(%arg10 : memref<16xi32, #tpu.memory_space<vmem>>)
      tpu.yield
    }) : () -> ()
    "tpu.region"() ({
      %run_scoped3A = tpu.sem_alloc : memref<!tpu.dma_semaphore, #tpu.memory_space<semaphore_mem>>
      %dma_start3A_88 = tpu.memref_slice %arg4[%add3A_4] : memref<2048xi32, #tpu.memory_space<hbm>> -> memref<16xi32, #tpu.memory_space<hbm>>
      %dma_start3A_89 = tpu.memref_slice %arg4[%add3A_4] : memref<2048xi32, #tpu.memory_space<hbm>> -> memref<16xi32, #tpu.memory_space<hbm>>
      tpu.enqueue_dma source(%dma_start3A_89 : memref<16xi32, #tpu.memory_space<hbm>>) target(%arg11 : memref<16xi32, #tpu.memory_space<vmem>>) target_semaphore(%run_scoped3A : memref<!tpu.dma_semaphore, #tpu.memory_space<semaphore_mem>>)
      %dma_wait3A_90 = tpu.memref_slice %arg4[%add3A_4] : memref<2048xi32, #tpu.memory_space<hbm>> -> memref<16xi32, #tpu.memory_space<hbm>>
      %dma_wait3A_91 = tpu.memref_slice %arg4[%add3A_4] : memref<2048xi32, #tpu.memory_space<hbm>> -> memref<16xi32, #tpu.memory_space<hbm>>
      tpu.wait_dma2 semaphore(%run_scoped3A : memref<!tpu.dma_semaphore, #tpu.memory_space<semaphore_mem>>) src(%dma_wait3A_91 : memref<16xi32, #tpu.memory_space<hbm>>) dst(%arg11 : memref<16xi32, #tpu.memory_space<vmem>>)
      tpu.yield
    }) : () -> ()
    %dma_start3A = arith.constant 0 : i32
    %dma_start3A_5 = arith.constant 0 : i32
    %dma_start3A_6 = tpu.memref_slice %arg2[%dma_start3A, %dma_start3A_5] : memref<5120x1024xf32, #tpu.memory_space<hbm>> -> memref<5120x1024xf32, #tpu.memory_space<hbm>>
    tpu.enqueue_indirect_dma source(%dma_start3A_6 : memref<5120x1024xf32, #tpu.memory_space<hbm>>) target(%arg6 : memref<16x1024xf32, #tpu.memory_space<vmem>>) offsets(%arg10 : memref<16xi32, #tpu.memory_space<vmem>>) semaphore(%arg14 : memref<!tpu.dma_semaphore, #tpu.memory_space<semaphore_mem>>)
    %dma_start3A_7 = arith.constant 0 : i32
    %dma_start3A_8 = arith.constant 0 : i32
    %dma_start3A_9 = tpu.memref_slice %arg2[%dma_start3A_7, %dma_start3A_8] : memref<5120x1024xf32, #tpu.memory_space<hbm>> -> memref<5120x1024xf32, #tpu.memory_space<hbm>>
    tpu.enqueue_indirect_dma source(%dma_start3A_9 : memref<5120x1024xf32, #tpu.memory_space<hbm>>) target(%arg7 : memref<16x1024xf32, #tpu.memory_space<vmem>>) offsets(%arg11 : memref<16xi32, #tpu.memory_space<vmem>>) semaphore(%arg14 : memref<!tpu.dma_semaphore, #tpu.memory_space<semaphore_mem>>)
    %add3A_10 = arith.constant 16 : i32
    %add3A_11 = arith.addi %mul3A_2, %add3A_10 : i32
    "tpu.region"() ({
      %run_scoped3A = tpu.sem_alloc : memref<!tpu.dma_semaphore, #tpu.memory_space<semaphore_mem>>
      %dma_start3A_88 = tpu.memref_slice %arg3[%add3A_11] : memref<2048xi32, #tpu.memory_space<hbm>> -> memref<16xi32, #tpu.memory_space<hbm>>
      %dma_start3A_89 = tpu.memref_slice %arg3[%add3A_11] : memref<2048xi32, #tpu.memory_space<hbm>> -> memref<16xi32, #tpu.memory_space<hbm>>
      tpu.enqueue_dma source(%dma_start3A_89 : memref<16xi32, #tpu.memory_space<hbm>>) target(%arg12 : memref<16xi32, #tpu.memory_space<vmem>>) target_semaphore(%run_scoped3A : memref<!tpu.dma_semaphore, #tpu.memory_space<semaphore_mem>>)
      %dma_wait3A_90 = tpu.memref_slice %arg3[%add3A_11] : memref<2048xi32, #tpu.memory_space<hbm>> -> memref<16xi32, #tpu.memory_space<hbm>>
      %dma_wait3A_91 = tpu.memref_slice %arg3[%add3A_11] : memref<2048xi32, #tpu.memory_space<hbm>> -> memref<16xi32, #tpu.memory_space<hbm>>
      tpu.wait_dma2 semaphore(%run_scoped3A : memref<!tpu.dma_semaphore, #tpu.memory_space<semaphore_mem>>) src(%dma_wait3A_91 : memref<16xi32, #tpu.memory_space<hbm>>) dst(%arg12 : memref<16xi32, #tpu.memory_space<vmem>>)
      tpu.yield
    }) : () -> ()
    "tpu.region"() ({
      %run_scoped3A = tpu.sem_alloc : memref<!tpu.dma_semaphore, #tpu.memory_space<semaphore_mem>>
      %dma_start3A_88 = tpu.memref_slice %arg4[%add3A_11] : memref<2048xi32, #tpu.memory_space<hbm>> -> memref<16xi32, #tpu.memory_space<hbm>>
      %dma_start3A_89 = tpu.memref_slice %arg4[%add3A_11] : memref<2048xi32, #tpu.memory_space<hbm>> -> memref<16xi32, #tpu.memory_space<hbm>>
      tpu.enqueue_dma source(%dma_start3A_89 : memref<16xi32, #tpu.memory_space<hbm>>) target(%arg13 : memref<16xi32, #tpu.memory_space<vmem>>) target_semaphore(%run_scoped3A : memref<!tpu.dma_semaphore, #tpu.memory_space<semaphore_mem>>)
      %dma_wait3A_90 = tpu.memref_slice %arg4[%add3A_11] : memref<2048xi32, #tpu.memory_space<hbm>> -> memref<16xi32, #tpu.memory_space<hbm>>
      %dma_wait3A_91 = tpu.memref_slice %arg4[%add3A_11] : memref<2048xi32, #tpu.memory_space<hbm>> -> memref<16xi32, #tpu.memory_space<hbm>>
      tpu.wait_dma2 semaphore(%run_scoped3A : memref<!tpu.dma_semaphore, #tpu.memory_space<semaphore_mem>>) src(%dma_wait3A_91 : memref<16xi32, #tpu.memory_space<hbm>>) dst(%arg13 : memref<16xi32, #tpu.memory_space<vmem>>)
      tpu.yield
    }) : () -> ()
    %dma_start3A_12 = arith.constant 0 : i32
    %dma_start3A_13 = arith.constant 0 : i32
    %dma_start3A_14 = tpu.memref_slice %arg2[%dma_start3A_12, %dma_start3A_13] : memref<5120x1024xf32, #tpu.memory_space<hbm>> -> memref<5120x1024xf32, #tpu.memory_space<hbm>>
    tpu.enqueue_indirect_dma source(%dma_start3A_14 : memref<5120x1024xf32, #tpu.memory_space<hbm>>) target(%arg8 : memref<16x1024xf32, #tpu.memory_space<vmem>>) offsets(%arg12 : memref<16xi32, #tpu.memory_space<vmem>>) semaphore(%arg15 : memref<!tpu.dma_semaphore, #tpu.memory_space<semaphore_mem>>)
    %dma_start3A_15 = arith.constant 0 : i32
    %dma_start3A_16 = arith.constant 0 : i32
    %dma_start3A_17 = tpu.memref_slice %arg2[%dma_start3A_15, %dma_start3A_16] : memref<5120x1024xf32, #tpu.memory_space<hbm>> -> memref<5120x1024xf32, #tpu.memory_space<hbm>>
    tpu.enqueue_indirect_dma source(%dma_start3A_17 : memref<5120x1024xf32, #tpu.memory_space<hbm>>) target(%arg9 : memref<16x1024xf32, #tpu.memory_space<vmem>>) offsets(%arg13 : memref<16xi32, #tpu.memory_space<vmem>>) semaphore(%arg15 : memref<!tpu.dma_semaphore, #tpu.memory_space<semaphore_mem>>)
    %dma_wait3A = arith.constant 0 : i32
    %dma_wait3A_18 = arith.constant 0 : i32
    %dma_wait3A_19 = tpu.memref_slice %arg2[%dma_wait3A, %dma_wait3A_18] : memref<5120x1024xf32, #tpu.memory_space<hbm>> -> memref<5120x1024xf32, #tpu.memory_space<hbm>>
    tpu.wait_indirect_dma semaphore(%arg14 : memref<!tpu.dma_semaphore, #tpu.memory_space<semaphore_mem>>) src(%dma_wait3A_19 : memref<5120x1024xf32, #tpu.memory_space<hbm>>) dst(%arg6 : memref<16x1024xf32, #tpu.memory_space<vmem>>)
    %dma_wait3A_20 = arith.constant 0 : i32
    %dma_wait3A_21 = arith.constant 0 : i32
    %dma_wait3A_22 = tpu.memref_slice %arg2[%dma_wait3A_20, %dma_wait3A_21] : memref<5120x1024xf32, #tpu.memory_space<hbm>> -> memref<5120x1024xf32, #tpu.memory_space<hbm>>
    tpu.wait_indirect_dma semaphore(%arg14 : memref<!tpu.dma_semaphore, #tpu.memory_space<semaphore_mem>>) src(%dma_wait3A_22 : memref<5120x1024xf32, #tpu.memory_space<hbm>>) dst(%arg7 : memref<16x1024xf32, #tpu.memory_space<vmem>>)
    %scan3A = arith.constant 0 : i32
    %scan3A_23 = arith.constant 0 : i32
    %scan3A_24 = arith.constant 16 : i32
    %scan3A_25 = arith.addi %scan3A_23, %scan3A_24 : i32
    %scan3A_26 = arith.constant 1 : i32
    scf.for %scan3A_88 = %scan3A_23 to %scan3A_25 step %scan3A_26  : i32 {
      %get3A = arith.index_cast %scan3A_88 : i32 to index
      %get3A_89 = arith.constant 0 : index
      %get3A_90 = tpu.vector_load %arg6[%get3A, %get3A_89] {strides = array<i32>} : memref<16x1024xf32, #tpu.memory_space<vmem>>, vector<1x16xf32>,
      %get3A_91 = vector.shape_cast %get3A_90 : vector<1x16xf32> to vector<16xf32>
      %get3A_92 = arith.index_cast %scan3A_88 : i32 to index
      %get3A_93 = arith.constant 0 : index
      %get3A_94 = tpu.vector_load %arg7[%get3A_92, %get3A_93] {strides = array<i32>} : memref<16x1024xf32, #tpu.memory_space<vmem>>, vector<1x16xf32>,
      %get3A_95 = vector.shape_cast %get3A_94 : vector<1x16xf32> to vector<16xf32>
      %add3A_96 = arith.addf %get3A_91, %get3A_95 : vector<16xf32>
      %swap3A = arith.index_cast %scan3A_88 : i32 to index
      %swap3A_97 = arith.constant 0 : index
      %swap3A_98 = tpu.vector_load %arg6[%swap3A, %swap3A_97] {strides = array<i32>} : memref<16x1024xf32, #tpu.memory_space<vmem>>, vector<1x16xf32>,
      %swap3A_99 = vector.shape_cast %swap3A_98 : vector<1x16xf32> to vector<16xf32>
      %swap3A_100 = vector.shape_cast %add3A_96 : vector<16xf32> to vector<1x16xf32>
      tpu.vector_store %arg6[%swap3A, %swap3A_97], %swap3A_100 {strides = array<i32>} : memref<16x1024xf32, #tpu.memory_space<vmem>>, vector<1x16xf32>,
      %get3A_101 = arith.index_cast %scan3A_88 : i32 to index
      %get3A_102 = arith.constant 16 : index
      %get3A_103 = tpu.vector_load %arg6[%get3A_101, %get3A_102] {strides = array<i32>} : memref<16x1024xf32, #tpu.memory_space<vmem>>, vector<1x16xf32>,
      %get3A_104 = vector.shape_cast %get3A_103 : vector<1x16xf32> to vector<16xf32>
      %get3A_105 = arith.index_cast %scan3A_88 : i32 to index
      %get3A_106 = arith.constant 16 : index
      %get3A_107 = tpu.vector_load %arg7[%get3A_105, %get3A_106] {strides = array<i32>} : memref<16x1024xf32, #tpu.memory_space<vmem>>, vector<1x16xf32>,
      %get3A_108 = vector.shape_cast %get3A_107 : vector<1x16xf32> to vector<16xf32>
      %add3A_109 = arith.addf %get3A_104, %get3A_108 : vector<16xf32>
      %swap3A_110 = arith.index_cast %scan3A_88 : i32 to index
      %swap3A_111 = arith.constant 16 : index
      %swap3A_112 = tpu.vector_load %arg6[%swap3A_110, %swap3A_111] {strides = array<i32>} : memref<16x1024xf32, #tpu.memory_space<vmem>>, vector<1x16xf32>,
      %swap3A_113 = vector.shape_cast %swap3A_112 : vector<1x16xf32> to vector<16xf32>
      %swap3A_114 = vector.shape_cast %add3A_109 : vector<16xf32> to vector<1x16xf32>
      tpu.vector_store %arg6[%swap3A_110, %swap3A_111], %swap3A_114 {strides = array<i32>} : memref<16x1024xf32, #tpu.memory_space<vmem>>, vector<1x16xf32>,
      %get3A_115 = arith.index_cast %scan3A_88 : i32 to index
      %get3A_116 = arith.constant 32 : index
      %get3A_117 = tpu.vector_load %arg6[%get3A_115, %get3A_116] {strides = array<i32>} : memref<16x1024xf32, #tpu.memory_space<vmem>>, vector<1x16xf32>,
      %get3A_118 = vector.shape_cast %get3A_117 : vector<1x16xf32> to vector<16xf32>
      %get3A_119 = arith.index_cast %scan3A_88 : i32 to index
      %get3A_120 = arith.constant 32 : index
      %get3A_121 = tpu.vector_load %arg7[%get3A_119, %get3A_120] {strides = array<i32>} : memref<16x1024xf32, #tpu.memory_space<vmem>>, vector<1x16xf32>,
      %get3A_122 = vector.shape_cast %get3A_121 : vector<1x16xf32> to vector<16xf32>
      %add3A_123 = arith.addf %get3A_118, %get3A_122 : vector<16xf32>
      %swap3A_124 = arith.index_cast %scan3A_88 : i32 to index
      %swap3A_125 = arith.constant 32 : index
      %swap3A_126 = tpu.vector_load %arg6[%swap3A_124, %swap3A_125] {strides = array<i32>} : memref<16x1024xf32, #tpu.memory_space<vmem>>, vector<1x16xf32>,
      %swap3A_127 = vector.shape_cast %swap3A_126 : vector<1x16xf32> to vector<16xf32>
      %swap3A_128 = vector.shape_cast %add3A_123 : vector<16xf32> to vector<1x16xf32>
      tpu.vector_store %arg6[%swap3A_124, %swap3A_125], %swap3A_128 {strides = array<i32>} : memref<16x1024xf32, #tpu.memory_space<vmem>>, vector<1x16xf32>,
      %get3A_129 = arith.index_cast %scan3A_88 : i32 to index
      %get3A_130 = arith.constant 48 : index
      %get3A_131 = tpu.vector_load %arg6[%get3A_129, %get3A_130] {strides = array<i32>} : memref<16x1024xf32, #tpu.memory_space<vmem>>, vector<1x16xf32>,
      %get3A_132 = vector.shape_cast %get3A_131 : vector<1x16xf32> to vector<16xf32>
      %get3A_133 = arith.index_cast %scan3A_88 : i32 to index
      %get3A_134 = arith.constant 48 : index
      %get3A_135 = tpu.vector_load %arg7[%get3A_133, %get3A_134] {strides = array<i32>} : memref<16x1024xf32, #tpu.memory_space<vmem>>, vector<1x16xf32>,
      %get3A_136 = vector.shape_cast %get3A_135 : vector<1x16xf32> to vector<16xf32>
      %add3A_137 = arith.addf %get3A_132, %get3A_136 : vector<16xf32>
      %swap3A_138 = arith.index_cast %scan3A_88 : i32 to index
      %swap3A_139 = arith.constant 48 : index
      %swap3A_140 = tpu.vector_load %arg6[%swap3A_138, %swap3A_139] {strides = array<i32>} : memref<16x1024xf32, #tpu.memory_space<vmem>>, vector<1x16xf32>,
      %swap3A_141 = vector.shape_cast %swap3A_140 : vector<1x16xf32> to vector<16xf32>
      %swap3A_142 = vector.shape_cast %add3A_137 : vector<16xf32> to vector<1x16xf32>
      tpu.vector_store %arg6[%swap3A_138, %swap3A_139], %swap3A_142 {strides = array<i32>} : memref<16x1024xf32, #tpu.memory_space<vmem>>, vector<1x16xf32>,
      %get3A_143 = arith.index_cast %scan3A_88 : i32 to index
      %get3A_144 = arith.constant 64 : index
      %get3A_145 = tpu.vector_load %arg6[%get3A_143, %get3A_144] {strides = array<i32>} : memref<16x1024xf32, #tpu.memory_space<vmem>>, vector<1x16xf32>,
      %get3A_146 = vector.shape_cast %get3A_145 : vector<1x16xf32> to vector<16xf32>
      %get3A_147 = arith.index_cast %scan3A_88 : i32 to index
      %get3A_148 = arith.constant 64 : index
      %get3A_149 = tpu.vector_load %arg7[%get3A_147, %get3A_148] {strides = array<i32>} : memref<16x1024xf32, #tpu.memory_space<vmem>>, vector<1x16xf32>,
      %get3A_150 = vector.shape_cast %get3A_149 : vector<1x16xf32> to vector<16xf32>
      %add3A_151 = arith.addf %get3A_146, %get3A_150 : vector<16xf32>
      %swap3A_152 = arith.index_cast %scan3A_88 : i32 to index
      %swap3A_153 = arith.constant 64 : index
      %swap3A_154 = tpu.vector_load %arg6[%swap3A_152, %swap3A_153] {strides = array<i32>} : memref<16x1024xf32, #tpu.memory_space<vmem>>, vector<1x16xf32>,
      %swap3A_155 = vector.shape_cast %swap3A_154 : vector<1x16xf32> to vector<16xf32>
      %swap3A_156 = vector.shape_cast %add3A_151 : vector<16xf32> to vector<1x16xf32>
      tpu.vector_store %arg6[%swap3A_152, %swap3A_153], %swap3A_156 {strides = array<i32>} : memref<16x1024xf32, #tpu.memory_space<vmem>>, vector<1x16xf32>,
      %get3A_157 = arith.index_cast %scan3A_88 : i32 to index
      %get3A_158 = arith.constant 80 : index
      %get3A_159 = tpu.vector_load %arg6[%get3A_157, %get3A_158] {strides = array<i32>} : memref<16x1024xf32, #tpu.memory_space<vmem>>, vector<1x16xf32>,
      %get3A_160 = vector.shape_cast %get3A_159 : vector<1x16xf32> to vector<16xf32>
      %get3A_161 = arith.index_cast %scan3A_88 : i32 to index
      %get3A_162 = arith.constant 80 : index
      %get3A_163 = tpu.vector_load %arg7[%get3A_161, %get3A_162] {strides = array<i32>} : memref<16x1024xf32, #tpu.memory_space<vmem>>, vector<1x16xf32>,
      %get3A_164 = vector.shape_cast %get3A_163 : vector<1x16xf32> to vector<16xf32>
      %add3A_165 = arith.addf %get3A_160, %get3A_164 : vector<16xf32>
      %swap3A_166 = arith.index_cast %scan3A_88 : i32 to index
      %swap3A_167 = arith.constant 80 : index
      %swap3A_168 = tpu.vector_load %arg6[%swap3A_166, %swap3A_167] {strides = array<i32>} : memref<16x1024xf32, #tpu.memory_space<vmem>>, vector<1x16xf32>,
      %swap3A_169 = vector.shape_cast %swap3A_168 : vector<1x16xf32> to vector<16xf32>
      %swap3A_170 = vector.shape_cast %add3A_165 : vector<16xf32> to vector<1x16xf32>
      tpu.vector_store %arg6[%swap3A_166, %swap3A_167], %swap3A_170 {strides = array<i32>} : memref<16x1024xf32, #tpu.memory_space<vmem>>, vector<1x16xf32>,
      %get3A_171 = arith.index_cast %scan3A_88 : i32 to index
      %get3A_172 = arith.constant 96 : index
      %get3A_173 = tpu.vector_load %arg6[%get3A_171, %get3A_172] {strides = array<i32>} : memref<16x1024xf32, #tpu.memory_space<vmem>>, vector<1x16xf32>,
      %get3A_174 = vector.shape_cast %get3A_173 : vector<1x16xf32> to vector<16xf32>
      %get3A_175 = arith.index_cast %scan3A_88 : i32 to index
      %get3A_176 = arith.constant 96 : index
      %get3A_177 = tpu.vector_load %arg7[%get3A_175, %get3A_176] {strides = array<i32>} : memref<16x1024xf32, #tpu.memory_space<vmem>>, vector<1x16xf32>,
      %get3A_178 = vector.shape_cast %get3A_177 : vector<1x16xf32> to vector<16xf32>
      %add3A_179 = arith.addf %get3A_174, %get3A_178 : vector<16xf32>
      %swap3A_180 = arith.index_cast %scan3A_88 : i32 to index
      %swap3A_181 = arith.constant 96 : index
      %swap3A_182 = tpu.vector_load %arg6[%swap3A_180, %swap3A_181] {strides = array<i32>} : memref<16x1024xf32, #tpu.memory_space<vmem>>, vector<1x16xf32>,
      %swap3A_183 = vector.shape_cast %swap3A_182 : vector<1x16xf32> to vector<16xf32>
      %swap3A_184 = vector.shape_cast %add3A_179 : vector<16xf32> to vector<1x16xf32>
      tpu.vector_store %arg6[%swap3A_180, %swap3A_181], %swap3A_184 {strides = array<i32>} : memref<16x1024xf32, #tpu.memory_space<vmem>>, vector<1x16xf32>,
      %get3A_185 = arith.index_cast %scan3A_88 : i32 to index
      %get3A_186 = arith.constant 112 : index
      %get3A_187 = tpu.vector_load %arg6[%get3A_185, %get3A_186] {strides = array<i32>} : memref<16x1024xf32, #tpu.memory_space<vmem>>, vector<1x16xf32>,
      %get3A_188 = vector.shape_cast %get3A_187 : vector<1x16xf32> to vector<16xf32>
      %get3A_189 = arith.index_cast %scan3A_88 : i32 to index
      %get3A_190 = arith.constant 112 : index
      %get3A_191 = tpu.vector_load %arg7[%get3A_189, %get3A_190] {strides = array<i32>} : memref<16x1024xf32, #tpu.memory_space<vmem>>, vector<1x16xf32>,
      %get3A_192 = vector.shape_cast %get3A_191 : vector<1x16xf32> to vector<16xf32>
      %add3A_193 = arith.addf %get3A_188, %get3A_192 : vector<16xf32>
      %swap3A_194 = arith.index_cast %scan3A_88 : i32 to index
      %swap3A_195 = arith.constant 112 : index
      %swap3A_196 = tpu.vector_load %arg6[%swap3A_194, %swap3A_195] {strides = array<i32>} : memref<16x1024xf32, #tpu.memory_space<vmem>>, vector<1x16xf32>,
      %swap3A_197 = vector.shape_cast %swap3A_196 : vector<1x16xf32> to vector<16xf32>
      %swap3A_198 = vector.shape_cast %add3A_193 : vector<16xf32> to vector<1x16xf32>
      tpu.vector_store %arg6[%swap3A_194, %swap3A_195], %swap3A_198 {strides = array<i32>} : memref<16x1024xf32, #tpu.memory_space<vmem>>, vector<1x16xf32>,
      %get3A_199 = arith.index_cast %scan3A_88 : i32 to index
      %get3A_200 = arith.constant 128 : index
      %get3A_201 = tpu.vector_load %arg6[%get3A_199, %get3A_200] {strides = array<i32>} : memref<16x1024xf32, #tpu.memory_space<vmem>>, vector<1x16xf32>,
      %get3A_202 = vector.shape_cast %get3A_201 : vector<1x16xf32> to vector<16xf32>
      %get3A_203 = arith.index_cast %scan3A_88 : i32 to index
      %get3A_204 = arith.constant 128 : index
      %get3A_205 = tpu.vector_load %arg7[%get3A_203, %get3A_204] {strides = array<i32>} : memref<16x1024xf32, #tpu.memory_space<vmem>>, vector<1x16xf32>,
      %get3A_206 = vector.shape_cast %get3A_205 : vector<1x16xf32> to vector<16xf32>
      %add3A_207 = arith.addf %get3A_202, %get3A_206 : vector<16xf32>
      %swap3A_208 = arith.index_cast %scan3A_88 : i32 to index
      %swap3A_209 = arith.constant 128 : index
      %swap3A_210 = tpu.vector_load %arg6[%swap3A_208, %swap3A_209] {strides = array<i32>} : memref<16x1024xf32, #tpu.memory_space<vmem>>, vector<1x16xf32>,
      %swap3A_211 = vector.shape_cast %swap3A_210 : vector<1x16xf32> to vector<16xf32>
      %swap3A_212 = vector.shape_cast %add3A_207 : vector<16xf32> to vector<1x16xf32>
      tpu.vector_store %arg6[%swap3A_208, %swap3A_209], %swap3A_212 {strides = array<i32>} : memref<16x1024xf32, #tpu.memory_space<vmem>>, vector<1x16xf32>,
      %get3A_213 = arith.index_cast %scan3A_88 : i32 to index
      %get3A_214 = arith.constant 144 : index
      %get3A_215 = tpu.vector_load %arg6[%get3A_213, %get3A_214] {strides = array<i32>} : memref<16x1024xf32, #tpu.memory_space<vmem>>, vector<1x16xf32>,
      %get3A_216 = vector.shape_cast %get3A_215 : vector<1x16xf32> to vector<16xf32>
      %get3A_217 = arith.index_cast %scan3A_88 : i32 to index
      %get3A_218 = arith.constant 144 : index
      %get3A_219 = tpu.vector_load %arg7[%get3A_217, %get3A_218] {strides = array<i32>} : memref<16x1024xf32, #tpu.memory_space<vmem>>, vector<1x16xf32>,
      %get3A_220 = vector.shape_cast %get3A_219 : vector<1x16xf32> to vector<16xf32>
      %add3A_221 = arith.addf %get3A_216, %get3A_220 : vector<16xf32>
      %swap3A_222 = arith.index_cast %scan3A_88 : i32 to index
      %swap3A_223 = arith.constant 144 : index
      %swap3A_224 = tpu.vector_load %arg6[%swap3A_222, %swap3A_223] {strides = array<i32>} : memref<16x1024xf32, #tpu.memory_space<vmem>>, vector<1x16xf32>,
      %swap3A_225 = vector.shape_cast %swap3A_224 : vector<1x16xf32> to vector<16xf32>
      %swap3A_226 = vector.shape_cast %add3A_221 : vector<16xf32> to vector<1x16xf32>
      tpu.vector_store %arg6[%swap3A_222, %swap3A_223], %swap3A_226 {strides = array<i32>} : memref<16x1024xf32, #tpu.memory_space<vmem>>, vector<1x16xf32>,
      %get3A_227 = arith.index_cast %scan3A_88 : i32 to index
      %get3A_228 = arith.constant 160 : index
      %get3A_229 = tpu.vector_load %arg6[%get3A_227, %get3A_228] {strides = array<i32>} : memref<16x1024xf32, #tpu.memory_space<vmem>>, vector<1x16xf32>,
      %get3A_230 = vector.shape_cast %get3A_229 : vector<1x16xf32> to vector<16xf32>
      %get3A_231 = arith.index_cast %scan3A_88 : i32 to index
      %get3A_232 = arith.constant 160 : index
      %get3A_233 = tpu.vector_load %arg7[%get3A_231, %get3A_232] {strides = array<i32>} : memref<16x1024xf32, #tpu.memory_space<vmem>>, vector<1x16xf32>,
      %get3A_234 = vector.shape_cast %get3A_233 : vector<1x16xf32> to vector<16xf32>
      %add3A_235 = arith.addf %get3A_230, %get3A_234 : vector<16xf32>
      %swap3A_236 = arith.index_cast %scan3A_88 : i32 to index
      %swap3A_237 = arith.constant 160 : index
      %swap3A_238 = tpu.vector_load %arg6[%swap3A_236, %swap3A_237] {strides = array<i32>} : memref<16x1024xf32, #tpu.memory_space<vmem>>, vector<1x16xf32>,
      %swap3A_239 = vector.shape_cast %swap3A_238 : vector<1x16xf32> to vector<16xf32>
      %swap3A_240 = vector.shape_cast %add3A_235 : vector<16xf32> to vector<1x16xf32>
      tpu.vector_store %arg6[%swap3A_236, %swap3A_237], %swap3A_240 {strides = array<i32>} : memref<16x1024xf32, #tpu.memory_space<vmem>>, vector<1x16xf32>,
      %get3A_241 = arith.index_cast %scan3A_88 : i32 to index
      %get3A_242 = arith.constant 176 : index
      %get3A_243 = tpu.vector_load %arg6[%get3A_241, %get3A_242] {strides = array<i32>} : memref<16x1024xf32, #tpu.memory_space<vmem>>, vector<1x16xf32>,
      %get3A_244 = vector.shape_cast %get3A_243 : vector<1x16xf32> to vector<16xf32>
      %get3A_245 = arith.index_cast %scan3A_88 : i32 to index
      %get3A_246 = arith.constant 176 : index
      %get3A_247 = tpu.vector_load %arg7[%get3A_245, %get3A_246] {strides = array<i32>} : memref<16x1024xf32, #tpu.memory_space<vmem>>, vector<1x16xf32>,
      %get3A_248 = vector.shape_cast %get3A_247 : vector<1x16xf32> to vector<16xf32>
      %add3A_249 = arith.addf %get3A_244, %get3A_248 : vector<16xf32>
      %swap3A_250 = arith.index_cast %scan3A_88 : i32 to index
      %swap3A_251 = arith.constant 176 : index
      %swap3A_252 = tpu.vector_load %arg6[%swap3A_250, %swap3A_251] {strides = array<i32>} : memref<16x1024xf32, #tpu.memory_space<vmem>>, vector<1x16xf32>,
      %swap3A_253 = vector.shape_cast %swap3A_252 : vector<1x16xf32> to vector<16xf32>
      %swap3A_254 = vector.shape_cast %add3A_249 : vector<16xf32> to vector<1x16xf32>
      tpu.vector_store %arg6[%swap3A_250, %swap3A_251], %swap3A_254 {strides = array<i32>} : memref<16x1024xf32, #tpu.memory_space<vmem>>, vector<1x16xf32>,
      %get3A_255 = arith.index_cast %scan3A_88 : i32 to index
      %get3A_256 = arith.constant 192 : index
      %get3A_257 = tpu.vector_load %arg6[%get3A_255, %get3A_256] {strides = array<i32>} : memref<16x1024xf32, #tpu.memory_space<vmem>>, vector<1x16xf32>,
      %get3A_258 = vector.shape_cast %get3A_257 : vector<1x16xf32> to vector<16xf32>
      %get3A_259 = arith.index_cast %scan3A_88 : i32 to index
      %get3A_260 = arith.constant 192 : index
      %get3A_261 = tpu.vector_load %arg7[%get3A_259, %get3A_260] {strides = array<i32>} : memref<16x1024xf32, #tpu.memory_space<vmem>>, vector<1x16xf32>,
      %get3A_262 = vector.shape_cast %get3A_261 : vector<1x16xf32> to vector<16xf32>
      %add3A_263 = arith.addf %get3A_258, %get3A_262 : vector<16xf32>
      %swap3A_264 = arith.index_cast %scan3A_88 : i32 to index
      %swap3A_265 = arith.constant 192 : index
      %swap3A_266 = tpu.vector_load %arg6[%swap3A_264, %swap3A_265] {strides = array<i32>} : memref<16x1024xf32, #tpu.memory_space<vmem>>, vector<1x16xf32>,
      %swap3A_267 = vector.shape_cast %swap3A_266 : vector<1x16xf32> to vector<16xf32>
      %swap3A_268 = vector.shape_cast %add3A_263 : vector<16xf32> to vector<1x16xf32>
      tpu.vector_store %arg6[%swap3A_264, %swap3A_265], %swap3A_268 {strides = array<i32>} : memref<16x1024xf32, #tpu.memory_space<vmem>>, vector<1x16xf32>,
      %get3A_269 = arith.index_cast %scan3A_88 : i32 to index
      %get3A_270 = arith.constant 208 : index
      %get3A_271 = tpu.vector_load %arg6[%get3A_269, %get3A_270] {strides = array<i32>} : memref<16x1024xf32, #tpu.memory_space<vmem>>, vector<1x16xf32>,
      %get3A_272 = vector.shape_cast %get3A_271 : vector<1x16xf32> to vector<16xf32>
      %get3A_273 = arith.index_cast %scan3A_88 : i32 to index
      %get3A_274 = arith.constant 208 : index
      %get3A_275 = tpu.vector_load %arg7[%get3A_273, %get3A_274] {strides = array<i32>} : memref<16x1024xf32, #tpu.memory_space<vmem>>, vector<1x16xf32>,
      %get3A_276 = vector.shape_cast %get3A_275 : vector<1x16xf32> to vector<16xf32>
      %add3A_277 = arith.addf %get3A_272, %get3A_276 : vector<16xf32>
      %swap3A_278 = arith.index_cast %scan3A_88 : i32 to index
      %swap3A_279 = arith.constant 208 : index
      %swap3A_280 = tpu.vector_load %arg6[%swap3A_278, %swap3A_279] {strides = array<i32>} : memref<16x1024xf32, #tpu.memory_space<vmem>>, vector<1x16xf32>,
      %swap3A_281 = vector.shape_cast %swap3A_280 : vector<1x16xf32> to vector<16xf32>
      %swap3A_282 = vector.shape_cast %add3A_277 : vector<16xf32> to vector<1x16xf32>
      tpu.vector_store %arg6[%swap3A_278, %swap3A_279], %swap3A_282 {strides = array<i32>} : memref<16x1024xf32, #tpu.memory_space<vmem>>, vector<1x16xf32>,
      %get3A_283 = arith.index_cast %scan3A_88 : i32 to index
      %get3A_284 = arith.constant 224 : index
      %get3A_285 = tpu.vector_load %arg6[%get3A_283, %get3A_284] {strides = array<i32>} : memref<16x1024xf32, #tpu.memory_space<vmem>>, vector<1x16xf32>,
      %get3A_286 = vector.shape_cast %get3A_285 : vector<1x16xf32> to vector<16xf32>
      %get3A_287 = arith.index_cast %scan3A_88 : i32 to index
      %get3A_288 = arith.constant 224 : index
      %get3A_289 = tpu.vector_load %arg7[%get3A_287, %get3A_288] {strides = array<i32>} : memref<16x1024xf32, #tpu.memory_space<vmem>>, vector<1x16xf32>,
      %get3A_290 = vector.shape_cast %get3A_289 : vector<1x16xf32> to vector<16xf32>
      %add3A_291 = arith.addf %get3A_286, %get3A_290 : vector<16xf32>
      %swap3A_292 = arith.index_cast %scan3A_88 : i32 to index
      %swap3A_293 = arith.constant 224 : index
      %swap3A_294 = tpu.vector_load %arg6[%swap3A_292, %swap3A_293] {strides = array<i32>} : memref<16x1024xf32, #tpu.memory_space<vmem>>, vector<1x16xf32>,
      %swap3A_295 = vector.shape_cast %swap3A_294 : vector<1x16xf32> to vector<16xf32>
      %swap3A_296 = vector.shape_cast %add3A_291 : vector<16xf32> to vector<1x16xf32>
      tpu.vector_store %arg6[%swap3A_292, %swap3A_293], %swap3A_296 {strides = array<i32>} : memref<16x1024xf32, #tpu.memory_space<vmem>>, vector<1x16xf32>,
      %get3A_297 = arith.index_cast %scan3A_88 : i32 to index
      %get3A_298 = arith.constant 240 : index
      %get3A_299 = tpu.vector_load %arg6[%get3A_297, %get3A_298] {strides = array<i32>} : memref<16x1024xf32, #tpu.memory_space<vmem>>, vector<1x16xf32>,
      %get3A_300 = vector.shape_cast %get3A_299 : vector<1x16xf32> to vector<16xf32>
      %get3A_301 = arith.index_cast %scan3A_88 : i32 to index
      %get3A_302 = arith.constant 240 : index
      %get3A_303 = tpu.vector_load %arg7[%get3A_301, %get3A_302] {strides = array<i32>} : memref<16x1024xf32, #tpu.memory_space<vmem>>, vector<1x16xf32>,
      %get3A_304 = vector.shape_cast %get3A_303 : vector<1x16xf32> to vector<16xf32>
      %add3A_305 = arith.addf %get3A_300, %get3A_304 : vector<16xf32>
      %swap3A_306 = arith.index_cast %scan3A_88 : i32 to index
      %swap3A_307 = arith.constant 240 : index
      %swap3A_308 = tpu.vector_load %arg6[%swap3A_306, %swap3A_307] {strides = array<i32>} : memref<16x1024xf32, #tpu.memory_space<vmem>>, vector<1x16xf32>,
      %swap3A_309 = vector.shape_cast %swap3A_308 : vector<1x16xf32> to vector<16xf32>
      %swap3A_310 = vector.shape_cast %add3A_305 : vector<16xf32> to vector<1x16xf32>
      tpu.vector_store %arg6[%swap3A_306, %swap3A_307], %swap3A_310 {strides = array<i32>} : memref<16x1024xf32, #tpu.memory_space<vmem>>, vector<1x16xf32>,
      %get3A_311 = arith.index_cast %scan3A_88 : i32 to index
      %get3A_312 = arith.constant 256 : index
      %get3A_313 = tpu.vector_load %arg6[%get3A_311, %get3A_312] {strides = array<i32>} : memref<16x1024xf32, #tpu.memory_space<vmem>>, vector<1x16xf32>,
      %get3A_314 = vector.shape_cast %get3A_313 : vector<1x16xf32> to vector<16xf32>
      %get3A_315 = arith.index_cast %scan3A_88 : i32 to index
      %get3A_316 = arith.constant 256 : index
      %get3A_317 = tpu.vector_load %arg7[%get3A_315, %get3A_316] {strides = array<i32>} : memref<16x1024xf32, #tpu.memory_space<vmem>>, vector<1x16xf32>,
      %get3A_318 = vector.shape_cast %get3A_317 : vector<1x16xf32> to vector<16xf32>
      %add3A_319 = arith.addf %get3A_314, %get3A_318 : vector<16xf32>
      %swap3A_320 = arith.index_cast %scan3A_88 : i32 to index
      %swap3A_321 = arith.constant 256 : index
      %swap3A_322 = tpu.vector_load %arg6[%swap3A_320, %swap3A_321] {strides = array<i32>} : memref<16x1024xf32, #tpu.memory_space<vmem>>, vector<1x16xf32>,
      %swap3A_323 = vector.shape_cast %swap3A_322 : vector<1x16xf32> to vector<16xf32>
      %swap3A_324 = vector.shape_cast %add3A_319 : vector<16xf32> to vector<1x16xf32>
      tpu.vector_store %arg6[%swap3A_320, %swap3A_321], %swap3A_324 {strides = array<i32>} : memref<16x1024xf32, #tpu.memory_space<vmem>>, vector<1x16xf32>,
      %get3A_325 = arith.index_cast %scan3A_88 : i32 to index
      %get3A_326 = arith.constant 272 : index
      %get3A_327 = tpu.vector_load %arg6[%get3A_325, %get3A_326] {strides = array<i32>} : memref<16x1024xf32, #tpu.memory_space<vmem>>, vector<1x16xf32>,
      %get3A_328 = vector.shape_cast %get3A_327 : vector<1x16xf32> to vector<16xf32>
      %get3A_329 = arith.index_cast %scan3A_88 : i32 to index
      %get3A_330 = arith.constant 272 : index
      %get3A_331 = tpu.vector_load %arg7[%get3A_329, %get3A_330] {strides = array<i32>} : memref<16x1024xf32, #tpu.memory_space<vmem>>, vector<1x16xf32>,
      %get3A_332 = vector.shape_cast %get3A_331 : vector<1x16xf32> to vector<16xf32>
      %add3A_333 = arith.addf %get3A_328, %get3A_332 : vector<16xf32>
      %swap3A_334 = arith.index_cast %scan3A_88 : i32 to index
      %swap3A_335 = arith.constant 272 : index
      %swap3A_336 = tpu.vector_load %arg6[%swap3A_334, %swap3A_335] {strides = array<i32>} : memref<16x1024xf32, #tpu.memory_space<vmem>>, vector<1x16xf32>,
      %swap3A_337 = vector.shape_cast %swap3A_336 : vector<1x16xf32> to vector<16xf32>
      %swap3A_338 = vector.shape_cast %add3A_333 : vector<16xf32> to vector<1x16xf32>
      tpu.vector_store %arg6[%swap3A_334, %swap3A_335], %swap3A_338 {strides = array<i32>} : memref<16x1024xf32, #tpu.memory_space<vmem>>, vector<1x16xf32>,
      %get3A_339 = arith.index_cast %scan3A_88 : i32 to index
      %get3A_340 = arith.constant 288 : index
      %get3A_341 = tpu.vector_load %arg6[%get3A_339, %get3A_340] {strides = array<i32>} : memref<16x1024xf32, #tpu.memory_space<vmem>>, vector<1x16xf32>,
      %get3A_342 = vector.shape_cast %get3A_341 : vector<1x16xf32> to vector<16xf32>
      %get3A_343 = arith.index_cast %scan3A_88 : i32 to index
      %get3A_344 = arith.constant 288 : index
      %get3A_345 = tpu.vector_load %arg7[%get3A_343, %get3A_344] {strides = array<i32>} : memref<16x1024xf32, #tpu.memory_space<vmem>>, vector<1x16xf32>,
      %get3A_346 = vector.shape_cast %get3A_345 : vector<1x16xf32> to vector<16xf32>
      %add3A_347 = arith.addf %get3A_342, %get3A_346 : vector<16xf32>
      %swap3A_348 = arith.index_cast %scan3A_88 : i32 to index
      %swap3A_349 = arith.constant 288 : index
      %swap3A_350 = tpu.vector_load %arg6[%swap3A_348, %swap3A_349] {strides = array<i32>} : memref<16x1024xf32, #tpu.memory_space<vmem>>, vector<1x16xf32>,
      %swap3A_351 = vector.shape_cast %swap3A_350 : vector<1x16xf32> to vector<16xf32>
      %swap3A_352 = vector.shape_cast %add3A_347 : vector<16xf32> to vector<1x16xf32>
      tpu.vector_store %arg6[%swap3A_348, %swap3A_349], %swap3A_352 {strides = array<i32>} : memref<16x1024xf32, #tpu.memory_space<vmem>>, vector<1x16xf32>,
      %get3A_353 = arith.index_cast %scan3A_88 : i32 to index
      %get3A_354 = arith.constant 304 : index
      %get3A_355 = tpu.vector_load %arg6[%get3A_353, %get3A_354] {strides = array<i32>} : memref<16x1024xf32, #tpu.memory_space<vmem>>, vector<1x16xf32>,
      %get3A_356 = vector.shape_cast %get3A_355 : vector<1x16xf32> to vector<16xf32>
      %get3A_357 = arith.index_cast %scan3A_88 : i32 to index
      %get3A_358 = arith.constant 304 : index
      %get3A_359 = tpu.vector_load %arg7[%get3A_357, %get3A_358] {strides = array<i32>} : memref<16x1024xf32, #tpu.memory_space<vmem>>, vector<1x16xf32>,
      %get3A_360 = vector.shape_cast %get3A_359 : vector<1x16xf32> to vector<16xf32>
      %add3A_361 = arith.addf %get3A_356, %get3A_360 : vector<16xf32>
      %swap3A_362 = arith.index_cast %scan3A_88 : i32 to index
      %swap3A_363 = arith.constant 304 : index
      %swap3A_364 = tpu.vector_load %arg6[%swap3A_362, %swap3A_363] {strides = array<i32>} : memref<16x1024xf32, #tpu.memory_space<vmem>>, vector<1x16xf32>,
      %swap3A_365 = vector.shape_cast %swap3A_364 : vector<1x16xf32> to vector<16xf32>
      %swap3A_366 = vector.shape_cast %add3A_361 : vector<16xf32> to vector<1x16xf32>
      tpu.vector_store %arg6[%swap3A_362, %swap3A_363], %swap3A_366 {strides = array<i32>} : memref<16x1024xf32, #tpu.memory_space<vmem>>, vector<1x16xf32>,
      %get3A_367 = arith.index_cast %scan3A_88 : i32 to index
      %get3A_368 = arith.constant 320 : index
      %get3A_369 = tpu.vector_load %arg6[%get3A_367, %get3A_368] {strides = array<i32>} : memref<16x1024xf32, #tpu.memory_space<vmem>>, vector<1x16xf32>,
      %get3A_370 = vector.shape_cast %get3A_369 : vector<1x16xf32> to vector<16xf32>
      %get3A_371 = arith.index_cast %scan3A_88 : i32 to index
      %get3A_372 = arith.constant 320 : index
      %get3A_373 = tpu.vector_load %arg7[%get3A_371, %get3A_372] {strides = array<i32>} : memref<16x1024xf32, #tpu.memory_space<vmem>>, vector<1x16xf32>,
      %get3A_374 = vector.shape_cast %get3A_373 : vector<1x16xf32> to vector<16xf32>
      %add3A_375 = arith.addf %get3A_370, %get3A_374 : vector<16xf32>
      %swap3A_376 = arith.index_cast %scan3A_88 : i32 to index
      %swap3A_377 = arith.constant 320 : index
      %swap3A_378 = tpu.vector_load %arg6[%swap3A_376, %swap3A_377] {strides = array<i32>} : memref<16x1024xf32, #tpu.memory_space<vmem>>, vector<1x16xf32>,
      %swap3A_379 = vector.shape_cast %swap3A_378 : vector<1x16xf32> to vector<16xf32>
      %swap3A_380 = vector.shape_cast %add3A_375 : vector<16xf32> to vector<1x16xf32>
      tpu.vector_store %arg6[%swap3A_376, %swap3A_377], %swap3A_380 {strides = array<i32>} : memref<16x1024xf32, #tpu.memory_space<vmem>>, vector<1x16xf32>,
      %get3A_381 = arith.index_cast %scan3A_88 : i32 to index
      %get3A_382 = arith.constant 336 : index
      %get3A_383 = tpu.vector_load %arg6[%get3A_381, %get3A_382] {strides = array<i32>} : memref<16x1024xf32, #tpu.memory_space<vmem>>, vector<1x16xf32>,
      %get3A_384 = vector.shape_cast %get3A_383 : vector<1x16xf32> to vector<16xf32>
      %get3A_385 = arith.index_cast %scan3A_88 : i32 to index
      %get3A_386 = arith.constant 336 : index
      %get3A_387 = tpu.vector_load %arg7[%get3A_385, %get3A_386] {strides = array<i32>} : memref<16x1024xf32, #tpu.memory_space<vmem>>, vector<1x16xf32>,
      %get3A_388 = vector.shape_cast %get3A_387 : vector<1x16xf32> to vector<16xf32>
      %add3A_389 = arith.addf %get3A_384, %get3A_388 : vector<16xf32>
      %swap3A_390 = arith.index_cast %scan3A_88 : i32 to index
      %swap3A_391 = arith.constant 336 : index
      %swap3A_392 = tpu.vector_load %arg6[%swap3A_390, %swap3A_391] {strides = array<i32>} : memref<16x1024xf32, #tpu.memory_space<vmem>>, vector<1x16xf32>,
      %swap3A_393 = vector.shape_cast %swap3A_392 : vector<1x16xf32> to vector<16xf32>
      %swap3A_394 = vector.shape_cast %add3A_389 : vector<16xf32> to vector<1x16xf32>
      tpu.vector_store %arg6[%swap3A_390, %swap3A_391], %swap3A_394 {strides = array<i32>} : memref<16x1024xf32, #tpu.memory_space<vmem>>, vector<1x16xf32>,
      %get3A_395 = arith.index_cast %scan3A_88 : i32 to index
      %get3A_396 = arith.constant 352 : index
      %get3A_397 = tpu.vector_load %arg6[%get3A_395, %get3A_396] {strides = array<i32>} : memref<16x1024xf32, #tpu.memory_space<vmem>>, vector<1x16xf32>,
      %get3A_398 = vector.shape_cast %get3A_397 : vector<1x16xf32> to vector<16xf32>
      %get3A_399 = arith.index_cast %scan3A_88 : i32 to index
      %get3A_400 = arith.constant 352 : index
      %get3A_401 = tpu.vector_load %arg7[%get3A_399, %get3A_400] {strides = array<i32>} : memref<16x1024xf32, #tpu.memory_space<vmem>>, vector<1x16xf32>,
      %get3A_402 = vector.shape_cast %get3A_401 : vector<1x16xf32> to vector<16xf32>
      %add3A_403 = arith.addf %get3A_398, %get3A_402 : vector<16xf32>
      %swap3A_404 = arith.index_cast %scan3A_88 : i32 to index
      %swap3A_405 = arith.constant 352 : index
      %swap3A_406 = tpu.vector_load %arg6[%swap3A_404, %swap3A_405] {strides = array<i32>} : memref<16x1024xf32, #tpu.memory_space<vmem>>, vector<1x16xf32>,
      %swap3A_407 = vector.shape_cast %swap3A_406 : vector<1x16xf32> to vector<16xf32>
      %swap3A_408 = vector.shape_cast %add3A_403 : vector<16xf32> to vector<1x16xf32>
      tpu.vector_store %arg6[%swap3A_404, %swap3A_405], %swap3A_408 {strides = array<i32>} : memref<16x1024xf32, #tpu.memory_space<vmem>>, vector<1x16xf32>,
      %get3A_409 = arith.index_cast %scan3A_88 : i32 to index
      %get3A_410 = arith.constant 368 : index
      %get3A_411 = tpu.vector_load %arg6[%get3A_409, %get3A_410] {strides = array<i32>} : memref<16x1024xf32, #tpu.memory_space<vmem>>, vector<1x16xf32>,
      %get3A_412 = vector.shape_cast %get3A_411 : vector<1x16xf32> to vector<16xf32>
      %get3A_413 = arith.index_cast %scan3A_88 : i32 to index
      %get3A_414 = arith.constant 368 : index
      %get3A_415 = tpu.vector_load %arg7[%get3A_413, %get3A_414] {strides = array<i32>} : memref<16x1024xf32, #tpu.memory_space<vmem>>, vector<1x16xf32>,
      %get3A_416 = vector.shape_cast %get3A_415 : vector<1x16xf32> to vector<16xf32>
      %add3A_417 = arith.addf %get3A_412, %get3A_416 : vector<16xf32>
      %swap3A_418 = arith.index_cast %scan3A_88 : i32 to index
      %swap3A_419 = arith.constant 368 : index
      %swap3A_420 = tpu.vector_load %arg6[%swap3A_418, %swap3A_419] {strides = array<i32>} : memref<16x1024xf32, #tpu.memory_space<vmem>>, vector<1x16xf32>,
      %swap3A_421 = vector.shape_cast %swap3A_420 : vector<1x16xf32> to vector<16xf32>
      %swap3A_422 = vector.shape_cast %add3A_417 : vector<16xf32> to vector<1x16xf32>
      tpu.vector_store %arg6[%swap3A_418, %swap3A_419], %swap3A_422 {strides = array<i32>} : memref<16x1024xf32, #tpu.memory_space<vmem>>, vector<1x16xf32>,
      %get3A_423 = arith.index_cast %scan3A_88 : i32 to index
      %get3A_424 = arith.constant 384 : index
      %get3A_425 = tpu.vector_load %arg6[%get3A_423, %get3A_424] {strides = array<i32>} : memref<16x1024xf32, #tpu.memory_space<vmem>>, vector<1x16xf32>,
      %get3A_426 = vector.shape_cast %get3A_425 : vector<1x16xf32> to vector<16xf32>
      %get3A_427 = arith.index_cast %scan3A_88 : i32 to index
      %get3A_428 = arith.constant 384 : index
      %get3A_429 = tpu.vector_load %arg7[%get3A_427, %get3A_428] {strides = array<i32>} : memref<16x1024xf32, #tpu.memory_space<vmem>>, vector<1x16xf32>,
      %get3A_430 = vector.shape_cast %get3A_429 : vector<1x16xf32> to vector<16xf32>
      %add3A_431 = arith.addf %get3A_426, %get3A_430 : vector<16xf32>
      %swap3A_432 = arith.index_cast %scan3A_88 : i32 to index
      %swap3A_433 = arith.constant 384 : index
      %swap3A_434 = tpu.vector_load %arg6[%swap3A_432, %swap3A_433] {strides = array<i32>} : memref<16x1024xf32, #tpu.memory_space<vmem>>, vector<1x16xf32>,
      %swap3A_435 = vector.shape_cast %swap3A_434 : vector<1x16xf32> to vector<16xf32>
      %swap3A_436 = vector.shape_cast %add3A_431 : vector<16xf32> to vector<1x16xf32>
      tpu.vector_store %arg6[%swap3A_432, %swap3A_433], %swap3A_436 {strides = array<i32>} : memref<16x1024xf32, #tpu.memory_space<vmem>>, vector<1x16xf32>,
      %get3A_437 = arith.index_cast %scan3A_88 : i32 to index
      %get3A_438 = arith.constant 400 : index
      %get3A_439 = tpu.vector_load %arg6[%get3A_437, %get3A_438] {strides = array<i32>} : memref<16x1024xf32, #tpu.memory_space<vmem>>, vector<1x16xf32>,
      %get3A_440 = vector.shape_cast %get3A_439 : vector<1x16xf32> to vector<16xf32>
      %get3A_441 = arith.index_cast %scan3A_88 : i32 to index
      %get3A_442 = arith.constant 400 : index
      %get3A_443 = tpu.vector_load %arg7[%get3A_441, %get3A_442] {strides = array<i32>} : memref<16x1024xf32, #tpu.memory_space<vmem>>, vector<1x16xf32>,
      %get3A_444 = vector.shape_cast %get3A_443 : vector<1x16xf32> to vector<16xf32>
      %add3A_445 = arith.addf %get3A_440, %get3A_444 : vector<16xf32>
      %swap3A_446 = arith.index_cast %scan3A_88 : i32 to index
      %swap3A_447 = arith.constant 400 : index
      %swap3A_448 = tpu.vector_load %arg6[%swap3A_446, %swap3A_447] {strides = array<i32>} : memref<16x1024xf32, #tpu.memory_space<vmem>>, vector<1x16xf32>,
      %swap3A_449 = vector.shape_cast %swap3A_448 : vector<1x16xf32> to vector<16xf32>
      %swap3A_450 = vector.shape_cast %add3A_445 : vector<16xf32> to vector<1x16xf32>
      tpu.vector_store %arg6[%swap3A_446, %swap3A_447], %swap3A_450 {strides = array<i32>} : memref<16x1024xf32, #tpu.memory_space<vmem>>, vector<1x16xf32>,
      %get3A_451 = arith.index_cast %scan3A_88 : i32 to index
      %get3A_452 = arith.constant 416 : index
      %get3A_453 = tpu.vector_load %arg6[%get3A_451, %get3A_452] {strides = array<i32>} : memref<16x1024xf32, #tpu.memory_space<vmem>>, vector<1x16xf32>,
      %get3A_454 = vector.shape_cast %get3A_453 : vector<1x16xf32> to vector<16xf32>
      %get3A_455 = arith.index_cast %scan3A_88 : i32 to index
      %get3A_456 = arith.constant 416 : index
      %get3A_457 = tpu.vector_load %arg7[%get3A_455, %get3A_456] {strides = array<i32>} : memref<16x1024xf32, #tpu.memory_space<vmem>>, vector<1x16xf32>,
      %get3A_458 = vector.shape_cast %get3A_457 : vector<1x16xf32> to vector<16xf32>
      %add3A_459 = arith.addf %get3A_454, %get3A_458 : vector<16xf32>
      %swap3A_460 = arith.index_cast %scan3A_88 : i32 to index
      %swap3A_461 = arith.constant 416 : index
      %swap3A_462 = tpu.vector_load %arg6[%swap3A_460, %swap3A_461] {strides = array<i32>} : memref<16x1024xf32, #tpu.memory_space<vmem>>, vector<1x16xf32>,
      %swap3A_463 = vector.shape_cast %swap3A_462 : vector<1x16xf32> to vector<16xf32>
      %swap3A_464 = vector.shape_cast %add3A_459 : vector<16xf32> to vector<1x16xf32>
      tpu.vector_store %arg6[%swap3A_460, %swap3A_461], %swap3A_464 {strides = array<i32>} : memref<16x1024xf32, #tpu.memory_space<vmem>>, vector<1x16xf32>,
      %get3A_465 = arith.index_cast %scan3A_88 : i32 to index
      %get3A_466 = arith.constant 432 : index
      %get3A_467 = tpu.vector_load %arg6[%get3A_465, %get3A_466] {strides = array<i32>} : memref<16x1024xf32, #tpu.memory_space<vmem>>, vector<1x16xf32>,
      %get3A_468 = vector.shape_cast %get3A_467 : vector<1x16xf32> to vector<16xf32>
      %get3A_469 = arith.index_cast %scan3A_88 : i32 to index
      %get3A_470 = arith.constant 432 : index
      %get3A_471 = tpu.vector_load %arg7[%get3A_469, %get3A_470] {strides = array<i32>} : memref<16x1024xf32, #tpu.memory_space<vmem>>, vector<1x16xf32>,
      %get3A_472 = vector.shape_cast %get3A_471 : vector<1x16xf32> to vector<16xf32>
      %add3A_473 = arith.addf %get3A_468, %get3A_472 : vector<16xf32>
      %swap3A_474 = arith.index_cast %scan3A_88 : i32 to index
      %swap3A_475 = arith.constant 432 : index
      %swap3A_476 = tpu.vector_load %arg6[%swap3A_474, %swap3A_475] {strides = array<i32>} : memref<16x1024xf32, #tpu.memory_space<vmem>>, vector<1x16xf32>,
      %swap3A_477 = vector.shape_cast %swap3A_476 : vector<1x16xf32> to vector<16xf32>
      %swap3A_478 = vector.shape_cast %add3A_473 : vector<16xf32> to vector<1x16xf32>
      tpu.vector_store %arg6[%swap3A_474, %swap3A_475], %swap3A_478 {strides = array<i32>} : memref<16x1024xf32, #tpu.memory_space<vmem>>, vector<1x16xf32>,
      %get3A_479 = arith.index_cast %scan3A_88 : i32 to index
      %get3A_480 = arith.constant 448 : index
      %get3A_481 = tpu.vector_load %arg6[%get3A_479, %get3A_480] {strides = array<i32>} : memref<16x1024xf32, #tpu.memory_space<vmem>>, vector<1x16xf32>,
      %get3A_482 = vector.shape_cast %get3A_481 : vector<1x16xf32> to vector<16xf32>
      %get3A_483 = arith.index_cast %scan3A_88 : i32 to index
      %get3A_484 = arith.constant 448 : index
      %get3A_485 = tpu.vector_load %arg7[%get3A_483, %get3A_484] {strides = array<i32>} : memref<16x1024xf32, #tpu.memory_space<vmem>>, vector<1x16xf32>,
      %get3A_486 = vector.shape_cast %get3A_485 : vector<1x16xf32> to vector<16xf32>
      %add3A_487 = arith.addf %get3A_482, %get3A_486 : vector<16xf32>
      %swap3A_488 = arith.index_cast %scan3A_88 : i32 to index
      %swap3A_489 = arith.constant 448 : index
      %swap3A_490 = tpu.vector_load %arg6[%swap3A_488, %swap3A_489] {strides = array<i32>} : memref<16x1024xf32, #tpu.memory_space<vmem>>, vector<1x16xf32>,
      %swap3A_491 = vector.shape_cast %swap3A_490 : vector<1x16xf32> to vector<16xf32>
      %swap3A_492 = vector.shape_cast %add3A_487 : vector<16xf32> to vector<1x16xf32>
      tpu.vector_store %arg6[%swap3A_488, %swap3A_489], %swap3A_492 {strides = array<i32>} : memref<16x1024xf32, #tpu.memory_space<vmem>>, vector<1x16xf32>,
      %get3A_493 = arith.index_cast %scan3A_88 : i32 to index
      %get3A_494 = arith.constant 464 : index
      %get3A_495 = tpu.vector_load %arg6[%get3A_493, %get3A_494] {strides = array<i32>} : memref<16x1024xf32, #tpu.memory_space<vmem>>, vector<1x16xf32>,
      %get3A_496 = vector.shape_cast %get3A_495 : vector<1x16xf32> to vector<16xf32>
      %get3A_497 = arith.index_cast %scan3A_88 : i32 to index
      %get3A_498 = arith.constant 464 : index
      %get3A_499 = tpu.vector_load %arg7[%get3A_497, %get3A_498] {strides = array<i32>} : memref<16x1024xf32, #tpu.memory_space<vmem>>, vector<1x16xf32>,
      %get3A_500 = vector.shape_cast %get3A_499 : vector<1x16xf32> to vector<16xf32>
      %add3A_501 = arith.addf %get3A_496, %get3A_500 : vector<16xf32>
      %swap3A_502 = arith.index_cast %scan3A_88 : i32 to index
      %swap3A_503 = arith.constant 464 : index
      %swap3A_504 = tpu.vector_load %arg6[%swap3A_502, %swap3A_503] {strides = array<i32>} : memref<16x1024xf32, #tpu.memory_space<vmem>>, vector<1x16xf32>,
      %swap3A_505 = vector.shape_cast %swap3A_504 : vector<1x16xf32> to vector<16xf32>
      %swap3A_506 = vector.shape_cast %add3A_501 : vector<16xf32> to vector<1x16xf32>
      tpu.vector_store %arg6[%swap3A_502, %swap3A_503], %swap3A_506 {strides = array<i32>} : memref<16x1024xf32, #tpu.memory_space<vmem>>, vector<1x16xf32>,
      %get3A_507 = arith.index_cast %scan3A_88 : i32 to index
      %get3A_508 = arith.constant 480 : index
      %get3A_509 = tpu.vector_load %arg6[%get3A_507, %get3A_508] {strides = array<i32>} : memref<16x1024xf32, #tpu.memory_space<vmem>>, vector<1x16xf32>,
      %get3A_510 = vector.shape_cast %get3A_509 : vector<1x16xf32> to vector<16xf32>
      %get3A_511 = arith.index_cast %scan3A_88 : i32 to index
      %get3A_512 = arith.constant 480 : index
      %get3A_513 = tpu.vector_load %arg7[%get3A_511, %get3A_512] {strides = array<i32>} : memref<16x1024xf32, #tpu.memory_space<vmem>>, vector<1x16xf32>,
      %get3A_514 = vector.shape_cast %get3A_513 : vector<1x16xf32> to vector<16xf32>
      %add3A_515 = arith.addf %get3A_510, %get3A_514 : vector<16xf32>
      %swap3A_516 = arith.index_cast %scan3A_88 : i32 to index
      %swap3A_517 = arith.constant 480 : index
      %swap3A_518 = tpu.vector_load %arg6[%swap3A_516, %swap3A_517] {strides = array<i32>} : memref<16x1024xf32, #tpu.memory_space<vmem>>, vector<1x16xf32>,
      %swap3A_519 = vector.shape_cast %swap3A_518 : vector<1x16xf32> to vector<16xf32>
      %swap3A_520 = vector.shape_cast %add3A_515 : vector<16xf32> to vector<1x16xf32>
      tpu.vector_store %arg6[%swap3A_516, %swap3A_517], %swap3A_520 {strides = array<i32>} : memref<16x1024xf32, #tpu.memory_space<vmem>>, vector<1x16xf32>,
      %get3A_521 = arith.index_cast %scan3A_88 : i32 to index
      %get3A_522 = arith.constant 496 : index
      %get3A_523 = tpu.vector_load %arg6[%get3A_521, %get3A_522] {strides = array<i32>} : memref<16x1024xf32, #tpu.memory_space<vmem>>, vector<1x16xf32>,
      %get3A_524 = vector.shape_cast %get3A_523 : vector<1x16xf32> to vector<16xf32>
      %get3A_525 = arith.index_cast %scan3A_88 : i32 to index
      %get3A_526 = arith.constant 496 : index
      %get3A_527 = tpu.vector_load %arg7[%get3A_525, %get3A_526] {strides = array<i32>} : memref<16x1024xf32, #tpu.memory_space<vmem>>, vector<1x16xf32>,
      %get3A_528 = vector.shape_cast %get3A_527 : vector<1x16xf32> to vector<16xf32>
      %add3A_529 = arith.addf %get3A_524, %get3A_528 : vector<16xf32>
      %swap3A_530 = arith.index_cast %scan3A_88 : i32 to index
      %swap3A_531 = arith.constant 496 : index
      %swap3A_532 = tpu.vector_load %arg6[%swap3A_530, %swap3A_531] {strides = array<i32>} : memref<16x1024xf32, #tpu.memory_space<vmem>>, vector<1x16xf32>,
      %swap3A_533 = vector.shape_cast %swap3A_532 : vector<1x16xf32> to vector<16xf32>
      %swap3A_534 = vector.shape_cast %add3A_529 : vector<16xf32> to vector<1x16xf32>
      tpu.vector_store %arg6[%swap3A_530, %swap3A_531], %swap3A_534 {strides = array<i32>} : memref<16x1024xf32, #tpu.memory_space<vmem>>, vector<1x16xf32>,
      %get3A_535 = arith.index_cast %scan3A_88 : i32 to index
      %get3A_536 = arith.constant 512 : index
      %get3A_537 = tpu.vector_load %arg6[%get3A_535, %get3A_536] {strides = array<i32>} : memref<16x1024xf32, #tpu.memory_space<vmem>>, vector<1x16xf32>,
      %get3A_538 = vector.shape_cast %get3A_537 : vector<1x16xf32> to vector<16xf32>
      %get3A_539 = arith.index_cast %scan3A_88 : i32 to index
      %get3A_540 = arith.constant 512 : index
      %get3A_541 = tpu.vector_load %arg7[%get3A_539, %get3A_540] {strides = array<i32>} : memref<16x1024xf32, #tpu.memory_space<vmem>>, vector<1x16xf32>,
      %get3A_542 = vector.shape_cast %get3A_541 : vector<1x16xf32> to vector<16xf32>
      %add3A_543 = arith.addf %get3A_538, %get3A_542 : vector<16xf32>
      %swap3A_544 = arith.index_cast %scan3A_88 : i32 to index
      %swap3A_545 = arith.constant 512 : index
      %swap3A_546 = tpu.vector_load %arg6[%swap3A_544, %swap3A_545] {strides = array<i32>} : memref<16x1024xf32, #tpu.memory_space<vmem>>, vector<1x16xf32>,
      %swap3A_547 = vector.shape_cast %swap3A_546 : vector<1x16xf32> to vector<16xf32>
      %swap3A_548 = vector.shape_cast %add3A_543 : vector<16xf32> to vector<1x16xf32>
      tpu.vector_store %arg6[%swap3A_544, %swap3A_545], %swap3A_548 {strides = array<i32>} : memref<16x1024xf32, #tpu.memory_space<vmem>>, vector<1x16xf32>,
      %get3A_549 = arith.index_cast %scan3A_88 : i32 to index
      %get3A_550 = arith.constant 528 : index
      %get3A_551 = tpu.vector_load %arg6[%get3A_549, %get3A_550] {strides = array<i32>} : memref<16x1024xf32, #tpu.memory_space<vmem>>, vector<1x16xf32>,
      %get3A_552 = vector.shape_cast %get3A_551 : vector<1x16xf32> to vector<16xf32>
      %get3A_553 = arith.index_cast %scan3A_88 : i32 to index
      %get3A_554 = arith.constant 528 : index
      %get3A_555 = tpu.vector_load %arg7[%get3A_553, %get3A_554] {strides = array<i32>} : memref<16x1024xf32, #tpu.memory_space<vmem>>, vector<1x16xf32>,
      %get3A_556 = vector.shape_cast %get3A_555 : vector<1x16xf32> to vector<16xf32>
      %add3A_557 = arith.addf %get3A_552, %get3A_556 : vector<16xf32>
      %swap3A_558 = arith.index_cast %scan3A_88 : i32 to index
      %swap3A_559 = arith.constant 528 : index
      %swap3A_560 = tpu.vector_load %arg6[%swap3A_558, %swap3A_559] {strides = array<i32>} : memref<16x1024xf32, #tpu.memory_space<vmem>>, vector<1x16xf32>,
      %swap3A_561 = vector.shape_cast %swap3A_560 : vector<1x16xf32> to vector<16xf32>
      %swap3A_562 = vector.shape_cast %add3A_557 : vector<16xf32> to vector<1x16xf32>
      tpu.vector_store %arg6[%swap3A_558, %swap3A_559], %swap3A_562 {strides = array<i32>} : memref<16x1024xf32, #tpu.memory_space<vmem>>, vector<1x16xf32>,
      %get3A_563 = arith.index_cast %scan3A_88 : i32 to index
      %get3A_564 = arith.constant 544 : index
      %get3A_565 = tpu.vector_load %arg6[%get3A_563, %get3A_564] {strides = array<i32>} : memref<16x1024xf32, #tpu.memory_space<vmem>>, vector<1x16xf32>,
      %get3A_566 = vector.shape_cast %get3A_565 : vector<1x16xf32> to vector<16xf32>
      %get3A_567 = arith.index_cast %scan3A_88 : i32 to index
      %get3A_568 = arith.constant 544 : index
      %get3A_569 = tpu.vector_load %arg7[%get3A_567, %get3A_568] {strides = array<i32>} : memref<16x1024xf32, #tpu.memory_space<vmem>>, vector<1x16xf32>,
      %get3A_570 = vector.shape_cast %get3A_569 : vector<1x16xf32> to vector<16xf32>
      %add3A_571 = arith.addf %get3A_566, %get3A_570 : vector<16xf32>
      %swap3A_572 = arith.index_cast %scan3A_88 : i32 to index
      %swap3A_573 = arith.constant 544 : index
      %swap3A_574 = tpu.vector_load %arg6[%swap3A_572, %swap3A_573] {strides = array<i32>} : memref<16x1024xf32, #tpu.memory_space<vmem>>, vector<1x16xf32>,
      %swap3A_575 = vector.shape_cast %swap3A_574 : vector<1x16xf32> to vector<16xf32>
      %swap3A_576 = vector.shape_cast %add3A_571 : vector<16xf32> to vector<1x16xf32>
      tpu.vector_store %arg6[%swap3A_572, %swap3A_573], %swap3A_576 {strides = array<i32>} : memref<16x1024xf32, #tpu.memory_space<vmem>>, vector<1x16xf32>,
      %get3A_577 = arith.index_cast %scan3A_88 : i32 to index
      %get3A_578 = arith.constant 560 : index
      %get3A_579 = tpu.vector_load %arg6[%get3A_577, %get3A_578] {strides = array<i32>} : memref<16x1024xf32, #tpu.memory_space<vmem>>, vector<1x16xf32>,
      %get3A_580 = vector.shape_cast %get3A_579 : vector<1x16xf32> to vector<16xf32>
      %get3A_581 = arith.index_cast %scan3A_88 : i32 to index
      %get3A_582 = arith.constant 560 : index
      %get3A_583 = tpu.vector_load %arg7[%get3A_581, %get3A_582] {strides = array<i32>} : memref<16x1024xf32, #tpu.memory_space<vmem>>, vector<1x16xf32>,
      %get3A_584 = vector.shape_cast %get3A_583 : vector<1x16xf32> to vector<16xf32>
      %add3A_585 = arith.addf %get3A_580, %get3A_584 : vector<16xf32>
      %swap3A_586 = arith.index_cast %scan3A_88 : i32 to index
      %swap3A_587 = arith.constant 560 : index
      %swap3A_588 = tpu.vector_load %arg6[%swap3A_586, %swap3A_587] {strides = array<i32>} : memref<16x1024xf32, #tpu.memory_space<vmem>>, vector<1x16xf32>,
      %swap3A_589 = vector.shape_cast %swap3A_588 : vector<1x16xf32> to vector<16xf32>
      %swap3A_590 = vector.shape_cast %add3A_585 : vector<16xf32> to vector<1x16xf32>
      tpu.vector_store %arg6[%swap3A_586, %swap3A_587], %swap3A_590 {strides = array<i32>} : memref<16x1024xf32, #tpu.memory_space<vmem>>, vector<1x16xf32>,
      %get3A_591 = arith.index_cast %scan3A_88 : i32 to index
      %get3A_592 = arith.constant 576 : index
      %get3A_593 = tpu.vector_load %arg6[%get3A_591, %get3A_592] {strides = array<i32>} : memref<16x1024xf32, #tpu.memory_space<vmem>>, vector<1x16xf32>,
      %get3A_594 = vector.shape_cast %get3A_593 : vector<1x16xf32> to vector<16xf32>
      %get3A_595 = arith.index_cast %scan3A_88 : i32 to index
      %get3A_596 = arith.constant 576 : index
      %get3A_597 = tpu.vector_load %arg7[%get3A_595, %get3A_596] {strides = array<i32>} : memref<16x1024xf32, #tpu.memory_space<vmem>>, vector<1x16xf32>,
      %get3A_598 = vector.shape_cast %get3A_597 : vector<1x16xf32> to vector<16xf32>
      %add3A_599 = arith.addf %get3A_594, %get3A_598 : vector<16xf32>
      %swap3A_600 = arith.index_cast %scan3A_88 : i32 to index
      %swap3A_601 = arith.constant 576 : index
      %swap3A_602 = tpu.vector_load %arg6[%swap3A_600, %swap3A_601] {strides = array<i32>} : memref<16x1024xf32, #tpu.memory_space<vmem>>, vector<1x16xf32>,
      %swap3A_603 = vector.shape_cast %swap3A_602 : vector<1x16xf32> to vector<16xf32>
      %swap3A_604 = vector.shape_cast %add3A_599 : vector<16xf32> to vector<1x16xf32>
      tpu.vector_store %arg6[%swap3A_600, %swap3A_601], %swap3A_604 {strides = array<i32>} : memref<16x1024xf32, #tpu.memory_space<vmem>>, vector<1x16xf32>,
      %get3A_605 = arith.index_cast %scan3A_88 : i32 to index
      %get3A_606 = arith.constant 592 : index
      %get3A_607 = tpu.vector_load %arg6[%get3A_605, %get3A_606] {strides = array<i32>} : memref<16x1024xf32, #tpu.memory_space<vmem>>, vector<1x16xf32>,
      %get3A_608 = vector.shape_cast %get3A_607 : vector<1x16xf32> to vector<16xf32>
      %get3A_609 = arith.index_cast %scan3A_88 : i32 to index
      %get3A_610 = arith.constant 592 : index
      %get3A_611 = tpu.vector_load %arg7[%get3A_609, %get3A_610] {strides = array<i32>} : memref<16x1024xf32, #tpu.memory_space<vmem>>, vector<1x16xf32>,
      %get3A_612 = vector.shape_cast %get3A_611 : vector<1x16xf32> to vector<16xf32>
      %add3A_613 = arith.addf %get3A_608, %get3A_612 : vector<16xf32>
      %swap3A_614 = arith.index_cast %scan3A_88 : i32 to index
      %swap3A_615 = arith.constant 592 : index
      %swap3A_616 = tpu.vector_load %arg6[%swap3A_614, %swap3A_615] {strides = array<i32>} : memref<16x1024xf32, #tpu.memory_space<vmem>>, vector<1x16xf32>,
      %swap3A_617 = vector.shape_cast %swap3A_616 : vector<1x16xf32> to vector<16xf32>
      %swap3A_618 = vector.shape_cast %add3A_613 : vector<16xf32> to vector<1x16xf32>
      tpu.vector_store %arg6[%swap3A_614, %swap3A_615], %swap3A_618 {strides = array<i32>} : memref<16x1024xf32, #tpu.memory_space<vmem>>, vector<1x16xf32>,
      %get3A_619 = arith.index_cast %scan3A_88 : i32 to index
      %get3A_620 = arith.constant 608 : index
      %get3A_621 = tpu.vector_load %arg6[%get3A_619, %get3A_620] {strides = array<i32>} : memref<16x1024xf32, #tpu.memory_space<vmem>>, vector<1x16xf32>,
      %get3A_622 = vector.shape_cast %get3A_621 : vector<1x16xf32> to vector<16xf32>
      %get3A_623 = arith.index_cast %scan3A_88 : i32 to index
      %get3A_624 = arith.constant 608 : index
      %get3A_625 = tpu.vector_load %arg7[%get3A_623, %get3A_624] {strides = array<i32>} : memref<16x1024xf32, #tpu.memory_space<vmem>>, vector<1x16xf32>,
      %get3A_626 = vector.shape_cast %get3A_625 : vector<1x16xf32> to vector<16xf32>
      %add3A_627 = arith.addf %get3A_622, %get3A_626 : vector<16xf32>
      %swap3A_628 = arith.index_cast %scan3A_88 : i32 to index
      %swap3A_629 = arith.constant 608 : index
      %swap3A_630 = tpu.vector_load %arg6[%swap3A_628, %swap3A_629] {strides = array<i32>} : memref<16x1024xf32, #tpu.memory_space<vmem>>, vector<1x16xf32>,
      %swap3A_631 = vector.shape_cast %swap3A_630 : vector<1x16xf32> to vector<16xf32>
      %swap3A_632 = vector.shape_cast %add3A_627 : vector<16xf32> to vector<1x16xf32>
      tpu.vector_store %arg6[%swap3A_628, %swap3A_629], %swap3A_632 {strides = array<i32>} : memref<16x1024xf32, #tpu.memory_space<vmem>>, vector<1x16xf32>,
      %get3A_633 = arith.index_cast %scan3A_88 : i32 to index
      %get3A_634 = arith.constant 624 : index
      %get3A_635 = tpu.vector_load %arg6[%get3A_633, %get3A_634] {strides = array<i32>} : memref<16x1024xf32, #tpu.memory_space<vmem>>, vector<1x16xf32>,
      %get3A_636 = vector.shape_cast %get3A_635 : vector<1x16xf32> to vector<16xf32>
      %get3A_637 = arith.index_cast %scan3A_88 : i32 to index
      %get3A_638 = arith.constant 624 : index
      %get3A_639 = tpu.vector_load %arg7[%get3A_637, %get3A_638] {strides = array<i32>} : memref<16x1024xf32, #tpu.memory_space<vmem>>, vector<1x16xf32>,
      %get3A_640 = vector.shape_cast %get3A_639 : vector<1x16xf32> to vector<16xf32>
      %add3A_641 = arith.addf %get3A_636, %get3A_640 : vector<16xf32>
      %swap3A_642 = arith.index_cast %scan3A_88 : i32 to index
      %swap3A_643 = arith.constant 624 : index
      %swap3A_644 = tpu.vector_load %arg6[%swap3A_642, %swap3A_643] {strides = array<i32>} : memref<16x1024xf32, #tpu.memory_space<vmem>>, vector<1x16xf32>,
      %swap3A_645 = vector.shape_cast %swap3A_644 : vector<1x16xf32> to vector<16xf32>
      %swap3A_646 = vector.shape_cast %add3A_641 : vector<16xf32> to vector<1x16xf32>
      tpu.vector_store %arg6[%swap3A_642, %swap3A_643], %swap3A_646 {strides = array<i32>} : memref<16x1024xf32, #tpu.memory_space<vmem>>, vector<1x16xf32>,
      %get3A_647 = arith.index_cast %scan3A_88 : i32 to index
      %get3A_648 = arith.constant 640 : index
      %get3A_649 = tpu.vector_load %arg6[%get3A_647, %get3A_648] {strides = array<i32>} : memref<16x1024xf32, #tpu.memory_space<vmem>>, vector<1x16xf32>,
      %get3A_650 = vector.shape_cast %get3A_649 : vector<1x16xf32> to vector<16xf32>
      %get3A_651 = arith.index_cast %scan3A_88 : i32 to index
      %get3A_652 = arith.constant 640 : index
      %get3A_653 = tpu.vector_load %arg7[%get3A_651, %get3A_652] {strides = array<i32>} : memref<16x1024xf32, #tpu.memory_space<vmem>>, vector<1x16xf32>,
      %get3A_654 = vector.shape_cast %get3A_653 : vector<1x16xf32> to vector<16xf32>
      %add3A_655 = arith.addf %get3A_650, %get3A_654 : vector<16xf32>
      %swap3A_656 = arith.index_cast %scan3A_88 : i32 to index
      %swap3A_657 = arith.constant 640 : index
      %swap3A_658 = tpu.vector_load %arg6[%swap3A_656, %swap3A_657] {strides = array<i32>} : memref<16x1024xf32, #tpu.memory_space<vmem>>, vector<1x16xf32>,
      %swap3A_659 = vector.shape_cast %swap3A_658 : vector<1x16xf32> to vector<16xf32>
      %swap3A_660 = vector.shape_cast %add3A_655 : vector<16xf32> to vector<1x16xf32>
      tpu.vector_store %arg6[%swap3A_656, %swap3A_657], %swap3A_660 {strides = array<i32>} : memref<16x1024xf32, #tpu.memory_space<vmem>>, vector<1x16xf32>,
      %get3A_661 = arith.index_cast %scan3A_88 : i32 to index
      %get3A_662 = arith.constant 656 : index
      %get3A_663 = tpu.vector_load %arg6[%get3A_661, %get3A_662] {strides = array<i32>} : memref<16x1024xf32, #tpu.memory_space<vmem>>, vector<1x16xf32>,
      %get3A_664 = vector.shape_cast %get3A_663 : vector<1x16xf32> to vector<16xf32>
      %get3A_665 = arith.index_cast %scan3A_88 : i32 to index
      %get3A_666 = arith.constant 656 : index
      %get3A_667 = tpu.vector_load %arg7[%get3A_665, %get3A_666] {strides = array<i32>} : memref<16x1024xf32, #tpu.memory_space<vmem>>, vector<1x16xf32>,
      %get3A_668 = vector.shape_cast %get3A_667 : vector<1x16xf32> to vector<16xf32>
      %add3A_669 = arith.addf %get3A_664, %get3A_668 : vector<16xf32>
      %swap3A_670 = arith.index_cast %scan3A_88 : i32 to index
      %swap3A_671 = arith.constant 656 : index
      %swap3A_672 = tpu.vector_load %arg6[%swap3A_670, %swap3A_671] {strides = array<i32>} : memref<16x1024xf32, #tpu.memory_space<vmem>>, vector<1x16xf32>,
      %swap3A_673 = vector.shape_cast %swap3A_672 : vector<1x16xf32> to vector<16xf32>
      %swap3A_674 = vector.shape_cast %add3A_669 : vector<16xf32> to vector<1x16xf32>
      tpu.vector_store %arg6[%swap3A_670, %swap3A_671], %swap3A_674 {strides = array<i32>} : memref<16x1024xf32, #tpu.memory_space<vmem>>, vector<1x16xf32>,
      %get3A_675 = arith.index_cast %scan3A_88 : i32 to index
      %get3A_676 = arith.constant 672 : index
      %get3A_677 = tpu.vector_load %arg6[%get3A_675, %get3A_676] {strides = array<i32>} : memref<16x1024xf32, #tpu.memory_space<vmem>>, vector<1x16xf32>,
      %get3A_678 = vector.shape_cast %get3A_677 : vector<1x16xf32> to vector<16xf32>
      %get3A_679 = arith.index_cast %scan3A_88 : i32 to index
      %get3A_680 = arith.constant 672 : index
      %get3A_681 = tpu.vector_load %arg7[%get3A_679, %get3A_680] {strides = array<i32>} : memref<16x1024xf32, #tpu.memory_space<vmem>>, vector<1x16xf32>,
      %get3A_682 = vector.shape_cast %get3A_681 : vector<1x16xf32> to vector<16xf32>
      %add3A_683 = arith.addf %get3A_678, %get3A_682 : vector<16xf32>
      %swap3A_684 = arith.index_cast %scan3A_88 : i32 to index
      %swap3A_685 = arith.constant 672 : index
      %swap3A_686 = tpu.vector_load %arg6[%swap3A_684, %swap3A_685] {strides = array<i32>} : memref<16x1024xf32, #tpu.memory_space<vmem>>, vector<1x16xf32>,
      %swap3A_687 = vector.shape_cast %swap3A_686 : vector<1x16xf32> to vector<16xf32>
      %swap3A_688 = vector.shape_cast %add3A_683 : vector<16xf32> to vector<1x16xf32>
      tpu.vector_store %arg6[%swap3A_684, %swap3A_685], %swap3A_688 {strides = array<i32>} : memref<16x1024xf32, #tpu.memory_space<vmem>>, vector<1x16xf32>,
      %get3A_689 = arith.index_cast %scan3A_88 : i32 to index
      %get3A_690 = arith.constant 688 : index
      %get3A_691 = tpu.vector_load %arg6[%get3A_689, %get3A_690] {strides = array<i32>} : memref<16x1024xf32, #tpu.memory_space<vmem>>, vector<1x16xf32>,
      %get3A_692 = vector.shape_cast %get3A_691 : vector<1x16xf32> to vector<16xf32>
      %get3A_693 = arith.index_cast %scan3A_88 : i32 to index
      %get3A_694 = arith.constant 688 : index
      %get3A_695 = tpu.vector_load %arg7[%get3A_693, %get3A_694] {strides = array<i32>} : memref<16x1024xf32, #tpu.memory_space<vmem>>, vector<1x16xf32>,
      %get3A_696 = vector.shape_cast %get3A_695 : vector<1x16xf32> to vector<16xf32>
      %add3A_697 = arith.addf %get3A_692, %get3A_696 : vector<16xf32>
      %swap3A_698 = arith.index_cast %scan3A_88 : i32 to index
      %swap3A_699 = arith.constant 688 : index
      %swap3A_700 = tpu.vector_load %arg6[%swap3A_698, %swap3A_699] {strides = array<i32>} : memref<16x1024xf32, #tpu.memory_space<vmem>>, vector<1x16xf32>,
      %swap3A_701 = vector.shape_cast %swap3A_700 : vector<1x16xf32> to vector<16xf32>
      %swap3A_702 = vector.shape_cast %add3A_697 : vector<16xf32> to vector<1x16xf32>
      tpu.vector_store %arg6[%swap3A_698, %swap3A_699], %swap3A_702 {strides = array<i32>} : memref<16x1024xf32, #tpu.memory_space<vmem>>, vector<1x16xf32>,
      %get3A_703 = arith.index_cast %scan3A_88 : i32 to index
      %get3A_704 = arith.constant 704 : index
      %get3A_705 = tpu.vector_load %arg6[%get3A_703, %get3A_704] {strides = array<i32>} : memref<16x1024xf32, #tpu.memory_space<vmem>>, vector<1x16xf32>,
      %get3A_706 = vector.shape_cast %get3A_705 : vector<1x16xf32> to vector<16xf32>
      %get3A_707 = arith.index_cast %scan3A_88 : i32 to index
      %get3A_708 = arith.constant 704 : index
      %get3A_709 = tpu.vector_load %arg7[%get3A_707, %get3A_708] {strides = array<i32>} : memref<16x1024xf32, #tpu.memory_space<vmem>>, vector<1x16xf32>,
      %get3A_710 = vector.shape_cast %get3A_709 : vector<1x16xf32> to vector<16xf32>
      %add3A_711 = arith.addf %get3A_706, %get3A_710 : vector<16xf32>
      %swap3A_712 = arith.index_cast %scan3A_88 : i32 to index
      %swap3A_713 = arith.constant 704 : index
      %swap3A_714 = tpu.vector_load %arg6[%swap3A_712, %swap3A_713] {strides = array<i32>} : memref<16x1024xf32, #tpu.memory_space<vmem>>, vector<1x16xf32>,
      %swap3A_715 = vector.shape_cast %swap3A_714 : vector<1x16xf32> to vector<16xf32>
      %swap3A_716 = vector.shape_cast %add3A_711 : vector<16xf32> to vector<1x16xf32>
      tpu.vector_store %arg6[%swap3A_712, %swap3A_713], %swap3A_716 {strides = array<i32>} : memref<16x1024xf32, #tpu.memory_space<vmem>>, vector<1x16xf32>,
      %get3A_717 = arith.index_cast %scan3A_88 : i32 to index
      %get3A_718 = arith.constant 720 : index
      %get3A_719 = tpu.vector_load %arg6[%get3A_717, %get3A_718] {strides = array<i32>} : memref<16x1024xf32, #tpu.memory_space<vmem>>, vector<1x16xf32>,
      %get3A_720 = vector.shape_cast %get3A_719 : vector<1x16xf32> to vector<16xf32>
      %get3A_721 = arith.index_cast %scan3A_88 : i32 to index
      %get3A_722 = arith.constant 720 : index
      %get3A_723 = tpu.vector_load %arg7[%get3A_721, %get3A_722] {strides = array<i32>} : memref<16x1024xf32, #tpu.memory_space<vmem>>, vector<1x16xf32>,
      %get3A_724 = vector.shape_cast %get3A_723 : vector<1x16xf32> to vector<16xf32>
      %add3A_725 = arith.addf %get3A_720, %get3A_724 : vector<16xf32>
      %swap3A_726 = arith.index_cast %scan3A_88 : i32 to index
      %swap3A_727 = arith.constant 720 : index
      %swap3A_728 = tpu.vector_load %arg6[%swap3A_726, %swap3A_727] {strides = array<i32>} : memref<16x1024xf32, #tpu.memory_space<vmem>>, vector<1x16xf32>,
      %swap3A_729 = vector.shape_cast %swap3A_728 : vector<1x16xf32> to vector<16xf32>
      %swap3A_730 = vector.shape_cast %add3A_725 : vector<16xf32> to vector<1x16xf32>
      tpu.vector_store %arg6[%swap3A_726, %swap3A_727], %swap3A_730 {strides = array<i32>} : memref<16x1024xf32, #tpu.memory_space<vmem>>, vector<1x16xf32>,
      %get3A_731 = arith.index_cast %scan3A_88 : i32 to index
      %get3A_732 = arith.constant 736 : index
      %get3A_733 = tpu.vector_load %arg6[%get3A_731, %get3A_732] {strides = array<i32>} : memref<16x1024xf32, #tpu.memory_space<vmem>>, vector<1x16xf32>,
      %get3A_734 = vector.shape_cast %get3A_733 : vector<1x16xf32> to vector<16xf32>
      %get3A_735 = arith.index_cast %scan3A_88 : i32 to index
      %get3A_736 = arith.constant 736 : index
      %get3A_737 = tpu.vector_load %arg7[%get3A_735, %get3A_736] {strides = array<i32>} : memref<16x1024xf32, #tpu.memory_space<vmem>>, vector<1x16xf32>,
      %get3A_738 = vector.shape_cast %get3A_737 : vector<1x16xf32> to vector<16xf32>
      %add3A_739 = arith.addf %get3A_734, %get3A_738 : vector<16xf32>
      %swap3A_740 = arith.index_cast %scan3A_88 : i32 to index
      %swap3A_741 = arith.constant 736 : index
      %swap3A_742 = tpu.vector_load %arg6[%swap3A_740, %swap3A_741] {strides = array<i32>} : memref<16x1024xf32, #tpu.memory_space<vmem>>, vector<1x16xf32>,
      %swap3A_743 = vector.shape_cast %swap3A_742 : vector<1x16xf32> to vector<16xf32>
      %swap3A_744 = vector.shape_cast %add3A_739 : vector<16xf32> to vector<1x16xf32>
      tpu.vector_store %arg6[%swap3A_740, %swap3A_741], %swap3A_744 {strides = array<i32>} : memref<16x1024xf32, #tpu.memory_space<vmem>>, vector<1x16xf32>,
      %get3A_745 = arith.index_cast %scan3A_88 : i32 to index
      %get3A_746 = arith.constant 752 : index
      %get3A_747 = tpu.vector_load %arg6[%get3A_745, %get3A_746] {strides = array<i32>} : memref<16x1024xf32, #tpu.memory_space<vmem>>, vector<1x16xf32>,
      %get3A_748 = vector.shape_cast %get3A_747 : vector<1x16xf32> to vector<16xf32>
      %get3A_749 = arith.index_cast %scan3A_88 : i32 to index
      %get3A_750 = arith.constant 752 : index
      %get3A_751 = tpu.vector_load %arg7[%get3A_749, %get3A_750] {strides = array<i32>} : memref<16x1024xf32, #tpu.memory_space<vmem>>, vector<1x16xf32>,
      %get3A_752 = vector.shape_cast %get3A_751 : vector<1x16xf32> to vector<16xf32>
      %add3A_753 = arith.addf %get3A_748, %get3A_752 : vector<16xf32>
      %swap3A_754 = arith.index_cast %scan3A_88 : i32 to index
      %swap3A_755 = arith.constant 752 : index
      %swap3A_756 = tpu.vector_load %arg6[%swap3A_754, %swap3A_755] {strides = array<i32>} : memref<16x1024xf32, #tpu.memory_space<vmem>>, vector<1x16xf32>,
      %swap3A_757 = vector.shape_cast %swap3A_756 : vector<1x16xf32> to vector<16xf32>
      %swap3A_758 = vector.shape_cast %add3A_753 : vector<16xf32> to vector<1x16xf32>
      tpu.vector_store %arg6[%swap3A_754, %swap3A_755], %swap3A_758 {strides = array<i32>} : memref<16x1024xf32, #tpu.memory_space<vmem>>, vector<1x16xf32>,
      %get3A_759 = arith.index_cast %scan3A_88 : i32 to index
      %get3A_760 = arith.constant 768 : index
      %get3A_761 = tpu.vector_load %arg6[%get3A_759, %get3A_760] {strides = array<i32>} : memref<16x1024xf32, #tpu.memory_space<vmem>>, vector<1x16xf32>,
      %get3A_762 = vector.shape_cast %get3A_761 : vector<1x16xf32> to vector<16xf32>
      %get3A_763 = arith.index_cast %scan3A_88 : i32 to index
      %get3A_764 = arith.constant 768 : index
      %get3A_765 = tpu.vector_load %arg7[%get3A_763, %get3A_764] {strides = array<i32>} : memref<16x1024xf32, #tpu.memory_space<vmem>>, vector<1x16xf32>,
      %get3A_766 = vector.shape_cast %get3A_765 : vector<1x16xf32> to vector<16xf32>
      %add3A_767 = arith.addf %get3A_762, %get3A_766 : vector<16xf32>
      %swap3A_768 = arith.index_cast %scan3A_88 : i32 to index
      %swap3A_769 = arith.constant 768 : index
      %swap3A_770 = tpu.vector_load %arg6[%swap3A_768, %swap3A_769] {strides = array<i32>} : memref<16x1024xf32, #tpu.memory_space<vmem>>, vector<1x16xf32>,
      %swap3A_771 = vector.shape_cast %swap3A_770 : vector<1x16xf32> to vector<16xf32>
      %swap3A_772 = vector.shape_cast %add3A_767 : vector<16xf32> to vector<1x16xf32>
      tpu.vector_store %arg6[%swap3A_768, %swap3A_769], %swap3A_772 {strides = array<i32>} : memref<16x1024xf32, #tpu.memory_space<vmem>>, vector<1x16xf32>,
      %get3A_773 = arith.index_cast %scan3A_88 : i32 to index
      %get3A_774 = arith.constant 784 : index
      %get3A_775 = tpu.vector_load %arg6[%get3A_773, %get3A_774] {strides = array<i32>} : memref<16x1024xf32, #tpu.memory_space<vmem>>, vector<1x16xf32>,
      %get3A_776 = vector.shape_cast %get3A_775 : vector<1x16xf32> to vector<16xf32>
      %get3A_777 = arith.index_cast %scan3A_88 : i32 to index
      %get3A_778 = arith.constant 784 : index
      %get3A_779 = tpu.vector_load %arg7[%get3A_777, %get3A_778] {strides = array<i32>} : memref<16x1024xf32, #tpu.memory_space<vmem>>, vector<1x16xf32>,
      %get3A_780 = vector.shape_cast %get3A_779 : vector<1x16xf32> to vector<16xf32>
      %add3A_781 = arith.addf %get3A_776, %get3A_780 : vector<16xf32>
      %swap3A_782 = arith.index_cast %scan3A_88 : i32 to index
      %swap3A_783 = arith.constant 784 : index
      %swap3A_784 = tpu.vector_load %arg6[%swap3A_782, %swap3A_783] {strides = array<i32>} : memref<16x1024xf32, #tpu.memory_space<vmem>>, vector<1x16xf32>,
      %swap3A_785 = vector.shape_cast %swap3A_784 : vector<1x16xf32> to vector<16xf32>
      %swap3A_786 = vector.shape_cast %add3A_781 : vector<16xf32> to vector<1x16xf32>
      tpu.vector_store %arg6[%swap3A_782, %swap3A_783], %swap3A_786 {strides = array<i32>} : memref<16x1024xf32, #tpu.memory_space<vmem>>, vector<1x16xf32>,
      %get3A_787 = arith.index_cast %scan3A_88 : i32 to index
      %get3A_788 = arith.constant 800 : index
      %get3A_789 = tpu.vector_load %arg6[%get3A_787, %get3A_788] {strides = array<i32>} : memref<16x1024xf32, #tpu.memory_space<vmem>>, vector<1x16xf32>,
      %get3A_790 = vector.shape_cast %get3A_789 : vector<1x16xf32> to vector<16xf32>
      %get3A_791 = arith.index_cast %scan3A_88 : i32 to index
      %get3A_792 = arith.constant 800 : index
      %get3A_793 = tpu.vector_load %arg7[%get3A_791, %get3A_792] {strides = array<i32>} : memref<16x1024xf32, #tpu.memory_space<vmem>>, vector<1x16xf32>,
      %get3A_794 = vector.shape_cast %get3A_793 : vector<1x16xf32> to vector<16xf32>
      %add3A_795 = arith.addf %get3A_790, %get3A_794 : vector<16xf32>
      %swap3A_796 = arith.index_cast %scan3A_88 : i32 to index
      %swap3A_797 = arith.constant 800 : index
      %swap3A_798 = tpu.vector_load %arg6[%swap3A_796, %swap3A_797] {strides = array<i32>} : memref<16x1024xf32, #tpu.memory_space<vmem>>, vector<1x16xf32>,
      %swap3A_799 = vector.shape_cast %swap3A_798 : vector<1x16xf32> to vector<16xf32>
      %swap3A_800 = vector.shape_cast %add3A_795 : vector<16xf32> to vector<1x16xf32>
      tpu.vector_store %arg6[%swap3A_796, %swap3A_797], %swap3A_800 {strides = array<i32>} : memref<16x1024xf32, #tpu.memory_space<vmem>>, vector<1x16xf32>,
      %get3A_801 = arith.index_cast %scan3A_88 : i32 to index
      %get3A_802 = arith.constant 816 : index
      %get3A_803 = tpu.vector_load %arg6[%get3A_801, %get3A_802] {strides = array<i32>} : memref<16x1024xf32, #tpu.memory_space<vmem>>, vector<1x16xf32>,
      %get3A_804 = vector.shape_cast %get3A_803 : vector<1x16xf32> to vector<16xf32>
      %get3A_805 = arith.index_cast %scan3A_88 : i32 to index
      %get3A_806 = arith.constant 816 : index
      %get3A_807 = tpu.vector_load %arg7[%get3A_805, %get3A_806] {strides = array<i32>} : memref<16x1024xf32, #tpu.memory_space<vmem>>, vector<1x16xf32>,
      %get3A_808 = vector.shape_cast %get3A_807 : vector<1x16xf32> to vector<16xf32>
      %add3A_809 = arith.addf %get3A_804, %get3A_808 : vector<16xf32>
      %swap3A_810 = arith.index_cast %scan3A_88 : i32 to index
      %swap3A_811 = arith.constant 816 : index
      %swap3A_812 = tpu.vector_load %arg6[%swap3A_810, %swap3A_811] {strides = array<i32>} : memref<16x1024xf32, #tpu.memory_space<vmem>>, vector<1x16xf32>,
      %swap3A_813 = vector.shape_cast %swap3A_812 : vector<1x16xf32> to vector<16xf32>
      %swap3A_814 = vector.shape_cast %add3A_809 : vector<16xf32> to vector<1x16xf32>
      tpu.vector_store %arg6[%swap3A_810, %swap3A_811], %swap3A_814 {strides = array<i32>} : memref<16x1024xf32, #tpu.memory_space<vmem>>, vector<1x16xf32>,
      %get3A_815 = arith.index_cast %scan3A_88 : i32 to index
      %get3A_816 = arith.constant 832 : index
      %get3A_817 = tpu.vector_load %arg6[%get3A_815, %get3A_816] {strides = array<i32>} : memref<16x1024xf32, #tpu.memory_space<vmem>>, vector<1x16xf32>,
      %get3A_818 = vector.shape_cast %get3A_817 : vector<1x16xf32> to vector<16xf32>
      %get3A_819 = arith.index_cast %scan3A_88 : i32 to index
      %get3A_820 = arith.constant 832 : index
      %get3A_821 = tpu.vector_load %arg7[%get3A_819, %get3A_820] {strides = array<i32>} : memref<16x1024xf32, #tpu.memory_space<vmem>>, vector<1x16xf32>,
      %get3A_822 = vector.shape_cast %get3A_821 : vector<1x16xf32> to vector<16xf32>
      %add3A_823 = arith.addf %get3A_818, %get3A_822 : vector<16xf32>
      %swap3A_824 = arith.index_cast %scan3A_88 : i32 to index
      %swap3A_825 = arith.constant 832 : index
      %swap3A_826 = tpu.vector_load %arg6[%swap3A_824, %swap3A_825] {strides = array<i32>} : memref<16x1024xf32, #tpu.memory_space<vmem>>, vector<1x16xf32>,
      %swap3A_827 = vector.shape_cast %swap3A_826 : vector<1x16xf32> to vector<16xf32>
      %swap3A_828 = vector.shape_cast %add3A_823 : vector<16xf32> to vector<1x16xf32>
      tpu.vector_store %arg6[%swap3A_824, %swap3A_825], %swap3A_828 {strides = array<i32>} : memref<16x1024xf32, #tpu.memory_space<vmem>>, vector<1x16xf32>,
      %get3A_829 = arith.index_cast %scan3A_88 : i32 to index
      %get3A_830 = arith.constant 848 : index
      %get3A_831 = tpu.vector_load %arg6[%get3A_829, %get3A_830] {strides = array<i32>} : memref<16x1024xf32, #tpu.memory_space<vmem>>, vector<1x16xf32>,
      %get3A_832 = vector.shape_cast %get3A_831 : vector<1x16xf32> to vector<16xf32>
      %get3A_833 = arith.index_cast %scan3A_88 : i32 to index
      %get3A_834 = arith.constant 848 : index
      %get3A_835 = tpu.vector_load %arg7[%get3A_833, %get3A_834] {strides = array<i32>} : memref<16x1024xf32, #tpu.memory_space<vmem>>, vector<1x16xf32>,
      %get3A_836 = vector.shape_cast %get3A_835 : vector<1x16xf32> to vector<16xf32>
      %add3A_837 = arith.addf %get3A_832, %get3A_836 : vector<16xf32>
      %swap3A_838 = arith.index_cast %scan3A_88 : i32 to index
      %swap3A_839 = arith.constant 848 : index
      %swap3A_840 = tpu.vector_load %arg6[%swap3A_838, %swap3A_839] {strides = array<i32>} : memref<16x1024xf32, #tpu.memory_space<vmem>>, vector<1x16xf32>,
      %swap3A_841 = vector.shape_cast %swap3A_840 : vector<1x16xf32> to vector<16xf32>
      %swap3A_842 = vector.shape_cast %add3A_837 : vector<16xf32> to vector<1x16xf32>
      tpu.vector_store %arg6[%swap3A_838, %swap3A_839], %swap3A_842 {strides = array<i32>} : memref<16x1024xf32, #tpu.memory_space<vmem>>, vector<1x16xf32>,
      %get3A_843 = arith.index_cast %scan3A_88 : i32 to index
      %get3A_844 = arith.constant 864 : index
      %get3A_845 = tpu.vector_load %arg6[%get3A_843, %get3A_844] {strides = array<i32>} : memref<16x1024xf32, #tpu.memory_space<vmem>>, vector<1x16xf32>,
      %get3A_846 = vector.shape_cast %get3A_845 : vector<1x16xf32> to vector<16xf32>
      %get3A_847 = arith.index_cast %scan3A_88 : i32 to index
      %get3A_848 = arith.constant 864 : index
      %get3A_849 = tpu.vector_load %arg7[%get3A_847, %get3A_848] {strides = array<i32>} : memref<16x1024xf32, #tpu.memory_space<vmem>>, vector<1x16xf32>,
      %get3A_850 = vector.shape_cast %get3A_849 : vector<1x16xf32> to vector<16xf32>
      %add3A_851 = arith.addf %get3A_846, %get3A_850 : vector<16xf32>
      %swap3A_852 = arith.index_cast %scan3A_88 : i32 to index
      %swap3A_853 = arith.constant 864 : index
      %swap3A_854 = tpu.vector_load %arg6[%swap3A_852, %swap3A_853] {strides = array<i32>} : memref<16x1024xf32, #tpu.memory_space<vmem>>, vector<1x16xf32>,
      %swap3A_855 = vector.shape_cast %swap3A_854 : vector<1x16xf32> to vector<16xf32>
      %swap3A_856 = vector.shape_cast %add3A_851 : vector<16xf32> to vector<1x16xf32>
      tpu.vector_store %arg6[%swap3A_852, %swap3A_853], %swap3A_856 {strides = array<i32>} : memref<16x1024xf32, #tpu.memory_space<vmem>>, vector<1x16xf32>,
      %get3A_857 = arith.index_cast %scan3A_88 : i32 to index
      %get3A_858 = arith.constant 880 : index
      %get3A_859 = tpu.vector_load %arg6[%get3A_857, %get3A_858] {strides = array<i32>} : memref<16x1024xf32, #tpu.memory_space<vmem>>, vector<1x16xf32>,
      %get3A_860 = vector.shape_cast %get3A_859 : vector<1x16xf32> to vector<16xf32>
      %get3A_861 = arith.index_cast %scan3A_88 : i32 to index
      %get3A_862 = arith.constant 880 : index
      %get3A_863 = tpu.vector_load %arg7[%get3A_861, %get3A_862] {strides = array<i32>} : memref<16x1024xf32, #tpu.memory_space<vmem>>, vector<1x16xf32>,
      %get3A_864 = vector.shape_cast %get3A_863 : vector<1x16xf32> to vector<16xf32>
      %add3A_865 = arith.addf %get3A_860, %get3A_864 : vector<16xf32>
      %swap3A_866 = arith.index_cast %scan3A_88 : i32 to index
      %swap3A_867 = arith.constant 880 : index
      %swap3A_868 = tpu.vector_load %arg6[%swap3A_866, %swap3A_867] {strides = array<i32>} : memref<16x1024xf32, #tpu.memory_space<vmem>>, vector<1x16xf32>,
      %swap3A_869 = vector.shape_cast %swap3A_868 : vector<1x16xf32> to vector<16xf32>
      %swap3A_870 = vector.shape_cast %add3A_865 : vector<16xf32> to vector<1x16xf32>
      tpu.vector_store %arg6[%swap3A_866, %swap3A_867], %swap3A_870 {strides = array<i32>} : memref<16x1024xf32, #tpu.memory_space<vmem>>, vector<1x16xf32>,
      %get3A_871 = arith.index_cast %scan3A_88 : i32 to index
      %get3A_872 = arith.constant 896 : index
      %get3A_873 = tpu.vector_load %arg6[%get3A_871, %get3A_872] {strides = array<i32>} : memref<16x1024xf32, #tpu.memory_space<vmem>>, vector<1x16xf32>,
      %get3A_874 = vector.shape_cast %get3A_873 : vector<1x16xf32> to vector<16xf32>
      %get3A_875 = arith.index_cast %scan3A_88 : i32 to index
      %get3A_876 = arith.constant 896 : index
      %get3A_877 = tpu.vector_load %arg7[%get3A_875, %get3A_876] {strides = array<i32>} : memref<16x1024xf32, #tpu.memory_space<vmem>>, vector<1x16xf32>,
      %get3A_878 = vector.shape_cast %get3A_877 : vector<1x16xf32> to vector<16xf32>
      %add3A_879 = arith.addf %get3A_874, %get3A_878 : vector<16xf32>
      %swap3A_880 = arith.index_cast %scan3A_88 : i32 to index
      %swap3A_881 = arith.constant 896 : index
      %swap3A_882 = tpu.vector_load %arg6[%swap3A_880, %swap3A_881] {strides = array<i32>} : memref<16x1024xf32, #tpu.memory_space<vmem>>, vector<1x16xf32>,
      %swap3A_883 = vector.shape_cast %swap3A_882 : vector<1x16xf32> to vector<16xf32>
      %swap3A_884 = vector.shape_cast %add3A_879 : vector<16xf32> to vector<1x16xf32>
      tpu.vector_store %arg6[%swap3A_880, %swap3A_881], %swap3A_884 {strides = array<i32>} : memref<16x1024xf32, #tpu.memory_space<vmem>>, vector<1x16xf32>,
      %get3A_885 = arith.index_cast %scan3A_88 : i32 to index
      %get3A_886 = arith.constant 912 : index
      %get3A_887 = tpu.vector_load %arg6[%get3A_885, %get3A_886] {strides = array<i32>} : memref<16x1024xf32, #tpu.memory_space<vmem>>, vector<1x16xf32>,
      %get3A_888 = vector.shape_cast %get3A_887 : vector<1x16xf32> to vector<16xf32>
      %get3A_889 = arith.index_cast %scan3A_88 : i32 to index
      %get3A_890 = arith.constant 912 : index
      %get3A_891 = tpu.vector_load %arg7[%get3A_889, %get3A_890] {strides = array<i32>} : memref<16x1024xf32, #tpu.memory_space<vmem>>, vector<1x16xf32>,
      %get3A_892 = vector.shape_cast %get3A_891 : vector<1x16xf32> to vector<16xf32>
      %add3A_893 = arith.addf %get3A_888, %get3A_892 : vector<16xf32>
      %swap3A_894 = arith.index_cast %scan3A_88 : i32 to index
      %swap3A_895 = arith.constant 912 : index
      %swap3A_896 = tpu.vector_load %arg6[%swap3A_894, %swap3A_895] {strides = array<i32>} : memref<16x1024xf32, #tpu.memory_space<vmem>>, vector<1x16xf32>,
      %swap3A_897 = vector.shape_cast %swap3A_896 : vector<1x16xf32> to vector<16xf32>
      %swap3A_898 = vector.shape_cast %add3A_893 : vector<16xf32> to vector<1x16xf32>
      tpu.vector_store %arg6[%swap3A_894, %swap3A_895], %swap3A_898 {strides = array<i32>} : memref<16x1024xf32, #tpu.memory_space<vmem>>, vector<1x16xf32>,
      %get3A_899 = arith.index_cast %scan3A_88 : i32 to index
      %get3A_900 = arith.constant 928 : index
      %get3A_901 = tpu.vector_load %arg6[%get3A_899, %get3A_900] {strides = array<i32>} : memref<16x1024xf32, #tpu.memory_space<vmem>>, vector<1x16xf32>,
      %get3A_902 = vector.shape_cast %get3A_901 : vector<1x16xf32> to vector<16xf32>
      %get3A_903 = arith.index_cast %scan3A_88 : i32 to index
      %get3A_904 = arith.constant 928 : index
      %get3A_905 = tpu.vector_load %arg7[%get3A_903, %get3A_904] {strides = array<i32>} : memref<16x1024xf32, #tpu.memory_space<vmem>>, vector<1x16xf32>,
      %get3A_906 = vector.shape_cast %get3A_905 : vector<1x16xf32> to vector<16xf32>
      %add3A_907 = arith.addf %get3A_902, %get3A_906 : vector<16xf32>
      %swap3A_908 = arith.index_cast %scan3A_88 : i32 to index
      %swap3A_909 = arith.constant 928 : index
      %swap3A_910 = tpu.vector_load %arg6[%swap3A_908, %swap3A_909] {strides = array<i32>} : memref<16x1024xf32, #tpu.memory_space<vmem>>, vector<1x16xf32>,
      %swap3A_911 = vector.shape_cast %swap3A_910 : vector<1x16xf32> to vector<16xf32>
      %swap3A_912 = vector.shape_cast %add3A_907 : vector<16xf32> to vector<1x16xf32>
      tpu.vector_store %arg6[%swap3A_908, %swap3A_909], %swap3A_912 {strides = array<i32>} : memref<16x1024xf32, #tpu.memory_space<vmem>>, vector<1x16xf32>,
      %get3A_913 = arith.index_cast %scan3A_88 : i32 to index
      %get3A_914 = arith.constant 944 : index
      %get3A_915 = tpu.vector_load %arg6[%get3A_913, %get3A_914] {strides = array<i32>} : memref<16x1024xf32, #tpu.memory_space<vmem>>, vector<1x16xf32>,
      %get3A_916 = vector.shape_cast %get3A_915 : vector<1x16xf32> to vector<16xf32>
      %get3A_917 = arith.index_cast %scan3A_88 : i32 to index
      %get3A_918 = arith.constant 944 : index
      %get3A_919 = tpu.vector_load %arg7[%get3A_917, %get3A_918] {strides = array<i32>} : memref<16x1024xf32, #tpu.memory_space<vmem>>, vector<1x16xf32>,
      %get3A_920 = vector.shape_cast %get3A_919 : vector<1x16xf32> to vector<16xf32>
      %add3A_921 = arith.addf %get3A_916, %get3A_920 : vector<16xf32>
      %swap3A_922 = arith.index_cast %scan3A_88 : i32 to index
      %swap3A_923 = arith.constant 944 : index
      %swap3A_924 = tpu.vector_load %arg6[%swap3A_922, %swap3A_923] {strides = array<i32>} : memref<16x1024xf32, #tpu.memory_space<vmem>>, vector<1x16xf32>,
      %swap3A_925 = vector.shape_cast %swap3A_924 : vector<1x16xf32> to vector<16xf32>
      %swap3A_926 = vector.shape_cast %add3A_921 : vector<16xf32> to vector<1x16xf32>
      tpu.vector_store %arg6[%swap3A_922, %swap3A_923], %swap3A_926 {strides = array<i32>} : memref<16x1024xf32, #tpu.memory_space<vmem>>, vector<1x16xf32>,
      %get3A_927 = arith.index_cast %scan3A_88 : i32 to index
      %get3A_928 = arith.constant 960 : index
      %get3A_929 = tpu.vector_load %arg6[%get3A_927, %get3A_928] {strides = array<i32>} : memref<16x1024xf32, #tpu.memory_space<vmem>>, vector<1x16xf32>,
      %get3A_930 = vector.shape_cast %get3A_929 : vector<1x16xf32> to vector<16xf32>
      %get3A_931 = arith.index_cast %scan3A_88 : i32 to index
      %get3A_932 = arith.constant 960 : index
      %get3A_933 = tpu.vector_load %arg7[%get3A_931, %get3A_932] {strides = array<i32>} : memref<16x1024xf32, #tpu.memory_space<vmem>>, vector<1x16xf32>,
      %get3A_934 = vector.shape_cast %get3A_933 : vector<1x16xf32> to vector<16xf32>
      %add3A_935 = arith.addf %get3A_930, %get3A_934 : vector<16xf32>
      %swap3A_936 = arith.index_cast %scan3A_88 : i32 to index
      %swap3A_937 = arith.constant 960 : index
      %swap3A_938 = tpu.vector_load %arg6[%swap3A_936, %swap3A_937] {strides = array<i32>} : memref<16x1024xf32, #tpu.memory_space<vmem>>, vector<1x16xf32>,
      %swap3A_939 = vector.shape_cast %swap3A_938 : vector<1x16xf32> to vector<16xf32>
      %swap3A_940 = vector.shape_cast %add3A_935 : vector<16xf32> to vector<1x16xf32>
      tpu.vector_store %arg6[%swap3A_936, %swap3A_937], %swap3A_940 {strides = array<i32>} : memref<16x1024xf32, #tpu.memory_space<vmem>>, vector<1x16xf32>,
      %get3A_941 = arith.index_cast %scan3A_88 : i32 to index
      %get3A_942 = arith.constant 976 : index
      %get3A_943 = tpu.vector_load %arg6[%get3A_941, %get3A_942] {strides = array<i32>} : memref<16x1024xf32, #tpu.memory_space<vmem>>, vector<1x16xf32>,
      %get3A_944 = vector.shape_cast %get3A_943 : vector<1x16xf32> to vector<16xf32>
      %get3A_945 = arith.index_cast %scan3A_88 : i32 to index
      %get3A_946 = arith.constant 976 : index
      %get3A_947 = tpu.vector_load %arg7[%get3A_945, %get3A_946] {strides = array<i32>} : memref<16x1024xf32, #tpu.memory_space<vmem>>, vector<1x16xf32>,
      %get3A_948 = vector.shape_cast %get3A_947 : vector<1x16xf32> to vector<16xf32>
      %add3A_949 = arith.addf %get3A_944, %get3A_948 : vector<16xf32>
      %swap3A_950 = arith.index_cast %scan3A_88 : i32 to index
      %swap3A_951 = arith.constant 976 : index
      %swap3A_952 = tpu.vector_load %arg6[%swap3A_950, %swap3A_951] {strides = array<i32>} : memref<16x1024xf32, #tpu.memory_space<vmem>>, vector<1x16xf32>,
      %swap3A_953 = vector.shape_cast %swap3A_952 : vector<1x16xf32> to vector<16xf32>
      %swap3A_954 = vector.shape_cast %add3A_949 : vector<16xf32> to vector<1x16xf32>
      tpu.vector_store %arg6[%swap3A_950, %swap3A_951], %swap3A_954 {strides = array<i32>} : memref<16x1024xf32, #tpu.memory_space<vmem>>, vector<1x16xf32>,
      %get3A_955 = arith.index_cast %scan3A_88 : i32 to index
      %get3A_956 = arith.constant 992 : index
      %get3A_957 = tpu.vector_load %arg6[%get3A_955, %get3A_956] {strides = array<i32>} : memref<16x1024xf32, #tpu.memory_space<vmem>>, vector<1x16xf32>,
      %get3A_958 = vector.shape_cast %get3A_957 : vector<1x16xf32> to vector<16xf32>
      %get3A_959 = arith.index_cast %scan3A_88 : i32 to index
      %get3A_960 = arith.constant 992 : index
      %get3A_961 = tpu.vector_load %arg7[%get3A_959, %get3A_960] {strides = array<i32>} : memref<16x1024xf32, #tpu.memory_space<vmem>>, vector<1x16xf32>,
      %get3A_962 = vector.shape_cast %get3A_961 : vector<1x16xf32> to vector<16xf32>
      %add3A_963 = arith.addf %get3A_958, %get3A_962 : vector<16xf32>
      %swap3A_964 = arith.index_cast %scan3A_88 : i32 to index
      %swap3A_965 = arith.constant 992 : index
      %swap3A_966 = tpu.vector_load %arg6[%swap3A_964, %swap3A_965] {strides = array<i32>} : memref<16x1024xf32, #tpu.memory_space<vmem>>, vector<1x16xf32>,
      %swap3A_967 = vector.shape_cast %swap3A_966 : vector<1x16xf32> to vector<16xf32>
      %swap3A_968 = vector.shape_cast %add3A_963 : vector<16xf32> to vector<1x16xf32>
      tpu.vector_store %arg6[%swap3A_964, %swap3A_965], %swap3A_968 {strides = array<i32>} : memref<16x1024xf32, #tpu.memory_space<vmem>>, vector<1x16xf32>,
      %get3A_969 = arith.index_cast %scan3A_88 : i32 to index
      %get3A_970 = arith.constant 1008 : index
      %get3A_971 = tpu.vector_load %arg6[%get3A_969, %get3A_970] {strides = array<i32>} : memref<16x1024xf32, #tpu.memory_space<vmem>>, vector<1x16xf32>,
      %get3A_972 = vector.shape_cast %get3A_971 : vector<1x16xf32> to vector<16xf32>
      %get3A_973 = arith.index_cast %scan3A_88 : i32 to index
      %get3A_974 = arith.constant 1008 : index
      %get3A_975 = tpu.vector_load %arg7[%get3A_973, %get3A_974] {strides = array<i32>} : memref<16x1024xf32, #tpu.memory_space<vmem>>, vector<1x16xf32>,
      %get3A_976 = vector.shape_cast %get3A_975 : vector<1x16xf32> to vector<16xf32>
      %add3A_977 = arith.addf %get3A_972, %get3A_976 : vector<16xf32>
      %swap3A_978 = arith.index_cast %scan3A_88 : i32 to index
      %swap3A_979 = arith.constant 1008 : index
      %swap3A_980 = tpu.vector_load %arg6[%swap3A_978, %swap3A_979] {strides = array<i32>} : memref<16x1024xf32, #tpu.memory_space<vmem>>, vector<1x16xf32>,
      %swap3A_981 = vector.shape_cast %swap3A_980 : vector<1x16xf32> to vector<16xf32>
      %swap3A_982 = vector.shape_cast %add3A_977 : vector<16xf32> to vector<1x16xf32>
      tpu.vector_store %arg6[%swap3A_978, %swap3A_979], %swap3A_982 {strides = array<i32>} : memref<16x1024xf32, #tpu.memory_space<vmem>>, vector<1x16xf32>,
    }
    %scan3A_27 = arith.constant 16 : i32
    %add3A_28 = arith.constant 0 : i32
    %add3A_29 = arith.addi %mul3A_2, %add3A_28 : i32
    "tpu.region"() ({
      %run_scoped3A = tpu.sem_alloc : memref<!tpu.dma_semaphore, #tpu.memory_space<semaphore_mem>>
      %dma_start3A_88 = arith.constant 0 : i32
      %dma_start3A_89 = tpu.memref_slice %arg5[%add3A_29, %dma_start3A_88] : memref<2048x1024xf32, #tpu.memory_space<hbm>> -> memref<16x1024xf32, #tpu.memory_space<hbm>>
      %dma_start3A_90 = arith.constant 0 : i32
      %dma_start3A_91 = tpu.memref_slice %arg5[%add3A_29, %dma_start3A_90] : memref<2048x1024xf32, #tpu.memory_space<hbm>> -> memref<16x1024xf32, #tpu.memory_space<hbm>>
      tpu.enqueue_dma source(%arg6 : memref<16x1024xf32, #tpu.memory_space<vmem>>) target(%dma_start3A_91 : memref<16x1024xf32, #tpu.memory_space<hbm>>) target_semaphore(%run_scoped3A : memref<!tpu.dma_semaphore, #tpu.memory_space<semaphore_mem>>)
      %dma_wait3A_92 = arith.constant 0 : i32
      %dma_wait3A_93 = tpu.memref_slice %arg5[%add3A_29, %dma_wait3A_92] : memref<2048x1024xf32, #tpu.memory_space<hbm>> -> memref<16x1024xf32, #tpu.memory_space<hbm>>
      %dma_wait3A_94 = arith.constant 0 : i32
      %dma_wait3A_95 = tpu.memref_slice %arg5[%add3A_29, %dma_wait3A_94] : memref<2048x1024xf32, #tpu.memory_space<hbm>> -> memref<16x1024xf32, #tpu.memory_space<hbm>>
      tpu.wait_dma2 semaphore(%run_scoped3A : memref<!tpu.dma_semaphore, #tpu.memory_space<semaphore_mem>>) src(%arg6 : memref<16x1024xf32, #tpu.memory_space<vmem>>) dst(%dma_wait3A_95 : memref<16x1024xf32, #tpu.memory_space<hbm>>)
      tpu.yield
    }) : () -> ()
    %add3A_30 = arith.constant 32 : i32
    %add3A_31 = arith.addi %mul3A_2, %add3A_30 : i32
    "tpu.region"() ({
      %run_scoped3A = tpu.sem_alloc : memref<!tpu.dma_semaphore, #tpu.memory_space<semaphore_mem>>
      %dma_start3A_88 = tpu.memref_slice %arg3[%add3A_31] : memref<2048xi32, #tpu.memory_space<hbm>> -> memref<16xi32, #tpu.memory_space<hbm>>
      %dma_start3A_89 = tpu.memref_slice %arg3[%add3A_31] : memref<2048xi32, #tpu.memory_space<hbm>> -> memref<16xi32, #tpu.memory_space<hbm>>
      tpu.enqueue_dma source(%dma_start3A_89 : memref<16xi32, #tpu.memory_space<hbm>>) target(%arg10 : memref<16xi32, #tpu.memory_space<vmem>>) target_semaphore(%run_scoped3A : memref<!tpu.dma_semaphore, #tpu.memory_space<semaphore_mem>>)
      %dma_wait3A_90 = tpu.memref_slice %arg3[%add3A_31] : memref<2048xi32, #tpu.memory_space<hbm>> -> memref<16xi32, #tpu.memory_space<hbm>>
      %dma_wait3A_91 = tpu.memref_slice %arg3[%add3A_31] : memref<2048xi32, #tpu.memory_space<hbm>> -> memref<16xi32, #tpu.memory_space<hbm>>
      tpu.wait_dma2 semaphore(%run_scoped3A : memref<!tpu.dma_semaphore, #tpu.memory_space<semaphore_mem>>) src(%dma_wait3A_91 : memref<16xi32, #tpu.memory_space<hbm>>) dst(%arg10 : memref<16xi32, #tpu.memory_space<vmem>>)
      tpu.yield
    }) : () -> ()
    "tpu.region"() ({
      %run_scoped3A = tpu.sem_alloc : memref<!tpu.dma_semaphore, #tpu.memory_space<semaphore_mem>>
      %dma_start3A_88 = tpu.memref_slice %arg4[%add3A_31] : memref<2048xi32, #tpu.memory_space<hbm>> -> memref<16xi32, #tpu.memory_space<hbm>>
      %dma_start3A_89 = tpu.memref_slice %arg4[%add3A_31] : memref<2048xi32, #tpu.memory_space<hbm>> -> memref<16xi32, #tpu.memory_space<hbm>>
      tpu.enqueue_dma source(%dma_start3A_89 : memref<16xi32, #tpu.memory_space<hbm>>) target(%arg11 : memref<16xi32, #tpu.memory_space<vmem>>) target_semaphore(%run_scoped3A : memref<!tpu.dma_semaphore, #tpu.memory_space<semaphore_mem>>)
      %dma_wait3A_90 = tpu.memref_slice %arg4[%add3A_31] : memref<2048xi32, #tpu.memory_space<hbm>> -> memref<16xi32, #tpu.memory_space<hbm>>
      %dma_wait3A_91 = tpu.memref_slice %arg4[%add3A_31] : memref<2048xi32, #tpu.memory_space<hbm>> -> memref<16xi32, #tpu.memory_space<hbm>>
      tpu.wait_dma2 semaphore(%run_scoped3A : memref<!tpu.dma_semaphore, #tpu.memory_space<semaphore_mem>>) src(%dma_wait3A_91 : memref<16xi32, #tpu.memory_space<hbm>>) dst(%arg11 : memref<16xi32, #tpu.memory_space<vmem>>)
      tpu.yield
    }) : () -> ()
    %dma_start3A_32 = arith.constant 0 : i32
    %dma_start3A_33 = arith.constant 0 : i32
    %dma_start3A_34 = tpu.memref_slice %arg2[%dma_start3A_32, %dma_start3A_33] : memref<5120x1024xf32, #tpu.memory_space<hbm>> -> memref<5120x1024xf32, #tpu.memory_space<hbm>>
    tpu.enqueue_indirect_dma source(%dma_start3A_34 : memref<5120x1024xf32, #tpu.memory_space<hbm>>) target(%arg6 : memref<16x1024xf32, #tpu.memory_space<vmem>>) offsets(%arg10 : memref<16xi32, #tpu.memory_space<vmem>>) semaphore(%arg14 : memref<!tpu.dma_semaphore, #tpu.memory_space<semaphore_mem>>)
    %dma_start3A_35 = arith.constant 0 : i32
    %dma_start3A_36 = arith.constant 0 : i32
    %dma_start3A_37 = tpu.memref_slice %arg2[%dma_start3A_35, %dma_start3A_36] : memref<5120x1024xf32, #tpu.memory_space<hbm>> -> memref<5120x1024xf32, #tpu.memory_space<hbm>>
    tpu.enqueue_indirect_dma source(%dma_start3A_37 : memref<5120x1024xf32, #tpu.memory_space<hbm>>) target(%arg7 : memref<16x1024xf32, #tpu.memory_space<vmem>>) offsets(%arg11 : memref<16xi32, #tpu.memory_space<vmem>>) semaphore(%arg14 : memref<!tpu.dma_semaphore, #tpu.memory_space<semaphore_mem>>)
    %dma_wait3A_38 = arith.constant 0 : i32
    %dma_wait3A_39 = arith.constant 0 : i32
    %dma_wait3A_40 = tpu.memref_slice %arg2[%dma_wait3A_38, %dma_wait3A_39] : memref<5120x1024xf32, #tpu.memory_space<hbm>> -> memref<5120x1024xf32, #tpu.memory_space<hbm>>
    tpu.wait_indirect_dma semaphore(%arg15 : memref<!tpu.dma_semaphore, #tpu.memory_space<semaphore_mem>>) src(%dma_wait3A_40 : memref<5120x1024xf32, #tpu.memory_space<hbm>>) dst(%arg8 : memref<16x1024xf32, #tpu.memory_space<vmem>>)
    %dma_wait3A_41 = arith.constant 0 : i32
    %dma_wait3A_42 = arith.constant 0 : i32
    %dma_wait3A_43 = tpu.memref_slice %arg2[%dma_wait3A_41, %dma_wait3A_42] : memref<5120x1024xf32, #tpu.memory_space<hbm>> -> memref<5120x1024xf32, #tpu.memory_space<hbm>>
    tpu.wait_indirect_dma semaphore(%arg15 : memref<!tpu.dma_semaphore, #tpu.memory_space<semaphore_mem>>) src(%dma_wait3A_43 : memref<5120x1024xf32, #tpu.memory_space<hbm>>) dst(%arg9 : memref<16x1024xf32, #tpu.memory_space<vmem>>)
    %scan3A_44 = arith.constant 0 : i32
    %scan3A_45 = arith.constant 0 : i32
    %scan3A_46 = arith.constant 16 : i32
    %scan3A_47 = arith.addi %scan3A_45, %scan3A_46 : i32
    %scan3A_48 = arith.constant 1 : i32
    scf.for %scan3A_88 = %scan3A_45 to %scan3A_47 step %scan3A_48  : i32 {
      %get3A = arith.index_cast %scan3A_88 : i32 to index
      %get3A_89 = arith.constant 0 : index
      %get3A_90 = tpu.vector_load %arg8[%get3A, %get3A_89] {strides = array<i32>} : memref<16x1024xf32, #tpu.memory_space<vmem>>, vector<1x16xf32>,
      %get3A_91 = vector.shape_cast %get3A_90 : vector<1x16xf32> to vector<16xf32>
      %get3A_92 = arith.index_cast %scan3A_88 : i32 to index
      %get3A_93 = arith.constant 0 : index
      %get3A_94 = tpu.vector_load %arg9[%get3A_92, %get3A_93] {strides = array<i32>} : memref<16x1024xf32, #tpu.memory_space<vmem>>, vector<1x16xf32>,
      %get3A_95 = vector.shape_cast %get3A_94 : vector<1x16xf32> to vector<16xf32>
      %add3A_96 = arith.addf %get3A_91, %get3A_95 : vector<16xf32>
      %swap3A = arith.index_cast %scan3A_88 : i32 to index
      %swap3A_97 = arith.constant 0 : index
      %swap3A_98 = tpu.vector_load %arg8[%swap3A, %swap3A_97] {strides = array<i32>} : memref<16x1024xf32, #tpu.memory_space<vmem>>, vector<1x16xf32>,
      %swap3A_99 = vector.shape_cast %swap3A_98 : vector<1x16xf32> to vector<16xf32>
      %swap3A_100 = vector.shape_cast %add3A_96 : vector<16xf32> to vector<1x16xf32>
      tpu.vector_store %arg8[%swap3A, %swap3A_97], %swap3A_100 {strides = array<i32>} : memref<16x1024xf32, #tpu.memory_space<vmem>>, vector<1x16xf32>,
      %get3A_101 = arith.index_cast %scan3A_88 : i32 to index
      %get3A_102 = arith.constant 16 : index
      %get3A_103 = tpu.vector_load %arg8[%get3A_101, %get3A_102] {strides = array<i32>} : memref<16x1024xf32, #tpu.memory_space<vmem>>, vector<1x16xf32>,
      %get3A_104 = vector.shape_cast %get3A_103 : vector<1x16xf32> to vector<16xf32>
      %get3A_105 = arith.index_cast %scan3A_88 : i32 to index
      %get3A_106 = arith.constant 16 : index
      %get3A_107 = tpu.vector_load %arg9[%get3A_105, %get3A_106] {strides = array<i32>} : memref<16x1024xf32, #tpu.memory_space<vmem>>, vector<1x16xf32>,
      %get3A_108 = vector.shape_cast %get3A_107 : vector<1x16xf32> to vector<16xf32>
      %add3A_109 = arith.addf %get3A_104, %get3A_108 : vector<16xf32>
      %swap3A_110 = arith.index_cast %scan3A_88 : i32 to index
      %swap3A_111 = arith.constant 16 : index
      %swap3A_112 = tpu.vector_load %arg8[%swap3A_110, %swap3A_111] {strides = array<i32>} : memref<16x1024xf32, #tpu.memory_space<vmem>>, vector<1x16xf32>,
      %swap3A_113 = vector.shape_cast %swap3A_112 : vector<1x16xf32> to vector<16xf32>
      %swap3A_114 = vector.shape_cast %add3A_109 : vector<16xf32> to vector<1x16xf32>
      tpu.vector_store %arg8[%swap3A_110, %swap3A_111], %swap3A_114 {strides = array<i32>} : memref<16x1024xf32, #tpu.memory_space<vmem>>, vector<1x16xf32>,
      %get3A_115 = arith.index_cast %scan3A_88 : i32 to index
      %get3A_116 = arith.constant 32 : index
      %get3A_117 = tpu.vector_load %arg8[%get3A_115, %get3A_116] {strides = array<i32>} : memref<16x1024xf32, #tpu.memory_space<vmem>>, vector<1x16xf32>,
      %get3A_118 = vector.shape_cast %get3A_117 : vector<1x16xf32> to vector<16xf32>
      %get3A_119 = arith.index_cast %scan3A_88 : i32 to index
      %get3A_120 = arith.constant 32 : index
      %get3A_121 = tpu.vector_load %arg9[%get3A_119, %get3A_120] {strides = array<i32>} : memref<16x1024xf32, #tpu.memory_space<vmem>>, vector<1x16xf32>,
      %get3A_122 = vector.shape_cast %get3A_121 : vector<1x16xf32> to vector<16xf32>
      %add3A_123 = arith.addf %get3A_118, %get3A_122 : vector<16xf32>
      %swap3A_124 = arith.index_cast %scan3A_88 : i32 to index
      %swap3A_125 = arith.constant 32 : index
      %swap3A_126 = tpu.vector_load %arg8[%swap3A_124, %swap3A_125] {strides = array<i32>} : memref<16x1024xf32, #tpu.memory_space<vmem>>, vector<1x16xf32>,
      %swap3A_127 = vector.shape_cast %swap3A_126 : vector<1x16xf32> to vector<16xf32>
      %swap3A_128 = vector.shape_cast %add3A_123 : vector<16xf32> to vector<1x16xf32>
      tpu.vector_store %arg8[%swap3A_124, %swap3A_125], %swap3A_128 {strides = array<i32>} : memref<16x1024xf32, #tpu.memory_space<vmem>>, vector<1x16xf32>,
      %get3A_129 = arith.index_cast %scan3A_88 : i32 to index
      %get3A_130 = arith.constant 48 : index
      %get3A_131 = tpu.vector_load %arg8[%get3A_129, %get3A_130] {strides = array<i32>} : memref<16x1024xf32, #tpu.memory_space<vmem>>, vector<1x16xf32>,
      %get3A_132 = vector.shape_cast %get3A_131 : vector<1x16xf32> to vector<16xf32>
      %get3A_133 = arith.index_cast %scan3A_88 : i32 to index
      %get3A_134 = arith.constant 48 : index
      %get3A_135 = tpu.vector_load %arg9[%get3A_133, %get3A_134] {strides = array<i32>} : memref<16x1024xf32, #tpu.memory_space<vmem>>, vector<1x16xf32>,
      %get3A_136 = vector.shape_cast %get3A_135 : vector<1x16xf32> to vector<16xf32>
      %add3A_137 = arith.addf %get3A_132, %get3A_136 : vector<16xf32>
      %swap3A_138 = arith.index_cast %scan3A_88 : i32 to index
      %swap3A_139 = arith.constant 48 : index
      %swap3A_140 = tpu.vector_load %arg8[%swap3A_138, %swap3A_139] {strides = array<i32>} : memref<16x1024xf32, #tpu.memory_space<vmem>>, vector<1x16xf32>,
      %swap3A_141 = vector.shape_cast %swap3A_140 : vector<1x16xf32> to vector<16xf32>
      %swap3A_142 = vector.shape_cast %add3A_137 : vector<16xf32> to vector<1x16xf32>
      tpu.vector_store %arg8[%swap3A_138, %swap3A_139], %swap3A_142 {strides = array<i32>} : memref<16x1024xf32, #tpu.memory_space<vmem>>, vector<1x16xf32>,
      %get3A_143 = arith.index_cast %scan3A_88 : i32 to index
      %get3A_144 = arith.constant 64 : index
      %get3A_145 = tpu.vector_load %arg8[%get3A_143, %get3A_144] {strides = array<i32>} : memref<16x1024xf32, #tpu.memory_space<vmem>>, vector<1x16xf32>,
      %get3A_146 = vector.shape_cast %get3A_145 : vector<1x16xf32> to vector<16xf32>
      %get3A_147 = arith.index_cast %scan3A_88 : i32 to index
      %get3A_148 = arith.constant 64 : index
      %get3A_149 = tpu.vector_load %arg9[%get3A_147, %get3A_148] {strides = array<i32>} : memref<16x1024xf32, #tpu.memory_space<vmem>>, vector<1x16xf32>,
      %get3A_150 = vector.shape_cast %get3A_149 : vector<1x16xf32> to vector<16xf32>
      %add3A_151 = arith.addf %get3A_146, %get3A_150 : vector<16xf32>
      %swap3A_152 = arith.index_cast %scan3A_88 : i32 to index
      %swap3A_153 = arith.constant 64 : index
      %swap3A_154 = tpu.vector_load %arg8[%swap3A_152, %swap3A_153] {strides = array<i32>} : memref<16x1024xf32, #tpu.memory_space<vmem>>, vector<1x16xf32>,
      %swap3A_155 = vector.shape_cast %swap3A_154 : vector<1x16xf32> to vector<16xf32>
      %swap3A_156 = vector.shape_cast %add3A_151 : vector<16xf32> to vector<1x16xf32>
      tpu.vector_store %arg8[%swap3A_152, %swap3A_153], %swap3A_156 {strides = array<i32>} : memref<16x1024xf32, #tpu.memory_space<vmem>>, vector<1x16xf32>,
      %get3A_157 = arith.index_cast %scan3A_88 : i32 to index
      %get3A_158 = arith.constant 80 : index
      %get3A_159 = tpu.vector_load %arg8[%get3A_157, %get3A_158] {strides = array<i32>} : memref<16x1024xf32, #tpu.memory_space<vmem>>, vector<1x16xf32>,
      %get3A_160 = vector.shape_cast %get3A_159 : vector<1x16xf32> to vector<16xf32>
      %get3A_161 = arith.index_cast %scan3A_88 : i32 to index
      %get3A_162 = arith.constant 80 : index
      %get3A_163 = tpu.vector_load %arg9[%get3A_161, %get3A_162] {strides = array<i32>} : memref<16x1024xf32, #tpu.memory_space<vmem>>, vector<1x16xf32>,
      %get3A_164 = vector.shape_cast %get3A_163 : vector<1x16xf32> to vector<16xf32>
      %add3A_165 = arith.addf %get3A_160, %get3A_164 : vector<16xf32>
      %swap3A_166 = arith.index_cast %scan3A_88 : i32 to index
      %swap3A_167 = arith.constant 80 : index
      %swap3A_168 = tpu.vector_load %arg8[%swap3A_166, %swap3A_167] {strides = array<i32>} : memref<16x1024xf32, #tpu.memory_space<vmem>>, vector<1x16xf32>,
      %swap3A_169 = vector.shape_cast %swap3A_168 : vector<1x16xf32> to vector<16xf32>
      %swap3A_170 = vector.shape_cast %add3A_165 : vector<16xf32> to vector<1x16xf32>
      tpu.vector_store %arg8[%swap3A_166, %swap3A_167], %swap3A_170 {strides = array<i32>} : memref<16x1024xf32, #tpu.memory_space<vmem>>, vector<1x16xf32>,
      %get3A_171 = arith.index_cast %scan3A_88 : i32 to index
      %get3A_172 = arith.constant 96 : index
      %get3A_173 = tpu.vector_load %arg8[%get3A_171, %get3A_172] {strides = array<i32>} : memref<16x1024xf32, #tpu.memory_space<vmem>>, vector<1x16xf32>,
      %get3A_174 = vector.shape_cast %get3A_173 : vector<1x16xf32> to vector<16xf32>
      %get3A_175 = arith.index_cast %scan3A_88 : i32 to index
      %get3A_176 = arith.constant 96 : index
      %get3A_177 = tpu.vector_load %arg9[%get3A_175, %get3A_176] {strides = array<i32>} : memref<16x1024xf32, #tpu.memory_space<vmem>>, vector<1x16xf32>,
      %get3A_178 = vector.shape_cast %get3A_177 : vector<1x16xf32> to vector<16xf32>
      %add3A_179 = arith.addf %get3A_174, %get3A_178 : vector<16xf32>
      %swap3A_180 = arith.index_cast %scan3A_88 : i32 to index
      %swap3A_181 = arith.constant 96 : index
      %swap3A_182 = tpu.vector_load %arg8[%swap3A_180, %swap3A_181] {strides = array<i32>} : memref<16x1024xf32, #tpu.memory_space<vmem>>, vector<1x16xf32>,
      %swap3A_183 = vector.shape_cast %swap3A_182 : vector<1x16xf32> to vector<16xf32>
      %swap3A_184 = vector.shape_cast %add3A_179 : vector<16xf32> to vector<1x16xf32>
      tpu.vector_store %arg8[%swap3A_180, %swap3A_181], %swap3A_184 {strides = array<i32>} : memref<16x1024xf32, #tpu.memory_space<vmem>>, vector<1x16xf32>,
      %get3A_185 = arith.index_cast %scan3A_88 : i32 to index
      %get3A_186 = arith.constant 112 : index
      %get3A_187 = tpu.vector_load %arg8[%get3A_185, %get3A_186] {strides = array<i32>} : memref<16x1024xf32, #tpu.memory_space<vmem>>, vector<1x16xf32>,
      %get3A_188 = vector.shape_cast %get3A_187 : vector<1x16xf32> to vector<16xf32>
      %get3A_189 = arith.index_cast %scan3A_88 : i32 to index
      %get3A_190 = arith.constant 112 : index
      %get3A_191 = tpu.vector_load %arg9[%get3A_189, %get3A_190] {strides = array<i32>} : memref<16x1024xf32, #tpu.memory_space<vmem>>, vector<1x16xf32>,
      %get3A_192 = vector.shape_cast %get3A_191 : vector<1x16xf32> to vector<16xf32>
      %add3A_193 = arith.addf %get3A_188, %get3A_192 : vector<16xf32>
      %swap3A_194 = arith.index_cast %scan3A_88 : i32 to index
      %swap3A_195 = arith.constant 112 : index
      %swap3A_196 = tpu.vector_load %arg8[%swap3A_194, %swap3A_195] {strides = array<i32>} : memref<16x1024xf32, #tpu.memory_space<vmem>>, vector<1x16xf32>,
      %swap3A_197 = vector.shape_cast %swap3A_196 : vector<1x16xf32> to vector<16xf32>
      %swap3A_198 = vector.shape_cast %add3A_193 : vector<16xf32> to vector<1x16xf32>
      tpu.vector_store %arg8[%swap3A_194, %swap3A_195], %swap3A_198 {strides = array<i32>} : memref<16x1024xf32, #tpu.memory_space<vmem>>, vector<1x16xf32>,
      %get3A_199 = arith.index_cast %scan3A_88 : i32 to index
      %get3A_200 = arith.constant 128 : index
      %get3A_201 = tpu.vector_load %arg8[%get3A_199, %get3A_200] {strides = array<i32>} : memref<16x1024xf32, #tpu.memory_space<vmem>>, vector<1x16xf32>,
      %get3A_202 = vector.shape_cast %get3A_201 : vector<1x16xf32> to vector<16xf32>
      %get3A_203 = arith.index_cast %scan3A_88 : i32 to index
      %get3A_204 = arith.constant 128 : index
      %get3A_205 = tpu.vector_load %arg9[%get3A_203, %get3A_204] {strides = array<i32>} : memref<16x1024xf32, #tpu.memory_space<vmem>>, vector<1x16xf32>,
      %get3A_206 = vector.shape_cast %get3A_205 : vector<1x16xf32> to vector<16xf32>
      %add3A_207 = arith.addf %get3A_202, %get3A_206 : vector<16xf32>
      %swap3A_208 = arith.index_cast %scan3A_88 : i32 to index
      %swap3A_209 = arith.constant 128 : index
      %swap3A_210 = tpu.vector_load %arg8[%swap3A_208, %swap3A_209] {strides = array<i32>} : memref<16x1024xf32, #tpu.memory_space<vmem>>, vector<1x16xf32>,
      %swap3A_211 = vector.shape_cast %swap3A_210 : vector<1x16xf32> to vector<16xf32>
      %swap3A_212 = vector.shape_cast %add3A_207 : vector<16xf32> to vector<1x16xf32>
      tpu.vector_store %arg8[%swap3A_208, %swap3A_209], %swap3A_212 {strides = array<i32>} : memref<16x1024xf32, #tpu.memory_space<vmem>>, vector<1x16xf32>,
      %get3A_213 = arith.index_cast %scan3A_88 : i32 to index
      %get3A_214 = arith.constant 144 : index
      %get3A_215 = tpu.vector_load %arg8[%get3A_213, %get3A_214] {strides = array<i32>} : memref<16x1024xf32, #tpu.memory_space<vmem>>, vector<1x16xf32>,
      %get3A_216 = vector.shape_cast %get3A_215 : vector<1x16xf32> to vector<16xf32>
      %get3A_217 = arith.index_cast %scan3A_88 : i32 to index
      %get3A_218 = arith.constant 144 : index
      %get3A_219 = tpu.vector_load %arg9[%get3A_217, %get3A_218] {strides = array<i32>} : memref<16x1024xf32, #tpu.memory_space<vmem>>, vector<1x16xf32>,
      %get3A_220 = vector.shape_cast %get3A_219 : vector<1x16xf32> to vector<16xf32>
      %add3A_221 = arith.addf %get3A_216, %get3A_220 : vector<16xf32>
      %swap3A_222 = arith.index_cast %scan3A_88 : i32 to index
      %swap3A_223 = arith.constant 144 : index
      %swap3A_224 = tpu.vector_load %arg8[%swap3A_222, %swap3A_223] {strides = array<i32>} : memref<16x1024xf32, #tpu.memory_space<vmem>>, vector<1x16xf32>,
      %swap3A_225 = vector.shape_cast %swap3A_224 : vector<1x16xf32> to vector<16xf32>
      %swap3A_226 = vector.shape_cast %add3A_221 : vector<16xf32> to vector<1x16xf32>
      tpu.vector_store %arg8[%swap3A_222, %swap3A_223], %swap3A_226 {strides = array<i32>} : memref<16x1024xf32, #tpu.memory_space<vmem>>, vector<1x16xf32>,
      %get3A_227 = arith.index_cast %scan3A_88 : i32 to index
      %get3A_228 = arith.constant 160 : index
      %get3A_229 = tpu.vector_load %arg8[%get3A_227, %get3A_228] {strides = array<i32>} : memref<16x1024xf32, #tpu.memory_space<vmem>>, vector<1x16xf32>,
      %get3A_230 = vector.shape_cast %get3A_229 : vector<1x16xf32> to vector<16xf32>
      %get3A_231 = arith.index_cast %scan3A_88 : i32 to index
      %get3A_232 = arith.constant 160 : index
      %get3A_233 = tpu.vector_load %arg9[%get3A_231, %get3A_232] {strides = array<i32>} : memref<16x1024xf32, #tpu.memory_space<vmem>>, vector<1x16xf32>,
      %get3A_234 = vector.shape_cast %get3A_233 : vector<1x16xf32> to vector<16xf32>
      %add3A_235 = arith.addf %get3A_230, %get3A_234 : vector<16xf32>
      %swap3A_236 = arith.index_cast %scan3A_88 : i32 to index
      %swap3A_237 = arith.constant 160 : index
      %swap3A_238 = tpu.vector_load %arg8[%swap3A_236, %swap3A_237] {strides = array<i32>} : memref<16x1024xf32, #tpu.memory_space<vmem>>, vector<1x16xf32>,
      %swap3A_239 = vector.shape_cast %swap3A_238 : vector<1x16xf32> to vector<16xf32>
      %swap3A_240 = vector.shape_cast %add3A_235 : vector<16xf32> to vector<1x16xf32>
      tpu.vector_store %arg8[%swap3A_236, %swap3A_237], %swap3A_240 {strides = array<i32>} : memref<16x1024xf32, #tpu.memory_space<vmem>>, vector<1x16xf32>,
      %get3A_241 = arith.index_cast %scan3A_88 : i32 to index
      %get3A_242 = arith.constant 176 : index
      %get3A_243 = tpu.vector_load %arg8[%get3A_241, %get3A_242] {strides = array<i32>} : memref<16x1024xf32, #tpu.memory_space<vmem>>, vector<1x16xf32>,
      %get3A_244 = vector.shape_cast %get3A_243 : vector<1x16xf32> to vector<16xf32>
      %get3A_245 = arith.index_cast %scan3A_88 : i32 to index
      %get3A_246 = arith.constant 176 : index
      %get3A_247 = tpu.vector_load %arg9[%get3A_245, %get3A_246] {strides = array<i32>} : memref<16x1024xf32, #tpu.memory_space<vmem>>, vector<1x16xf32>,
      %get3A_248 = vector.shape_cast %get3A_247 : vector<1x16xf32> to vector<16xf32>
      %add3A_249 = arith.addf %get3A_244, %get3A_248 : vector<16xf32>
      %swap3A_250 = arith.index_cast %scan3A_88 : i32 to index
      %swap3A_251 = arith.constant 176 : index
      %swap3A_252 = tpu.vector_load %arg8[%swap3A_250, %swap3A_251] {strides = array<i32>} : memref<16x1024xf32, #tpu.memory_space<vmem>>, vector<1x16xf32>,
      %swap3A_253 = vector.shape_cast %swap3A_252 : vector<1x16xf32> to vector<16xf32>
      %swap3A_254 = vector.shape_cast %add3A_249 : vector<16xf32> to vector<1x16xf32>
      tpu.vector_store %arg8[%swap3A_250, %swap3A_251], %swap3A_254 {strides = array<i32>} : memref<16x1024xf32, #tpu.memory_space<vmem>>, vector<1x16xf32>,
      %get3A_255 = arith.index_cast %scan3A_88 : i32 to index
      %get3A_256 = arith.constant 192 : index
      %get3A_257 = tpu.vector_load %arg8[%get3A_255, %get3A_256] {strides = array<i32>} : memref<16x1024xf32, #tpu.memory_space<vmem>>, vector<1x16xf32>,
      %get3A_258 = vector.shape_cast %get3A_257 : vector<1x16xf32> to vector<16xf32>
      %get3A_259 = arith.index_cast %scan3A_88 : i32 to index
      %get3A_260 = arith.constant 192 : index
      %get3A_261 = tpu.vector_load %arg9[%get3A_259, %get3A_260] {strides = array<i32>} : memref<16x1024xf32, #tpu.memory_space<vmem>>, vector<1x16xf32>,
      %get3A_262 = vector.shape_cast %get3A_261 : vector<1x16xf32> to vector<16xf32>
      %add3A_263 = arith.addf %get3A_258, %get3A_262 : vector<16xf32>
      %swap3A_264 = arith.index_cast %scan3A_88 : i32 to index
      %swap3A_265 = arith.constant 192 : index
      %swap3A_266 = tpu.vector_load %arg8[%swap3A_264, %swap3A_265] {strides = array<i32>} : memref<16x1024xf32, #tpu.memory_space<vmem>>, vector<1x16xf32>,
      %swap3A_267 = vector.shape_cast %swap3A_266 : vector<1x16xf32> to vector<16xf32>
      %swap3A_268 = vector.shape_cast %add3A_263 : vector<16xf32> to vector<1x16xf32>
      tpu.vector_store %arg8[%swap3A_264, %swap3A_265], %swap3A_268 {strides = array<i32>} : memref<16x1024xf32, #tpu.memory_space<vmem>>, vector<1x16xf32>,
      %get3A_269 = arith.index_cast %scan3A_88 : i32 to index
      %get3A_270 = arith.constant 208 : index
      %get3A_271 = tpu.vector_load %arg8[%get3A_269, %get3A_270] {strides = array<i32>} : memref<16x1024xf32, #tpu.memory_space<vmem>>, vector<1x16xf32>,
      %get3A_272 = vector.shape_cast %get3A_271 : vector<1x16xf32> to vector<16xf32>
      %get3A_273 = arith.index_cast %scan3A_88 : i32 to index
      %get3A_274 = arith.constant 208 : index
      %get3A_275 = tpu.vector_load %arg9[%get3A_273, %get3A_274] {strides = array<i32>} : memref<16x1024xf32, #tpu.memory_space<vmem>>, vector<1x16xf32>,
      %get3A_276 = vector.shape_cast %get3A_275 : vector<1x16xf32> to vector<16xf32>
      %add3A_277 = arith.addf %get3A_272, %get3A_276 : vector<16xf32>
      %swap3A_278 = arith.index_cast %scan3A_88 : i32 to index
      %swap3A_279 = arith.constant 208 : index
      %swap3A_280 = tpu.vector_load %arg8[%swap3A_278, %swap3A_279] {strides = array<i32>} : memref<16x1024xf32, #tpu.memory_space<vmem>>, vector<1x16xf32>,
      %swap3A_281 = vector.shape_cast %swap3A_280 : vector<1x16xf32> to vector<16xf32>
      %swap3A_282 = vector.shape_cast %add3A_277 : vector<16xf32> to vector<1x16xf32>
      tpu.vector_store %arg8[%swap3A_278, %swap3A_279], %swap3A_282 {strides = array<i32>} : memref<16x1024xf32, #tpu.memory_space<vmem>>, vector<1x16xf32>,
      %get3A_283 = arith.index_cast %scan3A_88 : i32 to index
      %get3A_284 = arith.constant 224 : index
      %get3A_285 = tpu.vector_load %arg8[%get3A_283, %get3A_284] {strides = array<i32>} : memref<16x1024xf32, #tpu.memory_space<vmem>>, vector<1x16xf32>,
      %get3A_286 = vector.shape_cast %get3A_285 : vector<1x16xf32> to vector<16xf32>
      %get3A_287 = arith.index_cast %scan3A_88 : i32 to index
      %get3A_288 = arith.constant 224 : index
      %get3A_289 = tpu.vector_load %arg9[%get3A_287, %get3A_288] {strides = array<i32>} : memref<16x1024xf32, #tpu.memory_space<vmem>>, vector<1x16xf32>,
      %get3A_290 = vector.shape_cast %get3A_289 : vector<1x16xf32> to vector<16xf32>
      %add3A_291 = arith.addf %get3A_286, %get3A_290 : vector<16xf32>
      %swap3A_292 = arith.index_cast %scan3A_88 : i32 to index
      %swap3A_293 = arith.constant 224 : index
      %swap3A_294 = tpu.vector_load %arg8[%swap3A_292, %swap3A_293] {strides = array<i32>} : memref<16x1024xf32, #tpu.memory_space<vmem>>, vector<1x16xf32>,
      %swap3A_295 = vector.shape_cast %swap3A_294 : vector<1x16xf32> to vector<16xf32>
      %swap3A_296 = vector.shape_cast %add3A_291 : vector<16xf32> to vector<1x16xf32>
      tpu.vector_store %arg8[%swap3A_292, %swap3A_293], %swap3A_296 {strides = array<i32>} : memref<16x1024xf32, #tpu.memory_space<vmem>>, vector<1x16xf32>,
      %get3A_297 = arith.index_cast %scan3A_88 : i32 to index
      %get3A_298 = arith.constant 240 : index
      %get3A_299 = tpu.vector_load %arg8[%get3A_297, %get3A_298] {strides = array<i32>} : memref<16x1024xf32, #tpu.memory_space<vmem>>, vector<1x16xf32>,
      %get3A_300 = vector.shape_cast %get3A_299 : vector<1x16xf32> to vector<16xf32>
      %get3A_301 = arith.index_cast %scan3A_88 : i32 to index
      %get3A_302 = arith.constant 240 : index
      %get3A_303 = tpu.vector_load %arg9[%get3A_301, %get3A_302] {strides = array<i32>} : memref<16x1024xf32, #tpu.memory_space<vmem>>, vector<1x16xf32>,
      %get3A_304 = vector.shape_cast %get3A_303 : vector<1x16xf32> to vector<16xf32>
      %add3A_305 = arith.addf %get3A_300, %get3A_304 : vector<16xf32>
      %swap3A_306 = arith.index_cast %scan3A_88 : i32 to index
      %swap3A_307 = arith.constant 240 : index
      %swap3A_308 = tpu.vector_load %arg8[%swap3A_306, %swap3A_307] {strides = array<i32>} : memref<16x1024xf32, #tpu.memory_space<vmem>>, vector<1x16xf32>,
      %swap3A_309 = vector.shape_cast %swap3A_308 : vector<1x16xf32> to vector<16xf32>
      %swap3A_310 = vector.shape_cast %add3A_305 : vector<16xf32> to vector<1x16xf32>
      tpu.vector_store %arg8[%swap3A_306, %swap3A_307], %swap3A_310 {strides = array<i32>} : memref<16x1024xf32, #tpu.memory_space<vmem>>, vector<1x16xf32>,
      %get3A_311 = arith.index_cast %scan3A_88 : i32 to index
      %get3A_312 = arith.constant 256 : index
      %get3A_313 = tpu.vector_load %arg8[%get3A_311, %get3A_312] {strides = array<i32>} : memref<16x1024xf32, #tpu.memory_space<vmem>>, vector<1x16xf32>,
      %get3A_314 = vector.shape_cast %get3A_313 : vector<1x16xf32> to vector<16xf32>
      %get3A_315 = arith.index_cast %scan3A_88 : i32 to index
      %get3A_316 = arith.constant 256 : index
      %get3A_317 = tpu.vector_load %arg9[%get3A_315, %get3A_316] {strides = array<i32>} : memref<16x1024xf32, #tpu.memory_space<vmem>>, vector<1x16xf32>,
      %get3A_318 = vector.shape_cast %get3A_317 : vector<1x16xf32> to vector<16xf32>
      %add3A_319 = arith.addf %get3A_314, %get3A_318 : vector<16xf32>
      %swap3A_320 = arith.index_cast %scan3A_88 : i32 to index
      %swap3A_321 = arith.constant 256 : index
      %swap3A_322 = tpu.vector_load %arg8[%swap3A_320, %swap3A_321] {strides = array<i32>} : memref<16x1024xf32, #tpu.memory_space<vmem>>, vector<1x16xf32>,
      %swap3A_323 = vector.shape_cast %swap3A_322 : vector<1x16xf32> to vector<16xf32>
      %swap3A_324 = vector.shape_cast %add3A_319 : vector<16xf32> to vector<1x16xf32>
      tpu.vector_store %arg8[%swap3A_320, %swap3A_321], %swap3A_324 {strides = array<i32>} : memref<16x1024xf32, #tpu.memory_space<vmem>>, vector<1x16xf32>,
      %get3A_325 = arith.index_cast %scan3A_88 : i32 to index
      %get3A_326 = arith.constant 272 : index
      %get3A_327 = tpu.vector_load %arg8[%get3A_325, %get3A_326] {strides = array<i32>} : memref<16x1024xf32, #tpu.memory_space<vmem>>, vector<1x16xf32>,
      %get3A_328 = vector.shape_cast %get3A_327 : vector<1x16xf32> to vector<16xf32>
      %get3A_329 = arith.index_cast %scan3A_88 : i32 to index
      %get3A_330 = arith.constant 272 : index
      %get3A_331 = tpu.vector_load %arg9[%get3A_329, %get3A_330] {strides = array<i32>} : memref<16x1024xf32, #tpu.memory_space<vmem>>, vector<1x16xf32>,
      %get3A_332 = vector.shape_cast %get3A_331 : vector<1x16xf32> to vector<16xf32>
      %add3A_333 = arith.addf %get3A_328, %get3A_332 : vector<16xf32>
      %swap3A_334 = arith.index_cast %scan3A_88 : i32 to index
      %swap3A_335 = arith.constant 272 : index
      %swap3A_336 = tpu.vector_load %arg8[%swap3A_334, %swap3A_335] {strides = array<i32>} : memref<16x1024xf32, #tpu.memory_space<vmem>>, vector<1x16xf32>,
      %swap3A_337 = vector.shape_cast %swap3A_336 : vector<1x16xf32> to vector<16xf32>
      %swap3A_338 = vector.shape_cast %add3A_333 : vector<16xf32> to vector<1x16xf32>
      tpu.vector_store %arg8[%swap3A_334, %swap3A_335], %swap3A_338 {strides = array<i32>} : memref<16x1024xf32, #tpu.memory_space<vmem>>, vector<1x16xf32>,
      %get3A_339 = arith.index_cast %scan3A_88 : i32 to index
      %get3A_340 = arith.constant 288 : index
      %get3A_341 = tpu.vector_load %arg8[%get3A_339, %get3A_340] {strides = array<i32>} : memref<16x1024xf32, #tpu.memory_space<vmem>>, vector<1x16xf32>,
      %get3A_342 = vector.shape_cast %get3A_341 : vector<1x16xf32> to vector<16xf32>
      %get3A_343 = arith.index_cast %scan3A_88 : i32 to index
      %get3A_344 = arith.constant 288 : index
      %get3A_345 = tpu.vector_load %arg9[%get3A_343, %get3A_344] {strides = array<i32>} : memref<16x1024xf32, #tpu.memory_space<vmem>>, vector<1x16xf32>,
      %get3A_346 = vector.shape_cast %get3A_345 : vector<1x16xf32> to vector<16xf32>
      %add3A_347 = arith.addf %get3A_342, %get3A_346 : vector<16xf32>
      %swap3A_348 = arith.index_cast %scan3A_88 : i32 to index
      %swap3A_349 = arith.constant 288 : index
      %swap3A_350 = tpu.vector_load %arg8[%swap3A_348, %swap3A_349] {strides = array<i32>} : memref<16x1024xf32, #tpu.memory_space<vmem>>, vector<1x16xf32>,
      %swap3A_351 = vector.shape_cast %swap3A_350 : vector<1x16xf32> to vector<16xf32>
      %swap3A_352 = vector.shape_cast %add3A_347 : vector<16xf32> to vector<1x16xf32>
      tpu.vector_store %arg8[%swap3A_348, %swap3A_349], %swap3A_352 {strides = array<i32>} : memref<16x1024xf32, #tpu.memory_space<vmem>>, vector<1x16xf32>,
      %get3A_353 = arith.index_cast %scan3A_88 : i32 to index
      %get3A_354 = arith.constant 304 : index
      %get3A_355 = tpu.vector_load %arg8[%get3A_353, %get3A_354] {strides = array<i32>} : memref<16x1024xf32, #tpu.memory_space<vmem>>, vector<1x16xf32>,
      %get3A_356 = vector.shape_cast %get3A_355 : vector<1x16xf32> to vector<16xf32>
      %get3A_357 = arith.index_cast %scan3A_88 : i32 to index
      %get3A_358 = arith.constant 304 : index
      %get3A_359 = tpu.vector_load %arg9[%get3A_357, %get3A_358] {strides = array<i32>} : memref<16x1024xf32, #tpu.memory_space<vmem>>, vector<1x16xf32>,
      %get3A_360 = vector.shape_cast %get3A_359 : vector<1x16xf32> to vector<16xf32>
      %add3A_361 = arith.addf %get3A_356, %get3A_360 : vector<16xf32>
      %swap3A_362 = arith.index_cast %scan3A_88 : i32 to index
      %swap3A_363 = arith.constant 304 : index
      %swap3A_364 = tpu.vector_load %arg8[%swap3A_362, %swap3A_363] {strides = array<i32>} : memref<16x1024xf32, #tpu.memory_space<vmem>>, vector<1x16xf32>,
      %swap3A_365 = vector.shape_cast %swap3A_364 : vector<1x16xf32> to vector<16xf32>
      %swap3A_366 = vector.shape_cast %add3A_361 : vector<16xf32> to vector<1x16xf32>
      tpu.vector_store %arg8[%swap3A_362, %swap3A_363], %swap3A_366 {strides = array<i32>} : memref<16x1024xf32, #tpu.memory_space<vmem>>, vector<1x16xf32>,
      %get3A_367 = arith.index_cast %scan3A_88 : i32 to index
      %get3A_368 = arith.constant 320 : index
      %get3A_369 = tpu.vector_load %arg8[%get3A_367, %get3A_368] {strides = array<i32>} : memref<16x1024xf32, #tpu.memory_space<vmem>>, vector<1x16xf32>,
      %get3A_370 = vector.shape_cast %get3A_369 : vector<1x16xf32> to vector<16xf32>
      %get3A_371 = arith.index_cast %scan3A_88 : i32 to index
      %get3A_372 = arith.constant 320 : index
      %get3A_373 = tpu.vector_load %arg9[%get3A_371, %get3A_372] {strides = array<i32>} : memref<16x1024xf32, #tpu.memory_space<vmem>>, vector<1x16xf32>,
      %get3A_374 = vector.shape_cast %get3A_373 : vector<1x16xf32> to vector<16xf32>
      %add3A_375 = arith.addf %get3A_370, %get3A_374 : vector<16xf32>
      %swap3A_376 = arith.index_cast %scan3A_88 : i32 to index
      %swap3A_377 = arith.constant 320 : index
      %swap3A_378 = tpu.vector_load %arg8[%swap3A_376, %swap3A_377] {strides = array<i32>} : memref<16x1024xf32, #tpu.memory_space<vmem>>, vector<1x16xf32>,
      %swap3A_379 = vector.shape_cast %swap3A_378 : vector<1x16xf32> to vector<16xf32>
      %swap3A_380 = vector.shape_cast %add3A_375 : vector<16xf32> to vector<1x16xf32>
      tpu.vector_store %arg8[%swap3A_376, %swap3A_377], %swap3A_380 {strides = array<i32>} : memref<16x1024xf32, #tpu.memory_space<vmem>>, vector<1x16xf32>,
      %get3A_381 = arith.index_cast %scan3A_88 : i32 to index
      %get3A_382 = arith.constant 336 : index
      %get3A_383 = tpu.vector_load %arg8[%get3A_381, %get3A_382] {strides = array<i32>} : memref<16x1024xf32, #tpu.memory_space<vmem>>, vector<1x16xf32>,
      %get3A_384 = vector.shape_cast %get3A_383 : vector<1x16xf32> to vector<16xf32>
      %get3A_385 = arith.index_cast %scan3A_88 : i32 to index
      %get3A_386 = arith.constant 336 : index
      %get3A_387 = tpu.vector_load %arg9[%get3A_385, %get3A_386] {strides = array<i32>} : memref<16x1024xf32, #tpu.memory_space<vmem>>, vector<1x16xf32>,
      %get3A_388 = vector.shape_cast %get3A_387 : vector<1x16xf32> to vector<16xf32>
      %add3A_389 = arith.addf %get3A_384, %get3A_388 : vector<16xf32>
      %swap3A_390 = arith.index_cast %scan3A_88 : i32 to index
      %swap3A_391 = arith.constant 336 : index
      %swap3A_392 = tpu.vector_load %arg8[%swap3A_390, %swap3A_391] {strides = array<i32>} : memref<16x1024xf32, #tpu.memory_space<vmem>>, vector<1x16xf32>,
      %swap3A_393 = vector.shape_cast %swap3A_392 : vector<1x16xf32> to vector<16xf32>
      %swap3A_394 = vector.shape_cast %add3A_389 : vector<16xf32> to vector<1x16xf32>
      tpu.vector_store %arg8[%swap3A_390, %swap3A_391], %swap3A_394 {strides = array<i32>} : memref<16x1024xf32, #tpu.memory_space<vmem>>, vector<1x16xf32>,
      %get3A_395 = arith.index_cast %scan3A_88 : i32 to index
      %get3A_396 = arith.constant 352 : index
      %get3A_397 = tpu.vector_load %arg8[%get3A_395, %get3A_396] {strides = array<i32>} : memref<16x1024xf32, #tpu.memory_space<vmem>>, vector<1x16xf32>,
      %get3A_398 = vector.shape_cast %get3A_397 : vector<1x16xf32> to vector<16xf32>
      %get3A_399 = arith.index_cast %scan3A_88 : i32 to index
      %get3A_400 = arith.constant 352 : index
      %get3A_401 = tpu.vector_load %arg9[%get3A_399, %get3A_400] {strides = array<i32>} : memref<16x1024xf32, #tpu.memory_space<vmem>>, vector<1x16xf32>,
      %get3A_402 = vector.shape_cast %get3A_401 : vector<1x16xf32> to vector<16xf32>
      %add3A_403 = arith.addf %get3A_398, %get3A_402 : vector<16xf32>
      %swap3A_404 = arith.index_cast %scan3A_88 : i32 to index
      %swap3A_405 = arith.constant 352 : index
      %swap3A_406 = tpu.vector_load %arg8[%swap3A_404, %swap3A_405] {strides = array<i32>} : memref<16x1024xf32, #tpu.memory_space<vmem>>, vector<1x16xf32>,
      %swap3A_407 = vector.shape_cast %swap3A_406 : vector<1x16xf32> to vector<16xf32>
      %swap3A_408 = vector.shape_cast %add3A_403 : vector<16xf32> to vector<1x16xf32>
      tpu.vector_store %arg8[%swap3A_404, %swap3A_405], %swap3A_408 {strides = array<i32>} : memref<16x1024xf32, #tpu.memory_space<vmem>>, vector<1x16xf32>,
      %get3A_409 = arith.index_cast %scan3A_88 : i32 to index
      %get3A_410 = arith.constant 368 : index
      %get3A_411 = tpu.vector_load %arg8[%get3A_409, %get3A_410] {strides = array<i32>} : memref<16x1024xf32, #tpu.memory_space<vmem>>, vector<1x16xf32>,
      %get3A_412 = vector.shape_cast %get3A_411 : vector<1x16xf32> to vector<16xf32>
      %get3A_413 = arith.index_cast %scan3A_88 : i32 to index
      %get3A_414 = arith.constant 368 : index
      %get3A_415 = tpu.vector_load %arg9[%get3A_413, %get3A_414] {strides = array<i32>} : memref<16x1024xf32, #tpu.memory_space<vmem>>, vector<1x16xf32>,
      %get3A_416 = vector.shape_cast %get3A_415 : vector<1x16xf32> to vector<16xf32>
      %add3A_417 = arith.addf %get3A_412, %get3A_416 : vector<16xf32>
      %swap3A_418 = arith.index_cast %scan3A_88 : i32 to index
      %swap3A_419 = arith.constant 368 : index
      %swap3A_420 = tpu.vector_load %arg8[%swap3A_418, %swap3A_419] {strides = array<i32>} : memref<16x1024xf32, #tpu.memory_space<vmem>>, vector<1x16xf32>,
      %swap3A_421 = vector.shape_cast %swap3A_420 : vector<1x16xf32> to vector<16xf32>
      %swap3A_422 = vector.shape_cast %add3A_417 : vector<16xf32> to vector<1x16xf32>
      tpu.vector_store %arg8[%swap3A_418, %swap3A_419], %swap3A_422 {strides = array<i32>} : memref<16x1024xf32, #tpu.memory_space<vmem>>, vector<1x16xf32>,
      %get3A_423 = arith.index_cast %scan3A_88 : i32 to index
      %get3A_424 = arith.constant 384 : index
      %get3A_425 = tpu.vector_load %arg8[%get3A_423, %get3A_424] {strides = array<i32>} : memref<16x1024xf32, #tpu.memory_space<vmem>>, vector<1x16xf32>,
      %get3A_426 = vector.shape_cast %get3A_425 : vector<1x16xf32> to vector<16xf32>
      %get3A_427 = arith.index_cast %scan3A_88 : i32 to index
      %get3A_428 = arith.constant 384 : index
      %get3A_429 = tpu.vector_load %arg9[%get3A_427, %get3A_428] {strides = array<i32>} : memref<16x1024xf32, #tpu.memory_space<vmem>>, vector<1x16xf32>,
      %get3A_430 = vector.shape_cast %get3A_429 : vector<1x16xf32> to vector<16xf32>
      %add3A_431 = arith.addf %get3A_426, %get3A_430 : vector<16xf32>
      %swap3A_432 = arith.index_cast %scan3A_88 : i32 to index
      %swap3A_433 = arith.constant 384 : index
      %swap3A_434 = tpu.vector_load %arg8[%swap3A_432, %swap3A_433] {strides = array<i32>} : memref<16x1024xf32, #tpu.memory_space<vmem>>, vector<1x16xf32>,
      %swap3A_435 = vector.shape_cast %swap3A_434 : vector<1x16xf32> to vector<16xf32>
      %swap3A_436 = vector.shape_cast %add3A_431 : vector<16xf32> to vector<1x16xf32>
      tpu.vector_store %arg8[%swap3A_432, %swap3A_433], %swap3A_436 {strides = array<i32>} : memref<16x1024xf32, #tpu.memory_space<vmem>>, vector<1x16xf32>,
      %get3A_437 = arith.index_cast %scan3A_88 : i32 to index
      %get3A_438 = arith.constant 400 : index
      %get3A_439 = tpu.vector_load %arg8[%get3A_437, %get3A_438] {strides = array<i32>} : memref<16x1024xf32, #tpu.memory_space<vmem>>, vector<1x16xf32>,
      %get3A_440 = vector.shape_cast %get3A_439 : vector<1x16xf32> to vector<16xf32>
      %get3A_441 = arith.index_cast %scan3A_88 : i32 to index
      %get3A_442 = arith.constant 400 : index
      %get3A_443 = tpu.vector_load %arg9[%get3A_441, %get3A_442] {strides = array<i32>} : memref<16x1024xf32, #tpu.memory_space<vmem>>, vector<1x16xf32>,
      %get3A_444 = vector.shape_cast %get3A_443 : vector<1x16xf32> to vector<16xf32>
      %add3A_445 = arith.addf %get3A_440, %get3A_444 : vector<16xf32>
      %swap3A_446 = arith.index_cast %scan3A_88 : i32 to index
      %swap3A_447 = arith.constant 400 : index
      %swap3A_448 = tpu.vector_load %arg8[%swap3A_446, %swap3A_447] {strides = array<i32>} : memref<16x1024xf32, #tpu.memory_space<vmem>>, vector<1x16xf32>,
      %swap3A_449 = vector.shape_cast %swap3A_448 : vector<1x16xf32> to vector<16xf32>
      %swap3A_450 = vector.shape_cast %add3A_445 : vector<16xf32> to vector<1x16xf32>
      tpu.vector_store %arg8[%swap3A_446, %swap3A_447], %swap3A_450 {strides = array<i32>} : memref<16x1024xf32, #tpu.memory_space<vmem>>, vector<1x16xf32>,
      %get3A_451 = arith.index_cast %scan3A_88 : i32 to index
      %get3A_452 = arith.constant 416 : index
      %get3A_453 = tpu.vector_load %arg8[%get3A_451, %get3A_452] {strides = array<i32>} : memref<16x1024xf32, #tpu.memory_space<vmem>>, vector<1x16xf32>,
      %get3A_454 = vector.shape_cast %get3A_453 : vector<1x16xf32> to vector<16xf32>
      %get3A_455 = arith.index_cast %scan3A_88 : i32 to index
      %get3A_456 = arith.constant 416 : index
      %get3A_457 = tpu.vector_load %arg9[%get3A_455, %get3A_456] {strides = array<i32>} : memref<16x1024xf32, #tpu.memory_space<vmem>>, vector<1x16xf32>,
      %get3A_458 = vector.shape_cast %get3A_457 : vector<1x16xf32> to vector<16xf32>
      %add3A_459 = arith.addf %get3A_454, %get3A_458 : vector<16xf32>
      %swap3A_460 = arith.index_cast %scan3A_88 : i32 to index
      %swap3A_461 = arith.constant 416 : index
      %swap3A_462 = tpu.vector_load %arg8[%swap3A_460, %swap3A_461] {strides = array<i32>} : memref<16x1024xf32, #tpu.memory_space<vmem>>, vector<1x16xf32>,
      %swap3A_463 = vector.shape_cast %swap3A_462 : vector<1x16xf32> to vector<16xf32>
      %swap3A_464 = vector.shape_cast %add3A_459 : vector<16xf32> to vector<1x16xf32>
      tpu.vector_store %arg8[%swap3A_460, %swap3A_461], %swap3A_464 {strides = array<i32>} : memref<16x1024xf32, #tpu.memory_space<vmem>>, vector<1x16xf32>,
      %get3A_465 = arith.index_cast %scan3A_88 : i32 to index
      %get3A_466 = arith.constant 432 : index
      %get3A_467 = tpu.vector_load %arg8[%get3A_465, %get3A_466] {strides = array<i32>} : memref<16x1024xf32, #tpu.memory_space<vmem>>, vector<1x16xf32>,
      %get3A_468 = vector.shape_cast %get3A_467 : vector<1x16xf32> to vector<16xf32>
      %get3A_469 = arith.index_cast %scan3A_88 : i32 to index
      %get3A_470 = arith.constant 432 : index
      %get3A_471 = tpu.vector_load %arg9[%get3A_469, %get3A_470] {strides = array<i32>} : memref<16x1024xf32, #tpu.memory_space<vmem>>, vector<1x16xf32>,
      %get3A_472 = vector.shape_cast %get3A_471 : vector<1x16xf32> to vector<16xf32>
      %add3A_473 = arith.addf %get3A_468, %get3A_472 : vector<16xf32>
      %swap3A_474 = arith.index_cast %scan3A_88 : i32 to index
      %swap3A_475 = arith.constant 432 : index
      %swap3A_476 = tpu.vector_load %arg8[%swap3A_474, %swap3A_475] {strides = array<i32>} : memref<16x1024xf32, #tpu.memory_space<vmem>>, vector<1x16xf32>,
      %swap3A_477 = vector.shape_cast %swap3A_476 : vector<1x16xf32> to vector<16xf32>
      %swap3A_478 = vector.shape_cast %add3A_473 : vector<16xf32> to vector<1x16xf32>
      tpu.vector_store %arg8[%swap3A_474, %swap3A_475], %swap3A_478 {strides = array<i32>} : memref<16x1024xf32, #tpu.memory_space<vmem>>, vector<1x16xf32>,
      %get3A_479 = arith.index_cast %scan3A_88 : i32 to index
      %get3A_480 = arith.constant 448 : index
      %get3A_481 = tpu.vector_load %arg8[%get3A_479, %get3A_480] {strides = array<i32>} : memref<16x1024xf32, #tpu.memory_space<vmem>>, vector<1x16xf32>,
      %get3A_482 = vector.shape_cast %get3A_481 : vector<1x16xf32> to vector<16xf32>
      %get3A_483 = arith.index_cast %scan3A_88 : i32 to index
      %get3A_484 = arith.constant 448 : index
      %get3A_485 = tpu.vector_load %arg9[%get3A_483, %get3A_484] {strides = array<i32>} : memref<16x1024xf32, #tpu.memory_space<vmem>>, vector<1x16xf32>,
      %get3A_486 = vector.shape_cast %get3A_485 : vector<1x16xf32> to vector<16xf32>
      %add3A_487 = arith.addf %get3A_482, %get3A_486 : vector<16xf32>
      %swap3A_488 = arith.index_cast %scan3A_88 : i32 to index
      %swap3A_489 = arith.constant 448 : index
      %swap3A_490 = tpu.vector_load %arg8[%swap3A_488, %swap3A_489] {strides = array<i32>} : memref<16x1024xf32, #tpu.memory_space<vmem>>, vector<1x16xf32>,
      %swap3A_491 = vector.shape_cast %swap3A_490 : vector<1x16xf32> to vector<16xf32>
      %swap3A_492 = vector.shape_cast %add3A_487 : vector<16xf32> to vector<1x16xf32>
      tpu.vector_store %arg8[%swap3A_488, %swap3A_489], %swap3A_492 {strides = array<i32>} : memref<16x1024xf32, #tpu.memory_space<vmem>>, vector<1x16xf32>,
      %get3A_493 = arith.index_cast %scan3A_88 : i32 to index
      %get3A_494 = arith.constant 464 : index
      %get3A_495 = tpu.vector_load %arg8[%get3A_493, %get3A_494] {strides = array<i32>} : memref<16x1024xf32, #tpu.memory_space<vmem>>, vector<1x16xf32>,
      %get3A_496 = vector.shape_cast %get3A_495 : vector<1x16xf32> to vector<16xf32>
      %get3A_497 = arith.index_cast %scan3A_88 : i32 to index
      %get3A_498 = arith.constant 464 : index
      %get3A_499 = tpu.vector_load %arg9[%get3A_497, %get3A_498] {strides = array<i32>} : memref<16x1024xf32, #tpu.memory_space<vmem>>, vector<1x16xf32>,
      %get3A_500 = vector.shape_cast %get3A_499 : vector<1x16xf32> to vector<16xf32>
      %add3A_501 = arith.addf %get3A_496, %get3A_500 : vector<16xf32>
      %swap3A_502 = arith.index_cast %scan3A_88 : i32 to index
      %swap3A_503 = arith.constant 464 : index
      %swap3A_504 = tpu.vector_load %arg8[%swap3A_502, %swap3A_503] {strides = array<i32>} : memref<16x1024xf32, #tpu.memory_space<vmem>>, vector<1x16xf32>,
      %swap3A_505 = vector.shape_cast %swap3A_504 : vector<1x16xf32> to vector<16xf32>
      %swap3A_506 = vector.shape_cast %add3A_501 : vector<16xf32> to vector<1x16xf32>
      tpu.vector_store %arg8[%swap3A_502, %swap3A_503], %swap3A_506 {strides = array<i32>} : memref<16x1024xf32, #tpu.memory_space<vmem>>, vector<1x16xf32>,
      %get3A_507 = arith.index_cast %scan3A_88 : i32 to index
      %get3A_508 = arith.constant 480 : index
      %get3A_509 = tpu.vector_load %arg8[%get3A_507, %get3A_508] {strides = array<i32>} : memref<16x1024xf32, #tpu.memory_space<vmem>>, vector<1x16xf32>,
      %get3A_510 = vector.shape_cast %get3A_509 : vector<1x16xf32> to vector<16xf32>
      %get3A_511 = arith.index_cast %scan3A_88 : i32 to index
      %get3A_512 = arith.constant 480 : index
      %get3A_513 = tpu.vector_load %arg9[%get3A_511, %get3A_512] {strides = array<i32>} : memref<16x1024xf32, #tpu.memory_space<vmem>>, vector<1x16xf32>,
      %get3A_514 = vector.shape_cast %get3A_513 : vector<1x16xf32> to vector<16xf32>
      %add3A_515 = arith.addf %get3A_510, %get3A_514 : vector<16xf32>
      %swap3A_516 = arith.index_cast %scan3A_88 : i32 to index
      %swap3A_517 = arith.constant 480 : index
      %swap3A_518 = tpu.vector_load %arg8[%swap3A_516, %swap3A_517] {strides = array<i32>} : memref<16x1024xf32, #tpu.memory_space<vmem>>, vector<1x16xf32>,
      %swap3A_519 = vector.shape_cast %swap3A_518 : vector<1x16xf32> to vector<16xf32>
      %swap3A_520 = vector.shape_cast %add3A_515 : vector<16xf32> to vector<1x16xf32>
      tpu.vector_store %arg8[%swap3A_516, %swap3A_517], %swap3A_520 {strides = array<i32>} : memref<16x1024xf32, #tpu.memory_space<vmem>>, vector<1x16xf32>,
      %get3A_521 = arith.index_cast %scan3A_88 : i32 to index
      %get3A_522 = arith.constant 496 : index
      %get3A_523 = tpu.vector_load %arg8[%get3A_521, %get3A_522] {strides = array<i32>} : memref<16x1024xf32, #tpu.memory_space<vmem>>, vector<1x16xf32>,
      %get3A_524 = vector.shape_cast %get3A_523 : vector<1x16xf32> to vector<16xf32>
      %get3A_525 = arith.index_cast %scan3A_88 : i32 to index
      %get3A_526 = arith.constant 496 : index
      %get3A_527 = tpu.vector_load %arg9[%get3A_525, %get3A_526] {strides = array<i32>} : memref<16x1024xf32, #tpu.memory_space<vmem>>, vector<1x16xf32>,
      %get3A_528 = vector.shape_cast %get3A_527 : vector<1x16xf32> to vector<16xf32>
      %add3A_529 = arith.addf %get3A_524, %get3A_528 : vector<16xf32>
      %swap3A_530 = arith.index_cast %scan3A_88 : i32 to index
      %swap3A_531 = arith.constant 496 : index
      %swap3A_532 = tpu.vector_load %arg8[%swap3A_530, %swap3A_531] {strides = array<i32>} : memref<16x1024xf32, #tpu.memory_space<vmem>>, vector<1x16xf32>,
      %swap3A_533 = vector.shape_cast %swap3A_532 : vector<1x16xf32> to vector<16xf32>
      %swap3A_534 = vector.shape_cast %add3A_529 : vector<16xf32> to vector<1x16xf32>
      tpu.vector_store %arg8[%swap3A_530, %swap3A_531], %swap3A_534 {strides = array<i32>} : memref<16x1024xf32, #tpu.memory_space<vmem>>, vector<1x16xf32>,
      %get3A_535 = arith.index_cast %scan3A_88 : i32 to index
      %get3A_536 = arith.constant 512 : index
      %get3A_537 = tpu.vector_load %arg8[%get3A_535, %get3A_536] {strides = array<i32>} : memref<16x1024xf32, #tpu.memory_space<vmem>>, vector<1x16xf32>,
      %get3A_538 = vector.shape_cast %get3A_537 : vector<1x16xf32> to vector<16xf32>
      %get3A_539 = arith.index_cast %scan3A_88 : i32 to index
      %get3A_540 = arith.constant 512 : index
      %get3A_541 = tpu.vector_load %arg9[%get3A_539, %get3A_540] {strides = array<i32>} : memref<16x1024xf32, #tpu.memory_space<vmem>>, vector<1x16xf32>,
      %get3A_542 = vector.shape_cast %get3A_541 : vector<1x16xf32> to vector<16xf32>
      %add3A_543 = arith.addf %get3A_538, %get3A_542 : vector<16xf32>
      %swap3A_544 = arith.index_cast %scan3A_88 : i32 to index
      %swap3A_545 = arith.constant 512 : index
      %swap3A_546 = tpu.vector_load %arg8[%swap3A_544, %swap3A_545] {strides = array<i32>} : memref<16x1024xf32, #tpu.memory_space<vmem>>, vector<1x16xf32>,
      %swap3A_547 = vector.shape_cast %swap3A_546 : vector<1x16xf32> to vector<16xf32>
      %swap3A_548 = vector.shape_cast %add3A_543 : vector<16xf32> to vector<1x16xf32>
      tpu.vector_store %arg8[%swap3A_544, %swap3A_545], %swap3A_548 {strides = array<i32>} : memref<16x1024xf32, #tpu.memory_space<vmem>>, vector<1x16xf32>,
      %get3A_549 = arith.index_cast %scan3A_88 : i32 to index
      %get3A_550 = arith.constant 528 : index
      %get3A_551 = tpu.vector_load %arg8[%get3A_549, %get3A_550] {strides = array<i32>} : memref<16x1024xf32, #tpu.memory_space<vmem>>, vector<1x16xf32>,
      %get3A_552 = vector.shape_cast %get3A_551 : vector<1x16xf32> to vector<16xf32>
      %get3A_553 = arith.index_cast %scan3A_88 : i32 to index
      %get3A_554 = arith.constant 528 : index
      %get3A_555 = tpu.vector_load %arg9[%get3A_553, %get3A_554] {strides = array<i32>} : memref<16x1024xf32, #tpu.memory_space<vmem>>, vector<1x16xf32>,
      %get3A_556 = vector.shape_cast %get3A_555 : vector<1x16xf32> to vector<16xf32>
      %add3A_557 = arith.addf %get3A_552, %get3A_556 : vector<16xf32>
      %swap3A_558 = arith.index_cast %scan3A_88 : i32 to index
      %swap3A_559 = arith.constant 528 : index
      %swap3A_560 = tpu.vector_load %arg8[%swap3A_558, %swap3A_559] {strides = array<i32>} : memref<16x1024xf32, #tpu.memory_space<vmem>>, vector<1x16xf32>,
      %swap3A_561 = vector.shape_cast %swap3A_560 : vector<1x16xf32> to vector<16xf32>
      %swap3A_562 = vector.shape_cast %add3A_557 : vector<16xf32> to vector<1x16xf32>
      tpu.vector_store %arg8[%swap3A_558, %swap3A_559], %swap3A_562 {strides = array<i32>} : memref<16x1024xf32, #tpu.memory_space<vmem>>, vector<1x16xf32>,
      %get3A_563 = arith.index_cast %scan3A_88 : i32 to index
      %get3A_564 = arith.constant 544 : index
      %get3A_565 = tpu.vector_load %arg8[%get3A_563, %get3A_564] {strides = array<i32>} : memref<16x1024xf32, #tpu.memory_space<vmem>>, vector<1x16xf32>,
      %get3A_566 = vector.shape_cast %get3A_565 : vector<1x16xf32> to vector<16xf32>
      %get3A_567 = arith.index_cast %scan3A_88 : i32 to index
      %get3A_568 = arith.constant 544 : index
      %get3A_569 = tpu.vector_load %arg9[%get3A_567, %get3A_568] {strides = array<i32>} : memref<16x1024xf32, #tpu.memory_space<vmem>>, vector<1x16xf32>,
      %get3A_570 = vector.shape_cast %get3A_569 : vector<1x16xf32> to vector<16xf32>
      %add3A_571 = arith.addf %get3A_566, %get3A_570 : vector<16xf32>
      %swap3A_572 = arith.index_cast %scan3A_88 : i32 to index
      %swap3A_573 = arith.constant 544 : index
      %swap3A_574 = tpu.vector_load %arg8[%swap3A_572, %swap3A_573] {strides = array<i32>} : memref<16x1024xf32, #tpu.memory_space<vmem>>, vector<1x16xf32>,
      %swap3A_575 = vector.shape_cast %swap3A_574 : vector<1x16xf32> to vector<16xf32>
      %swap3A_576 = vector.shape_cast %add3A_571 : vector<16xf32> to vector<1x16xf32>
      tpu.vector_store %arg8[%swap3A_572, %swap3A_573], %swap3A_576 {strides = array<i32>} : memref<16x1024xf32, #tpu.memory_space<vmem>>, vector<1x16xf32>,
      %get3A_577 = arith.index_cast %scan3A_88 : i32 to index
      %get3A_578 = arith.constant 560 : index
      %get3A_579 = tpu.vector_load %arg8[%get3A_577, %get3A_578] {strides = array<i32>} : memref<16x1024xf32, #tpu.memory_space<vmem>>, vector<1x16xf32>,
      %get3A_580 = vector.shape_cast %get3A_579 : vector<1x16xf32> to vector<16xf32>
      %get3A_581 = arith.index_cast %scan3A_88 : i32 to index
      %get3A_582 = arith.constant 560 : index
      %get3A_583 = tpu.vector_load %arg9[%get3A_581, %get3A_582] {strides = array<i32>} : memref<16x1024xf32, #tpu.memory_space<vmem>>, vector<1x16xf32>,
      %get3A_584 = vector.shape_cast %get3A_583 : vector<1x16xf32> to vector<16xf32>
      %add3A_585 = arith.addf %get3A_580, %get3A_584 : vector<16xf32>
      %swap3A_586 = arith.index_cast %scan3A_88 : i32 to index
      %swap3A_587 = arith.constant 560 : index
      %swap3A_588 = tpu.vector_load %arg8[%swap3A_586, %swap3A_587] {strides = array<i32>} : memref<16x1024xf32, #tpu.memory_space<vmem>>, vector<1x16xf32>,
      %swap3A_589 = vector.shape_cast %swap3A_588 : vector<1x16xf32> to vector<16xf32>
      %swap3A_590 = vector.shape_cast %add3A_585 : vector<16xf32> to vector<1x16xf32>
      tpu.vector_store %arg8[%swap3A_586, %swap3A_587], %swap3A_590 {strides = array<i32>} : memref<16x1024xf32, #tpu.memory_space<vmem>>, vector<1x16xf32>,
      %get3A_591 = arith.index_cast %scan3A_88 : i32 to index
      %get3A_592 = arith.constant 576 : index
      %get3A_593 = tpu.vector_load %arg8[%get3A_591, %get3A_592] {strides = array<i32>} : memref<16x1024xf32, #tpu.memory_space<vmem>>, vector<1x16xf32>,
      %get3A_594 = vector.shape_cast %get3A_593 : vector<1x16xf32> to vector<16xf32>
      %get3A_595 = arith.index_cast %scan3A_88 : i32 to index
      %get3A_596 = arith.constant 576 : index
      %get3A_597 = tpu.vector_load %arg9[%get3A_595, %get3A_596] {strides = array<i32>} : memref<16x1024xf32, #tpu.memory_space<vmem>>, vector<1x16xf32>,
      %get3A_598 = vector.shape_cast %get3A_597 : vector<1x16xf32> to vector<16xf32>
      %add3A_599 = arith.addf %get3A_594, %get3A_598 : vector<16xf32>
      %swap3A_600 = arith.index_cast %scan3A_88 : i32 to index
      %swap3A_601 = arith.constant 576 : index
      %swap3A_602 = tpu.vector_load %arg8[%swap3A_600, %swap3A_601] {strides = array<i32>} : memref<16x1024xf32, #tpu.memory_space<vmem>>, vector<1x16xf32>,
      %swap3A_603 = vector.shape_cast %swap3A_602 : vector<1x16xf32> to vector<16xf32>
      %swap3A_604 = vector.shape_cast %add3A_599 : vector<16xf32> to vector<1x16xf32>
      tpu.vector_store %arg8[%swap3A_600, %swap3A_601], %swap3A_604 {strides = array<i32>} : memref<16x1024xf32, #tpu.memory_space<vmem>>, vector<1x16xf32>,
      %get3A_605 = arith.index_cast %scan3A_88 : i32 to index
      %get3A_606 = arith.constant 592 : index
      %get3A_607 = tpu.vector_load %arg8[%get3A_605, %get3A_606] {strides = array<i32>} : memref<16x1024xf32, #tpu.memory_space<vmem>>, vector<1x16xf32>,
      %get3A_608 = vector.shape_cast %get3A_607 : vector<1x16xf32> to vector<16xf32>
      %get3A_609 = arith.index_cast %scan3A_88 : i32 to index
      %get3A_610 = arith.constant 592 : index
      %get3A_611 = tpu.vector_load %arg9[%get3A_609, %get3A_610] {strides = array<i32>} : memref<16x1024xf32, #tpu.memory_space<vmem>>, vector<1x16xf32>,
      %get3A_612 = vector.shape_cast %get3A_611 : vector<1x16xf32> to vector<16xf32>
      %add3A_613 = arith.addf %get3A_608, %get3A_612 : vector<16xf32>
      %swap3A_614 = arith.index_cast %scan3A_88 : i32 to index
      %swap3A_615 = arith.constant 592 : index
      %swap3A_616 = tpu.vector_load %arg8[%swap3A_614, %swap3A_615] {strides = array<i32>} : memref<16x1024xf32, #tpu.memory_space<vmem>>, vector<1x16xf32>,
      %swap3A_617 = vector.shape_cast %swap3A_616 : vector<1x16xf32> to vector<16xf32>
      %swap3A_618 = vector.shape_cast %add3A_613 : vector<16xf32> to vector<1x16xf32>
      tpu.vector_store %arg8[%swap3A_614, %swap3A_615], %swap3A_618 {strides = array<i32>} : memref<16x1024xf32, #tpu.memory_space<vmem>>, vector<1x16xf32>,
      %get3A_619 = arith.index_cast %scan3A_88 : i32 to index
      %get3A_620 = arith.constant 608 : index
      %get3A_621 = tpu.vector_load %arg8[%get3A_619, %get3A_620] {strides = array<i32>} : memref<16x1024xf32, #tpu.memory_space<vmem>>, vector<1x16xf32>,
      %get3A_622 = vector.shape_cast %get3A_621 : vector<1x16xf32> to vector<16xf32>
      %get3A_623 = arith.index_cast %scan3A_88 : i32 to index
      %get3A_624 = arith.constant 608 : index
      %get3A_625 = tpu.vector_load %arg9[%get3A_623, %get3A_624] {strides = array<i32>} : memref<16x1024xf32, #tpu.memory_space<vmem>>, vector<1x16xf32>,
      %get3A_626 = vector.shape_cast %get3A_625 : vector<1x16xf32> to vector<16xf32>
      %add3A_627 = arith.addf %get3A_622, %get3A_626 : vector<16xf32>
      %swap3A_628 = arith.index_cast %scan3A_88 : i32 to index
      %swap3A_629 = arith.constant 608 : index
      %swap3A_630 = tpu.vector_load %arg8[%swap3A_628, %swap3A_629] {strides = array<i32>} : memref<16x1024xf32, #tpu.memory_space<vmem>>, vector<1x16xf32>,
      %swap3A_631 = vector.shape_cast %swap3A_630 : vector<1x16xf32> to vector<16xf32>
      %swap3A_632 = vector.shape_cast %add3A_627 : vector<16xf32> to vector<1x16xf32>
      tpu.vector_store %arg8[%swap3A_628, %swap3A_629], %swap3A_632 {strides = array<i32>} : memref<16x1024xf32, #tpu.memory_space<vmem>>, vector<1x16xf32>,
      %get3A_633 = arith.index_cast %scan3A_88 : i32 to index
      %get3A_634 = arith.constant 624 : index
      %get3A_635 = tpu.vector_load %arg8[%get3A_633, %get3A_634] {strides = array<i32>} : memref<16x1024xf32, #tpu.memory_space<vmem>>, vector<1x16xf32>,
      %get3A_636 = vector.shape_cast %get3A_635 : vector<1x16xf32> to vector<16xf32>
      %get3A_637 = arith.index_cast %scan3A_88 : i32 to index
      %get3A_638 = arith.constant 624 : index
      %get3A_639 = tpu.vector_load %arg9[%get3A_637, %get3A_638] {strides = array<i32>} : memref<16x1024xf32, #tpu.memory_space<vmem>>, vector<1x16xf32>,
      %get3A_640 = vector.shape_cast %get3A_639 : vector<1x16xf32> to vector<16xf32>
      %add3A_641 = arith.addf %get3A_636, %get3A_640 : vector<16xf32>
      %swap3A_642 = arith.index_cast %scan3A_88 : i32 to index
      %swap3A_643 = arith.constant 624 : index
      %swap3A_644 = tpu.vector_load %arg8[%swap3A_642, %swap3A_643] {strides = array<i32>} : memref<16x1024xf32, #tpu.memory_space<vmem>>, vector<1x16xf32>,
      %swap3A_645 = vector.shape_cast %swap3A_644 : vector<1x16xf32> to vector<16xf32>
      %swap3A_646 = vector.shape_cast %add3A_641 : vector<16xf32> to vector<1x16xf32>
      tpu.vector_store %arg8[%swap3A_642, %swap3A_643], %swap3A_646 {strides = array<i32>} : memref<16x1024xf32, #tpu.memory_space<vmem>>, vector<1x16xf32>,
      %get3A_647 = arith.index_cast %scan3A_88 : i32 to index
      %get3A_648 = arith.constant 640 : index
      %get3A_649 = tpu.vector_load %arg8[%get3A_647, %get3A_648] {strides = array<i32>} : memref<16x1024xf32, #tpu.memory_space<vmem>>, vector<1x16xf32>,
      %get3A_650 = vector.shape_cast %get3A_649 : vector<1x16xf32> to vector<16xf32>
      %get3A_651 = arith.index_cast %scan3A_88 : i32 to index
      %get3A_652 = arith.constant 640 : index
      %get3A_653 = tpu.vector_load %arg9[%get3A_651, %get3A_652] {strides = array<i32>} : memref<16x1024xf32, #tpu.memory_space<vmem>>, vector<1x16xf32>,
      %get3A_654 = vector.shape_cast %get3A_653 : vector<1x16xf32> to vector<16xf32>
      %add3A_655 = arith.addf %get3A_650, %get3A_654 : vector<16xf32>
      %swap3A_656 = arith.index_cast %scan3A_88 : i32 to index
      %swap3A_657 = arith.constant 640 : index
      %swap3A_658 = tpu.vector_load %arg8[%swap3A_656, %swap3A_657] {strides = array<i32>} : memref<16x1024xf32, #tpu.memory_space<vmem>>, vector<1x16xf32>,
      %swap3A_659 = vector.shape_cast %swap3A_658 : vector<1x16xf32> to vector<16xf32>
      %swap3A_660 = vector.shape_cast %add3A_655 : vector<16xf32> to vector<1x16xf32>
      tpu.vector_store %arg8[%swap3A_656, %swap3A_657], %swap3A_660 {strides = array<i32>} : memref<16x1024xf32, #tpu.memory_space<vmem>>, vector<1x16xf32>,
      %get3A_661 = arith.index_cast %scan3A_88 : i32 to index
      %get3A_662 = arith.constant 656 : index
      %get3A_663 = tpu.vector_load %arg8[%get3A_661, %get3A_662] {strides = array<i32>} : memref<16x1024xf32, #tpu.memory_space<vmem>>, vector<1x16xf32>,
      %get3A_664 = vector.shape_cast %get3A_663 : vector<1x16xf32> to vector<16xf32>
      %get3A_665 = arith.index_cast %scan3A_88 : i32 to index
      %get3A_666 = arith.constant 656 : index
      %get3A_667 = tpu.vector_load %arg9[%get3A_665, %get3A_666] {strides = array<i32>} : memref<16x1024xf32, #tpu.memory_space<vmem>>, vector<1x16xf32>,
      %get3A_668 = vector.shape_cast %get3A_667 : vector<1x16xf32> to vector<16xf32>
      %add3A_669 = arith.addf %get3A_664, %get3A_668 : vector<16xf32>
      %swap3A_670 = arith.index_cast %scan3A_88 : i32 to index
      %swap3A_671 = arith.constant 656 : index
      %swap3A_672 = tpu.vector_load %arg8[%swap3A_670, %swap3A_671] {strides = array<i32>} : memref<16x1024xf32, #tpu.memory_space<vmem>>, vector<1x16xf32>,
      %swap3A_673 = vector.shape_cast %swap3A_672 : vector<1x16xf32> to vector<16xf32>
      %swap3A_674 = vector.shape_cast %add3A_669 : vector<16xf32> to vector<1x16xf32>
      tpu.vector_store %arg8[%swap3A_670, %swap3A_671], %swap3A_674 {strides = array<i32>} : memref<16x1024xf32, #tpu.memory_space<vmem>>, vector<1x16xf32>,
      %get3A_675 = arith.index_cast %scan3A_88 : i32 to index
      %get3A_676 = arith.constant 672 : index
      %get3A_677 = tpu.vector_load %arg8[%get3A_675, %get3A_676] {strides = array<i32>} : memref<16x1024xf32, #tpu.memory_space<vmem>>, vector<1x16xf32>,
      %get3A_678 = vector.shape_cast %get3A_677 : vector<1x16xf32> to vector<16xf32>
      %get3A_679 = arith.index_cast %scan3A_88 : i32 to index
      %get3A_680 = arith.constant 672 : index
      %get3A_681 = tpu.vector_load %arg9[%get3A_679, %get3A_680] {strides = array<i32>} : memref<16x1024xf32, #tpu.memory_space<vmem>>, vector<1x16xf32>,
      %get3A_682 = vector.shape_cast %get3A_681 : vector<1x16xf32> to vector<16xf32>
      %add3A_683 = arith.addf %get3A_678, %get3A_682 : vector<16xf32>
      %swap3A_684 = arith.index_cast %scan3A_88 : i32 to index
      %swap3A_685 = arith.constant 672 : index
      %swap3A_686 = tpu.vector_load %arg8[%swap3A_684, %swap3A_685] {strides = array<i32>} : memref<16x1024xf32, #tpu.memory_space<vmem>>, vector<1x16xf32>,
      %swap3A_687 = vector.shape_cast %swap3A_686 : vector<1x16xf32> to vector<16xf32>
      %swap3A_688 = vector.shape_cast %add3A_683 : vector<16xf32> to vector<1x16xf32>
      tpu.vector_store %arg8[%swap3A_684, %swap3A_685], %swap3A_688 {strides = array<i32>} : memref<16x1024xf32, #tpu.memory_space<vmem>>, vector<1x16xf32>,
      %get3A_689 = arith.index_cast %scan3A_88 : i32 to index
      %get3A_690 = arith.constant 688 : index
      %get3A_691 = tpu.vector_load %arg8[%get3A_689, %get3A_690] {strides = array<i32>} : memref<16x1024xf32, #tpu.memory_space<vmem>>, vector<1x16xf32>,
      %get3A_692 = vector.shape_cast %get3A_691 : vector<1x16xf32> to vector<16xf32>
      %get3A_693 = arith.index_cast %scan3A_88 : i32 to index
      %get3A_694 = arith.constant 688 : index
      %get3A_695 = tpu.vector_load %arg9[%get3A_693, %get3A_694] {strides = array<i32>} : memref<16x1024xf32, #tpu.memory_space<vmem>>, vector<1x16xf32>,
      %get3A_696 = vector.shape_cast %get3A_695 : vector<1x16xf32> to vector<16xf32>
      %add3A_697 = arith.addf %get3A_692, %get3A_696 : vector<16xf32>
      %swap3A_698 = arith.index_cast %scan3A_88 : i32 to index
      %swap3A_699 = arith.constant 688 : index
      %swap3A_700 = tpu.vector_load %arg8[%swap3A_698, %swap3A_699] {strides = array<i32>} : memref<16x1024xf32, #tpu.memory_space<vmem>>, vector<1x16xf32>,
      %swap3A_701 = vector.shape_cast %swap3A_700 : vector<1x16xf32> to vector<16xf32>
      %swap3A_702 = vector.shape_cast %add3A_697 : vector<16xf32> to vector<1x16xf32>
      tpu.vector_store %arg8[%swap3A_698, %swap3A_699], %swap3A_702 {strides = array<i32>} : memref<16x1024xf32, #tpu.memory_space<vmem>>, vector<1x16xf32>,
      %get3A_703 = arith.index_cast %scan3A_88 : i32 to index
      %get3A_704 = arith.constant 704 : index
      %get3A_705 = tpu.vector_load %arg8[%get3A_703, %get3A_704] {strides = array<i32>} : memref<16x1024xf32, #tpu.memory_space<vmem>>, vector<1x16xf32>,
      %get3A_706 = vector.shape_cast %get3A_705 : vector<1x16xf32> to vector<16xf32>
      %get3A_707 = arith.index_cast %scan3A_88 : i32 to index
      %get3A_708 = arith.constant 704 : index
      %get3A_709 = tpu.vector_load %arg9[%get3A_707, %get3A_708] {strides = array<i32>} : memref<16x1024xf32, #tpu.memory_space<vmem>>, vector<1x16xf32>,
      %get3A_710 = vector.shape_cast %get3A_709 : vector<1x16xf32> to vector<16xf32>
      %add3A_711 = arith.addf %get3A_706, %get3A_710 : vector<16xf32>
      %swap3A_712 = arith.index_cast %scan3A_88 : i32 to index
      %swap3A_713 = arith.constant 704 : index
      %swap3A_714 = tpu.vector_load %arg8[%swap3A_712, %swap3A_713] {strides = array<i32>} : memref<16x1024xf32, #tpu.memory_space<vmem>>, vector<1x16xf32>,
      %swap3A_715 = vector.shape_cast %swap3A_714 : vector<1x16xf32> to vector<16xf32>
      %swap3A_716 = vector.shape_cast %add3A_711 : vector<16xf32> to vector<1x16xf32>
      tpu.vector_store %arg8[%swap3A_712, %swap3A_713], %swap3A_716 {strides = array<i32>} : memref<16x1024xf32, #tpu.memory_space<vmem>>, vector<1x16xf32>,
      %get3A_717 = arith.index_cast %scan3A_88 : i32 to index
      %get3A_718 = arith.constant 720 : index
      %get3A_719 = tpu.vector_load %arg8[%get3A_717, %get3A_718] {strides = array<i32>} : memref<16x1024xf32, #tpu.memory_space<vmem>>, vector<1x16xf32>,
      %get3A_720 = vector.shape_cast %get3A_719 : vector<1x16xf32> to vector<16xf32>
      %get3A_721 = arith.index_cast %scan3A_88 : i32 to index
      %get3A_722 = arith.constant 720 : index
      %get3A_723 = tpu.vector_load %arg9[%get3A_721, %get3A_722] {strides = array<i32>} : memref<16x1024xf32, #tpu.memory_space<vmem>>, vector<1x16xf32>,
      %get3A_724 = vector.shape_cast %get3A_723 : vector<1x16xf32> to vector<16xf32>
      %add3A_725 = arith.addf %get3A_720, %get3A_724 : vector<16xf32>
      %swap3A_726 = arith.index_cast %scan3A_88 : i32 to index
      %swap3A_727 = arith.constant 720 : index
      %swap3A_728 = tpu.vector_load %arg8[%swap3A_726, %swap3A_727] {strides = array<i32>} : memref<16x1024xf32, #tpu.memory_space<vmem>>, vector<1x16xf32>,
      %swap3A_729 = vector.shape_cast %swap3A_728 : vector<1x16xf32> to vector<16xf32>
      %swap3A_730 = vector.shape_cast %add3A_725 : vector<16xf32> to vector<1x16xf32>
      tpu.vector_store %arg8[%swap3A_726, %swap3A_727], %swap3A_730 {strides = array<i32>} : memref<16x1024xf32, #tpu.memory_space<vmem>>, vector<1x16xf32>,
      %get3A_731 = arith.index_cast %scan3A_88 : i32 to index
      %get3A_732 = arith.constant 736 : index
      %get3A_733 = tpu.vector_load %arg8[%get3A_731, %get3A_732] {strides = array<i32>} : memref<16x1024xf32, #tpu.memory_space<vmem>>, vector<1x16xf32>,
      %get3A_734 = vector.shape_cast %get3A_733 : vector<1x16xf32> to vector<16xf32>
      %get3A_735 = arith.index_cast %scan3A_88 : i32 to index
      %get3A_736 = arith.constant 736 : index
      %get3A_737 = tpu.vector_load %arg9[%get3A_735, %get3A_736] {strides = array<i32>} : memref<16x1024xf32, #tpu.memory_space<vmem>>, vector<1x16xf32>,
      %get3A_738 = vector.shape_cast %get3A_737 : vector<1x16xf32> to vector<16xf32>
      %add3A_739 = arith.addf %get3A_734, %get3A_738 : vector<16xf32>
      %swap3A_740 = arith.index_cast %scan3A_88 : i32 to index
      %swap3A_741 = arith.constant 736 : index
      %swap3A_742 = tpu.vector_load %arg8[%swap3A_740, %swap3A_741] {strides = array<i32>} : memref<16x1024xf32, #tpu.memory_space<vmem>>, vector<1x16xf32>,
      %swap3A_743 = vector.shape_cast %swap3A_742 : vector<1x16xf32> to vector<16xf32>
      %swap3A_744 = vector.shape_cast %add3A_739 : vector<16xf32> to vector<1x16xf32>
      tpu.vector_store %arg8[%swap3A_740, %swap3A_741], %swap3A_744 {strides = array<i32>} : memref<16x1024xf32, #tpu.memory_space<vmem>>, vector<1x16xf32>,
      %get3A_745 = arith.index_cast %scan3A_88 : i32 to index
      %get3A_746 = arith.constant 752 : index
      %get3A_747 = tpu.vector_load %arg8[%get3A_745, %get3A_746] {strides = array<i32>} : memref<16x1024xf32, #tpu.memory_space<vmem>>, vector<1x16xf32>,
      %get3A_748 = vector.shape_cast %get3A_747 : vector<1x16xf32> to vector<16xf32>
      %get3A_749 = arith.index_cast %scan3A_88 : i32 to index
      %get3A_750 = arith.constant 752 : index
      %get3A_751 = tpu.vector_load %arg9[%get3A_749, %get3A_750] {strides = array<i32>} : memref<16x1024xf32, #tpu.memory_space<vmem>>, vector<1x16xf32>,
      %get3A_752 = vector.shape_cast %get3A_751 : vector<1x16xf32> to vector<16xf32>
      %add3A_753 = arith.addf %get3A_748, %get3A_752 : vector<16xf32>
      %swap3A_754 = arith.index_cast %scan3A_88 : i32 to index
      %swap3A_755 = arith.constant 752 : index
      %swap3A_756 = tpu.vector_load %arg8[%swap3A_754, %swap3A_755] {strides = array<i32>} : memref<16x1024xf32, #tpu.memory_space<vmem>>, vector<1x16xf32>,
      %swap3A_757 = vector.shape_cast %swap3A_756 : vector<1x16xf32> to vector<16xf32>
      %swap3A_758 = vector.shape_cast %add3A_753 : vector<16xf32> to vector<1x16xf32>
      tpu.vector_store %arg8[%swap3A_754, %swap3A_755], %swap3A_758 {strides = array<i32>} : memref<16x1024xf32, #tpu.memory_space<vmem>>, vector<1x16xf32>,
      %get3A_759 = arith.index_cast %scan3A_88 : i32 to index
      %get3A_760 = arith.constant 768 : index
      %get3A_761 = tpu.vector_load %arg8[%get3A_759, %get3A_760] {strides = array<i32>} : memref<16x1024xf32, #tpu.memory_space<vmem>>, vector<1x16xf32>,
      %get3A_762 = vector.shape_cast %get3A_761 : vector<1x16xf32> to vector<16xf32>
      %get3A_763 = arith.index_cast %scan3A_88 : i32 to index
      %get3A_764 = arith.constant 768 : index
      %get3A_765 = tpu.vector_load %arg9[%get3A_763, %get3A_764] {strides = array<i32>} : memref<16x1024xf32, #tpu.memory_space<vmem>>, vector<1x16xf32>,
      %get3A_766 = vector.shape_cast %get3A_765 : vector<1x16xf32> to vector<16xf32>
      %add3A_767 = arith.addf %get3A_762, %get3A_766 : vector<16xf32>
      %swap3A_768 = arith.index_cast %scan3A_88 : i32 to index
      %swap3A_769 = arith.constant 768 : index
      %swap3A_770 = tpu.vector_load %arg8[%swap3A_768, %swap3A_769] {strides = array<i32>} : memref<16x1024xf32, #tpu.memory_space<vmem>>, vector<1x16xf32>,
      %swap3A_771 = vector.shape_cast %swap3A_770 : vector<1x16xf32> to vector<16xf32>
      %swap3A_772 = vector.shape_cast %add3A_767 : vector<16xf32> to vector<1x16xf32>
      tpu.vector_store %arg8[%swap3A_768, %swap3A_769], %swap3A_772 {strides = array<i32>} : memref<16x1024xf32, #tpu.memory_space<vmem>>, vector<1x16xf32>,
      %get3A_773 = arith.index_cast %scan3A_88 : i32 to index
      %get3A_774 = arith.constant 784 : index
      %get3A_775 = tpu.vector_load %arg8[%get3A_773, %get3A_774] {strides = array<i32>} : memref<16x1024xf32, #tpu.memory_space<vmem>>, vector<1x16xf32>,
      %get3A_776 = vector.shape_cast %get3A_775 : vector<1x16xf32> to vector<16xf32>
      %get3A_777 = arith.index_cast %scan3A_88 : i32 to index
      %get3A_778 = arith.constant 784 : index
      %get3A_779 = tpu.vector_load %arg9[%get3A_777, %get3A_778] {strides = array<i32>} : memref<16x1024xf32, #tpu.memory_space<vmem>>, vector<1x16xf32>,
      %get3A_780 = vector.shape_cast %get3A_779 : vector<1x16xf32> to vector<16xf32>
      %add3A_781 = arith.addf %get3A_776, %get3A_780 : vector<16xf32>
      %swap3A_782 = arith.index_cast %scan3A_88 : i32 to index
      %swap3A_783 = arith.constant 784 : index
      %swap3A_784 = tpu.vector_load %arg8[%swap3A_782, %swap3A_783] {strides = array<i32>} : memref<16x1024xf32, #tpu.memory_space<vmem>>, vector<1x16xf32>,
      %swap3A_785 = vector.shape_cast %swap3A_784 : vector<1x16xf32> to vector<16xf32>
      %swap3A_786 = vector.shape_cast %add3A_781 : vector<16xf32> to vector<1x16xf32>
      tpu.vector_store %arg8[%swap3A_782, %swap3A_783], %swap3A_786 {strides = array<i32>} : memref<16x1024xf32, #tpu.memory_space<vmem>>, vector<1x16xf32>,
      %get3A_787 = arith.index_cast %scan3A_88 : i32 to index
      %get3A_788 = arith.constant 800 : index
      %get3A_789 = tpu.vector_load %arg8[%get3A_787, %get3A_788] {strides = array<i32>} : memref<16x1024xf32, #tpu.memory_space<vmem>>, vector<1x16xf32>,
      %get3A_790 = vector.shape_cast %get3A_789 : vector<1x16xf32> to vector<16xf32>
      %get3A_791 = arith.index_cast %scan3A_88 : i32 to index
      %get3A_792 = arith.constant 800 : index
      %get3A_793 = tpu.vector_load %arg9[%get3A_791, %get3A_792] {strides = array<i32>} : memref<16x1024xf32, #tpu.memory_space<vmem>>, vector<1x16xf32>,
      %get3A_794 = vector.shape_cast %get3A_793 : vector<1x16xf32> to vector<16xf32>
      %add3A_795 = arith.addf %get3A_790, %get3A_794 : vector<16xf32>
      %swap3A_796 = arith.index_cast %scan3A_88 : i32 to index
      %swap3A_797 = arith.constant 800 : index
      %swap3A_798 = tpu.vector_load %arg8[%swap3A_796, %swap3A_797] {strides = array<i32>} : memref<16x1024xf32, #tpu.memory_space<vmem>>, vector<1x16xf32>,
      %swap3A_799 = vector.shape_cast %swap3A_798 : vector<1x16xf32> to vector<16xf32>
      %swap3A_800 = vector.shape_cast %add3A_795 : vector<16xf32> to vector<1x16xf32>
      tpu.vector_store %arg8[%swap3A_796, %swap3A_797], %swap3A_800 {strides = array<i32>} : memref<16x1024xf32, #tpu.memory_space<vmem>>, vector<1x16xf32>,
      %get3A_801 = arith.index_cast %scan3A_88 : i32 to index
      %get3A_802 = arith.constant 816 : index
      %get3A_803 = tpu.vector_load %arg8[%get3A_801, %get3A_802] {strides = array<i32>} : memref<16x1024xf32, #tpu.memory_space<vmem>>, vector<1x16xf32>,
      %get3A_804 = vector.shape_cast %get3A_803 : vector<1x16xf32> to vector<16xf32>
      %get3A_805 = arith.index_cast %scan3A_88 : i32 to index
      %get3A_806 = arith.constant 816 : index
      %get3A_807 = tpu.vector_load %arg9[%get3A_805, %get3A_806] {strides = array<i32>} : memref<16x1024xf32, #tpu.memory_space<vmem>>, vector<1x16xf32>,
      %get3A_808 = vector.shape_cast %get3A_807 : vector<1x16xf32> to vector<16xf32>
      %add3A_809 = arith.addf %get3A_804, %get3A_808 : vector<16xf32>
      %swap3A_810 = arith.index_cast %scan3A_88 : i32 to index
      %swap3A_811 = arith.constant 816 : index
      %swap3A_812 = tpu.vector_load %arg8[%swap3A_810, %swap3A_811] {strides = array<i32>} : memref<16x1024xf32, #tpu.memory_space<vmem>>, vector<1x16xf32>,
      %swap3A_813 = vector.shape_cast %swap3A_812 : vector<1x16xf32> to vector<16xf32>
      %swap3A_814 = vector.shape_cast %add3A_809 : vector<16xf32> to vector<1x16xf32>
      tpu.vector_store %arg8[%swap3A_810, %swap3A_811], %swap3A_814 {strides = array<i32>} : memref<16x1024xf32, #tpu.memory_space<vmem>>, vector<1x16xf32>,
      %get3A_815 = arith.index_cast %scan3A_88 : i32 to index
      %get3A_816 = arith.constant 832 : index
      %get3A_817 = tpu.vector_load %arg8[%get3A_815, %get3A_816] {strides = array<i32>} : memref<16x1024xf32, #tpu.memory_space<vmem>>, vector<1x16xf32>,
      %get3A_818 = vector.shape_cast %get3A_817 : vector<1x16xf32> to vector<16xf32>
      %get3A_819 = arith.index_cast %scan3A_88 : i32 to index
      %get3A_820 = arith.constant 832 : index
      %get3A_821 = tpu.vector_load %arg9[%get3A_819, %get3A_820] {strides = array<i32>} : memref<16x1024xf32, #tpu.memory_space<vmem>>, vector<1x16xf32>,
      %get3A_822 = vector.shape_cast %get3A_821 : vector<1x16xf32> to vector<16xf32>
      %add3A_823 = arith.addf %get3A_818, %get3A_822 : vector<16xf32>
      %swap3A_824 = arith.index_cast %scan3A_88 : i32 to index
      %swap3A_825 = arith.constant 832 : index
      %swap3A_826 = tpu.vector_load %arg8[%swap3A_824, %swap3A_825] {strides = array<i32>} : memref<16x1024xf32, #tpu.memory_space<vmem>>, vector<1x16xf32>,
      %swap3A_827 = vector.shape_cast %swap3A_826 : vector<1x16xf32> to vector<16xf32>
      %swap3A_828 = vector.shape_cast %add3A_823 : vector<16xf32> to vector<1x16xf32>
      tpu.vector_store %arg8[%swap3A_824, %swap3A_825], %swap3A_828 {strides = array<i32>} : memref<16x1024xf32, #tpu.memory_space<vmem>>, vector<1x16xf32>,
      %get3A_829 = arith.index_cast %scan3A_88 : i32 to index
      %get3A_830 = arith.constant 848 : index
      %get3A_831 = tpu.vector_load %arg8[%get3A_829, %get3A_830] {strides = array<i32>} : memref<16x1024xf32, #tpu.memory_space<vmem>>, vector<1x16xf32>,
      %get3A_832 = vector.shape_cast %get3A_831 : vector<1x16xf32> to vector<16xf32>
      %get3A_833 = arith.index_cast %scan3A_88 : i32 to index
      %get3A_834 = arith.constant 848 : index
      %get3A_835 = tpu.vector_load %arg9[%get3A_833, %get3A_834] {strides = array<i32>} : memref<16x1024xf32, #tpu.memory_space<vmem>>, vector<1x16xf32>,
      %get3A_836 = vector.shape_cast %get3A_835 : vector<1x16xf32> to vector<16xf32>
      %add3A_837 = arith.addf %get3A_832, %get3A_836 : vector<16xf32>
      %swap3A_838 = arith.index_cast %scan3A_88 : i32 to index
      %swap3A_839 = arith.constant 848 : index
      %swap3A_840 = tpu.vector_load %arg8[%swap3A_838, %swap3A_839] {strides = array<i32>} : memref<16x1024xf32, #tpu.memory_space<vmem>>, vector<1x16xf32>,
      %swap3A_841 = vector.shape_cast %swap3A_840 : vector<1x16xf32> to vector<16xf32>
      %swap3A_842 = vector.shape_cast %add3A_837 : vector<16xf32> to vector<1x16xf32>
      tpu.vector_store %arg8[%swap3A_838, %swap3A_839], %swap3A_842 {strides = array<i32>} : memref<16x1024xf32, #tpu.memory_space<vmem>>, vector<1x16xf32>,
      %get3A_843 = arith.index_cast %scan3A_88 : i32 to index
      %get3A_844 = arith.constant 864 : index
      %get3A_845 = tpu.vector_load %arg8[%get3A_843, %get3A_844] {strides = array<i32>} : memref<16x1024xf32, #tpu.memory_space<vmem>>, vector<1x16xf32>,
      %get3A_846 = vector.shape_cast %get3A_845 : vector<1x16xf32> to vector<16xf32>
      %get3A_847 = arith.index_cast %scan3A_88 : i32 to index
      %get3A_848 = arith.constant 864 : index
      %get3A_849 = tpu.vector_load %arg9[%get3A_847, %get3A_848] {strides = array<i32>} : memref<16x1024xf32, #tpu.memory_space<vmem>>, vector<1x16xf32>,
      %get3A_850 = vector.shape_cast %get3A_849 : vector<1x16xf32> to vector<16xf32>
      %add3A_851 = arith.addf %get3A_846, %get3A_850 : vector<16xf32>
      %swap3A_852 = arith.index_cast %scan3A_88 : i32 to index
      %swap3A_853 = arith.constant 864 : index
      %swap3A_854 = tpu.vector_load %arg8[%swap3A_852, %swap3A_853] {strides = array<i32>} : memref<16x1024xf32, #tpu.memory_space<vmem>>, vector<1x16xf32>,
      %swap3A_855 = vector.shape_cast %swap3A_854 : vector<1x16xf32> to vector<16xf32>
      %swap3A_856 = vector.shape_cast %add3A_851 : vector<16xf32> to vector<1x16xf32>
      tpu.vector_store %arg8[%swap3A_852, %swap3A_853], %swap3A_856 {strides = array<i32>} : memref<16x1024xf32, #tpu.memory_space<vmem>>, vector<1x16xf32>,
      %get3A_857 = arith.index_cast %scan3A_88 : i32 to index
      %get3A_858 = arith.constant 880 : index
      %get3A_859 = tpu.vector_load %arg8[%get3A_857, %get3A_858] {strides = array<i32>} : memref<16x1024xf32, #tpu.memory_space<vmem>>, vector<1x16xf32>,
      %get3A_860 = vector.shape_cast %get3A_859 : vector<1x16xf32> to vector<16xf32>
      %get3A_861 = arith.index_cast %scan3A_88 : i32 to index
      %get3A_862 = arith.constant 880 : index
      %get3A_863 = tpu.vector_load %arg9[%get3A_861, %get3A_862] {strides = array<i32>} : memref<16x1024xf32, #tpu.memory_space<vmem>>, vector<1x16xf32>,
      %get3A_864 = vector.shape_cast %get3A_863 : vector<1x16xf32> to vector<16xf32>
      %add3A_865 = arith.addf %get3A_860, %get3A_864 : vector<16xf32>
      %swap3A_866 = arith.index_cast %scan3A_88 : i32 to index
      %swap3A_867 = arith.constant 880 : index
      %swap3A_868 = tpu.vector_load %arg8[%swap3A_866, %swap3A_867] {strides = array<i32>} : memref<16x1024xf32, #tpu.memory_space<vmem>>, vector<1x16xf32>,
      %swap3A_869 = vector.shape_cast %swap3A_868 : vector<1x16xf32> to vector<16xf32>
      %swap3A_870 = vector.shape_cast %add3A_865 : vector<16xf32> to vector<1x16xf32>
      tpu.vector_store %arg8[%swap3A_866, %swap3A_867], %swap3A_870 {strides = array<i32>} : memref<16x1024xf32, #tpu.memory_space<vmem>>, vector<1x16xf32>,
      %get3A_871 = arith.index_cast %scan3A_88 : i32 to index
      %get3A_872 = arith.constant 896 : index
      %get3A_873 = tpu.vector_load %arg8[%get3A_871, %get3A_872] {strides = array<i32>} : memref<16x1024xf32, #tpu.memory_space<vmem>>, vector<1x16xf32>,
      %get3A_874 = vector.shape_cast %get3A_873 : vector<1x16xf32> to vector<16xf32>
      %get3A_875 = arith.index_cast %scan3A_88 : i32 to index
      %get3A_876 = arith.constant 896 : index
      %get3A_877 = tpu.vector_load %arg9[%get3A_875, %get3A_876] {strides = array<i32>} : memref<16x1024xf32, #tpu.memory_space<vmem>>, vector<1x16xf32>,
      %get3A_878 = vector.shape_cast %get3A_877 : vector<1x16xf32> to vector<16xf32>
      %add3A_879 = arith.addf %get3A_874, %get3A_878 : vector<16xf32>
      %swap3A_880 = arith.index_cast %scan3A_88 : i32 to index
      %swap3A_881 = arith.constant 896 : index
      %swap3A_882 = tpu.vector_load %arg8[%swap3A_880, %swap3A_881] {strides = array<i32>} : memref<16x1024xf32, #tpu.memory_space<vmem>>, vector<1x16xf32>,
      %swap3A_883 = vector.shape_cast %swap3A_882 : vector<1x16xf32> to vector<16xf32>
      %swap3A_884 = vector.shape_cast %add3A_879 : vector<16xf32> to vector<1x16xf32>
      tpu.vector_store %arg8[%swap3A_880, %swap3A_881], %swap3A_884 {strides = array<i32>} : memref<16x1024xf32, #tpu.memory_space<vmem>>, vector<1x16xf32>,
      %get3A_885 = arith.index_cast %scan3A_88 : i32 to index
      %get3A_886 = arith.constant 912 : index
      %get3A_887 = tpu.vector_load %arg8[%get3A_885, %get3A_886] {strides = array<i32>} : memref<16x1024xf32, #tpu.memory_space<vmem>>, vector<1x16xf32>,
      %get3A_888 = vector.shape_cast %get3A_887 : vector<1x16xf32> to vector<16xf32>
      %get3A_889 = arith.index_cast %scan3A_88 : i32 to index
      %get3A_890 = arith.constant 912 : index
      %get3A_891 = tpu.vector_load %arg9[%get3A_889, %get3A_890] {strides = array<i32>} : memref<16x1024xf32, #tpu.memory_space<vmem>>, vector<1x16xf32>,
      %get3A_892 = vector.shape_cast %get3A_891 : vector<1x16xf32> to vector<16xf32>
      %add3A_893 = arith.addf %get3A_888, %get3A_892 : vector<16xf32>
      %swap3A_894 = arith.index_cast %scan3A_88 : i32 to index
      %swap3A_895 = arith.constant 912 : index
      %swap3A_896 = tpu.vector_load %arg8[%swap3A_894, %swap3A_895] {strides = array<i32>} : memref<16x1024xf32, #tpu.memory_space<vmem>>, vector<1x16xf32>,
      %swap3A_897 = vector.shape_cast %swap3A_896 : vector<1x16xf32> to vector<16xf32>
      %swap3A_898 = vector.shape_cast %add3A_893 : vector<16xf32> to vector<1x16xf32>
      tpu.vector_store %arg8[%swap3A_894, %swap3A_895], %swap3A_898 {strides = array<i32>} : memref<16x1024xf32, #tpu.memory_space<vmem>>, vector<1x16xf32>,
      %get3A_899 = arith.index_cast %scan3A_88 : i32 to index
      %get3A_900 = arith.constant 928 : index
      %get3A_901 = tpu.vector_load %arg8[%get3A_899, %get3A_900] {strides = array<i32>} : memref<16x1024xf32, #tpu.memory_space<vmem>>, vector<1x16xf32>,
      %get3A_902 = vector.shape_cast %get3A_901 : vector<1x16xf32> to vector<16xf32>
      %get3A_903 = arith.index_cast %scan3A_88 : i32 to index
      %get3A_904 = arith.constant 928 : index
      %get3A_905 = tpu.vector_load %arg9[%get3A_903, %get3A_904] {strides = array<i32>} : memref<16x1024xf32, #tpu.memory_space<vmem>>, vector<1x16xf32>,
      %get3A_906 = vector.shape_cast %get3A_905 : vector<1x16xf32> to vector<16xf32>
      %add3A_907 = arith.addf %get3A_902, %get3A_906 : vector<16xf32>
      %swap3A_908 = arith.index_cast %scan3A_88 : i32 to index
      %swap3A_909 = arith.constant 928 : index
      %swap3A_910 = tpu.vector_load %arg8[%swap3A_908, %swap3A_909] {strides = array<i32>} : memref<16x1024xf32, #tpu.memory_space<vmem>>, vector<1x16xf32>,
      %swap3A_911 = vector.shape_cast %swap3A_910 : vector<1x16xf32> to vector<16xf32>
      %swap3A_912 = vector.shape_cast %add3A_907 : vector<16xf32> to vector<1x16xf32>
      tpu.vector_store %arg8[%swap3A_908, %swap3A_909], %swap3A_912 {strides = array<i32>} : memref<16x1024xf32, #tpu.memory_space<vmem>>, vector<1x16xf32>,
      %get3A_913 = arith.index_cast %scan3A_88 : i32 to index
      %get3A_914 = arith.constant 944 : index
      %get3A_915 = tpu.vector_load %arg8[%get3A_913, %get3A_914] {strides = array<i32>} : memref<16x1024xf32, #tpu.memory_space<vmem>>, vector<1x16xf32>,
      %get3A_916 = vector.shape_cast %get3A_915 : vector<1x16xf32> to vector<16xf32>
      %get3A_917 = arith.index_cast %scan3A_88 : i32 to index
      %get3A_918 = arith.constant 944 : index
      %get3A_919 = tpu.vector_load %arg9[%get3A_917, %get3A_918] {strides = array<i32>} : memref<16x1024xf32, #tpu.memory_space<vmem>>, vector<1x16xf32>,
      %get3A_920 = vector.shape_cast %get3A_919 : vector<1x16xf32> to vector<16xf32>
      %add3A_921 = arith.addf %get3A_916, %get3A_920 : vector<16xf32>
      %swap3A_922 = arith.index_cast %scan3A_88 : i32 to index
      %swap3A_923 = arith.constant 944 : index
      %swap3A_924 = tpu.vector_load %arg8[%swap3A_922, %swap3A_923] {strides = array<i32>} : memref<16x1024xf32, #tpu.memory_space<vmem>>, vector<1x16xf32>,
      %swap3A_925 = vector.shape_cast %swap3A_924 : vector<1x16xf32> to vector<16xf32>
      %swap3A_926 = vector.shape_cast %add3A_921 : vector<16xf32> to vector<1x16xf32>
      tpu.vector_store %arg8[%swap3A_922, %swap3A_923], %swap3A_926 {strides = array<i32>} : memref<16x1024xf32, #tpu.memory_space<vmem>>, vector<1x16xf32>,
      %get3A_927 = arith.index_cast %scan3A_88 : i32 to index
      %get3A_928 = arith.constant 960 : index
      %get3A_929 = tpu.vector_load %arg8[%get3A_927, %get3A_928] {strides = array<i32>} : memref<16x1024xf32, #tpu.memory_space<vmem>>, vector<1x16xf32>,
      %get3A_930 = vector.shape_cast %get3A_929 : vector<1x16xf32> to vector<16xf32>
      %get3A_931 = arith.index_cast %scan3A_88 : i32 to index
      %get3A_932 = arith.constant 960 : index
      %get3A_933 = tpu.vector_load %arg9[%get3A_931, %get3A_932] {strides = array<i32>} : memref<16x1024xf32, #tpu.memory_space<vmem>>, vector<1x16xf32>,
      %get3A_934 = vector.shape_cast %get3A_933 : vector<1x16xf32> to vector<16xf32>
      %add3A_935 = arith.addf %get3A_930, %get3A_934 : vector<16xf32>
      %swap3A_936 = arith.index_cast %scan3A_88 : i32 to index
      %swap3A_937 = arith.constant 960 : index
      %swap3A_938 = tpu.vector_load %arg8[%swap3A_936, %swap3A_937] {strides = array<i32>} : memref<16x1024xf32, #tpu.memory_space<vmem>>, vector<1x16xf32>,
      %swap3A_939 = vector.shape_cast %swap3A_938 : vector<1x16xf32> to vector<16xf32>
      %swap3A_940 = vector.shape_cast %add3A_935 : vector<16xf32> to vector<1x16xf32>
      tpu.vector_store %arg8[%swap3A_936, %swap3A_937], %swap3A_940 {strides = array<i32>} : memref<16x1024xf32, #tpu.memory_space<vmem>>, vector<1x16xf32>,
      %get3A_941 = arith.index_cast %scan3A_88 : i32 to index
      %get3A_942 = arith.constant 976 : index
      %get3A_943 = tpu.vector_load %arg8[%get3A_941, %get3A_942] {strides = array<i32>} : memref<16x1024xf32, #tpu.memory_space<vmem>>, vector<1x16xf32>,
      %get3A_944 = vector.shape_cast %get3A_943 : vector<1x16xf32> to vector<16xf32>
      %get3A_945 = arith.index_cast %scan3A_88 : i32 to index
      %get3A_946 = arith.constant 976 : index
      %get3A_947 = tpu.vector_load %arg9[%get3A_945, %get3A_946] {strides = array<i32>} : memref<16x1024xf32, #tpu.memory_space<vmem>>, vector<1x16xf32>,
      %get3A_948 = vector.shape_cast %get3A_947 : vector<1x16xf32> to vector<16xf32>
      %add3A_949 = arith.addf %get3A_944, %get3A_948 : vector<16xf32>
      %swap3A_950 = arith.index_cast %scan3A_88 : i32 to index
      %swap3A_951 = arith.constant 976 : index
      %swap3A_952 = tpu.vector_load %arg8[%swap3A_950, %swap3A_951] {strides = array<i32>} : memref<16x1024xf32, #tpu.memory_space<vmem>>, vector<1x16xf32>,
      %swap3A_953 = vector.shape_cast %swap3A_952 : vector<1x16xf32> to vector<16xf32>
      %swap3A_954 = vector.shape_cast %add3A_949 : vector<16xf32> to vector<1x16xf32>
      tpu.vector_store %arg8[%swap3A_950, %swap3A_951], %swap3A_954 {strides = array<i32>} : memref<16x1024xf32, #tpu.memory_space<vmem>>, vector<1x16xf32>,
      %get3A_955 = arith.index_cast %scan3A_88 : i32 to index
      %get3A_956 = arith.constant 992 : index
      %get3A_957 = tpu.vector_load %arg8[%get3A_955, %get3A_956] {strides = array<i32>} : memref<16x1024xf32, #tpu.memory_space<vmem>>, vector<1x16xf32>,
      %get3A_958 = vector.shape_cast %get3A_957 : vector<1x16xf32> to vector<16xf32>
      %get3A_959 = arith.index_cast %scan3A_88 : i32 to index
      %get3A_960 = arith.constant 992 : index
      %get3A_961 = tpu.vector_load %arg9[%get3A_959, %get3A_960] {strides = array<i32>} : memref<16x1024xf32, #tpu.memory_space<vmem>>, vector<1x16xf32>,
      %get3A_962 = vector.shape_cast %get3A_961 : vector<1x16xf32> to vector<16xf32>
      %add3A_963 = arith.addf %get3A_958, %get3A_962 : vector<16xf32>
      %swap3A_964 = arith.index_cast %scan3A_88 : i32 to index
      %swap3A_965 = arith.constant 992 : index
      %swap3A_966 = tpu.vector_load %arg8[%swap3A_964, %swap3A_965] {strides = array<i32>} : memref<16x1024xf32, #tpu.memory_space<vmem>>, vector<1x16xf32>,
      %swap3A_967 = vector.shape_cast %swap3A_966 : vector<1x16xf32> to vector<16xf32>
      %swap3A_968 = vector.shape_cast %add3A_963 : vector<16xf32> to vector<1x16xf32>
      tpu.vector_store %arg8[%swap3A_964, %swap3A_965], %swap3A_968 {strides = array<i32>} : memref<16x1024xf32, #tpu.memory_space<vmem>>, vector<1x16xf32>,
      %get3A_969 = arith.index_cast %scan3A_88 : i32 to index
      %get3A_970 = arith.constant 1008 : index
      %get3A_971 = tpu.vector_load %arg8[%get3A_969, %get3A_970] {strides = array<i32>} : memref<16x1024xf32, #tpu.memory_space<vmem>>, vector<1x16xf32>,
      %get3A_972 = vector.shape_cast %get3A_971 : vector<1x16xf32> to vector<16xf32>
      %get3A_973 = arith.index_cast %scan3A_88 : i32 to index
      %get3A_974 = arith.constant 1008 : index
      %get3A_975 = tpu.vector_load %arg9[%get3A_973, %get3A_974] {strides = array<i32>} : memref<16x1024xf32, #tpu.memory_space<vmem>>, vector<1x16xf32>,
      %get3A_976 = vector.shape_cast %get3A_975 : vector<1x16xf32> to vector<16xf32>
      %add3A_977 = arith.addf %get3A_972, %get3A_976 : vector<16xf32>
      %swap3A_978 = arith.index_cast %scan3A_88 : i32 to index
      %swap3A_979 = arith.constant 1008 : index
      %swap3A_980 = tpu.vector_load %arg8[%swap3A_978, %swap3A_979] {strides = array<i32>} : memref<16x1024xf32, #tpu.memory_space<vmem>>, vector<1x16xf32>,
      %swap3A_981 = vector.shape_cast %swap3A_980 : vector<1x16xf32> to vector<16xf32>
      %swap3A_982 = vector.shape_cast %add3A_977 : vector<16xf32> to vector<1x16xf32>
      tpu.vector_store %arg8[%swap3A_978, %swap3A_979], %swap3A_982 {strides = array<i32>} : memref<16x1024xf32, #tpu.memory_space<vmem>>, vector<1x16xf32>,
    }
    %scan3A_49 = arith.constant 16 : i32
    %add3A_50 = arith.constant 16 : i32
    %add3A_51 = arith.addi %mul3A_2, %add3A_50 : i32
    "tpu.region"() ({
      %run_scoped3A = tpu.sem_alloc : memref<!tpu.dma_semaphore, #tpu.memory_space<semaphore_mem>>
      %dma_start3A_88 = arith.constant 0 : i32
      %dma_start3A_89 = tpu.memref_slice %arg5[%add3A_51, %dma_start3A_88] : memref<2048x1024xf32, #tpu.memory_space<hbm>> -> memref<16x1024xf32, #tpu.memory_space<hbm>>
      %dma_start3A_90 = arith.constant 0 : i32
      %dma_start3A_91 = tpu.memref_slice %arg5[%add3A_51, %dma_start3A_90] : memref<2048x1024xf32, #tpu.memory_space<hbm>> -> memref<16x1024xf32, #tpu.memory_space<hbm>>
      tpu.enqueue_dma source(%arg8 : memref<16x1024xf32, #tpu.memory_space<vmem>>) target(%dma_start3A_91 : memref<16x1024xf32, #tpu.memory_space<hbm>>) target_semaphore(%run_scoped3A : memref<!tpu.dma_semaphore, #tpu.memory_space<semaphore_mem>>)
      %dma_wait3A_92 = arith.constant 0 : i32
      %dma_wait3A_93 = tpu.memref_slice %arg5[%add3A_51, %dma_wait3A_92] : memref<2048x1024xf32, #tpu.memory_space<hbm>> -> memref<16x1024xf32, #tpu.memory_space<hbm>>
      %dma_wait3A_94 = arith.constant 0 : i32
      %dma_wait3A_95 = tpu.memref_slice %arg5[%add3A_51, %dma_wait3A_94] : memref<2048x1024xf32, #tpu.memory_space<hbm>> -> memref<16x1024xf32, #tpu.memory_space<hbm>>
      tpu.wait_dma2 semaphore(%run_scoped3A : memref<!tpu.dma_semaphore, #tpu.memory_space<semaphore_mem>>) src(%arg8 : memref<16x1024xf32, #tpu.memory_space<vmem>>) dst(%dma_wait3A_95 : memref<16x1024xf32, #tpu.memory_space<hbm>>)
      tpu.yield
    }) : () -> ()
    %add3A_52 = arith.constant 48 : i32
    %add3A_53 = arith.addi %mul3A_2, %add3A_52 : i32
    "tpu.region"() ({
      %run_scoped3A = tpu.sem_alloc : memref<!tpu.dma_semaphore, #tpu.memory_space<semaphore_mem>>
      %dma_start3A_88 = tpu.memref_slice %arg3[%add3A_53] : memref<2048xi32, #tpu.memory_space<hbm>> -> memref<16xi32, #tpu.memory_space<hbm>>
      %dma_start3A_89 = tpu.memref_slice %arg3[%add3A_53] : memref<2048xi32, #tpu.memory_space<hbm>> -> memref<16xi32, #tpu.memory_space<hbm>>
      tpu.enqueue_dma source(%dma_start3A_89 : memref<16xi32, #tpu.memory_space<hbm>>) target(%arg12 : memref<16xi32, #tpu.memory_space<vmem>>) target_semaphore(%run_scoped3A : memref<!tpu.dma_semaphore, #tpu.memory_space<semaphore_mem>>)
      %dma_wait3A_90 = tpu.memref_slice %arg3[%add3A_53] : memref<2048xi32, #tpu.memory_space<hbm>> -> memref<16xi32, #tpu.memory_space<hbm>>
      %dma_wait3A_91 = tpu.memref_slice %arg3[%add3A_53] : memref<2048xi32, #tpu.memory_space<hbm>> -> memref<16xi32, #tpu.memory_space<hbm>>
      tpu.wait_dma2 semaphore(%run_scoped3A : memref<!tpu.dma_semaphore, #tpu.memory_space<semaphore_mem>>) src(%dma_wait3A_91 : memref<16xi32, #tpu.memory_space<hbm>>) dst(%arg12 : memref<16xi32, #tpu.memory_space<vmem>>)
      tpu.yield
    }) : () -> ()
    "tpu.region"() ({
      %run_scoped3A = tpu.sem_alloc : memref<!tpu.dma_semaphore, #tpu.memory_space<semaphore_mem>>
      %dma_start3A_88 = tpu.memref_slice %arg4[%add3A_53] : memref<2048xi32, #tpu.memory_space<hbm>> -> memref<16xi32, #tpu.memory_space<hbm>>
      %dma_start3A_89 = tpu.memref_slice %arg4[%add3A_53] : memref<2048xi32, #tpu.memory_space<hbm>> -> memref<16xi32, #tpu.memory_space<hbm>>
      tpu.enqueue_dma source(%dma_start3A_89 : memref<16xi32, #tpu.memory_space<hbm>>) target(%arg13 : memref<16xi32, #tpu.memory_space<vmem>>) target_semaphore(%run_scoped3A : memref<!tpu.dma_semaphore, #tpu.memory_space<semaphore_mem>>)
      %dma_wait3A_90 = tpu.memref_slice %arg4[%add3A_53] : memref<2048xi32, #tpu.memory_space<hbm>> -> memref<16xi32, #tpu.memory_space<hbm>>
      %dma_wait3A_91 = tpu.memref_slice %arg4[%add3A_53] : memref<2048xi32, #tpu.memory_space<hbm>> -> memref<16xi32, #tpu.memory_space<hbm>>
      tpu.wait_dma2 semaphore(%run_scoped3A : memref<!tpu.dma_semaphore, #tpu.memory_space<semaphore_mem>>) src(%dma_wait3A_91 : memref<16xi32, #tpu.memory_space<hbm>>) dst(%arg13 : memref<16xi32, #tpu.memory_space<vmem>>)
      tpu.yield
    }) : () -> ()
    %dma_start3A_54 = arith.constant 0 : i32
    %dma_start3A_55 = arith.constant 0 : i32
    %dma_start3A_56 = tpu.memref_slice %arg2[%dma_start3A_54, %dma_start3A_55] : memref<5120x1024xf32, #tpu.memory_space<hbm>> -> memref<5120x1024xf32, #tpu.memory_space<hbm>>
    tpu.enqueue_indirect_dma source(%dma_start3A_56 : memref<5120x1024xf32, #tpu.memory_space<hbm>>) target(%arg8 : memref<16x1024xf32, #tpu.memory_space<vmem>>) offsets(%arg12 : memref<16xi32, #tpu.memory_space<vmem>>) semaphore(%arg15 : memref<!tpu.dma_semaphore, #tpu.memory_space<semaphore_mem>>)
    %dma_start3A_57 = arith.constant 0 : i32
    %dma_start3A_58 = arith.constant 0 : i32
    %dma_start3A_59 = tpu.memref_slice %arg2[%dma_start3A_57, %dma_start3A_58] : memref<5120x1024xf32, #tpu.memory_space<hbm>> -> memref<5120x1024xf32, #tpu.memory_space<hbm>>
    tpu.enqueue_indirect_dma source(%dma_start3A_59 : memref<5120x1024xf32, #tpu.memory_space<hbm>>) target(%arg9 : memref<16x1024xf32, #tpu.memory_space<vmem>>) offsets(%arg13 : memref<16xi32, #tpu.memory_space<vmem>>) semaphore(%arg15 : memref<!tpu.dma_semaphore, #tpu.memory_space<semaphore_mem>>)
    %dma_wait3A_60 = arith.constant 0 : i32
    %dma_wait3A_61 = arith.constant 0 : i32
    %dma_wait3A_62 = tpu.memref_slice %arg2[%dma_wait3A_60, %dma_wait3A_61] : memref<5120x1024xf32, #tpu.memory_space<hbm>> -> memref<5120x1024xf32, #tpu.memory_space<hbm>>
    tpu.wait_indirect_dma semaphore(%arg14 : memref<!tpu.dma_semaphore, #tpu.memory_space<semaphore_mem>>) src(%dma_wait3A_62 : memref<5120x1024xf32, #tpu.memory_space<hbm>>) dst(%arg6 : memref<16x1024xf32, #tpu.memory_space<vmem>>)
    %dma_wait3A_63 = arith.constant 0 : i32
    %dma_wait3A_64 = arith.constant 0 : i32
    %dma_wait3A_65 = tpu.memref_slice %arg2[%dma_wait3A_63, %dma_wait3A_64] : memref<5120x1024xf32, #tpu.memory_space<hbm>> -> memref<5120x1024xf32, #tpu.memory_space<hbm>>
    tpu.wait_indirect_dma semaphore(%arg14 : memref<!tpu.dma_semaphore, #tpu.memory_space<semaphore_mem>>) src(%dma_wait3A_65 : memref<5120x1024xf32, #tpu.memory_space<hbm>>) dst(%arg7 : memref<16x1024xf32, #tpu.memory_space<vmem>>)
    %scan3A_66 = arith.constant 0 : i32
    %scan3A_67 = arith.constant 0 : i32
    %scan3A_68 = arith.constant 16 : i32
    %scan3A_69 = arith.addi %scan3A_67, %scan3A_68 : i32
    %scan3A_70 = arith.constant 1 : i32
    scf.for %scan3A_88 = %scan3A_67 to %scan3A_69 step %scan3A_70  : i32 {
      %get3A = arith.index_cast %scan3A_88 : i32 to index
      %get3A_89 = arith.constant 0 : index
      %get3A_90 = tpu.vector_load %arg6[%get3A, %get3A_89] {strides = array<i32>} : memref<16x1024xf32, #tpu.memory_space<vmem>>, vector<1x16xf32>,
      %get3A_91 = vector.shape_cast %get3A_90 : vector<1x16xf32> to vector<16xf32>
      %get3A_92 = arith.index_cast %scan3A_88 : i32 to index
      %get3A_93 = arith.constant 0 : index
      %get3A_94 = tpu.vector_load %arg7[%get3A_92, %get3A_93] {strides = array<i32>} : memref<16x1024xf32, #tpu.memory_space<vmem>>, vector<1x16xf32>,
      %get3A_95 = vector.shape_cast %get3A_94 : vector<1x16xf32> to vector<16xf32>
      %add3A_96 = arith.addf %get3A_91, %get3A_95 : vector<16xf32>
      %swap3A = arith.index_cast %scan3A_88 : i32 to index
      %swap3A_97 = arith.constant 0 : index
      %swap3A_98 = tpu.vector_load %arg6[%swap3A, %swap3A_97] {strides = array<i32>} : memref<16x1024xf32, #tpu.memory_space<vmem>>, vector<1x16xf32>,
      %swap3A_99 = vector.shape_cast %swap3A_98 : vector<1x16xf32> to vector<16xf32>
      %swap3A_100 = vector.shape_cast %add3A_96 : vector<16xf32> to vector<1x16xf32>
      tpu.vector_store %arg6[%swap3A, %swap3A_97], %swap3A_100 {strides = array<i32>} : memref<16x1024xf32, #tpu.memory_space<vmem>>, vector<1x16xf32>,
      %get3A_101 = arith.index_cast %scan3A_88 : i32 to index
      %get3A_102 = arith.constant 16 : index
      %get3A_103 = tpu.vector_load %arg6[%get3A_101, %get3A_102] {strides = array<i32>} : memref<16x1024xf32, #tpu.memory_space<vmem>>, vector<1x16xf32>,
      %get3A_104 = vector.shape_cast %get3A_103 : vector<1x16xf32> to vector<16xf32>
      %get3A_105 = arith.index_cast %scan3A_88 : i32 to index
      %get3A_106 = arith.constant 16 : index
      %get3A_107 = tpu.vector_load %arg7[%get3A_105, %get3A_106] {strides = array<i32>} : memref<16x1024xf32, #tpu.memory_space<vmem>>, vector<1x16xf32>,
      %get3A_108 = vector.shape_cast %get3A_107 : vector<1x16xf32> to vector<16xf32>
      %add3A_109 = arith.addf %get3A_104, %get3A_108 : vector<16xf32>
      %swap3A_110 = arith.index_cast %scan3A_88 : i32 to index
      %swap3A_111 = arith.constant 16 : index
      %swap3A_112 = tpu.vector_load %arg6[%swap3A_110, %swap3A_111] {strides = array<i32>} : memref<16x1024xf32, #tpu.memory_space<vmem>>, vector<1x16xf32>,
      %swap3A_113 = vector.shape_cast %swap3A_112 : vector<1x16xf32> to vector<16xf32>
      %swap3A_114 = vector.shape_cast %add3A_109 : vector<16xf32> to vector<1x16xf32>
      tpu.vector_store %arg6[%swap3A_110, %swap3A_111], %swap3A_114 {strides = array<i32>} : memref<16x1024xf32, #tpu.memory_space<vmem>>, vector<1x16xf32>,
      %get3A_115 = arith.index_cast %scan3A_88 : i32 to index
      %get3A_116 = arith.constant 32 : index
      %get3A_117 = tpu.vector_load %arg6[%get3A_115, %get3A_116] {strides = array<i32>} : memref<16x1024xf32, #tpu.memory_space<vmem>>, vector<1x16xf32>,
      %get3A_118 = vector.shape_cast %get3A_117 : vector<1x16xf32> to vector<16xf32>
      %get3A_119 = arith.index_cast %scan3A_88 : i32 to index
      %get3A_120 = arith.constant 32 : index
      %get3A_121 = tpu.vector_load %arg7[%get3A_119, %get3A_120] {strides = array<i32>} : memref<16x1024xf32, #tpu.memory_space<vmem>>, vector<1x16xf32>,
      %get3A_122 = vector.shape_cast %get3A_121 : vector<1x16xf32> to vector<16xf32>
      %add3A_123 = arith.addf %get3A_118, %get3A_122 : vector<16xf32>
      %swap3A_124 = arith.index_cast %scan3A_88 : i32 to index
      %swap3A_125 = arith.constant 32 : index
      %swap3A_126 = tpu.vector_load %arg6[%swap3A_124, %swap3A_125] {strides = array<i32>} : memref<16x1024xf32, #tpu.memory_space<vmem>>, vector<1x16xf32>,
      %swap3A_127 = vector.shape_cast %swap3A_126 : vector<1x16xf32> to vector<16xf32>
      %swap3A_128 = vector.shape_cast %add3A_123 : vector<16xf32> to vector<1x16xf32>
      tpu.vector_store %arg6[%swap3A_124, %swap3A_125], %swap3A_128 {strides = array<i32>} : memref<16x1024xf32, #tpu.memory_space<vmem>>, vector<1x16xf32>,
      %get3A_129 = arith.index_cast %scan3A_88 : i32 to index
      %get3A_130 = arith.constant 48 : index
      %get3A_131 = tpu.vector_load %arg6[%get3A_129, %get3A_130] {strides = array<i32>} : memref<16x1024xf32, #tpu.memory_space<vmem>>, vector<1x16xf32>,
      %get3A_132 = vector.shape_cast %get3A_131 : vector<1x16xf32> to vector<16xf32>
      %get3A_133 = arith.index_cast %scan3A_88 : i32 to index
      %get3A_134 = arith.constant 48 : index
      %get3A_135 = tpu.vector_load %arg7[%get3A_133, %get3A_134] {strides = array<i32>} : memref<16x1024xf32, #tpu.memory_space<vmem>>, vector<1x16xf32>,
      %get3A_136 = vector.shape_cast %get3A_135 : vector<1x16xf32> to vector<16xf32>
      %add3A_137 = arith.addf %get3A_132, %get3A_136 : vector<16xf32>
      %swap3A_138 = arith.index_cast %scan3A_88 : i32 to index
      %swap3A_139 = arith.constant 48 : index
      %swap3A_140 = tpu.vector_load %arg6[%swap3A_138, %swap3A_139] {strides = array<i32>} : memref<16x1024xf32, #tpu.memory_space<vmem>>, vector<1x16xf32>,
      %swap3A_141 = vector.shape_cast %swap3A_140 : vector<1x16xf32> to vector<16xf32>
      %swap3A_142 = vector.shape_cast %add3A_137 : vector<16xf32> to vector<1x16xf32>
      tpu.vector_store %arg6[%swap3A_138, %swap3A_139], %swap3A_142 {strides = array<i32>} : memref<16x1024xf32, #tpu.memory_space<vmem>>, vector<1x16xf32>,
      %get3A_143 = arith.index_cast %scan3A_88 : i32 to index
      %get3A_144 = arith.constant 64 : index
      %get3A_145 = tpu.vector_load %arg6[%get3A_143, %get3A_144] {strides = array<i32>} : memref<16x1024xf32, #tpu.memory_space<vmem>>, vector<1x16xf32>,
      %get3A_146 = vector.shape_cast %get3A_145 : vector<1x16xf32> to vector<16xf32>
      %get3A_147 = arith.index_cast %scan3A_88 : i32 to index
      %get3A_148 = arith.constant 64 : index
      %get3A_149 = tpu.vector_load %arg7[%get3A_147, %get3A_148] {strides = array<i32>} : memref<16x1024xf32, #tpu.memory_space<vmem>>, vector<1x16xf32>,
      %get3A_150 = vector.shape_cast %get3A_149 : vector<1x16xf32> to vector<16xf32>
      %add3A_151 = arith.addf %get3A_146, %get3A_150 : vector<16xf32>
      %swap3A_152 = arith.index_cast %scan3A_88 : i32 to index
      %swap3A_153 = arith.constant 64 : index
      %swap3A_154 = tpu.vector_load %arg6[%swap3A_152, %swap3A_153] {strides = array<i32>} : memref<16x1024xf32, #tpu.memory_space<vmem>>, vector<1x16xf32>,
      %swap3A_155 = vector.shape_cast %swap3A_154 : vector<1x16xf32> to vector<16xf32>
      %swap3A_156 = vector.shape_cast %add3A_151 : vector<16xf32> to vector<1x16xf32>
      tpu.vector_store %arg6[%swap3A_152, %swap3A_153], %swap3A_156 {strides = array<i32>} : memref<16x1024xf32, #tpu.memory_space<vmem>>, vector<1x16xf32>,
      %get3A_157 = arith.index_cast %scan3A_88 : i32 to index
      %get3A_158 = arith.constant 80 : index
      %get3A_159 = tpu.vector_load %arg6[%get3A_157, %get3A_158] {strides = array<i32>} : memref<16x1024xf32, #tpu.memory_space<vmem>>, vector<1x16xf32>,
      %get3A_160 = vector.shape_cast %get3A_159 : vector<1x16xf32> to vector<16xf32>
      %get3A_161 = arith.index_cast %scan3A_88 : i32 to index
      %get3A_162 = arith.constant 80 : index
      %get3A_163 = tpu.vector_load %arg7[%get3A_161, %get3A_162] {strides = array<i32>} : memref<16x1024xf32, #tpu.memory_space<vmem>>, vector<1x16xf32>,
      %get3A_164 = vector.shape_cast %get3A_163 : vector<1x16xf32> to vector<16xf32>
      %add3A_165 = arith.addf %get3A_160, %get3A_164 : vector<16xf32>
      %swap3A_166 = arith.index_cast %scan3A_88 : i32 to index
      %swap3A_167 = arith.constant 80 : index
      %swap3A_168 = tpu.vector_load %arg6[%swap3A_166, %swap3A_167] {strides = array<i32>} : memref<16x1024xf32, #tpu.memory_space<vmem>>, vector<1x16xf32>,
      %swap3A_169 = vector.shape_cast %swap3A_168 : vector<1x16xf32> to vector<16xf32>
      %swap3A_170 = vector.shape_cast %add3A_165 : vector<16xf32> to vector<1x16xf32>
      tpu.vector_store %arg6[%swap3A_166, %swap3A_167], %swap3A_170 {strides = array<i32>} : memref<16x1024xf32, #tpu.memory_space<vmem>>, vector<1x16xf32>,
      %get3A_171 = arith.index_cast %scan3A_88 : i32 to index
      %get3A_172 = arith.constant 96 : index
      %get3A_173 = tpu.vector_load %arg6[%get3A_171, %get3A_172] {strides = array<i32>} : memref<16x1024xf32, #tpu.memory_space<vmem>>, vector<1x16xf32>,
      %get3A_174 = vector.shape_cast %get3A_173 : vector<1x16xf32> to vector<16xf32>
      %get3A_175 = arith.index_cast %scan3A_88 : i32 to index
      %get3A_176 = arith.constant 96 : index
      %get3A_177 = tpu.vector_load %arg7[%get3A_175, %get3A_176] {strides = array<i32>} : memref<16x1024xf32, #tpu.memory_space<vmem>>, vector<1x16xf32>,
      %get3A_178 = vector.shape_cast %get3A_177 : vector<1x16xf32> to vector<16xf32>
      %add3A_179 = arith.addf %get3A_174, %get3A_178 : vector<16xf32>
      %swap3A_180 = arith.index_cast %scan3A_88 : i32 to index
      %swap3A_181 = arith.constant 96 : index
      %swap3A_182 = tpu.vector_load %arg6[%swap3A_180, %swap3A_181] {strides = array<i32>} : memref<16x1024xf32, #tpu.memory_space<vmem>>, vector<1x16xf32>,
      %swap3A_183 = vector.shape_cast %swap3A_182 : vector<1x16xf32> to vector<16xf32>
      %swap3A_184 = vector.shape_cast %add3A_179 : vector<16xf32> to vector<1x16xf32>
      tpu.vector_store %arg6[%swap3A_180, %swap3A_181], %swap3A_184 {strides = array<i32>} : memref<16x1024xf32, #tpu.memory_space<vmem>>, vector<1x16xf32>,
      %get3A_185 = arith.index_cast %scan3A_88 : i32 to index
      %get3A_186 = arith.constant 112 : index
      %get3A_187 = tpu.vector_load %arg6[%get3A_185, %get3A_186] {strides = array<i32>} : memref<16x1024xf32, #tpu.memory_space<vmem>>, vector<1x16xf32>,
      %get3A_188 = vector.shape_cast %get3A_187 : vector<1x16xf32> to vector<16xf32>
      %get3A_189 = arith.index_cast %scan3A_88 : i32 to index
      %get3A_190 = arith.constant 112 : index
      %get3A_191 = tpu.vector_load %arg7[%get3A_189, %get3A_190] {strides = array<i32>} : memref<16x1024xf32, #tpu.memory_space<vmem>>, vector<1x16xf32>,
      %get3A_192 = vector.shape_cast %get3A_191 : vector<1x16xf32> to vector<16xf32>
      %add3A_193 = arith.addf %get3A_188, %get3A_192 : vector<16xf32>
      %swap3A_194 = arith.index_cast %scan3A_88 : i32 to index
      %swap3A_195 = arith.constant 112 : index
      %swap3A_196 = tpu.vector_load %arg6[%swap3A_194, %swap3A_195] {strides = array<i32>} : memref<16x1024xf32, #tpu.memory_space<vmem>>, vector<1x16xf32>,
      %swap3A_197 = vector.shape_cast %swap3A_196 : vector<1x16xf32> to vector<16xf32>
      %swap3A_198 = vector.shape_cast %add3A_193 : vector<16xf32> to vector<1x16xf32>
      tpu.vector_store %arg6[%swap3A_194, %swap3A_195], %swap3A_198 {strides = array<i32>} : memref<16x1024xf32, #tpu.memory_space<vmem>>, vector<1x16xf32>,
      %get3A_199 = arith.index_cast %scan3A_88 : i32 to index
      %get3A_200 = arith.constant 128 : index
      %get3A_201 = tpu.vector_load %arg6[%get3A_199, %get3A_200] {strides = array<i32>} : memref<16x1024xf32, #tpu.memory_space<vmem>>, vector<1x16xf32>,
      %get3A_202 = vector.shape_cast %get3A_201 : vector<1x16xf32> to vector<16xf32>
      %get3A_203 = arith.index_cast %scan3A_88 : i32 to index
      %get3A_204 = arith.constant 128 : index
      %get3A_205 = tpu.vector_load %arg7[%get3A_203, %get3A_204] {strides = array<i32>} : memref<16x1024xf32, #tpu.memory_space<vmem>>, vector<1x16xf32>,
      %get3A_206 = vector.shape_cast %get3A_205 : vector<1x16xf32> to vector<16xf32>
      %add3A_207 = arith.addf %get3A_202, %get3A_206 : vector<16xf32>
      %swap3A_208 = arith.index_cast %scan3A_88 : i32 to index
      %swap3A_209 = arith.constant 128 : index
      %swap3A_210 = tpu.vector_load %arg6[%swap3A_208, %swap3A_209] {strides = array<i32>} : memref<16x1024xf32, #tpu.memory_space<vmem>>, vector<1x16xf32>,
      %swap3A_211 = vector.shape_cast %swap3A_210 : vector<1x16xf32> to vector<16xf32>
      %swap3A_212 = vector.shape_cast %add3A_207 : vector<16xf32> to vector<1x16xf32>
      tpu.vector_store %arg6[%swap3A_208, %swap3A_209], %swap3A_212 {strides = array<i32>} : memref<16x1024xf32, #tpu.memory_space<vmem>>, vector<1x16xf32>,
      %get3A_213 = arith.index_cast %scan3A_88 : i32 to index
      %get3A_214 = arith.constant 144 : index
      %get3A_215 = tpu.vector_load %arg6[%get3A_213, %get3A_214] {strides = array<i32>} : memref<16x1024xf32, #tpu.memory_space<vmem>>, vector<1x16xf32>,
      %get3A_216 = vector.shape_cast %get3A_215 : vector<1x16xf32> to vector<16xf32>
      %get3A_217 = arith.index_cast %scan3A_88 : i32 to index
      %get3A_218 = arith.constant 144 : index
      %get3A_219 = tpu.vector_load %arg7[%get3A_217, %get3A_218] {strides = array<i32>} : memref<16x1024xf32, #tpu.memory_space<vmem>>, vector<1x16xf32>,
      %get3A_220 = vector.shape_cast %get3A_219 : vector<1x16xf32> to vector<16xf32>
      %add3A_221 = arith.addf %get3A_216, %get3A_220 : vector<16xf32>
      %swap3A_222 = arith.index_cast %scan3A_88 : i32 to index
      %swap3A_223 = arith.constant 144 : index
      %swap3A_224 = tpu.vector_load %arg6[%swap3A_222, %swap3A_223] {strides = array<i32>} : memref<16x1024xf32, #tpu.memory_space<vmem>>, vector<1x16xf32>,
      %swap3A_225 = vector.shape_cast %swap3A_224 : vector<1x16xf32> to vector<16xf32>
      %swap3A_226 = vector.shape_cast %add3A_221 : vector<16xf32> to vector<1x16xf32>
      tpu.vector_store %arg6[%swap3A_222, %swap3A_223], %swap3A_226 {strides = array<i32>} : memref<16x1024xf32, #tpu.memory_space<vmem>>, vector<1x16xf32>,
      %get3A_227 = arith.index_cast %scan3A_88 : i32 to index
      %get3A_228 = arith.constant 160 : index
      %get3A_229 = tpu.vector_load %arg6[%get3A_227, %get3A_228] {strides = array<i32>} : memref<16x1024xf32, #tpu.memory_space<vmem>>, vector<1x16xf32>,
      %get3A_230 = vector.shape_cast %get3A_229 : vector<1x16xf32> to vector<16xf32>
      %get3A_231 = arith.index_cast %scan3A_88 : i32 to index
      %get3A_232 = arith.constant 160 : index
      %get3A_233 = tpu.vector_load %arg7[%get3A_231, %get3A_232] {strides = array<i32>} : memref<16x1024xf32, #tpu.memory_space<vmem>>, vector<1x16xf32>,
      %get3A_234 = vector.shape_cast %get3A_233 : vector<1x16xf32> to vector<16xf32>
      %add3A_235 = arith.addf %get3A_230, %get3A_234 : vector<16xf32>
      %swap3A_236 = arith.index_cast %scan3A_88 : i32 to index
      %swap3A_237 = arith.constant 160 : index
      %swap3A_238 = tpu.vector_load %arg6[%swap3A_236, %swap3A_237] {strides = array<i32>} : memref<16x1024xf32, #tpu.memory_space<vmem>>, vector<1x16xf32>,
      %swap3A_239 = vector.shape_cast %swap3A_238 : vector<1x16xf32> to vector<16xf32>
      %swap3A_240 = vector.shape_cast %add3A_235 : vector<16xf32> to vector<1x16xf32>
      tpu.vector_store %arg6[%swap3A_236, %swap3A_237], %swap3A_240 {strides = array<i32>} : memref<16x1024xf32, #tpu.memory_space<vmem>>, vector<1x16xf32>,
      %get3A_241 = arith.index_cast %scan3A_88 : i32 to index
      %get3A_242 = arith.constant 176 : index
      %get3A_243 = tpu.vector_load %arg6[%get3A_241, %get3A_242] {strides = array<i32>} : memref<16x1024xf32, #tpu.memory_space<vmem>>, vector<1x16xf32>,
      %get3A_244 = vector.shape_cast %get3A_243 : vector<1x16xf32> to vector<16xf32>
      %get3A_245 = arith.index_cast %scan3A_88 : i32 to index
      %get3A_246 = arith.constant 176 : index
      %get3A_247 = tpu.vector_load %arg7[%get3A_245, %get3A_246] {strides = array<i32>} : memref<16x1024xf32, #tpu.memory_space<vmem>>, vector<1x16xf32>,
      %get3A_248 = vector.shape_cast %get3A_247 : vector<1x16xf32> to vector<16xf32>
      %add3A_249 = arith.addf %get3A_244, %get3A_248 : vector<16xf32>
      %swap3A_250 = arith.index_cast %scan3A_88 : i32 to index
      %swap3A_251 = arith.constant 176 : index
      %swap3A_252 = tpu.vector_load %arg6[%swap3A_250, %swap3A_251] {strides = array<i32>} : memref<16x1024xf32, #tpu.memory_space<vmem>>, vector<1x16xf32>,
      %swap3A_253 = vector.shape_cast %swap3A_252 : vector<1x16xf32> to vector<16xf32>
      %swap3A_254 = vector.shape_cast %add3A_249 : vector<16xf32> to vector<1x16xf32>
      tpu.vector_store %arg6[%swap3A_250, %swap3A_251], %swap3A_254 {strides = array<i32>} : memref<16x1024xf32, #tpu.memory_space<vmem>>, vector<1x16xf32>,
      %get3A_255 = arith.index_cast %scan3A_88 : i32 to index
      %get3A_256 = arith.constant 192 : index
      %get3A_257 = tpu.vector_load %arg6[%get3A_255, %get3A_256] {strides = array<i32>} : memref<16x1024xf32, #tpu.memory_space<vmem>>, vector<1x16xf32>,
      %get3A_258 = vector.shape_cast %get3A_257 : vector<1x16xf32> to vector<16xf32>
      %get3A_259 = arith.index_cast %scan3A_88 : i32 to index
      %get3A_260 = arith.constant 192 : index
      %get3A_261 = tpu.vector_load %arg7[%get3A_259, %get3A_260] {strides = array<i32>} : memref<16x1024xf32, #tpu.memory_space<vmem>>, vector<1x16xf32>,
      %get3A_262 = vector.shape_cast %get3A_261 : vector<1x16xf32> to vector<16xf32>
      %add3A_263 = arith.addf %get3A_258, %get3A_262 : vector<16xf32>
      %swap3A_264 = arith.index_cast %scan3A_88 : i32 to index
      %swap3A_265 = arith.constant 192 : index
      %swap3A_266 = tpu.vector_load %arg6[%swap3A_264, %swap3A_265] {strides = array<i32>} : memref<16x1024xf32, #tpu.memory_space<vmem>>, vector<1x16xf32>,
      %swap3A_267 = vector.shape_cast %swap3A_266 : vector<1x16xf32> to vector<16xf32>
      %swap3A_268 = vector.shape_cast %add3A_263 : vector<16xf32> to vector<1x16xf32>
      tpu.vector_store %arg6[%swap3A_264, %swap3A_265], %swap3A_268 {strides = array<i32>} : memref<16x1024xf32, #tpu.memory_space<vmem>>, vector<1x16xf32>,
      %get3A_269 = arith.index_cast %scan3A_88 : i32 to index
      %get3A_270 = arith.constant 208 : index
      %get3A_271 = tpu.vector_load %arg6[%get3A_269, %get3A_270] {strides = array<i32>} : memref<16x1024xf32, #tpu.memory_space<vmem>>, vector<1x16xf32>,
      %get3A_272 = vector.shape_cast %get3A_271 : vector<1x16xf32> to vector<16xf32>
      %get3A_273 = arith.index_cast %scan3A_88 : i32 to index
      %get3A_274 = arith.constant 208 : index
      %get3A_275 = tpu.vector_load %arg7[%get3A_273, %get3A_274] {strides = array<i32>} : memref<16x1024xf32, #tpu.memory_space<vmem>>, vector<1x16xf32>,
      %get3A_276 = vector.shape_cast %get3A_275 : vector<1x16xf32> to vector<16xf32>
      %add3A_277 = arith.addf %get3A_272, %get3A_276 : vector<16xf32>
      %swap3A_278 = arith.index_cast %scan3A_88 : i32 to index
      %swap3A_279 = arith.constant 208 : index
      %swap3A_280 = tpu.vector_load %arg6[%swap3A_278, %swap3A_279] {strides = array<i32>} : memref<16x1024xf32, #tpu.memory_space<vmem>>, vector<1x16xf32>,
      %swap3A_281 = vector.shape_cast %swap3A_280 : vector<1x16xf32> to vector<16xf32>
      %swap3A_282 = vector.shape_cast %add3A_277 : vector<16xf32> to vector<1x16xf32>
      tpu.vector_store %arg6[%swap3A_278, %swap3A_279], %swap3A_282 {strides = array<i32>} : memref<16x1024xf32, #tpu.memory_space<vmem>>, vector<1x16xf32>,
      %get3A_283 = arith.index_cast %scan3A_88 : i32 to index
      %get3A_284 = arith.constant 224 : index
      %get3A_285 = tpu.vector_load %arg6[%get3A_283, %get3A_284] {strides = array<i32>} : memref<16x1024xf32, #tpu.memory_space<vmem>>, vector<1x16xf32>,
      %get3A_286 = vector.shape_cast %get3A_285 : vector<1x16xf32> to vector<16xf32>
      %get3A_287 = arith.index_cast %scan3A_88 : i32 to index
      %get3A_288 = arith.constant 224 : index
      %get3A_289 = tpu.vector_load %arg7[%get3A_287, %get3A_288] {strides = array<i32>} : memref<16x1024xf32, #tpu.memory_space<vmem>>, vector<1x16xf32>,
      %get3A_290 = vector.shape_cast %get3A_289 : vector<1x16xf32> to vector<16xf32>
      %add3A_291 = arith.addf %get3A_286, %get3A_290 : vector<16xf32>
      %swap3A_292 = arith.index_cast %scan3A_88 : i32 to index
      %swap3A_293 = arith.constant 224 : index
      %swap3A_294 = tpu.vector_load %arg6[%swap3A_292, %swap3A_293] {strides = array<i32>} : memref<16x1024xf32, #tpu.memory_space<vmem>>, vector<1x16xf32>,
      %swap3A_295 = vector.shape_cast %swap3A_294 : vector<1x16xf32> to vector<16xf32>
      %swap3A_296 = vector.shape_cast %add3A_291 : vector<16xf32> to vector<1x16xf32>
      tpu.vector_store %arg6[%swap3A_292, %swap3A_293], %swap3A_296 {strides = array<i32>} : memref<16x1024xf32, #tpu.memory_space<vmem>>, vector<1x16xf32>,
      %get3A_297 = arith.index_cast %scan3A_88 : i32 to index
      %get3A_298 = arith.constant 240 : index
      %get3A_299 = tpu.vector_load %arg6[%get3A_297, %get3A_298] {strides = array<i32>} : memref<16x1024xf32, #tpu.memory_space<vmem>>, vector<1x16xf32>,
      %get3A_300 = vector.shape_cast %get3A_299 : vector<1x16xf32> to vector<16xf32>
      %get3A_301 = arith.index_cast %scan3A_88 : i32 to index
      %get3A_302 = arith.constant 240 : index
      %get3A_303 = tpu.vector_load %arg7[%get3A_301, %get3A_302] {strides = array<i32>} : memref<16x1024xf32, #tpu.memory_space<vmem>>, vector<1x16xf32>,
      %get3A_304 = vector.shape_cast %get3A_303 : vector<1x16xf32> to vector<16xf32>
      %add3A_305 = arith.addf %get3A_300, %get3A_304 : vector<16xf32>
      %swap3A_306 = arith.index_cast %scan3A_88 : i32 to index
      %swap3A_307 = arith.constant 240 : index
      %swap3A_308 = tpu.vector_load %arg6[%swap3A_306, %swap3A_307] {strides = array<i32>} : memref<16x1024xf32, #tpu.memory_space<vmem>>, vector<1x16xf32>,
      %swap3A_309 = vector.shape_cast %swap3A_308 : vector<1x16xf32> to vector<16xf32>
      %swap3A_310 = vector.shape_cast %add3A_305 : vector<16xf32> to vector<1x16xf32>
      tpu.vector_store %arg6[%swap3A_306, %swap3A_307], %swap3A_310 {strides = array<i32>} : memref<16x1024xf32, #tpu.memory_space<vmem>>, vector<1x16xf32>,
      %get3A_311 = arith.index_cast %scan3A_88 : i32 to index
      %get3A_312 = arith.constant 256 : index
      %get3A_313 = tpu.vector_load %arg6[%get3A_311, %get3A_312] {strides = array<i32>} : memref<16x1024xf32, #tpu.memory_space<vmem>>, vector<1x16xf32>,
      %get3A_314 = vector.shape_cast %get3A_313 : vector<1x16xf32> to vector<16xf32>
      %get3A_315 = arith.index_cast %scan3A_88 : i32 to index
      %get3A_316 = arith.constant 256 : index
      %get3A_317 = tpu.vector_load %arg7[%get3A_315, %get3A_316] {strides = array<i32>} : memref<16x1024xf32, #tpu.memory_space<vmem>>, vector<1x16xf32>,
      %get3A_318 = vector.shape_cast %get3A_317 : vector<1x16xf32> to vector<16xf32>
      %add3A_319 = arith.addf %get3A_314, %get3A_318 : vector<16xf32>
      %swap3A_320 = arith.index_cast %scan3A_88 : i32 to index
      %swap3A_321 = arith.constant 256 : index
      %swap3A_322 = tpu.vector_load %arg6[%swap3A_320, %swap3A_321] {strides = array<i32>} : memref<16x1024xf32, #tpu.memory_space<vmem>>, vector<1x16xf32>,
      %swap3A_323 = vector.shape_cast %swap3A_322 : vector<1x16xf32> to vector<16xf32>
      %swap3A_324 = vector.shape_cast %add3A_319 : vector<16xf32> to vector<1x16xf32>
      tpu.vector_store %arg6[%swap3A_320, %swap3A_321], %swap3A_324 {strides = array<i32>} : memref<16x1024xf32, #tpu.memory_space<vmem>>, vector<1x16xf32>,
      %get3A_325 = arith.index_cast %scan3A_88 : i32 to index
      %get3A_326 = arith.constant 272 : index
      %get3A_327 = tpu.vector_load %arg6[%get3A_325, %get3A_326] {strides = array<i32>} : memref<16x1024xf32, #tpu.memory_space<vmem>>, vector<1x16xf32>,
      %get3A_328 = vector.shape_cast %get3A_327 : vector<1x16xf32> to vector<16xf32>
      %get3A_329 = arith.index_cast %scan3A_88 : i32 to index
      %get3A_330 = arith.constant 272 : index
      %get3A_331 = tpu.vector_load %arg7[%get3A_329, %get3A_330] {strides = array<i32>} : memref<16x1024xf32, #tpu.memory_space<vmem>>, vector<1x16xf32>,
      %get3A_332 = vector.shape_cast %get3A_331 : vector<1x16xf32> to vector<16xf32>
      %add3A_333 = arith.addf %get3A_328, %get3A_332 : vector<16xf32>
      %swap3A_334 = arith.index_cast %scan3A_88 : i32 to index
      %swap3A_335 = arith.constant 272 : index
      %swap3A_336 = tpu.vector_load %arg6[%swap3A_334, %swap3A_335] {strides = array<i32>} : memref<16x1024xf32, #tpu.memory_space<vmem>>, vector<1x16xf32>,
      %swap3A_337 = vector.shape_cast %swap3A_336 : vector<1x16xf32> to vector<16xf32>
      %swap3A_338 = vector.shape_cast %add3A_333 : vector<16xf32> to vector<1x16xf32>
      tpu.vector_store %arg6[%swap3A_334, %swap3A_335], %swap3A_338 {strides = array<i32>} : memref<16x1024xf32, #tpu.memory_space<vmem>>, vector<1x16xf32>,
      %get3A_339 = arith.index_cast %scan3A_88 : i32 to index
      %get3A_340 = arith.constant 288 : index
      %get3A_341 = tpu.vector_load %arg6[%get3A_339, %get3A_340] {strides = array<i32>} : memref<16x1024xf32, #tpu.memory_space<vmem>>, vector<1x16xf32>,
      %get3A_342 = vector.shape_cast %get3A_341 : vector<1x16xf32> to vector<16xf32>
      %get3A_343 = arith.index_cast %scan3A_88 : i32 to index
      %get3A_344 = arith.constant 288 : index
      %get3A_345 = tpu.vector_load %arg7[%get3A_343, %get3A_344] {strides = array<i32>} : memref<16x1024xf32, #tpu.memory_space<vmem>>, vector<1x16xf32>,
      %get3A_346 = vector.shape_cast %get3A_345 : vector<1x16xf32> to vector<16xf32>
      %add3A_347 = arith.addf %get3A_342, %get3A_346 : vector<16xf32>
      %swap3A_348 = arith.index_cast %scan3A_88 : i32 to index
      %swap3A_349 = arith.constant 288 : index
      %swap3A_350 = tpu.vector_load %arg6[%swap3A_348, %swap3A_349] {strides = array<i32>} : memref<16x1024xf32, #tpu.memory_space<vmem>>, vector<1x16xf32>,
      %swap3A_351 = vector.shape_cast %swap3A_350 : vector<1x16xf32> to vector<16xf32>
      %swap3A_352 = vector.shape_cast %add3A_347 : vector<16xf32> to vector<1x16xf32>
      tpu.vector_store %arg6[%swap3A_348, %swap3A_349], %swap3A_352 {strides = array<i32>} : memref<16x1024xf32, #tpu.memory_space<vmem>>, vector<1x16xf32>,
      %get3A_353 = arith.index_cast %scan3A_88 : i32 to index
      %get3A_354 = arith.constant 304 : index
      %get3A_355 = tpu.vector_load %arg6[%get3A_353, %get3A_354] {strides = array<i32>} : memref<16x1024xf32, #tpu.memory_space<vmem>>, vector<1x16xf32>,
      %get3A_356 = vector.shape_cast %get3A_355 : vector<1x16xf32> to vector<16xf32>
      %get3A_357 = arith.index_cast %scan3A_88 : i32 to index
      %get3A_358 = arith.constant 304 : index
      %get3A_359 = tpu.vector_load %arg7[%get3A_357, %get3A_358] {strides = array<i32>} : memref<16x1024xf32, #tpu.memory_space<vmem>>, vector<1x16xf32>,
      %get3A_360 = vector.shape_cast %get3A_359 : vector<1x16xf32> to vector<16xf32>
      %add3A_361 = arith.addf %get3A_356, %get3A_360 : vector<16xf32>
      %swap3A_362 = arith.index_cast %scan3A_88 : i32 to index
      %swap3A_363 = arith.constant 304 : index
      %swap3A_364 = tpu.vector_load %arg6[%swap3A_362, %swap3A_363] {strides = array<i32>} : memref<16x1024xf32, #tpu.memory_space<vmem>>, vector<1x16xf32>,
      %swap3A_365 = vector.shape_cast %swap3A_364 : vector<1x16xf32> to vector<16xf32>
      %swap3A_366 = vector.shape_cast %add3A_361 : vector<16xf32> to vector<1x16xf32>
      tpu.vector_store %arg6[%swap3A_362, %swap3A_363], %swap3A_366 {strides = array<i32>} : memref<16x1024xf32, #tpu.memory_space<vmem>>, vector<1x16xf32>,
      %get3A_367 = arith.index_cast %scan3A_88 : i32 to index
      %get3A_368 = arith.constant 320 : index
      %get3A_369 = tpu.vector_load %arg6[%get3A_367, %get3A_368] {strides = array<i32>} : memref<16x1024xf32, #tpu.memory_space<vmem>>, vector<1x16xf32>,
      %get3A_370 = vector.shape_cast %get3A_369 : vector<1x16xf32> to vector<16xf32>
      %get3A_371 = arith.index_cast %scan3A_88 : i32 to index
      %get3A_372 = arith.constant 320 : index
      %get3A_373 = tpu.vector_load %arg7[%get3A_371, %get3A_372] {strides = array<i32>} : memref<16x1024xf32, #tpu.memory_space<vmem>>, vector<1x16xf32>,
      %get3A_374 = vector.shape_cast %get3A_373 : vector<1x16xf32> to vector<16xf32>
      %add3A_375 = arith.addf %get3A_370, %get3A_374 : vector<16xf32>
      %swap3A_376 = arith.index_cast %scan3A_88 : i32 to index
      %swap3A_377 = arith.constant 320 : index
      %swap3A_378 = tpu.vector_load %arg6[%swap3A_376, %swap3A_377] {strides = array<i32>} : memref<16x1024xf32, #tpu.memory_space<vmem>>, vector<1x16xf32>,
      %swap3A_379 = vector.shape_cast %swap3A_378 : vector<1x16xf32> to vector<16xf32>
      %swap3A_380 = vector.shape_cast %add3A_375 : vector<16xf32> to vector<1x16xf32>
      tpu.vector_store %arg6[%swap3A_376, %swap3A_377], %swap3A_380 {strides = array<i32>} : memref<16x1024xf32, #tpu.memory_space<vmem>>, vector<1x16xf32>,
      %get3A_381 = arith.index_cast %scan3A_88 : i32 to index
      %get3A_382 = arith.constant 336 : index
      %get3A_383 = tpu.vector_load %arg6[%get3A_381, %get3A_382] {strides = array<i32>} : memref<16x1024xf32, #tpu.memory_space<vmem>>, vector<1x16xf32>,
      %get3A_384 = vector.shape_cast %get3A_383 : vector<1x16xf32> to vector<16xf32>
      %get3A_385 = arith.index_cast %scan3A_88 : i32 to index
      %get3A_386 = arith.constant 336 : index
      %get3A_387 = tpu.vector_load %arg7[%get3A_385, %get3A_386] {strides = array<i32>} : memref<16x1024xf32, #tpu.memory_space<vmem>>, vector<1x16xf32>,
      %get3A_388 = vector.shape_cast %get3A_387 : vector<1x16xf32> to vector<16xf32>
      %add3A_389 = arith.addf %get3A_384, %get3A_388 : vector<16xf32>
      %swap3A_390 = arith.index_cast %scan3A_88 : i32 to index
      %swap3A_391 = arith.constant 336 : index
      %swap3A_392 = tpu.vector_load %arg6[%swap3A_390, %swap3A_391] {strides = array<i32>} : memref<16x1024xf32, #tpu.memory_space<vmem>>, vector<1x16xf32>,
      %swap3A_393 = vector.shape_cast %swap3A_392 : vector<1x16xf32> to vector<16xf32>
      %swap3A_394 = vector.shape_cast %add3A_389 : vector<16xf32> to vector<1x16xf32>
      tpu.vector_store %arg6[%swap3A_390, %swap3A_391], %swap3A_394 {strides = array<i32>} : memref<16x1024xf32, #tpu.memory_space<vmem>>, vector<1x16xf32>,
      %get3A_395 = arith.index_cast %scan3A_88 : i32 to index
      %get3A_396 = arith.constant 352 : index
      %get3A_397 = tpu.vector_load %arg6[%get3A_395, %get3A_396] {strides = array<i32>} : memref<16x1024xf32, #tpu.memory_space<vmem>>, vector<1x16xf32>,
      %get3A_398 = vector.shape_cast %get3A_397 : vector<1x16xf32> to vector<16xf32>
      %get3A_399 = arith.index_cast %scan3A_88 : i32 to index
      %get3A_400 = arith.constant 352 : index
      %get3A_401 = tpu.vector_load %arg7[%get3A_399, %get3A_400] {strides = array<i32>} : memref<16x1024xf32, #tpu.memory_space<vmem>>, vector<1x16xf32>,
      %get3A_402 = vector.shape_cast %get3A_401 : vector<1x16xf32> to vector<16xf32>
      %add3A_403 = arith.addf %get3A_398, %get3A_402 : vector<16xf32>
      %swap3A_404 = arith.index_cast %scan3A_88 : i32 to index
      %swap3A_405 = arith.constant 352 : index
      %swap3A_406 = tpu.vector_load %arg6[%swap3A_404, %swap3A_405] {strides = array<i32>} : memref<16x1024xf32, #tpu.memory_space<vmem>>, vector<1x16xf32>,
      %swap3A_407 = vector.shape_cast %swap3A_406 : vector<1x16xf32> to vector<16xf32>
      %swap3A_408 = vector.shape_cast %add3A_403 : vector<16xf32> to vector<1x16xf32>
      tpu.vector_store %arg6[%swap3A_404, %swap3A_405], %swap3A_408 {strides = array<i32>} : memref<16x1024xf32, #tpu.memory_space<vmem>>, vector<1x16xf32>,
      %get3A_409 = arith.index_cast %scan3A_88 : i32 to index
      %get3A_410 = arith.constant 368 : index
      %get3A_411 = tpu.vector_load %arg6[%get3A_409, %get3A_410] {strides = array<i32>} : memref<16x1024xf32, #tpu.memory_space<vmem>>, vector<1x16xf32>,
      %get3A_412 = vector.shape_cast %get3A_411 : vector<1x16xf32> to vector<16xf32>
      %get3A_413 = arith.index_cast %scan3A_88 : i32 to index
      %get3A_414 = arith.constant 368 : index
      %get3A_415 = tpu.vector_load %arg7[%get3A_413, %get3A_414] {strides = array<i32>} : memref<16x1024xf32, #tpu.memory_space<vmem>>, vector<1x16xf32>,
      %get3A_416 = vector.shape_cast %get3A_415 : vector<1x16xf32> to vector<16xf32>
      %add3A_417 = arith.addf %get3A_412, %get3A_416 : vector<16xf32>
      %swap3A_418 = arith.index_cast %scan3A_88 : i32 to index
      %swap3A_419 = arith.constant 368 : index
      %swap3A_420 = tpu.vector_load %arg6[%swap3A_418, %swap3A_419] {strides = array<i32>} : memref<16x1024xf32, #tpu.memory_space<vmem>>, vector<1x16xf32>,
      %swap3A_421 = vector.shape_cast %swap3A_420 : vector<1x16xf32> to vector<16xf32>
      %swap3A_422 = vector.shape_cast %add3A_417 : vector<16xf32> to vector<1x16xf32>
      tpu.vector_store %arg6[%swap3A_418, %swap3A_419], %swap3A_422 {strides = array<i32>} : memref<16x1024xf32, #tpu.memory_space<vmem>>, vector<1x16xf32>,
      %get3A_423 = arith.index_cast %scan3A_88 : i32 to index
      %get3A_424 = arith.constant 384 : index
      %get3A_425 = tpu.vector_load %arg6[%get3A_423, %get3A_424] {strides = array<i32>} : memref<16x1024xf32, #tpu.memory_space<vmem>>, vector<1x16xf32>,
      %get3A_426 = vector.shape_cast %get3A_425 : vector<1x16xf32> to vector<16xf32>
      %get3A_427 = arith.index_cast %scan3A_88 : i32 to index
      %get3A_428 = arith.constant 384 : index
      %get3A_429 = tpu.vector_load %arg7[%get3A_427, %get3A_428] {strides = array<i32>} : memref<16x1024xf32, #tpu.memory_space<vmem>>, vector<1x16xf32>,
      %get3A_430 = vector.shape_cast %get3A_429 : vector<1x16xf32> to vector<16xf32>
      %add3A_431 = arith.addf %get3A_426, %get3A_430 : vector<16xf32>
      %swap3A_432 = arith.index_cast %scan3A_88 : i32 to index
      %swap3A_433 = arith.constant 384 : index
      %swap3A_434 = tpu.vector_load %arg6[%swap3A_432, %swap3A_433] {strides = array<i32>} : memref<16x1024xf32, #tpu.memory_space<vmem>>, vector<1x16xf32>,
      %swap3A_435 = vector.shape_cast %swap3A_434 : vector<1x16xf32> to vector<16xf32>
      %swap3A_436 = vector.shape_cast %add3A_431 : vector<16xf32> to vector<1x16xf32>
      tpu.vector_store %arg6[%swap3A_432, %swap3A_433], %swap3A_436 {strides = array<i32>} : memref<16x1024xf32, #tpu.memory_space<vmem>>, vector<1x16xf32>,
      %get3A_437 = arith.index_cast %scan3A_88 : i32 to index
      %get3A_438 = arith.constant 400 : index
      %get3A_439 = tpu.vector_load %arg6[%get3A_437, %get3A_438] {strides = array<i32>} : memref<16x1024xf32, #tpu.memory_space<vmem>>, vector<1x16xf32>,
      %get3A_440 = vector.shape_cast %get3A_439 : vector<1x16xf32> to vector<16xf32>
      %get3A_441 = arith.index_cast %scan3A_88 : i32 to index
      %get3A_442 = arith.constant 400 : index
      %get3A_443 = tpu.vector_load %arg7[%get3A_441, %get3A_442] {strides = array<i32>} : memref<16x1024xf32, #tpu.memory_space<vmem>>, vector<1x16xf32>,
      %get3A_444 = vector.shape_cast %get3A_443 : vector<1x16xf32> to vector<16xf32>
      %add3A_445 = arith.addf %get3A_440, %get3A_444 : vector<16xf32>
      %swap3A_446 = arith.index_cast %scan3A_88 : i32 to index
      %swap3A_447 = arith.constant 400 : index
      %swap3A_448 = tpu.vector_load %arg6[%swap3A_446, %swap3A_447] {strides = array<i32>} : memref<16x1024xf32, #tpu.memory_space<vmem>>, vector<1x16xf32>,
      %swap3A_449 = vector.shape_cast %swap3A_448 : vector<1x16xf32> to vector<16xf32>
      %swap3A_450 = vector.shape_cast %add3A_445 : vector<16xf32> to vector<1x16xf32>
      tpu.vector_store %arg6[%swap3A_446, %swap3A_447], %swap3A_450 {strides = array<i32>} : memref<16x1024xf32, #tpu.memory_space<vmem>>, vector<1x16xf32>,
      %get3A_451 = arith.index_cast %scan3A_88 : i32 to index
      %get3A_452 = arith.constant 416 : index
      %get3A_453 = tpu.vector_load %arg6[%get3A_451, %get3A_452] {strides = array<i32>} : memref<16x1024xf32, #tpu.memory_space<vmem>>, vector<1x16xf32>,
      %get3A_454 = vector.shape_cast %get3A_453 : vector<1x16xf32> to vector<16xf32>
      %get3A_455 = arith.index_cast %scan3A_88 : i32 to index
      %get3A_456 = arith.constant 416 : index
      %get3A_457 = tpu.vector_load %arg7[%get3A_455, %get3A_456] {strides = array<i32>} : memref<16x1024xf32, #tpu.memory_space<vmem>>, vector<1x16xf32>,
      %get3A_458 = vector.shape_cast %get3A_457 : vector<1x16xf32> to vector<16xf32>
      %add3A_459 = arith.addf %get3A_454, %get3A_458 : vector<16xf32>
      %swap3A_460 = arith.index_cast %scan3A_88 : i32 to index
      %swap3A_461 = arith.constant 416 : index
      %swap3A_462 = tpu.vector_load %arg6[%swap3A_460, %swap3A_461] {strides = array<i32>} : memref<16x1024xf32, #tpu.memory_space<vmem>>, vector<1x16xf32>,
      %swap3A_463 = vector.shape_cast %swap3A_462 : vector<1x16xf32> to vector<16xf32>
      %swap3A_464 = vector.shape_cast %add3A_459 : vector<16xf32> to vector<1x16xf32>
      tpu.vector_store %arg6[%swap3A_460, %swap3A_461], %swap3A_464 {strides = array<i32>} : memref<16x1024xf32, #tpu.memory_space<vmem>>, vector<1x16xf32>,
      %get3A_465 = arith.index_cast %scan3A_88 : i32 to index
      %get3A_466 = arith.constant 432 : index
      %get3A_467 = tpu.vector_load %arg6[%get3A_465, %get3A_466] {strides = array<i32>} : memref<16x1024xf32, #tpu.memory_space<vmem>>, vector<1x16xf32>,
      %get3A_468 = vector.shape_cast %get3A_467 : vector<1x16xf32> to vector<16xf32>
      %get3A_469 = arith.index_cast %scan3A_88 : i32 to index
      %get3A_470 = arith.constant 432 : index
      %get3A_471 = tpu.vector_load %arg7[%get3A_469, %get3A_470] {strides = array<i32>} : memref<16x1024xf32, #tpu.memory_space<vmem>>, vector<1x16xf32>,
      %get3A_472 = vector.shape_cast %get3A_471 : vector<1x16xf32> to vector<16xf32>
      %add3A_473 = arith.addf %get3A_468, %get3A_472 : vector<16xf32>
      %swap3A_474 = arith.index_cast %scan3A_88 : i32 to index
      %swap3A_475 = arith.constant 432 : index
      %swap3A_476 = tpu.vector_load %arg6[%swap3A_474, %swap3A_475] {strides = array<i32>} : memref<16x1024xf32, #tpu.memory_space<vmem>>, vector<1x16xf32>,
      %swap3A_477 = vector.shape_cast %swap3A_476 : vector<1x16xf32> to vector<16xf32>
      %swap3A_478 = vector.shape_cast %add3A_473 : vector<16xf32> to vector<1x16xf32>
      tpu.vector_store %arg6[%swap3A_474, %swap3A_475], %swap3A_478 {strides = array<i32>} : memref<16x1024xf32, #tpu.memory_space<vmem>>, vector<1x16xf32>,
      %get3A_479 = arith.index_cast %scan3A_88 : i32 to index
      %get3A_480 = arith.constant 448 : index
      %get3A_481 = tpu.vector_load %arg6[%get3A_479, %get3A_480] {strides = array<i32>} : memref<16x1024xf32, #tpu.memory_space<vmem>>, vector<1x16xf32>,
      %get3A_482 = vector.shape_cast %get3A_481 : vector<1x16xf32> to vector<16xf32>
      %get3A_483 = arith.index_cast %scan3A_88 : i32 to index
      %get3A_484 = arith.constant 448 : index
      %get3A_485 = tpu.vector_load %arg7[%get3A_483, %get3A_484] {strides = array<i32>} : memref<16x1024xf32, #tpu.memory_space<vmem>>, vector<1x16xf32>,
      %get3A_486 = vector.shape_cast %get3A_485 : vector<1x16xf32> to vector<16xf32>
      %add3A_487 = arith.addf %get3A_482, %get3A_486 : vector<16xf32>
      %swap3A_488 = arith.index_cast %scan3A_88 : i32 to index
      %swap3A_489 = arith.constant 448 : index
      %swap3A_490 = tpu.vector_load %arg6[%swap3A_488, %swap3A_489] {strides = array<i32>} : memref<16x1024xf32, #tpu.memory_space<vmem>>, vector<1x16xf32>,
      %swap3A_491 = vector.shape_cast %swap3A_490 : vector<1x16xf32> to vector<16xf32>
      %swap3A_492 = vector.shape_cast %add3A_487 : vector<16xf32> to vector<1x16xf32>
      tpu.vector_store %arg6[%swap3A_488, %swap3A_489], %swap3A_492 {strides = array<i32>} : memref<16x1024xf32, #tpu.memory_space<vmem>>, vector<1x16xf32>,
      %get3A_493 = arith.index_cast %scan3A_88 : i32 to index
      %get3A_494 = arith.constant 464 : index
      %get3A_495 = tpu.vector_load %arg6[%get3A_493, %get3A_494] {strides = array<i32>} : memref<16x1024xf32, #tpu.memory_space<vmem>>, vector<1x16xf32>,
      %get3A_496 = vector.shape_cast %get3A_495 : vector<1x16xf32> to vector<16xf32>
      %get3A_497 = arith.index_cast %scan3A_88 : i32 to index
      %get3A_498 = arith.constant 464 : index
      %get3A_499 = tpu.vector_load %arg7[%get3A_497, %get3A_498] {strides = array<i32>} : memref<16x1024xf32, #tpu.memory_space<vmem>>, vector<1x16xf32>,
      %get3A_500 = vector.shape_cast %get3A_499 : vector<1x16xf32> to vector<16xf32>
      %add3A_501 = arith.addf %get3A_496, %get3A_500 : vector<16xf32>
      %swap3A_502 = arith.index_cast %scan3A_88 : i32 to index
      %swap3A_503 = arith.constant 464 : index
      %swap3A_504 = tpu.vector_load %arg6[%swap3A_502, %swap3A_503] {strides = array<i32>} : memref<16x1024xf32, #tpu.memory_space<vmem>>, vector<1x16xf32>,
      %swap3A_505 = vector.shape_cast %swap3A_504 : vector<1x16xf32> to vector<16xf32>
      %swap3A_506 = vector.shape_cast %add3A_501 : vector<16xf32> to vector<1x16xf32>
      tpu.vector_store %arg6[%swap3A_502, %swap3A_503], %swap3A_506 {strides = array<i32>} : memref<16x1024xf32, #tpu.memory_space<vmem>>, vector<1x16xf32>,
      %get3A_507 = arith.index_cast %scan3A_88 : i32 to index
      %get3A_508 = arith.constant 480 : index
      %get3A_509 = tpu.vector_load %arg6[%get3A_507, %get3A_508] {strides = array<i32>} : memref<16x1024xf32, #tpu.memory_space<vmem>>, vector<1x16xf32>,
      %get3A_510 = vector.shape_cast %get3A_509 : vector<1x16xf32> to vector<16xf32>
      %get3A_511 = arith.index_cast %scan3A_88 : i32 to index
      %get3A_512 = arith.constant 480 : index
      %get3A_513 = tpu.vector_load %arg7[%get3A_511, %get3A_512] {strides = array<i32>} : memref<16x1024xf32, #tpu.memory_space<vmem>>, vector<1x16xf32>,
      %get3A_514 = vector.shape_cast %get3A_513 : vector<1x16xf32> to vector<16xf32>
      %add3A_515 = arith.addf %get3A_510, %get3A_514 : vector<16xf32>
      %swap3A_516 = arith.index_cast %scan3A_88 : i32 to index
      %swap3A_517 = arith.constant 480 : index
      %swap3A_518 = tpu.vector_load %arg6[%swap3A_516, %swap3A_517] {strides = array<i32>} : memref<16x1024xf32, #tpu.memory_space<vmem>>, vector<1x16xf32>,
      %swap3A_519 = vector.shape_cast %swap3A_518 : vector<1x16xf32> to vector<16xf32>
      %swap3A_520 = vector.shape_cast %add3A_515 : vector<16xf32> to vector<1x16xf32>
      tpu.vector_store %arg6[%swap3A_516, %swap3A_517], %swap3A_520 {strides = array<i32>} : memref<16x1024xf32, #tpu.memory_space<vmem>>, vector<1x16xf32>,
      %get3A_521 = arith.index_cast %scan3A_88 : i32 to index
      %get3A_522 = arith.constant 496 : index
      %get3A_523 = tpu.vector_load %arg6[%get3A_521, %get3A_522] {strides = array<i32>} : memref<16x1024xf32, #tpu.memory_space<vmem>>, vector<1x16xf32>,
      %get3A_524 = vector.shape_cast %get3A_523 : vector<1x16xf32> to vector<16xf32>
      %get3A_525 = arith.index_cast %scan3A_88 : i32 to index
      %get3A_526 = arith.constant 496 : index
      %get3A_527 = tpu.vector_load %arg7[%get3A_525, %get3A_526] {strides = array<i32>} : memref<16x1024xf32, #tpu.memory_space<vmem>>, vector<1x16xf32>,
      %get3A_528 = vector.shape_cast %get3A_527 : vector<1x16xf32> to vector<16xf32>
      %add3A_529 = arith.addf %get3A_524, %get3A_528 : vector<16xf32>
      %swap3A_530 = arith.index_cast %scan3A_88 : i32 to index
      %swap3A_531 = arith.constant 496 : index
      %swap3A_532 = tpu.vector_load %arg6[%swap3A_530, %swap3A_531] {strides = array<i32>} : memref<16x1024xf32, #tpu.memory_space<vmem>>, vector<1x16xf32>,
      %swap3A_533 = vector.shape_cast %swap3A_532 : vector<1x16xf32> to vector<16xf32>
      %swap3A_534 = vector.shape_cast %add3A_529 : vector<16xf32> to vector<1x16xf32>
      tpu.vector_store %arg6[%swap3A_530, %swap3A_531], %swap3A_534 {strides = array<i32>} : memref<16x1024xf32, #tpu.memory_space<vmem>>, vector<1x16xf32>,
      %get3A_535 = arith.index_cast %scan3A_88 : i32 to index
      %get3A_536 = arith.constant 512 : index
      %get3A_537 = tpu.vector_load %arg6[%get3A_535, %get3A_536] {strides = array<i32>} : memref<16x1024xf32, #tpu.memory_space<vmem>>, vector<1x16xf32>,
      %get3A_538 = vector.shape_cast %get3A_537 : vector<1x16xf32> to vector<16xf32>
      %get3A_539 = arith.index_cast %scan3A_88 : i32 to index
      %get3A_540 = arith.constant 512 : index
      %get3A_541 = tpu.vector_load %arg7[%get3A_539, %get3A_540] {strides = array<i32>} : memref<16x1024xf32, #tpu.memory_space<vmem>>, vector<1x16xf32>,
      %get3A_542 = vector.shape_cast %get3A_541 : vector<1x16xf32> to vector<16xf32>
      %add3A_543 = arith.addf %get3A_538, %get3A_542 : vector<16xf32>
      %swap3A_544 = arith.index_cast %scan3A_88 : i32 to index
      %swap3A_545 = arith.constant 512 : index
      %swap3A_546 = tpu.vector_load %arg6[%swap3A_544, %swap3A_545] {strides = array<i32>} : memref<16x1024xf32, #tpu.memory_space<vmem>>, vector<1x16xf32>,
      %swap3A_547 = vector.shape_cast %swap3A_546 : vector<1x16xf32> to vector<16xf32>
      %swap3A_548 = vector.shape_cast %add3A_543 : vector<16xf32> to vector<1x16xf32>
      tpu.vector_store %arg6[%swap3A_544, %swap3A_545], %swap3A_548 {strides = array<i32>} : memref<16x1024xf32, #tpu.memory_space<vmem>>, vector<1x16xf32>,
      %get3A_549 = arith.index_cast %scan3A_88 : i32 to index
      %get3A_550 = arith.constant 528 : index
      %get3A_551 = tpu.vector_load %arg6[%get3A_549, %get3A_550] {strides = array<i32>} : memref<16x1024xf32, #tpu.memory_space<vmem>>, vector<1x16xf32>,
      %get3A_552 = vector.shape_cast %get3A_551 : vector<1x16xf32> to vector<16xf32>
      %get3A_553 = arith.index_cast %scan3A_88 : i32 to index
      %get3A_554 = arith.constant 528 : index
      %get3A_555 = tpu.vector_load %arg7[%get3A_553, %get3A_554] {strides = array<i32>} : memref<16x1024xf32, #tpu.memory_space<vmem>>, vector<1x16xf32>,
      %get3A_556 = vector.shape_cast %get3A_555 : vector<1x16xf32> to vector<16xf32>
      %add3A_557 = arith.addf %get3A_552, %get3A_556 : vector<16xf32>
      %swap3A_558 = arith.index_cast %scan3A_88 : i32 to index
      %swap3A_559 = arith.constant 528 : index
      %swap3A_560 = tpu.vector_load %arg6[%swap3A_558, %swap3A_559] {strides = array<i32>} : memref<16x1024xf32, #tpu.memory_space<vmem>>, vector<1x16xf32>,
      %swap3A_561 = vector.shape_cast %swap3A_560 : vector<1x16xf32> to vector<16xf32>
      %swap3A_562 = vector.shape_cast %add3A_557 : vector<16xf32> to vector<1x16xf32>
      tpu.vector_store %arg6[%swap3A_558, %swap3A_559], %swap3A_562 {strides = array<i32>} : memref<16x1024xf32, #tpu.memory_space<vmem>>, vector<1x16xf32>,
      %get3A_563 = arith.index_cast %scan3A_88 : i32 to index
      %get3A_564 = arith.constant 544 : index
      %get3A_565 = tpu.vector_load %arg6[%get3A_563, %get3A_564] {strides = array<i32>} : memref<16x1024xf32, #tpu.memory_space<vmem>>, vector<1x16xf32>,
      %get3A_566 = vector.shape_cast %get3A_565 : vector<1x16xf32> to vector<16xf32>
      %get3A_567 = arith.index_cast %scan3A_88 : i32 to index
      %get3A_568 = arith.constant 544 : index
      %get3A_569 = tpu.vector_load %arg7[%get3A_567, %get3A_568] {strides = array<i32>} : memref<16x1024xf32, #tpu.memory_space<vmem>>, vector<1x16xf32>,
      %get3A_570 = vector.shape_cast %get3A_569 : vector<1x16xf32> to vector<16xf32>
      %add3A_571 = arith.addf %get3A_566, %get3A_570 : vector<16xf32>
      %swap3A_572 = arith.index_cast %scan3A_88 : i32 to index
      %swap3A_573 = arith.constant 544 : index
      %swap3A_574 = tpu.vector_load %arg6[%swap3A_572, %swap3A_573] {strides = array<i32>} : memref<16x1024xf32, #tpu.memory_space<vmem>>, vector<1x16xf32>,
      %swap3A_575 = vector.shape_cast %swap3A_574 : vector<1x16xf32> to vector<16xf32>
      %swap3A_576 = vector.shape_cast %add3A_571 : vector<16xf32> to vector<1x16xf32>
      tpu.vector_store %arg6[%swap3A_572, %swap3A_573], %swap3A_576 {strides = array<i32>} : memref<16x1024xf32, #tpu.memory_space<vmem>>, vector<1x16xf32>,
      %get3A_577 = arith.index_cast %scan3A_88 : i32 to index
      %get3A_578 = arith.constant 560 : index
      %get3A_579 = tpu.vector_load %arg6[%get3A_577, %get3A_578] {strides = array<i32>} : memref<16x1024xf32, #tpu.memory_space<vmem>>, vector<1x16xf32>,
      %get3A_580 = vector.shape_cast %get3A_579 : vector<1x16xf32> to vector<16xf32>
      %get3A_581 = arith.index_cast %scan3A_88 : i32 to index
      %get3A_582 = arith.constant 560 : index
      %get3A_583 = tpu.vector_load %arg7[%get3A_581, %get3A_582] {strides = array<i32>} : memref<16x1024xf32, #tpu.memory_space<vmem>>, vector<1x16xf32>,
      %get3A_584 = vector.shape_cast %get3A_583 : vector<1x16xf32> to vector<16xf32>
      %add3A_585 = arith.addf %get3A_580, %get3A_584 : vector<16xf32>
      %swap3A_586 = arith.index_cast %scan3A_88 : i32 to index
      %swap3A_587 = arith.constant 560 : index
      %swap3A_588 = tpu.vector_load %arg6[%swap3A_586, %swap3A_587] {strides = array<i32>} : memref<16x1024xf32, #tpu.memory_space<vmem>>, vector<1x16xf32>,
      %swap3A_589 = vector.shape_cast %swap3A_588 : vector<1x16xf32> to vector<16xf32>
      %swap3A_590 = vector.shape_cast %add3A_585 : vector<16xf32> to vector<1x16xf32>
      tpu.vector_store %arg6[%swap3A_586, %swap3A_587], %swap3A_590 {strides = array<i32>} : memref<16x1024xf32, #tpu.memory_space<vmem>>, vector<1x16xf32>,
      %get3A_591 = arith.index_cast %scan3A_88 : i32 to index
      %get3A_592 = arith.constant 576 : index
      %get3A_593 = tpu.vector_load %arg6[%get3A_591, %get3A_592] {strides = array<i32>} : memref<16x1024xf32, #tpu.memory_space<vmem>>, vector<1x16xf32>,
      %get3A_594 = vector.shape_cast %get3A_593 : vector<1x16xf32> to vector<16xf32>
      %get3A_595 = arith.index_cast %scan3A_88 : i32 to index
      %get3A_596 = arith.constant 576 : index
      %get3A_597 = tpu.vector_load %arg7[%get3A_595, %get3A_596] {strides = array<i32>} : memref<16x1024xf32, #tpu.memory_space<vmem>>, vector<1x16xf32>,
      %get3A_598 = vector.shape_cast %get3A_597 : vector<1x16xf32> to vector<16xf32>
      %add3A_599 = arith.addf %get3A_594, %get3A_598 : vector<16xf32>
      %swap3A_600 = arith.index_cast %scan3A_88 : i32 to index
      %swap3A_601 = arith.constant 576 : index
      %swap3A_602 = tpu.vector_load %arg6[%swap3A_600, %swap3A_601] {strides = array<i32>} : memref<16x1024xf32, #tpu.memory_space<vmem>>, vector<1x16xf32>,
      %swap3A_603 = vector.shape_cast %swap3A_602 : vector<1x16xf32> to vector<16xf32>
      %swap3A_604 = vector.shape_cast %add3A_599 : vector<16xf32> to vector<1x16xf32>
      tpu.vector_store %arg6[%swap3A_600, %swap3A_601], %swap3A_604 {strides = array<i32>} : memref<16x1024xf32, #tpu.memory_space<vmem>>, vector<1x16xf32>,
      %get3A_605 = arith.index_cast %scan3A_88 : i32 to index
      %get3A_606 = arith.constant 592 : index
      %get3A_607 = tpu.vector_load %arg6[%get3A_605, %get3A_606] {strides = array<i32>} : memref<16x1024xf32, #tpu.memory_space<vmem>>, vector<1x16xf32>,
      %get3A_608 = vector.shape_cast %get3A_607 : vector<1x16xf32> to vector<16xf32>
      %get3A_609 = arith.index_cast %scan3A_88 : i32 to index
      %get3A_610 = arith.constant 592 : index
      %get3A_611 = tpu.vector_load %arg7[%get3A_609, %get3A_610] {strides = array<i32>} : memref<16x1024xf32, #tpu.memory_space<vmem>>, vector<1x16xf32>,
      %get3A_612 = vector.shape_cast %get3A_611 : vector<1x16xf32> to vector<16xf32>
      %add3A_613 = arith.addf %get3A_608, %get3A_612 : vector<16xf32>
      %swap3A_614 = arith.index_cast %scan3A_88 : i32 to index
      %swap3A_615 = arith.constant 592 : index
      %swap3A_616 = tpu.vector_load %arg6[%swap3A_614, %swap3A_615] {strides = array<i32>} : memref<16x1024xf32, #tpu.memory_space<vmem>>, vector<1x16xf32>,
      %swap3A_617 = vector.shape_cast %swap3A_616 : vector<1x16xf32> to vector<16xf32>
      %swap3A_618 = vector.shape_cast %add3A_613 : vector<16xf32> to vector<1x16xf32>
      tpu.vector_store %arg6[%swap3A_614, %swap3A_615], %swap3A_618 {strides = array<i32>} : memref<16x1024xf32, #tpu.memory_space<vmem>>, vector<1x16xf32>,
      %get3A_619 = arith.index_cast %scan3A_88 : i32 to index
      %get3A_620 = arith.constant 608 : index
      %get3A_621 = tpu.vector_load %arg6[%get3A_619, %get3A_620] {strides = array<i32>} : memref<16x1024xf32, #tpu.memory_space<vmem>>, vector<1x16xf32>,
      %get3A_622 = vector.shape_cast %get3A_621 : vector<1x16xf32> to vector<16xf32>
      %get3A_623 = arith.index_cast %scan3A_88 : i32 to index
      %get3A_624 = arith.constant 608 : index
      %get3A_625 = tpu.vector_load %arg7[%get3A_623, %get3A_624] {strides = array<i32>} : memref<16x1024xf32, #tpu.memory_space<vmem>>, vector<1x16xf32>,
      %get3A_626 = vector.shape_cast %get3A_625 : vector<1x16xf32> to vector<16xf32>
      %add3A_627 = arith.addf %get3A_622, %get3A_626 : vector<16xf32>
      %swap3A_628 = arith.index_cast %scan3A_88 : i32 to index
      %swap3A_629 = arith.constant 608 : index
      %swap3A_630 = tpu.vector_load %arg6[%swap3A_628, %swap3A_629] {strides = array<i32>} : memref<16x1024xf32, #tpu.memory_space<vmem>>, vector<1x16xf32>,
      %swap3A_631 = vector.shape_cast %swap3A_630 : vector<1x16xf32> to vector<16xf32>
      %swap3A_632 = vector.shape_cast %add3A_627 : vector<16xf32> to vector<1x16xf32>
      tpu.vector_store %arg6[%swap3A_628, %swap3A_629], %swap3A_632 {strides = array<i32>} : memref<16x1024xf32, #tpu.memory_space<vmem>>, vector<1x16xf32>,
      %get3A_633 = arith.index_cast %scan3A_88 : i32 to index
      %get3A_634 = arith.constant 624 : index
      %get3A_635 = tpu.vector_load %arg6[%get3A_633, %get3A_634] {strides = array<i32>} : memref<16x1024xf32, #tpu.memory_space<vmem>>, vector<1x16xf32>,
      %get3A_636 = vector.shape_cast %get3A_635 : vector<1x16xf32> to vector<16xf32>
      %get3A_637 = arith.index_cast %scan3A_88 : i32 to index
      %get3A_638 = arith.constant 624 : index
      %get3A_639 = tpu.vector_load %arg7[%get3A_637, %get3A_638] {strides = array<i32>} : memref<16x1024xf32, #tpu.memory_space<vmem>>, vector<1x16xf32>,
      %get3A_640 = vector.shape_cast %get3A_639 : vector<1x16xf32> to vector<16xf32>
      %add3A_641 = arith.addf %get3A_636, %get3A_640 : vector<16xf32>
      %swap3A_642 = arith.index_cast %scan3A_88 : i32 to index
      %swap3A_643 = arith.constant 624 : index
      %swap3A_644 = tpu.vector_load %arg6[%swap3A_642, %swap3A_643] {strides = array<i32>} : memref<16x1024xf32, #tpu.memory_space<vmem>>, vector<1x16xf32>,
      %swap3A_645 = vector.shape_cast %swap3A_644 : vector<1x16xf32> to vector<16xf32>
      %swap3A_646 = vector.shape_cast %add3A_641 : vector<16xf32> to vector<1x16xf32>
      tpu.vector_store %arg6[%swap3A_642, %swap3A_643], %swap3A_646 {strides = array<i32>} : memref<16x1024xf32, #tpu.memory_space<vmem>>, vector<1x16xf32>,
      %get3A_647 = arith.index_cast %scan3A_88 : i32 to index
      %get3A_648 = arith.constant 640 : index
      %get3A_649 = tpu.vector_load %arg6[%get3A_647, %get3A_648] {strides = array<i32>} : memref<16x1024xf32, #tpu.memory_space<vmem>>, vector<1x16xf32>,
      %get3A_650 = vector.shape_cast %get3A_649 : vector<1x16xf32> to vector<16xf32>
      %get3A_651 = arith.index_cast %scan3A_88 : i32 to index
      %get3A_652 = arith.constant 640 : index
      %get3A_653 = tpu.vector_load %arg7[%get3A_651, %get3A_652] {strides = array<i32>} : memref<16x1024xf32, #tpu.memory_space<vmem>>, vector<1x16xf32>,
      %get3A_654 = vector.shape_cast %get3A_653 : vector<1x16xf32> to vector<16xf32>
      %add3A_655 = arith.addf %get3A_650, %get3A_654 : vector<16xf32>
      %swap3A_656 = arith.index_cast %scan3A_88 : i32 to index
      %swap3A_657 = arith.constant 640 : index
      %swap3A_658 = tpu.vector_load %arg6[%swap3A_656, %swap3A_657] {strides = array<i32>} : memref<16x1024xf32, #tpu.memory_space<vmem>>, vector<1x16xf32>,
      %swap3A_659 = vector.shape_cast %swap3A_658 : vector<1x16xf32> to vector<16xf32>
      %swap3A_660 = vector.shape_cast %add3A_655 : vector<16xf32> to vector<1x16xf32>
      tpu.vector_store %arg6[%swap3A_656, %swap3A_657], %swap3A_660 {strides = array<i32>} : memref<16x1024xf32, #tpu.memory_space<vmem>>, vector<1x16xf32>,
      %get3A_661 = arith.index_cast %scan3A_88 : i32 to index
      %get3A_662 = arith.constant 656 : index
      %get3A_663 = tpu.vector_load %arg6[%get3A_661, %get3A_662] {strides = array<i32>} : memref<16x1024xf32, #tpu.memory_space<vmem>>, vector<1x16xf32>,
      %get3A_664 = vector.shape_cast %get3A_663 : vector<1x16xf32> to vector<16xf32>
      %get3A_665 = arith.index_cast %scan3A_88 : i32 to index
      %get3A_666 = arith.constant 656 : index
      %get3A_667 = tpu.vector_load %arg7[%get3A_665, %get3A_666] {strides = array<i32>} : memref<16x1024xf32, #tpu.memory_space<vmem>>, vector<1x16xf32>,
      %get3A_668 = vector.shape_cast %get3A_667 : vector<1x16xf32> to vector<16xf32>
      %add3A_669 = arith.addf %get3A_664, %get3A_668 : vector<16xf32>
      %swap3A_670 = arith.index_cast %scan3A_88 : i32 to index
      %swap3A_671 = arith.constant 656 : index
      %swap3A_672 = tpu.vector_load %arg6[%swap3A_670, %swap3A_671] {strides = array<i32>} : memref<16x1024xf32, #tpu.memory_space<vmem>>, vector<1x16xf32>,
      %swap3A_673 = vector.shape_cast %swap3A_672 : vector<1x16xf32> to vector<16xf32>
      %swap3A_674 = vector.shape_cast %add3A_669 : vector<16xf32> to vector<1x16xf32>
      tpu.vector_store %arg6[%swap3A_670, %swap3A_671], %swap3A_674 {strides = array<i32>} : memref<16x1024xf32, #tpu.memory_space<vmem>>, vector<1x16xf32>,
      %get3A_675 = arith.index_cast %scan3A_88 : i32 to index
      %get3A_676 = arith.constant 672 : index
      %get3A_677 = tpu.vector_load %arg6[%get3A_675, %get3A_676] {strides = array<i32>} : memref<16x1024xf32, #tpu.memory_space<vmem>>, vector<1x16xf32>,
      %get3A_678 = vector.shape_cast %get3A_677 : vector<1x16xf32> to vector<16xf32>
      %get3A_679 = arith.index_cast %scan3A_88 : i32 to index
      %get3A_680 = arith.constant 672 : index
      %get3A_681 = tpu.vector_load %arg7[%get3A_679, %get3A_680] {strides = array<i32>} : memref<16x1024xf32, #tpu.memory_space<vmem>>, vector<1x16xf32>,
      %get3A_682 = vector.shape_cast %get3A_681 : vector<1x16xf32> to vector<16xf32>
      %add3A_683 = arith.addf %get3A_678, %get3A_682 : vector<16xf32>
      %swap3A_684 = arith.index_cast %scan3A_88 : i32 to index
      %swap3A_685 = arith.constant 672 : index
      %swap3A_686 = tpu.vector_load %arg6[%swap3A_684, %swap3A_685] {strides = array<i32>} : memref<16x1024xf32, #tpu.memory_space<vmem>>, vector<1x16xf32>,
      %swap3A_687 = vector.shape_cast %swap3A_686 : vector<1x16xf32> to vector<16xf32>
      %swap3A_688 = vector.shape_cast %add3A_683 : vector<16xf32> to vector<1x16xf32>
      tpu.vector_store %arg6[%swap3A_684, %swap3A_685], %swap3A_688 {strides = array<i32>} : memref<16x1024xf32, #tpu.memory_space<vmem>>, vector<1x16xf32>,
      %get3A_689 = arith.index_cast %scan3A_88 : i32 to index
      %get3A_690 = arith.constant 688 : index
      %get3A_691 = tpu.vector_load %arg6[%get3A_689, %get3A_690] {strides = array<i32>} : memref<16x1024xf32, #tpu.memory_space<vmem>>, vector<1x16xf32>,
      %get3A_692 = vector.shape_cast %get3A_691 : vector<1x16xf32> to vector<16xf32>
      %get3A_693 = arith.index_cast %scan3A_88 : i32 to index
      %get3A_694 = arith.constant 688 : index
      %get3A_695 = tpu.vector_load %arg7[%get3A_693, %get3A_694] {strides = array<i32>} : memref<16x1024xf32, #tpu.memory_space<vmem>>, vector<1x16xf32>,
      %get3A_696 = vector.shape_cast %get3A_695 : vector<1x16xf32> to vector<16xf32>
      %add3A_697 = arith.addf %get3A_692, %get3A_696 : vector<16xf32>
      %swap3A_698 = arith.index_cast %scan3A_88 : i32 to index
      %swap3A_699 = arith.constant 688 : index
      %swap3A_700 = tpu.vector_load %arg6[%swap3A_698, %swap3A_699] {strides = array<i32>} : memref<16x1024xf32, #tpu.memory_space<vmem>>, vector<1x16xf32>,
      %swap3A_701 = vector.shape_cast %swap3A_700 : vector<1x16xf32> to vector<16xf32>
      %swap3A_702 = vector.shape_cast %add3A_697 : vector<16xf32> to vector<1x16xf32>
      tpu.vector_store %arg6[%swap3A_698, %swap3A_699], %swap3A_702 {strides = array<i32>} : memref<16x1024xf32, #tpu.memory_space<vmem>>, vector<1x16xf32>,
      %get3A_703 = arith.index_cast %scan3A_88 : i32 to index
      %get3A_704 = arith.constant 704 : index
      %get3A_705 = tpu.vector_load %arg6[%get3A_703, %get3A_704] {strides = array<i32>} : memref<16x1024xf32, #tpu.memory_space<vmem>>, vector<1x16xf32>,
      %get3A_706 = vector.shape_cast %get3A_705 : vector<1x16xf32> to vector<16xf32>
      %get3A_707 = arith.index_cast %scan3A_88 : i32 to index
      %get3A_708 = arith.constant 704 : index
      %get3A_709 = tpu.vector_load %arg7[%get3A_707, %get3A_708] {strides = array<i32>} : memref<16x1024xf32, #tpu.memory_space<vmem>>, vector<1x16xf32>,
      %get3A_710 = vector.shape_cast %get3A_709 : vector<1x16xf32> to vector<16xf32>
      %add3A_711 = arith.addf %get3A_706, %get3A_710 : vector<16xf32>
      %swap3A_712 = arith.index_cast %scan3A_88 : i32 to index
      %swap3A_713 = arith.constant 704 : index
      %swap3A_714 = tpu.vector_load %arg6[%swap3A_712, %swap3A_713] {strides = array<i32>} : memref<16x1024xf32, #tpu.memory_space<vmem>>, vector<1x16xf32>,
      %swap3A_715 = vector.shape_cast %swap3A_714 : vector<1x16xf32> to vector<16xf32>
      %swap3A_716 = vector.shape_cast %add3A_711 : vector<16xf32> to vector<1x16xf32>
      tpu.vector_store %arg6[%swap3A_712, %swap3A_713], %swap3A_716 {strides = array<i32>} : memref<16x1024xf32, #tpu.memory_space<vmem>>, vector<1x16xf32>,
      %get3A_717 = arith.index_cast %scan3A_88 : i32 to index
      %get3A_718 = arith.constant 720 : index
      %get3A_719 = tpu.vector_load %arg6[%get3A_717, %get3A_718] {strides = array<i32>} : memref<16x1024xf32, #tpu.memory_space<vmem>>, vector<1x16xf32>,
      %get3A_720 = vector.shape_cast %get3A_719 : vector<1x16xf32> to vector<16xf32>
      %get3A_721 = arith.index_cast %scan3A_88 : i32 to index
      %get3A_722 = arith.constant 720 : index
      %get3A_723 = tpu.vector_load %arg7[%get3A_721, %get3A_722] {strides = array<i32>} : memref<16x1024xf32, #tpu.memory_space<vmem>>, vector<1x16xf32>,
      %get3A_724 = vector.shape_cast %get3A_723 : vector<1x16xf32> to vector<16xf32>
      %add3A_725 = arith.addf %get3A_720, %get3A_724 : vector<16xf32>
      %swap3A_726 = arith.index_cast %scan3A_88 : i32 to index
      %swap3A_727 = arith.constant 720 : index
      %swap3A_728 = tpu.vector_load %arg6[%swap3A_726, %swap3A_727] {strides = array<i32>} : memref<16x1024xf32, #tpu.memory_space<vmem>>, vector<1x16xf32>,
      %swap3A_729 = vector.shape_cast %swap3A_728 : vector<1x16xf32> to vector<16xf32>
      %swap3A_730 = vector.shape_cast %add3A_725 : vector<16xf32> to vector<1x16xf32>
      tpu.vector_store %arg6[%swap3A_726, %swap3A_727], %swap3A_730 {strides = array<i32>} : memref<16x1024xf32, #tpu.memory_space<vmem>>, vector<1x16xf32>,
      %get3A_731 = arith.index_cast %scan3A_88 : i32 to index
      %get3A_732 = arith.constant 736 : index
      %get3A_733 = tpu.vector_load %arg6[%get3A_731, %get3A_732] {strides = array<i32>} : memref<16x1024xf32, #tpu.memory_space<vmem>>, vector<1x16xf32>,
      %get3A_734 = vector.shape_cast %get3A_733 : vector<1x16xf32> to vector<16xf32>
      %get3A_735 = arith.index_cast %scan3A_88 : i32 to index
      %get3A_736 = arith.constant 736 : index
      %get3A_737 = tpu.vector_load %arg7[%get3A_735, %get3A_736] {strides = array<i32>} : memref<16x1024xf32, #tpu.memory_space<vmem>>, vector<1x16xf32>,
      %get3A_738 = vector.shape_cast %get3A_737 : vector<1x16xf32> to vector<16xf32>
      %add3A_739 = arith.addf %get3A_734, %get3A_738 : vector<16xf32>
      %swap3A_740 = arith.index_cast %scan3A_88 : i32 to index
      %swap3A_741 = arith.constant 736 : index
      %swap3A_742 = tpu.vector_load %arg6[%swap3A_740, %swap3A_741] {strides = array<i32>} : memref<16x1024xf32, #tpu.memory_space<vmem>>, vector<1x16xf32>,
      %swap3A_743 = vector.shape_cast %swap3A_742 : vector<1x16xf32> to vector<16xf32>
      %swap3A_744 = vector.shape_cast %add3A_739 : vector<16xf32> to vector<1x16xf32>
      tpu.vector_store %arg6[%swap3A_740, %swap3A_741], %swap3A_744 {strides = array<i32>} : memref<16x1024xf32, #tpu.memory_space<vmem>>, vector<1x16xf32>,
      %get3A_745 = arith.index_cast %scan3A_88 : i32 to index
      %get3A_746 = arith.constant 752 : index
      %get3A_747 = tpu.vector_load %arg6[%get3A_745, %get3A_746] {strides = array<i32>} : memref<16x1024xf32, #tpu.memory_space<vmem>>, vector<1x16xf32>,
      %get3A_748 = vector.shape_cast %get3A_747 : vector<1x16xf32> to vector<16xf32>
      %get3A_749 = arith.index_cast %scan3A_88 : i32 to index
      %get3A_750 = arith.constant 752 : index
      %get3A_751 = tpu.vector_load %arg7[%get3A_749, %get3A_750] {strides = array<i32>} : memref<16x1024xf32, #tpu.memory_space<vmem>>, vector<1x16xf32>,
      %get3A_752 = vector.shape_cast %get3A_751 : vector<1x16xf32> to vector<16xf32>
      %add3A_753 = arith.addf %get3A_748, %get3A_752 : vector<16xf32>
      %swap3A_754 = arith.index_cast %scan3A_88 : i32 to index
      %swap3A_755 = arith.constant 752 : index
      %swap3A_756 = tpu.vector_load %arg6[%swap3A_754, %swap3A_755] {strides = array<i32>} : memref<16x1024xf32, #tpu.memory_space<vmem>>, vector<1x16xf32>,
      %swap3A_757 = vector.shape_cast %swap3A_756 : vector<1x16xf32> to vector<16xf32>
      %swap3A_758 = vector.shape_cast %add3A_753 : vector<16xf32> to vector<1x16xf32>
      tpu.vector_store %arg6[%swap3A_754, %swap3A_755], %swap3A_758 {strides = array<i32>} : memref<16x1024xf32, #tpu.memory_space<vmem>>, vector<1x16xf32>,
      %get3A_759 = arith.index_cast %scan3A_88 : i32 to index
      %get3A_760 = arith.constant 768 : index
      %get3A_761 = tpu.vector_load %arg6[%get3A_759, %get3A_760] {strides = array<i32>} : memref<16x1024xf32, #tpu.memory_space<vmem>>, vector<1x16xf32>,
      %get3A_762 = vector.shape_cast %get3A_761 : vector<1x16xf32> to vector<16xf32>
      %get3A_763 = arith.index_cast %scan3A_88 : i32 to index
      %get3A_764 = arith.constant 768 : index
      %get3A_765 = tpu.vector_load %arg7[%get3A_763, %get3A_764] {strides = array<i32>} : memref<16x1024xf32, #tpu.memory_space<vmem>>, vector<1x16xf32>,
      %get3A_766 = vector.shape_cast %get3A_765 : vector<1x16xf32> to vector<16xf32>
      %add3A_767 = arith.addf %get3A_762, %get3A_766 : vector<16xf32>
      %swap3A_768 = arith.index_cast %scan3A_88 : i32 to index
      %swap3A_769 = arith.constant 768 : index
      %swap3A_770 = tpu.vector_load %arg6[%swap3A_768, %swap3A_769] {strides = array<i32>} : memref<16x1024xf32, #tpu.memory_space<vmem>>, vector<1x16xf32>,
      %swap3A_771 = vector.shape_cast %swap3A_770 : vector<1x16xf32> to vector<16xf32>
      %swap3A_772 = vector.shape_cast %add3A_767 : vector<16xf32> to vector<1x16xf32>
      tpu.vector_store %arg6[%swap3A_768, %swap3A_769], %swap3A_772 {strides = array<i32>} : memref<16x1024xf32, #tpu.memory_space<vmem>>, vector<1x16xf32>,
      %get3A_773 = arith.index_cast %scan3A_88 : i32 to index
      %get3A_774 = arith.constant 784 : index
      %get3A_775 = tpu.vector_load %arg6[%get3A_773, %get3A_774] {strides = array<i32>} : memref<16x1024xf32, #tpu.memory_space<vmem>>, vector<1x16xf32>,
      %get3A_776 = vector.shape_cast %get3A_775 : vector<1x16xf32> to vector<16xf32>
      %get3A_777 = arith.index_cast %scan3A_88 : i32 to index
      %get3A_778 = arith.constant 784 : index
      %get3A_779 = tpu.vector_load %arg7[%get3A_777, %get3A_778] {strides = array<i32>} : memref<16x1024xf32, #tpu.memory_space<vmem>>, vector<1x16xf32>,
      %get3A_780 = vector.shape_cast %get3A_779 : vector<1x16xf32> to vector<16xf32>
      %add3A_781 = arith.addf %get3A_776, %get3A_780 : vector<16xf32>
      %swap3A_782 = arith.index_cast %scan3A_88 : i32 to index
      %swap3A_783 = arith.constant 784 : index
      %swap3A_784 = tpu.vector_load %arg6[%swap3A_782, %swap3A_783] {strides = array<i32>} : memref<16x1024xf32, #tpu.memory_space<vmem>>, vector<1x16xf32>,
      %swap3A_785 = vector.shape_cast %swap3A_784 : vector<1x16xf32> to vector<16xf32>
      %swap3A_786 = vector.shape_cast %add3A_781 : vector<16xf32> to vector<1x16xf32>
      tpu.vector_store %arg6[%swap3A_782, %swap3A_783], %swap3A_786 {strides = array<i32>} : memref<16x1024xf32, #tpu.memory_space<vmem>>, vector<1x16xf32>,
      %get3A_787 = arith.index_cast %scan3A_88 : i32 to index
      %get3A_788 = arith.constant 800 : index
      %get3A_789 = tpu.vector_load %arg6[%get3A_787, %get3A_788] {strides = array<i32>} : memref<16x1024xf32, #tpu.memory_space<vmem>>, vector<1x16xf32>,
      %get3A_790 = vector.shape_cast %get3A_789 : vector<1x16xf32> to vector<16xf32>
      %get3A_791 = arith.index_cast %scan3A_88 : i32 to index
      %get3A_792 = arith.constant 800 : index
      %get3A_793 = tpu.vector_load %arg7[%get3A_791, %get3A_792] {strides = array<i32>} : memref<16x1024xf32, #tpu.memory_space<vmem>>, vector<1x16xf32>,
      %get3A_794 = vector.shape_cast %get3A_793 : vector<1x16xf32> to vector<16xf32>
      %add3A_795 = arith.addf %get3A_790, %get3A_794 : vector<16xf32>
      %swap3A_796 = arith.index_cast %scan3A_88 : i32 to index
      %swap3A_797 = arith.constant 800 : index
      %swap3A_798 = tpu.vector_load %arg6[%swap3A_796, %swap3A_797] {strides = array<i32>} : memref<16x1024xf32, #tpu.memory_space<vmem>>, vector<1x16xf32>,
      %swap3A_799 = vector.shape_cast %swap3A_798 : vector<1x16xf32> to vector<16xf32>
      %swap3A_800 = vector.shape_cast %add3A_795 : vector<16xf32> to vector<1x16xf32>
      tpu.vector_store %arg6[%swap3A_796, %swap3A_797], %swap3A_800 {strides = array<i32>} : memref<16x1024xf32, #tpu.memory_space<vmem>>, vector<1x16xf32>,
      %get3A_801 = arith.index_cast %scan3A_88 : i32 to index
      %get3A_802 = arith.constant 816 : index
      %get3A_803 = tpu.vector_load %arg6[%get3A_801, %get3A_802] {strides = array<i32>} : memref<16x1024xf32, #tpu.memory_space<vmem>>, vector<1x16xf32>,
      %get3A_804 = vector.shape_cast %get3A_803 : vector<1x16xf32> to vector<16xf32>
      %get3A_805 = arith.index_cast %scan3A_88 : i32 to index
      %get3A_806 = arith.constant 816 : index
      %get3A_807 = tpu.vector_load %arg7[%get3A_805, %get3A_806] {strides = array<i32>} : memref<16x1024xf32, #tpu.memory_space<vmem>>, vector<1x16xf32>,
      %get3A_808 = vector.shape_cast %get3A_807 : vector<1x16xf32> to vector<16xf32>
      %add3A_809 = arith.addf %get3A_804, %get3A_808 : vector<16xf32>
      %swap3A_810 = arith.index_cast %scan3A_88 : i32 to index
      %swap3A_811 = arith.constant 816 : index
      %swap3A_812 = tpu.vector_load %arg6[%swap3A_810, %swap3A_811] {strides = array<i32>} : memref<16x1024xf32, #tpu.memory_space<vmem>>, vector<1x16xf32>,
      %swap3A_813 = vector.shape_cast %swap3A_812 : vector<1x16xf32> to vector<16xf32>
      %swap3A_814 = vector.shape_cast %add3A_809 : vector<16xf32> to vector<1x16xf32>
      tpu.vector_store %arg6[%swap3A_810, %swap3A_811], %swap3A_814 {strides = array<i32>} : memref<16x1024xf32, #tpu.memory_space<vmem>>, vector<1x16xf32>,
      %get3A_815 = arith.index_cast %scan3A_88 : i32 to index
      %get3A_816 = arith.constant 832 : index
      %get3A_817 = tpu.vector_load %arg6[%get3A_815, %get3A_816] {strides = array<i32>} : memref<16x1024xf32, #tpu.memory_space<vmem>>, vector<1x16xf32>,
      %get3A_818 = vector.shape_cast %get3A_817 : vector<1x16xf32> to vector<16xf32>
      %get3A_819 = arith.index_cast %scan3A_88 : i32 to index
      %get3A_820 = arith.constant 832 : index
      %get3A_821 = tpu.vector_load %arg7[%get3A_819, %get3A_820] {strides = array<i32>} : memref<16x1024xf32, #tpu.memory_space<vmem>>, vector<1x16xf32>,
      %get3A_822 = vector.shape_cast %get3A_821 : vector<1x16xf32> to vector<16xf32>
      %add3A_823 = arith.addf %get3A_818, %get3A_822 : vector<16xf32>
      %swap3A_824 = arith.index_cast %scan3A_88 : i32 to index
      %swap3A_825 = arith.constant 832 : index
      %swap3A_826 = tpu.vector_load %arg6[%swap3A_824, %swap3A_825] {strides = array<i32>} : memref<16x1024xf32, #tpu.memory_space<vmem>>, vector<1x16xf32>,
      %swap3A_827 = vector.shape_cast %swap3A_826 : vector<1x16xf32> to vector<16xf32>
      %swap3A_828 = vector.shape_cast %add3A_823 : vector<16xf32> to vector<1x16xf32>
      tpu.vector_store %arg6[%swap3A_824, %swap3A_825], %swap3A_828 {strides = array<i32>} : memref<16x1024xf32, #tpu.memory_space<vmem>>, vector<1x16xf32>,
      %get3A_829 = arith.index_cast %scan3A_88 : i32 to index
      %get3A_830 = arith.constant 848 : index
      %get3A_831 = tpu.vector_load %arg6[%get3A_829, %get3A_830] {strides = array<i32>} : memref<16x1024xf32, #tpu.memory_space<vmem>>, vector<1x16xf32>,
      %get3A_832 = vector.shape_cast %get3A_831 : vector<1x16xf32> to vector<16xf32>
      %get3A_833 = arith.index_cast %scan3A_88 : i32 to index
      %get3A_834 = arith.constant 848 : index
      %get3A_835 = tpu.vector_load %arg7[%get3A_833, %get3A_834] {strides = array<i32>} : memref<16x1024xf32, #tpu.memory_space<vmem>>, vector<1x16xf32>,
      %get3A_836 = vector.shape_cast %get3A_835 : vector<1x16xf32> to vector<16xf32>
      %add3A_837 = arith.addf %get3A_832, %get3A_836 : vector<16xf32>
      %swap3A_838 = arith.index_cast %scan3A_88 : i32 to index
      %swap3A_839 = arith.constant 848 : index
      %swap3A_840 = tpu.vector_load %arg6[%swap3A_838, %swap3A_839] {strides = array<i32>} : memref<16x1024xf32, #tpu.memory_space<vmem>>, vector<1x16xf32>,
      %swap3A_841 = vector.shape_cast %swap3A_840 : vector<1x16xf32> to vector<16xf32>
      %swap3A_842 = vector.shape_cast %add3A_837 : vector<16xf32> to vector<1x16xf32>
      tpu.vector_store %arg6[%swap3A_838, %swap3A_839], %swap3A_842 {strides = array<i32>} : memref<16x1024xf32, #tpu.memory_space<vmem>>, vector<1x16xf32>,
      %get3A_843 = arith.index_cast %scan3A_88 : i32 to index
      %get3A_844 = arith.constant 864 : index
      %get3A_845 = tpu.vector_load %arg6[%get3A_843, %get3A_844] {strides = array<i32>} : memref<16x1024xf32, #tpu.memory_space<vmem>>, vector<1x16xf32>,
      %get3A_846 = vector.shape_cast %get3A_845 : vector<1x16xf32> to vector<16xf32>
      %get3A_847 = arith.index_cast %scan3A_88 : i32 to index
      %get3A_848 = arith.constant 864 : index
      %get3A_849 = tpu.vector_load %arg7[%get3A_847, %get3A_848] {strides = array<i32>} : memref<16x1024xf32, #tpu.memory_space<vmem>>, vector<1x16xf32>,
      %get3A_850 = vector.shape_cast %get3A_849 : vector<1x16xf32> to vector<16xf32>
      %add3A_851 = arith.addf %get3A_846, %get3A_850 : vector<16xf32>
      %swap3A_852 = arith.index_cast %scan3A_88 : i32 to index
      %swap3A_853 = arith.constant 864 : index
      %swap3A_854 = tpu.vector_load %arg6[%swap3A_852, %swap3A_853] {strides = array<i32>} : memref<16x1024xf32, #tpu.memory_space<vmem>>, vector<1x16xf32>,
      %swap3A_855 = vector.shape_cast %swap3A_854 : vector<1x16xf32> to vector<16xf32>
      %swap3A_856 = vector.shape_cast %add3A_851 : vector<16xf32> to vector<1x16xf32>
      tpu.vector_store %arg6[%swap3A_852, %swap3A_853], %swap3A_856 {strides = array<i32>} : memref<16x1024xf32, #tpu.memory_space<vmem>>, vector<1x16xf32>,
      %get3A_857 = arith.index_cast %scan3A_88 : i32 to index
      %get3A_858 = arith.constant 880 : index
      %get3A_859 = tpu.vector_load %arg6[%get3A_857, %get3A_858] {strides = array<i32>} : memref<16x1024xf32, #tpu.memory_space<vmem>>, vector<1x16xf32>,
      %get3A_860 = vector.shape_cast %get3A_859 : vector<1x16xf32> to vector<16xf32>
      %get3A_861 = arith.index_cast %scan3A_88 : i32 to index
      %get3A_862 = arith.constant 880 : index
      %get3A_863 = tpu.vector_load %arg7[%get3A_861, %get3A_862] {strides = array<i32>} : memref<16x1024xf32, #tpu.memory_space<vmem>>, vector<1x16xf32>,
      %get3A_864 = vector.shape_cast %get3A_863 : vector<1x16xf32> to vector<16xf32>
      %add3A_865 = arith.addf %get3A_860, %get3A_864 : vector<16xf32>
      %swap3A_866 = arith.index_cast %scan3A_88 : i32 to index
      %swap3A_867 = arith.constant 880 : index
      %swap3A_868 = tpu.vector_load %arg6[%swap3A_866, %swap3A_867] {strides = array<i32>} : memref<16x1024xf32, #tpu.memory_space<vmem>>, vector<1x16xf32>,
      %swap3A_869 = vector.shape_cast %swap3A_868 : vector<1x16xf32> to vector<16xf32>
      %swap3A_870 = vector.shape_cast %add3A_865 : vector<16xf32> to vector<1x16xf32>
      tpu.vector_store %arg6[%swap3A_866, %swap3A_867], %swap3A_870 {strides = array<i32>} : memref<16x1024xf32, #tpu.memory_space<vmem>>, vector<1x16xf32>,
      %get3A_871 = arith.index_cast %scan3A_88 : i32 to index
      %get3A_872 = arith.constant 896 : index
      %get3A_873 = tpu.vector_load %arg6[%get3A_871, %get3A_872] {strides = array<i32>} : memref<16x1024xf32, #tpu.memory_space<vmem>>, vector<1x16xf32>,
      %get3A_874 = vector.shape_cast %get3A_873 : vector<1x16xf32> to vector<16xf32>
      %get3A_875 = arith.index_cast %scan3A_88 : i32 to index
      %get3A_876 = arith.constant 896 : index
      %get3A_877 = tpu.vector_load %arg7[%get3A_875, %get3A_876] {strides = array<i32>} : memref<16x1024xf32, #tpu.memory_space<vmem>>, vector<1x16xf32>,
      %get3A_878 = vector.shape_cast %get3A_877 : vector<1x16xf32> to vector<16xf32>
      %add3A_879 = arith.addf %get3A_874, %get3A_878 : vector<16xf32>
      %swap3A_880 = arith.index_cast %scan3A_88 : i32 to index
      %swap3A_881 = arith.constant 896 : index
      %swap3A_882 = tpu.vector_load %arg6[%swap3A_880, %swap3A_881] {strides = array<i32>} : memref<16x1024xf32, #tpu.memory_space<vmem>>, vector<1x16xf32>,
      %swap3A_883 = vector.shape_cast %swap3A_882 : vector<1x16xf32> to vector<16xf32>
      %swap3A_884 = vector.shape_cast %add3A_879 : vector<16xf32> to vector<1x16xf32>
      tpu.vector_store %arg6[%swap3A_880, %swap3A_881], %swap3A_884 {strides = array<i32>} : memref<16x1024xf32, #tpu.memory_space<vmem>>, vector<1x16xf32>,
      %get3A_885 = arith.index_cast %scan3A_88 : i32 to index
      %get3A_886 = arith.constant 912 : index
      %get3A_887 = tpu.vector_load %arg6[%get3A_885, %get3A_886] {strides = array<i32>} : memref<16x1024xf32, #tpu.memory_space<vmem>>, vector<1x16xf32>,
      %get3A_888 = vector.shape_cast %get3A_887 : vector<1x16xf32> to vector<16xf32>
      %get3A_889 = arith.index_cast %scan3A_88 : i32 to index
      %get3A_890 = arith.constant 912 : index
      %get3A_891 = tpu.vector_load %arg7[%get3A_889, %get3A_890] {strides = array<i32>} : memref<16x1024xf32, #tpu.memory_space<vmem>>, vector<1x16xf32>,
      %get3A_892 = vector.shape_cast %get3A_891 : vector<1x16xf32> to vector<16xf32>
      %add3A_893 = arith.addf %get3A_888, %get3A_892 : vector<16xf32>
      %swap3A_894 = arith.index_cast %scan3A_88 : i32 to index
      %swap3A_895 = arith.constant 912 : index
      %swap3A_896 = tpu.vector_load %arg6[%swap3A_894, %swap3A_895] {strides = array<i32>} : memref<16x1024xf32, #tpu.memory_space<vmem>>, vector<1x16xf32>,
      %swap3A_897 = vector.shape_cast %swap3A_896 : vector<1x16xf32> to vector<16xf32>
      %swap3A_898 = vector.shape_cast %add3A_893 : vector<16xf32> to vector<1x16xf32>
      tpu.vector_store %arg6[%swap3A_894, %swap3A_895], %swap3A_898 {strides = array<i32>} : memref<16x1024xf32, #tpu.memory_space<vmem>>, vector<1x16xf32>,
      %get3A_899 = arith.index_cast %scan3A_88 : i32 to index
      %get3A_900 = arith.constant 928 : index
      %get3A_901 = tpu.vector_load %arg6[%get3A_899, %get3A_900] {strides = array<i32>} : memref<16x1024xf32, #tpu.memory_space<vmem>>, vector<1x16xf32>,
      %get3A_902 = vector.shape_cast %get3A_901 : vector<1x16xf32> to vector<16xf32>
      %get3A_903 = arith.index_cast %scan3A_88 : i32 to index
      %get3A_904 = arith.constant 928 : index
      %get3A_905 = tpu.vector_load %arg7[%get3A_903, %get3A_904] {strides = array<i32>} : memref<16x1024xf32, #tpu.memory_space<vmem>>, vector<1x16xf32>,
      %get3A_906 = vector.shape_cast %get3A_905 : vector<1x16xf32> to vector<16xf32>
      %add3A_907 = arith.addf %get3A_902, %get3A_906 : vector<16xf32>
      %swap3A_908 = arith.index_cast %scan3A_88 : i32 to index
      %swap3A_909 = arith.constant 928 : index
      %swap3A_910 = tpu.vector_load %arg6[%swap3A_908, %swap3A_909] {strides = array<i32>} : memref<16x1024xf32, #tpu.memory_space<vmem>>, vector<1x16xf32>,
      %swap3A_911 = vector.shape_cast %swap3A_910 : vector<1x16xf32> to vector<16xf32>
      %swap3A_912 = vector.shape_cast %add3A_907 : vector<16xf32> to vector<1x16xf32>
      tpu.vector_store %arg6[%swap3A_908, %swap3A_909], %swap3A_912 {strides = array<i32>} : memref<16x1024xf32, #tpu.memory_space<vmem>>, vector<1x16xf32>,
      %get3A_913 = arith.index_cast %scan3A_88 : i32 to index
      %get3A_914 = arith.constant 944 : index
      %get3A_915 = tpu.vector_load %arg6[%get3A_913, %get3A_914] {strides = array<i32>} : memref<16x1024xf32, #tpu.memory_space<vmem>>, vector<1x16xf32>,
      %get3A_916 = vector.shape_cast %get3A_915 : vector<1x16xf32> to vector<16xf32>
      %get3A_917 = arith.index_cast %scan3A_88 : i32 to index
      %get3A_918 = arith.constant 944 : index
      %get3A_919 = tpu.vector_load %arg7[%get3A_917, %get3A_918] {strides = array<i32>} : memref<16x1024xf32, #tpu.memory_space<vmem>>, vector<1x16xf32>,
      %get3A_920 = vector.shape_cast %get3A_919 : vector<1x16xf32> to vector<16xf32>
      %add3A_921 = arith.addf %get3A_916, %get3A_920 : vector<16xf32>
      %swap3A_922 = arith.index_cast %scan3A_88 : i32 to index
      %swap3A_923 = arith.constant 944 : index
      %swap3A_924 = tpu.vector_load %arg6[%swap3A_922, %swap3A_923] {strides = array<i32>} : memref<16x1024xf32, #tpu.memory_space<vmem>>, vector<1x16xf32>,
      %swap3A_925 = vector.shape_cast %swap3A_924 : vector<1x16xf32> to vector<16xf32>
      %swap3A_926 = vector.shape_cast %add3A_921 : vector<16xf32> to vector<1x16xf32>
      tpu.vector_store %arg6[%swap3A_922, %swap3A_923], %swap3A_926 {strides = array<i32>} : memref<16x1024xf32, #tpu.memory_space<vmem>>, vector<1x16xf32>,
      %get3A_927 = arith.index_cast %scan3A_88 : i32 to index
      %get3A_928 = arith.constant 960 : index
      %get3A_929 = tpu.vector_load %arg6[%get3A_927, %get3A_928] {strides = array<i32>} : memref<16x1024xf32, #tpu.memory_space<vmem>>, vector<1x16xf32>,
      %get3A_930 = vector.shape_cast %get3A_929 : vector<1x16xf32> to vector<16xf32>
      %get3A_931 = arith.index_cast %scan3A_88 : i32 to index
      %get3A_932 = arith.constant 960 : index
      %get3A_933 = tpu.vector_load %arg7[%get3A_931, %get3A_932] {strides = array<i32>} : memref<16x1024xf32, #tpu.memory_space<vmem>>, vector<1x16xf32>,
      %get3A_934 = vector.shape_cast %get3A_933 : vector<1x16xf32> to vector<16xf32>
      %add3A_935 = arith.addf %get3A_930, %get3A_934 : vector<16xf32>
      %swap3A_936 = arith.index_cast %scan3A_88 : i32 to index
      %swap3A_937 = arith.constant 960 : index
      %swap3A_938 = tpu.vector_load %arg6[%swap3A_936, %swap3A_937] {strides = array<i32>} : memref<16x1024xf32, #tpu.memory_space<vmem>>, vector<1x16xf32>,
      %swap3A_939 = vector.shape_cast %swap3A_938 : vector<1x16xf32> to vector<16xf32>
      %swap3A_940 = vector.shape_cast %add3A_935 : vector<16xf32> to vector<1x16xf32>
      tpu.vector_store %arg6[%swap3A_936, %swap3A_937], %swap3A_940 {strides = array<i32>} : memref<16x1024xf32, #tpu.memory_space<vmem>>, vector<1x16xf32>,
      %get3A_941 = arith.index_cast %scan3A_88 : i32 to index
      %get3A_942 = arith.constant 976 : index
      %get3A_943 = tpu.vector_load %arg6[%get3A_941, %get3A_942] {strides = array<i32>} : memref<16x1024xf32, #tpu.memory_space<vmem>>, vector<1x16xf32>,
      %get3A_944 = vector.shape_cast %get3A_943 : vector<1x16xf32> to vector<16xf32>
      %get3A_945 = arith.index_cast %scan3A_88 : i32 to index
      %get3A_946 = arith.constant 976 : index
      %get3A_947 = tpu.vector_load %arg7[%get3A_945, %get3A_946] {strides = array<i32>} : memref<16x1024xf32, #tpu.memory_space<vmem>>, vector<1x16xf32>,
      %get3A_948 = vector.shape_cast %get3A_947 : vector<1x16xf32> to vector<16xf32>
      %add3A_949 = arith.addf %get3A_944, %get3A_948 : vector<16xf32>
      %swap3A_950 = arith.index_cast %scan3A_88 : i32 to index
      %swap3A_951 = arith.constant 976 : index
      %swap3A_952 = tpu.vector_load %arg6[%swap3A_950, %swap3A_951] {strides = array<i32>} : memref<16x1024xf32, #tpu.memory_space<vmem>>, vector<1x16xf32>,
      %swap3A_953 = vector.shape_cast %swap3A_952 : vector<1x16xf32> to vector<16xf32>
      %swap3A_954 = vector.shape_cast %add3A_949 : vector<16xf32> to vector<1x16xf32>
      tpu.vector_store %arg6[%swap3A_950, %swap3A_951], %swap3A_954 {strides = array<i32>} : memref<16x1024xf32, #tpu.memory_space<vmem>>, vector<1x16xf32>,
      %get3A_955 = arith.index_cast %scan3A_88 : i32 to index
      %get3A_956 = arith.constant 992 : index
      %get3A_957 = tpu.vector_load %arg6[%get3A_955, %get3A_956] {strides = array<i32>} : memref<16x1024xf32, #tpu.memory_space<vmem>>, vector<1x16xf32>,
      %get3A_958 = vector.shape_cast %get3A_957 : vector<1x16xf32> to vector<16xf32>
      %get3A_959 = arith.index_cast %scan3A_88 : i32 to index
      %get3A_960 = arith.constant 992 : index
      %get3A_961 = tpu.vector_load %arg7[%get3A_959, %get3A_960] {strides = array<i32>} : memref<16x1024xf32, #tpu.memory_space<vmem>>, vector<1x16xf32>,
      %get3A_962 = vector.shape_cast %get3A_961 : vector<1x16xf32> to vector<16xf32>
      %add3A_963 = arith.addf %get3A_958, %get3A_962 : vector<16xf32>
      %swap3A_964 = arith.index_cast %scan3A_88 : i32 to index
      %swap3A_965 = arith.constant 992 : index
      %swap3A_966 = tpu.vector_load %arg6[%swap3A_964, %swap3A_965] {strides = array<i32>} : memref<16x1024xf32, #tpu.memory_space<vmem>>, vector<1x16xf32>,
      %swap3A_967 = vector.shape_cast %swap3A_966 : vector<1x16xf32> to vector<16xf32>
      %swap3A_968 = vector.shape_cast %add3A_963 : vector<16xf32> to vector<1x16xf32>
      tpu.vector_store %arg6[%swap3A_964, %swap3A_965], %swap3A_968 {strides = array<i32>} : memref<16x1024xf32, #tpu.memory_space<vmem>>, vector<1x16xf32>,
      %get3A_969 = arith.index_cast %scan3A_88 : i32 to index
      %get3A_970 = arith.constant 1008 : index
      %get3A_971 = tpu.vector_load %arg6[%get3A_969, %get3A_970] {strides = array<i32>} : memref<16x1024xf32, #tpu.memory_space<vmem>>, vector<1x16xf32>,
      %get3A_972 = vector.shape_cast %get3A_971 : vector<1x16xf32> to vector<16xf32>
      %get3A_973 = arith.index_cast %scan3A_88 : i32 to index
      %get3A_974 = arith.constant 1008 : index
      %get3A_975 = tpu.vector_load %arg7[%get3A_973, %get3A_974] {strides = array<i32>} : memref<16x1024xf32, #tpu.memory_space<vmem>>, vector<1x16xf32>,
      %get3A_976 = vector.shape_cast %get3A_975 : vector<1x16xf32> to vector<16xf32>
      %add3A_977 = arith.addf %get3A_972, %get3A_976 : vector<16xf32>
      %swap3A_978 = arith.index_cast %scan3A_88 : i32 to index
      %swap3A_979 = arith.constant 1008 : index
      %swap3A_980 = tpu.vector_load %arg6[%swap3A_978, %swap3A_979] {strides = array<i32>} : memref<16x1024xf32, #tpu.memory_space<vmem>>, vector<1x16xf32>,
      %swap3A_981 = vector.shape_cast %swap3A_980 : vector<1x16xf32> to vector<16xf32>
      %swap3A_982 = vector.shape_cast %add3A_977 : vector<16xf32> to vector<1x16xf32>
      tpu.vector_store %arg6[%swap3A_978, %swap3A_979], %swap3A_982 {strides = array<i32>} : memref<16x1024xf32, #tpu.memory_space<vmem>>, vector<1x16xf32>,
    }
    %scan3A_71 = arith.constant 16 : i32
    %add3A_72 = arith.constant 32 : i32
    %add3A_73 = arith.addi %mul3A_2, %add3A_72 : i32
    "tpu.region"() ({
      %run_scoped3A = tpu.sem_alloc : memref<!tpu.dma_semaphore, #tpu.memory_space<semaphore_mem>>
      %dma_start3A_88 = arith.constant 0 : i32
      %dma_start3A_89 = tpu.memref_slice %arg5[%add3A_73, %dma_start3A_88] : memref<2048x1024xf32, #tpu.memory_space<hbm>> -> memref<16x1024xf32, #tpu.memory_space<hbm>>
      %dma_start3A_90 = arith.constant 0 : i32
      %dma_start3A_91 = tpu.memref_slice %arg5[%add3A_73, %dma_start3A_90] : memref<2048x1024xf32, #tpu.memory_space<hbm>> -> memref<16x1024xf32, #tpu.memory_space<hbm>>
      tpu.enqueue_dma source(%arg6 : memref<16x1024xf32, #tpu.memory_space<vmem>>) target(%dma_start3A_91 : memref<16x1024xf32, #tpu.memory_space<hbm>>) target_semaphore(%run_scoped3A : memref<!tpu.dma_semaphore, #tpu.memory_space<semaphore_mem>>)
      %dma_wait3A_92 = arith.constant 0 : i32
      %dma_wait3A_93 = tpu.memref_slice %arg5[%add3A_73, %dma_wait3A_92] : memref<2048x1024xf32, #tpu.memory_space<hbm>> -> memref<16x1024xf32, #tpu.memory_space<hbm>>
      %dma_wait3A_94 = arith.constant 0 : i32
      %dma_wait3A_95 = tpu.memref_slice %arg5[%add3A_73, %dma_wait3A_94] : memref<2048x1024xf32, #tpu.memory_space<hbm>> -> memref<16x1024xf32, #tpu.memory_space<hbm>>
      tpu.wait_dma2 semaphore(%run_scoped3A : memref<!tpu.dma_semaphore, #tpu.memory_space<semaphore_mem>>) src(%arg6 : memref<16x1024xf32, #tpu.memory_space<vmem>>) dst(%dma_wait3A_95 : memref<16x1024xf32, #tpu.memory_space<hbm>>)
      tpu.yield
    }) : () -> ()
    %dma_wait3A_74 = arith.constant 0 : i32
    %dma_wait3A_75 = arith.constant 0 : i32
    %dma_wait3A_76 = tpu.memref_slice %arg2[%dma_wait3A_74, %dma_wait3A_75] : memref<5120x1024xf32, #tpu.memory_space<hbm>> -> memref<5120x1024xf32, #tpu.memory_space<hbm>>
    tpu.wait_indirect_dma semaphore(%arg15 : memref<!tpu.dma_semaphore, #tpu.memory_space<semaphore_mem>>) src(%dma_wait3A_76 : memref<5120x1024xf32, #tpu.memory_space<hbm>>) dst(%arg8 : memref<16x1024xf32, #tpu.memory_space<vmem>>)
    %dma_wait3A_77 = arith.constant 0 : i32
    %dma_wait3A_78 = arith.constant 0 : i32
    %dma_wait3A_79 = tpu.memref_slice %arg2[%dma_wait3A_77, %dma_wait3A_78] : memref<5120x1024xf32, #tpu.memory_space<hbm>> -> memref<5120x1024xf32, #tpu.memory_space<hbm>>
    tpu.wait_indirect_dma semaphore(%arg15 : memref<!tpu.dma_semaphore, #tpu.memory_space<semaphore_mem>>) src(%dma_wait3A_79 : memref<5120x1024xf32, #tpu.memory_space<hbm>>) dst(%arg9 : memref<16x1024xf32, #tpu.memory_space<vmem>>)
    %scan3A_80 = arith.constant 0 : i32
    %scan3A_81 = arith.constant 0 : i32
    %scan3A_82 = arith.constant 16 : i32
    %scan3A_83 = arith.addi %scan3A_81, %scan3A_82 : i32
    %scan3A_84 = arith.constant 1 : i32
    scf.for %scan3A_88 = %scan3A_81 to %scan3A_83 step %scan3A_84  : i32 {
      %get3A = arith.index_cast %scan3A_88 : i32 to index
      %get3A_89 = arith.constant 0 : index
      %get3A_90 = tpu.vector_load %arg8[%get3A, %get3A_89] {strides = array<i32>} : memref<16x1024xf32, #tpu.memory_space<vmem>>, vector<1x16xf32>,
      %get3A_91 = vector.shape_cast %get3A_90 : vector<1x16xf32> to vector<16xf32>
      %get3A_92 = arith.index_cast %scan3A_88 : i32 to index
      %get3A_93 = arith.constant 0 : index
      %get3A_94 = tpu.vector_load %arg9[%get3A_92, %get3A_93] {strides = array<i32>} : memref<16x1024xf32, #tpu.memory_space<vmem>>, vector<1x16xf32>,
      %get3A_95 = vector.shape_cast %get3A_94 : vector<1x16xf32> to vector<16xf32>
      %add3A_96 = arith.addf %get3A_91, %get3A_95 : vector<16xf32>
      %swap3A = arith.index_cast %scan3A_88 : i32 to index
      %swap3A_97 = arith.constant 0 : index
      %swap3A_98 = tpu.vector_load %arg8[%swap3A, %swap3A_97] {strides = array<i32>} : memref<16x1024xf32, #tpu.memory_space<vmem>>, vector<1x16xf32>,
      %swap3A_99 = vector.shape_cast %swap3A_98 : vector<1x16xf32> to vector<16xf32>
      %swap3A_100 = vector.shape_cast %add3A_96 : vector<16xf32> to vector<1x16xf32>
      tpu.vector_store %arg8[%swap3A, %swap3A_97], %swap3A_100 {strides = array<i32>} : memref<16x1024xf32, #tpu.memory_space<vmem>>, vector<1x16xf32>,
      %get3A_101 = arith.index_cast %scan3A_88 : i32 to index
      %get3A_102 = arith.constant 16 : index
      %get3A_103 = tpu.vector_load %arg8[%get3A_101, %get3A_102] {strides = array<i32>} : memref<16x1024xf32, #tpu.memory_space<vmem>>, vector<1x16xf32>,
      %get3A_104 = vector.shape_cast %get3A_103 : vector<1x16xf32> to vector<16xf32>
      %get3A_105 = arith.index_cast %scan3A_88 : i32 to index
      %get3A_106 = arith.constant 16 : index
      %get3A_107 = tpu.vector_load %arg9[%get3A_105, %get3A_106] {strides = array<i32>} : memref<16x1024xf32, #tpu.memory_space<vmem>>, vector<1x16xf32>,
      %get3A_108 = vector.shape_cast %get3A_107 : vector<1x16xf32> to vector<16xf32>
      %add3A_109 = arith.addf %get3A_104, %get3A_108 : vector<16xf32>
      %swap3A_110 = arith.index_cast %scan3A_88 : i32 to index
      %swap3A_111 = arith.constant 16 : index
      %swap3A_112 = tpu.vector_load %arg8[%swap3A_110, %swap3A_111] {strides = array<i32>} : memref<16x1024xf32, #tpu.memory_space<vmem>>, vector<1x16xf32>,
      %swap3A_113 = vector.shape_cast %swap3A_112 : vector<1x16xf32> to vector<16xf32>
      %swap3A_114 = vector.shape_cast %add3A_109 : vector<16xf32> to vector<1x16xf32>
      tpu.vector_store %arg8[%swap3A_110, %swap3A_111], %swap3A_114 {strides = array<i32>} : memref<16x1024xf32, #tpu.memory_space<vmem>>, vector<1x16xf32>,
      %get3A_115 = arith.index_cast %scan3A_88 : i32 to index
      %get3A_116 = arith.constant 32 : index
      %get3A_117 = tpu.vector_load %arg8[%get3A_115, %get3A_116] {strides = array<i32>} : memref<16x1024xf32, #tpu.memory_space<vmem>>, vector<1x16xf32>,
      %get3A_118 = vector.shape_cast %get3A_117 : vector<1x16xf32> to vector<16xf32>
      %get3A_119 = arith.index_cast %scan3A_88 : i32 to index
      %get3A_120 = arith.constant 32 : index
      %get3A_121 = tpu.vector_load %arg9[%get3A_119, %get3A_120] {strides = array<i32>} : memref<16x1024xf32, #tpu.memory_space<vmem>>, vector<1x16xf32>,
      %get3A_122 = vector.shape_cast %get3A_121 : vector<1x16xf32> to vector<16xf32>
      %add3A_123 = arith.addf %get3A_118, %get3A_122 : vector<16xf32>
      %swap3A_124 = arith.index_cast %scan3A_88 : i32 to index
      %swap3A_125 = arith.constant 32 : index
      %swap3A_126 = tpu.vector_load %arg8[%swap3A_124, %swap3A_125] {strides = array<i32>} : memref<16x1024xf32, #tpu.memory_space<vmem>>, vector<1x16xf32>,
      %swap3A_127 = vector.shape_cast %swap3A_126 : vector<1x16xf32> to vector<16xf32>
      %swap3A_128 = vector.shape_cast %add3A_123 : vector<16xf32> to vector<1x16xf32>
      tpu.vector_store %arg8[%swap3A_124, %swap3A_125], %swap3A_128 {strides = array<i32>} : memref<16x1024xf32, #tpu.memory_space<vmem>>, vector<1x16xf32>,
      %get3A_129 = arith.index_cast %scan3A_88 : i32 to index
      %get3A_130 = arith.constant 48 : index
      %get3A_131 = tpu.vector_load %arg8[%get3A_129, %get3A_130] {strides = array<i32>} : memref<16x1024xf32, #tpu.memory_space<vmem>>, vector<1x16xf32>,
      %get3A_132 = vector.shape_cast %get3A_131 : vector<1x16xf32> to vector<16xf32>
      %get3A_133 = arith.index_cast %scan3A_88 : i32 to index
      %get3A_134 = arith.constant 48 : index
      %get3A_135 = tpu.vector_load %arg9[%get3A_133, %get3A_134] {strides = array<i32>} : memref<16x1024xf32, #tpu.memory_space<vmem>>, vector<1x16xf32>,
      %get3A_136 = vector.shape_cast %get3A_135 : vector<1x16xf32> to vector<16xf32>
      %add3A_137 = arith.addf %get3A_132, %get3A_136 : vector<16xf32>
      %swap3A_138 = arith.index_cast %scan3A_88 : i32 to index
      %swap3A_139 = arith.constant 48 : index
      %swap3A_140 = tpu.vector_load %arg8[%swap3A_138, %swap3A_139] {strides = array<i32>} : memref<16x1024xf32, #tpu.memory_space<vmem>>, vector<1x16xf32>,
      %swap3A_141 = vector.shape_cast %swap3A_140 : vector<1x16xf32> to vector<16xf32>
      %swap3A_142 = vector.shape_cast %add3A_137 : vector<16xf32> to vector<1x16xf32>
      tpu.vector_store %arg8[%swap3A_138, %swap3A_139], %swap3A_142 {strides = array<i32>} : memref<16x1024xf32, #tpu.memory_space<vmem>>, vector<1x16xf32>,
      %get3A_143 = arith.index_cast %scan3A_88 : i32 to index
      %get3A_144 = arith.constant 64 : index
      %get3A_145 = tpu.vector_load %arg8[%get3A_143, %get3A_144] {strides = array<i32>} : memref<16x1024xf32, #tpu.memory_space<vmem>>, vector<1x16xf32>,
      %get3A_146 = vector.shape_cast %get3A_145 : vector<1x16xf32> to vector<16xf32>
      %get3A_147 = arith.index_cast %scan3A_88 : i32 to index
      %get3A_148 = arith.constant 64 : index
      %get3A_149 = tpu.vector_load %arg9[%get3A_147, %get3A_148] {strides = array<i32>} : memref<16x1024xf32, #tpu.memory_space<vmem>>, vector<1x16xf32>,
      %get3A_150 = vector.shape_cast %get3A_149 : vector<1x16xf32> to vector<16xf32>
      %add3A_151 = arith.addf %get3A_146, %get3A_150 : vector<16xf32>
      %swap3A_152 = arith.index_cast %scan3A_88 : i32 to index
      %swap3A_153 = arith.constant 64 : index
      %swap3A_154 = tpu.vector_load %arg8[%swap3A_152, %swap3A_153] {strides = array<i32>} : memref<16x1024xf32, #tpu.memory_space<vmem>>, vector<1x16xf32>,
      %swap3A_155 = vector.shape_cast %swap3A_154 : vector<1x16xf32> to vector<16xf32>
      %swap3A_156 = vector.shape_cast %add3A_151 : vector<16xf32> to vector<1x16xf32>
      tpu.vector_store %arg8[%swap3A_152, %swap3A_153], %swap3A_156 {strides = array<i32>} : memref<16x1024xf32, #tpu.memory_space<vmem>>, vector<1x16xf32>,
      %get3A_157 = arith.index_cast %scan3A_88 : i32 to index
      %get3A_158 = arith.constant 80 : index
      %get3A_159 = tpu.vector_load %arg8[%get3A_157, %get3A_158] {strides = array<i32>} : memref<16x1024xf32, #tpu.memory_space<vmem>>, vector<1x16xf32>,
      %get3A_160 = vector.shape_cast %get3A_159 : vector<1x16xf32> to vector<16xf32>
      %get3A_161 = arith.index_cast %scan3A_88 : i32 to index
      %get3A_162 = arith.constant 80 : index
      %get3A_163 = tpu.vector_load %arg9[%get3A_161, %get3A_162] {strides = array<i32>} : memref<16x1024xf32, #tpu.memory_space<vmem>>, vector<1x16xf32>,
      %get3A_164 = vector.shape_cast %get3A_163 : vector<1x16xf32> to vector<16xf32>
      %add3A_165 = arith.addf %get3A_160, %get3A_164 : vector<16xf32>
      %swap3A_166 = arith.index_cast %scan3A_88 : i32 to index
      %swap3A_167 = arith.constant 80 : index
      %swap3A_168 = tpu.vector_load %arg8[%swap3A_166, %swap3A_167] {strides = array<i32>} : memref<16x1024xf32, #tpu.memory_space<vmem>>, vector<1x16xf32>,
      %swap3A_169 = vector.shape_cast %swap3A_168 : vector<1x16xf32> to vector<16xf32>
      %swap3A_170 = vector.shape_cast %add3A_165 : vector<16xf32> to vector<1x16xf32>
      tpu.vector_store %arg8[%swap3A_166, %swap3A_167], %swap3A_170 {strides = array<i32>} : memref<16x1024xf32, #tpu.memory_space<vmem>>, vector<1x16xf32>,
      %get3A_171 = arith.index_cast %scan3A_88 : i32 to index
      %get3A_172 = arith.constant 96 : index
      %get3A_173 = tpu.vector_load %arg8[%get3A_171, %get3A_172] {strides = array<i32>} : memref<16x1024xf32, #tpu.memory_space<vmem>>, vector<1x16xf32>,
      %get3A_174 = vector.shape_cast %get3A_173 : vector<1x16xf32> to vector<16xf32>
      %get3A_175 = arith.index_cast %scan3A_88 : i32 to index
      %get3A_176 = arith.constant 96 : index
      %get3A_177 = tpu.vector_load %arg9[%get3A_175, %get3A_176] {strides = array<i32>} : memref<16x1024xf32, #tpu.memory_space<vmem>>, vector<1x16xf32>,
      %get3A_178 = vector.shape_cast %get3A_177 : vector<1x16xf32> to vector<16xf32>
      %add3A_179 = arith.addf %get3A_174, %get3A_178 : vector<16xf32>
      %swap3A_180 = arith.index_cast %scan3A_88 : i32 to index
      %swap3A_181 = arith.constant 96 : index
      %swap3A_182 = tpu.vector_load %arg8[%swap3A_180, %swap3A_181] {strides = array<i32>} : memref<16x1024xf32, #tpu.memory_space<vmem>>, vector<1x16xf32>,
      %swap3A_183 = vector.shape_cast %swap3A_182 : vector<1x16xf32> to vector<16xf32>
      %swap3A_184 = vector.shape_cast %add3A_179 : vector<16xf32> to vector<1x16xf32>
      tpu.vector_store %arg8[%swap3A_180, %swap3A_181], %swap3A_184 {strides = array<i32>} : memref<16x1024xf32, #tpu.memory_space<vmem>>, vector<1x16xf32>,
      %get3A_185 = arith.index_cast %scan3A_88 : i32 to index
      %get3A_186 = arith.constant 112 : index
      %get3A_187 = tpu.vector_load %arg8[%get3A_185, %get3A_186] {strides = array<i32>} : memref<16x1024xf32, #tpu.memory_space<vmem>>, vector<1x16xf32>,
      %get3A_188 = vector.shape_cast %get3A_187 : vector<1x16xf32> to vector<16xf32>
      %get3A_189 = arith.index_cast %scan3A_88 : i32 to index
      %get3A_190 = arith.constant 112 : index
      %get3A_191 = tpu.vector_load %arg9[%get3A_189, %get3A_190] {strides = array<i32>} : memref<16x1024xf32, #tpu.memory_space<vmem>>, vector<1x16xf32>,
      %get3A_192 = vector.shape_cast %get3A_191 : vector<1x16xf32> to vector<16xf32>
      %add3A_193 = arith.addf %get3A_188, %get3A_192 : vector<16xf32>
      %swap3A_194 = arith.index_cast %scan3A_88 : i32 to index
      %swap3A_195 = arith.constant 112 : index
      %swap3A_196 = tpu.vector_load %arg8[%swap3A_194, %swap3A_195] {strides = array<i32>} : memref<16x1024xf32, #tpu.memory_space<vmem>>, vector<1x16xf32>,
      %swap3A_197 = vector.shape_cast %swap3A_196 : vector<1x16xf32> to vector<16xf32>
      %swap3A_198 = vector.shape_cast %add3A_193 : vector<16xf32> to vector<1x16xf32>
      tpu.vector_store %arg8[%swap3A_194, %swap3A_195], %swap3A_198 {strides = array<i32>} : memref<16x1024xf32, #tpu.memory_space<vmem>>, vector<1x16xf32>,
      %get3A_199 = arith.index_cast %scan3A_88 : i32 to index
      %get3A_200 = arith.constant 128 : index
      %get3A_201 = tpu.vector_load %arg8[%get3A_199, %get3A_200] {strides = array<i32>} : memref<16x1024xf32, #tpu.memory_space<vmem>>, vector<1x16xf32>,
      %get3A_202 = vector.shape_cast %get3A_201 : vector<1x16xf32> to vector<16xf32>
      %get3A_203 = arith.index_cast %scan3A_88 : i32 to index
      %get3A_204 = arith.constant 128 : index
      %get3A_205 = tpu.vector_load %arg9[%get3A_203, %get3A_204] {strides = array<i32>} : memref<16x1024xf32, #tpu.memory_space<vmem>>, vector<1x16xf32>,
      %get3A_206 = vector.shape_cast %get3A_205 : vector<1x16xf32> to vector<16xf32>
      %add3A_207 = arith.addf %get3A_202, %get3A_206 : vector<16xf32>
      %swap3A_208 = arith.index_cast %scan3A_88 : i32 to index
      %swap3A_209 = arith.constant 128 : index
      %swap3A_210 = tpu.vector_load %arg8[%swap3A_208, %swap3A_209] {strides = array<i32>} : memref<16x1024xf32, #tpu.memory_space<vmem>>, vector<1x16xf32>,
      %swap3A_211 = vector.shape_cast %swap3A_210 : vector<1x16xf32> to vector<16xf32>
      %swap3A_212 = vector.shape_cast %add3A_207 : vector<16xf32> to vector<1x16xf32>
      tpu.vector_store %arg8[%swap3A_208, %swap3A_209], %swap3A_212 {strides = array<i32>} : memref<16x1024xf32, #tpu.memory_space<vmem>>, vector<1x16xf32>,
      %get3A_213 = arith.index_cast %scan3A_88 : i32 to index
      %get3A_214 = arith.constant 144 : index
      %get3A_215 = tpu.vector_load %arg8[%get3A_213, %get3A_214] {strides = array<i32>} : memref<16x1024xf32, #tpu.memory_space<vmem>>, vector<1x16xf32>,
      %get3A_216 = vector.shape_cast %get3A_215 : vector<1x16xf32> to vector<16xf32>
      %get3A_217 = arith.index_cast %scan3A_88 : i32 to index
      %get3A_218 = arith.constant 144 : index
      %get3A_219 = tpu.vector_load %arg9[%get3A_217, %get3A_218] {strides = array<i32>} : memref<16x1024xf32, #tpu.memory_space<vmem>>, vector<1x16xf32>,
      %get3A_220 = vector.shape_cast %get3A_219 : vector<1x16xf32> to vector<16xf32>
      %add3A_221 = arith.addf %get3A_216, %get3A_220 : vector<16xf32>
      %swap3A_222 = arith.index_cast %scan3A_88 : i32 to index
      %swap3A_223 = arith.constant 144 : index
      %swap3A_224 = tpu.vector_load %arg8[%swap3A_222, %swap3A_223] {strides = array<i32>} : memref<16x1024xf32, #tpu.memory_space<vmem>>, vector<1x16xf32>,
      %swap3A_225 = vector.shape_cast %swap3A_224 : vector<1x16xf32> to vector<16xf32>
      %swap3A_226 = vector.shape_cast %add3A_221 : vector<16xf32> to vector<1x16xf32>
      tpu.vector_store %arg8[%swap3A_222, %swap3A_223], %swap3A_226 {strides = array<i32>} : memref<16x1024xf32, #tpu.memory_space<vmem>>, vector<1x16xf32>,
      %get3A_227 = arith.index_cast %scan3A_88 : i32 to index
      %get3A_228 = arith.constant 160 : index
      %get3A_229 = tpu.vector_load %arg8[%get3A_227, %get3A_228] {strides = array<i32>} : memref<16x1024xf32, #tpu.memory_space<vmem>>, vector<1x16xf32>,
      %get3A_230 = vector.shape_cast %get3A_229 : vector<1x16xf32> to vector<16xf32>
      %get3A_231 = arith.index_cast %scan3A_88 : i32 to index
      %get3A_232 = arith.constant 160 : index
      %get3A_233 = tpu.vector_load %arg9[%get3A_231, %get3A_232] {strides = array<i32>} : memref<16x1024xf32, #tpu.memory_space<vmem>>, vector<1x16xf32>,
      %get3A_234 = vector.shape_cast %get3A_233 : vector<1x16xf32> to vector<16xf32>
      %add3A_235 = arith.addf %get3A_230, %get3A_234 : vector<16xf32>
      %swap3A_236 = arith.index_cast %scan3A_88 : i32 to index
      %swap3A_237 = arith.constant 160 : index
      %swap3A_238 = tpu.vector_load %arg8[%swap3A_236, %swap3A_237] {strides = array<i32>} : memref<16x1024xf32, #tpu.memory_space<vmem>>, vector<1x16xf32>,
      %swap3A_239 = vector.shape_cast %swap3A_238 : vector<1x16xf32> to vector<16xf32>
      %swap3A_240 = vector.shape_cast %add3A_235 : vector<16xf32> to vector<1x16xf32>
      tpu.vector_store %arg8[%swap3A_236, %swap3A_237], %swap3A_240 {strides = array<i32>} : memref<16x1024xf32, #tpu.memory_space<vmem>>, vector<1x16xf32>,
      %get3A_241 = arith.index_cast %scan3A_88 : i32 to index
      %get3A_242 = arith.constant 176 : index
      %get3A_243 = tpu.vector_load %arg8[%get3A_241, %get3A_242] {strides = array<i32>} : memref<16x1024xf32, #tpu.memory_space<vmem>>, vector<1x16xf32>,
      %get3A_244 = vector.shape_cast %get3A_243 : vector<1x16xf32> to vector<16xf32>
      %get3A_245 = arith.index_cast %scan3A_88 : i32 to index
      %get3A_246 = arith.constant 176 : index
      %get3A_247 = tpu.vector_load %arg9[%get3A_245, %get3A_246] {strides = array<i32>} : memref<16x1024xf32, #tpu.memory_space<vmem>>, vector<1x16xf32>,
      %get3A_248 = vector.shape_cast %get3A_247 : vector<1x16xf32> to vector<16xf32>
      %add3A_249 = arith.addf %get3A_244, %get3A_248 : vector<16xf32>
      %swap3A_250 = arith.index_cast %scan3A_88 : i32 to index
      %swap3A_251 = arith.constant 176 : index
      %swap3A_252 = tpu.vector_load %arg8[%swap3A_250, %swap3A_251] {strides = array<i32>} : memref<16x1024xf32, #tpu.memory_space<vmem>>, vector<1x16xf32>,
      %swap3A_253 = vector.shape_cast %swap3A_252 : vector<1x16xf32> to vector<16xf32>
      %swap3A_254 = vector.shape_cast %add3A_249 : vector<16xf32> to vector<1x16xf32>
      tpu.vector_store %arg8[%swap3A_250, %swap3A_251], %swap3A_254 {strides = array<i32>} : memref<16x1024xf32, #tpu.memory_space<vmem>>, vector<1x16xf32>,
      %get3A_255 = arith.index_cast %scan3A_88 : i32 to index
      %get3A_256 = arith.constant 192 : index
      %get3A_257 = tpu.vector_load %arg8[%get3A_255, %get3A_256] {strides = array<i32>} : memref<16x1024xf32, #tpu.memory_space<vmem>>, vector<1x16xf32>,
      %get3A_258 = vector.shape_cast %get3A_257 : vector<1x16xf32> to vector<16xf32>
      %get3A_259 = arith.index_cast %scan3A_88 : i32 to index
      %get3A_260 = arith.constant 192 : index
      %get3A_261 = tpu.vector_load %arg9[%get3A_259, %get3A_260] {strides = array<i32>} : memref<16x1024xf32, #tpu.memory_space<vmem>>, vector<1x16xf32>,
      %get3A_262 = vector.shape_cast %get3A_261 : vector<1x16xf32> to vector<16xf32>
      %add3A_263 = arith.addf %get3A_258, %get3A_262 : vector<16xf32>
      %swap3A_264 = arith.index_cast %scan3A_88 : i32 to index
      %swap3A_265 = arith.constant 192 : index
      %swap3A_266 = tpu.vector_load %arg8[%swap3A_264, %swap3A_265] {strides = array<i32>} : memref<16x1024xf32, #tpu.memory_space<vmem>>, vector<1x16xf32>,
      %swap3A_267 = vector.shape_cast %swap3A_266 : vector<1x16xf32> to vector<16xf32>
      %swap3A_268 = vector.shape_cast %add3A_263 : vector<16xf32> to vector<1x16xf32>
      tpu.vector_store %arg8[%swap3A_264, %swap3A_265], %swap3A_268 {strides = array<i32>} : memref<16x1024xf32, #tpu.memory_space<vmem>>, vector<1x16xf32>,
      %get3A_269 = arith.index_cast %scan3A_88 : i32 to index
      %get3A_270 = arith.constant 208 : index
      %get3A_271 = tpu.vector_load %arg8[%get3A_269, %get3A_270] {strides = array<i32>} : memref<16x1024xf32, #tpu.memory_space<vmem>>, vector<1x16xf32>,
      %get3A_272 = vector.shape_cast %get3A_271 : vector<1x16xf32> to vector<16xf32>
      %get3A_273 = arith.index_cast %scan3A_88 : i32 to index
      %get3A_274 = arith.constant 208 : index
      %get3A_275 = tpu.vector_load %arg9[%get3A_273, %get3A_274] {strides = array<i32>} : memref<16x1024xf32, #tpu.memory_space<vmem>>, vector<1x16xf32>,
      %get3A_276 = vector.shape_cast %get3A_275 : vector<1x16xf32> to vector<16xf32>
      %add3A_277 = arith.addf %get3A_272, %get3A_276 : vector<16xf32>
      %swap3A_278 = arith.index_cast %scan3A_88 : i32 to index
      %swap3A_279 = arith.constant 208 : index
      %swap3A_280 = tpu.vector_load %arg8[%swap3A_278, %swap3A_279] {strides = array<i32>} : memref<16x1024xf32, #tpu.memory_space<vmem>>, vector<1x16xf32>,
      %swap3A_281 = vector.shape_cast %swap3A_280 : vector<1x16xf32> to vector<16xf32>
      %swap3A_282 = vector.shape_cast %add3A_277 : vector<16xf32> to vector<1x16xf32>
      tpu.vector_store %arg8[%swap3A_278, %swap3A_279], %swap3A_282 {strides = array<i32>} : memref<16x1024xf32, #tpu.memory_space<vmem>>, vector<1x16xf32>,
      %get3A_283 = arith.index_cast %scan3A_88 : i32 to index
      %get3A_284 = arith.constant 224 : index
      %get3A_285 = tpu.vector_load %arg8[%get3A_283, %get3A_284] {strides = array<i32>} : memref<16x1024xf32, #tpu.memory_space<vmem>>, vector<1x16xf32>,
      %get3A_286 = vector.shape_cast %get3A_285 : vector<1x16xf32> to vector<16xf32>
      %get3A_287 = arith.index_cast %scan3A_88 : i32 to index
      %get3A_288 = arith.constant 224 : index
      %get3A_289 = tpu.vector_load %arg9[%get3A_287, %get3A_288] {strides = array<i32>} : memref<16x1024xf32, #tpu.memory_space<vmem>>, vector<1x16xf32>,
      %get3A_290 = vector.shape_cast %get3A_289 : vector<1x16xf32> to vector<16xf32>
      %add3A_291 = arith.addf %get3A_286, %get3A_290 : vector<16xf32>
      %swap3A_292 = arith.index_cast %scan3A_88 : i32 to index
      %swap3A_293 = arith.constant 224 : index
      %swap3A_294 = tpu.vector_load %arg8[%swap3A_292, %swap3A_293] {strides = array<i32>} : memref<16x1024xf32, #tpu.memory_space<vmem>>, vector<1x16xf32>,
      %swap3A_295 = vector.shape_cast %swap3A_294 : vector<1x16xf32> to vector<16xf32>
      %swap3A_296 = vector.shape_cast %add3A_291 : vector<16xf32> to vector<1x16xf32>
      tpu.vector_store %arg8[%swap3A_292, %swap3A_293], %swap3A_296 {strides = array<i32>} : memref<16x1024xf32, #tpu.memory_space<vmem>>, vector<1x16xf32>,
      %get3A_297 = arith.index_cast %scan3A_88 : i32 to index
      %get3A_298 = arith.constant 240 : index
      %get3A_299 = tpu.vector_load %arg8[%get3A_297, %get3A_298] {strides = array<i32>} : memref<16x1024xf32, #tpu.memory_space<vmem>>, vector<1x16xf32>,
      %get3A_300 = vector.shape_cast %get3A_299 : vector<1x16xf32> to vector<16xf32>
      %get3A_301 = arith.index_cast %scan3A_88 : i32 to index
      %get3A_302 = arith.constant 240 : index
      %get3A_303 = tpu.vector_load %arg9[%get3A_301, %get3A_302] {strides = array<i32>} : memref<16x1024xf32, #tpu.memory_space<vmem>>, vector<1x16xf32>,
      %get3A_304 = vector.shape_cast %get3A_303 : vector<1x16xf32> to vector<16xf32>
      %add3A_305 = arith.addf %get3A_300, %get3A_304 : vector<16xf32>
      %swap3A_306 = arith.index_cast %scan3A_88 : i32 to index
      %swap3A_307 = arith.constant 240 : index
      %swap3A_308 = tpu.vector_load %arg8[%swap3A_306, %swap3A_307] {strides = array<i32>} : memref<16x1024xf32, #tpu.memory_space<vmem>>, vector<1x16xf32>,
      %swap3A_309 = vector.shape_cast %swap3A_308 : vector<1x16xf32> to vector<16xf32>
      %swap3A_310 = vector.shape_cast %add3A_305 : vector<16xf32> to vector<1x16xf32>
      tpu.vector_store %arg8[%swap3A_306, %swap3A_307], %swap3A_310 {strides = array<i32>} : memref<16x1024xf32, #tpu.memory_space<vmem>>, vector<1x16xf32>,
      %get3A_311 = arith.index_cast %scan3A_88 : i32 to index
      %get3A_312 = arith.constant 256 : index
      %get3A_313 = tpu.vector_load %arg8[%get3A_311, %get3A_312] {strides = array<i32>} : memref<16x1024xf32, #tpu.memory_space<vmem>>, vector<1x16xf32>,
      %get3A_314 = vector.shape_cast %get3A_313 : vector<1x16xf32> to vector<16xf32>
      %get3A_315 = arith.index_cast %scan3A_88 : i32 to index
      %get3A_316 = arith.constant 256 : index
      %get3A_317 = tpu.vector_load %arg9[%get3A_315, %get3A_316] {strides = array<i32>} : memref<16x1024xf32, #tpu.memory_space<vmem>>, vector<1x16xf32>,
      %get3A_318 = vector.shape_cast %get3A_317 : vector<1x16xf32> to vector<16xf32>
      %add3A_319 = arith.addf %get3A_314, %get3A_318 : vector<16xf32>
      %swap3A_320 = arith.index_cast %scan3A_88 : i32 to index
      %swap3A_321 = arith.constant 256 : index
      %swap3A_322 = tpu.vector_load %arg8[%swap3A_320, %swap3A_321] {strides = array<i32>} : memref<16x1024xf32, #tpu.memory_space<vmem>>, vector<1x16xf32>,
      %swap3A_323 = vector.shape_cast %swap3A_322 : vector<1x16xf32> to vector<16xf32>
      %swap3A_324 = vector.shape_cast %add3A_319 : vector<16xf32> to vector<1x16xf32>
      tpu.vector_store %arg8[%swap3A_320, %swap3A_321], %swap3A_324 {strides = array<i32>} : memref<16x1024xf32, #tpu.memory_space<vmem>>, vector<1x16xf32>,
      %get3A_325 = arith.index_cast %scan3A_88 : i32 to index
      %get3A_326 = arith.constant 272 : index
      %get3A_327 = tpu.vector_load %arg8[%get3A_325, %get3A_326] {strides = array<i32>} : memref<16x1024xf32, #tpu.memory_space<vmem>>, vector<1x16xf32>,
      %get3A_328 = vector.shape_cast %get3A_327 : vector<1x16xf32> to vector<16xf32>
      %get3A_329 = arith.index_cast %scan3A_88 : i32 to index
      %get3A_330 = arith.constant 272 : index
      %get3A_331 = tpu.vector_load %arg9[%get3A_329, %get3A_330] {strides = array<i32>} : memref<16x1024xf32, #tpu.memory_space<vmem>>, vector<1x16xf32>,
      %get3A_332 = vector.shape_cast %get3A_331 : vector<1x16xf32> to vector<16xf32>
      %add3A_333 = arith.addf %get3A_328, %get3A_332 : vector<16xf32>
      %swap3A_334 = arith.index_cast %scan3A_88 : i32 to index
      %swap3A_335 = arith.constant 272 : index
      %swap3A_336 = tpu.vector_load %arg8[%swap3A_334, %swap3A_335] {strides = array<i32>} : memref<16x1024xf32, #tpu.memory_space<vmem>>, vector<1x16xf32>,
      %swap3A_337 = vector.shape_cast %swap3A_336 : vector<1x16xf32> to vector<16xf32>
      %swap3A_338 = vector.shape_cast %add3A_333 : vector<16xf32> to vector<1x16xf32>
      tpu.vector_store %arg8[%swap3A_334, %swap3A_335], %swap3A_338 {strides = array<i32>} : memref<16x1024xf32, #tpu.memory_space<vmem>>, vector<1x16xf32>,
      %get3A_339 = arith.index_cast %scan3A_88 : i32 to index
      %get3A_340 = arith.constant 288 : index
      %get3A_341 = tpu.vector_load %arg8[%get3A_339, %get3A_340] {strides = array<i32>} : memref<16x1024xf32, #tpu.memory_space<vmem>>, vector<1x16xf32>,
      %get3A_342 = vector.shape_cast %get3A_341 : vector<1x16xf32> to vector<16xf32>
      %get3A_343 = arith.index_cast %scan3A_88 : i32 to index
      %get3A_344 = arith.constant 288 : index
      %get3A_345 = tpu.vector_load %arg9[%get3A_343, %get3A_344] {strides = array<i32>} : memref<16x1024xf32, #tpu.memory_space<vmem>>, vector<1x16xf32>,
      %get3A_346 = vector.shape_cast %get3A_345 : vector<1x16xf32> to vector<16xf32>
      %add3A_347 = arith.addf %get3A_342, %get3A_346 : vector<16xf32>
      %swap3A_348 = arith.index_cast %scan3A_88 : i32 to index
      %swap3A_349 = arith.constant 288 : index
      %swap3A_350 = tpu.vector_load %arg8[%swap3A_348, %swap3A_349] {strides = array<i32>} : memref<16x1024xf32, #tpu.memory_space<vmem>>, vector<1x16xf32>,
      %swap3A_351 = vector.shape_cast %swap3A_350 : vector<1x16xf32> to vector<16xf32>
      %swap3A_352 = vector.shape_cast %add3A_347 : vector<16xf32> to vector<1x16xf32>
      tpu.vector_store %arg8[%swap3A_348, %swap3A_349], %swap3A_352 {strides = array<i32>} : memref<16x1024xf32, #tpu.memory_space<vmem>>, vector<1x16xf32>,
      %get3A_353 = arith.index_cast %scan3A_88 : i32 to index
      %get3A_354 = arith.constant 304 : index
      %get3A_355 = tpu.vector_load %arg8[%get3A_353, %get3A_354] {strides = array<i32>} : memref<16x1024xf32, #tpu.memory_space<vmem>>, vector<1x16xf32>,
      %get3A_356 = vector.shape_cast %get3A_355 : vector<1x16xf32> to vector<16xf32>
      %get3A_357 = arith.index_cast %scan3A_88 : i32 to index
      %get3A_358 = arith.constant 304 : index
      %get3A_359 = tpu.vector_load %arg9[%get3A_357, %get3A_358] {strides = array<i32>} : memref<16x1024xf32, #tpu.memory_space<vmem>>, vector<1x16xf32>,
      %get3A_360 = vector.shape_cast %get3A_359 : vector<1x16xf32> to vector<16xf32>
      %add3A_361 = arith.addf %get3A_356, %get3A_360 : vector<16xf32>
      %swap3A_362 = arith.index_cast %scan3A_88 : i32 to index
      %swap3A_363 = arith.constant 304 : index
      %swap3A_364 = tpu.vector_load %arg8[%swap3A_362, %swap3A_363] {strides = array<i32>} : memref<16x1024xf32, #tpu.memory_space<vmem>>, vector<1x16xf32>,
      %swap3A_365 = vector.shape_cast %swap3A_364 : vector<1x16xf32> to vector<16xf32>
      %swap3A_366 = vector.shape_cast %add3A_361 : vector<16xf32> to vector<1x16xf32>
      tpu.vector_store %arg8[%swap3A_362, %swap3A_363], %swap3A_366 {strides = array<i32>} : memref<16x1024xf32, #tpu.memory_space<vmem>>, vector<1x16xf32>,
      %get3A_367 = arith.index_cast %scan3A_88 : i32 to index
      %get3A_368 = arith.constant 320 : index
      %get3A_369 = tpu.vector_load %arg8[%get3A_367, %get3A_368] {strides = array<i32>} : memref<16x1024xf32, #tpu.memory_space<vmem>>, vector<1x16xf32>,
      %get3A_370 = vector.shape_cast %get3A_369 : vector<1x16xf32> to vector<16xf32>
      %get3A_371 = arith.index_cast %scan3A_88 : i32 to index
      %get3A_372 = arith.constant 320 : index
      %get3A_373 = tpu.vector_load %arg9[%get3A_371, %get3A_372] {strides = array<i32>} : memref<16x1024xf32, #tpu.memory_space<vmem>>, vector<1x16xf32>,
      %get3A_374 = vector.shape_cast %get3A_373 : vector<1x16xf32> to vector<16xf32>
      %add3A_375 = arith.addf %get3A_370, %get3A_374 : vector<16xf32>
      %swap3A_376 = arith.index_cast %scan3A_88 : i32 to index
      %swap3A_377 = arith.constant 320 : index
      %swap3A_378 = tpu.vector_load %arg8[%swap3A_376, %swap3A_377] {strides = array<i32>} : memref<16x1024xf32, #tpu.memory_space<vmem>>, vector<1x16xf32>,
      %swap3A_379 = vector.shape_cast %swap3A_378 : vector<1x16xf32> to vector<16xf32>
      %swap3A_380 = vector.shape_cast %add3A_375 : vector<16xf32> to vector<1x16xf32>
      tpu.vector_store %arg8[%swap3A_376, %swap3A_377], %swap3A_380 {strides = array<i32>} : memref<16x1024xf32, #tpu.memory_space<vmem>>, vector<1x16xf32>,
      %get3A_381 = arith.index_cast %scan3A_88 : i32 to index
      %get3A_382 = arith.constant 336 : index
      %get3A_383 = tpu.vector_load %arg8[%get3A_381, %get3A_382] {strides = array<i32>} : memref<16x1024xf32, #tpu.memory_space<vmem>>, vector<1x16xf32>,
      %get3A_384 = vector.shape_cast %get3A_383 : vector<1x16xf32> to vector<16xf32>
      %get3A_385 = arith.index_cast %scan3A_88 : i32 to index
      %get3A_386 = arith.constant 336 : index
      %get3A_387 = tpu.vector_load %arg9[%get3A_385, %get3A_386] {strides = array<i32>} : memref<16x1024xf32, #tpu.memory_space<vmem>>, vector<1x16xf32>,
      %get3A_388 = vector.shape_cast %get3A_387 : vector<1x16xf32> to vector<16xf32>
      %add3A_389 = arith.addf %get3A_384, %get3A_388 : vector<16xf32>
      %swap3A_390 = arith.index_cast %scan3A_88 : i32 to index
      %swap3A_391 = arith.constant 336 : index
      %swap3A_392 = tpu.vector_load %arg8[%swap3A_390, %swap3A_391] {strides = array<i32>} : memref<16x1024xf32, #tpu.memory_space<vmem>>, vector<1x16xf32>,
      %swap3A_393 = vector.shape_cast %swap3A_392 : vector<1x16xf32> to vector<16xf32>
      %swap3A_394 = vector.shape_cast %add3A_389 : vector<16xf32> to vector<1x16xf32>
      tpu.vector_store %arg8[%swap3A_390, %swap3A_391], %swap3A_394 {strides = array<i32>} : memref<16x1024xf32, #tpu.memory_space<vmem>>, vector<1x16xf32>,
      %get3A_395 = arith.index_cast %scan3A_88 : i32 to index
      %get3A_396 = arith.constant 352 : index
      %get3A_397 = tpu.vector_load %arg8[%get3A_395, %get3A_396] {strides = array<i32>} : memref<16x1024xf32, #tpu.memory_space<vmem>>, vector<1x16xf32>,
      %get3A_398 = vector.shape_cast %get3A_397 : vector<1x16xf32> to vector<16xf32>
      %get3A_399 = arith.index_cast %scan3A_88 : i32 to index
      %get3A_400 = arith.constant 352 : index
      %get3A_401 = tpu.vector_load %arg9[%get3A_399, %get3A_400] {strides = array<i32>} : memref<16x1024xf32, #tpu.memory_space<vmem>>, vector<1x16xf32>,
      %get3A_402 = vector.shape_cast %get3A_401 : vector<1x16xf32> to vector<16xf32>
      %add3A_403 = arith.addf %get3A_398, %get3A_402 : vector<16xf32>
      %swap3A_404 = arith.index_cast %scan3A_88 : i32 to index
      %swap3A_405 = arith.constant 352 : index
      %swap3A_406 = tpu.vector_load %arg8[%swap3A_404, %swap3A_405] {strides = array<i32>} : memref<16x1024xf32, #tpu.memory_space<vmem>>, vector<1x16xf32>,
      %swap3A_407 = vector.shape_cast %swap3A_406 : vector<1x16xf32> to vector<16xf32>
      %swap3A_408 = vector.shape_cast %add3A_403 : vector<16xf32> to vector<1x16xf32>
      tpu.vector_store %arg8[%swap3A_404, %swap3A_405], %swap3A_408 {strides = array<i32>} : memref<16x1024xf32, #tpu.memory_space<vmem>>, vector<1x16xf32>,
      %get3A_409 = arith.index_cast %scan3A_88 : i32 to index
      %get3A_410 = arith.constant 368 : index
      %get3A_411 = tpu.vector_load %arg8[%get3A_409, %get3A_410] {strides = array<i32>} : memref<16x1024xf32, #tpu.memory_space<vmem>>, vector<1x16xf32>,
      %get3A_412 = vector.shape_cast %get3A_411 : vector<1x16xf32> to vector<16xf32>
      %get3A_413 = arith.index_cast %scan3A_88 : i32 to index
      %get3A_414 = arith.constant 368 : index
      %get3A_415 = tpu.vector_load %arg9[%get3A_413, %get3A_414] {strides = array<i32>} : memref<16x1024xf32, #tpu.memory_space<vmem>>, vector<1x16xf32>,
      %get3A_416 = vector.shape_cast %get3A_415 : vector<1x16xf32> to vector<16xf32>
      %add3A_417 = arith.addf %get3A_412, %get3A_416 : vector<16xf32>
      %swap3A_418 = arith.index_cast %scan3A_88 : i32 to index
      %swap3A_419 = arith.constant 368 : index
      %swap3A_420 = tpu.vector_load %arg8[%swap3A_418, %swap3A_419] {strides = array<i32>} : memref<16x1024xf32, #tpu.memory_space<vmem>>, vector<1x16xf32>,
      %swap3A_421 = vector.shape_cast %swap3A_420 : vector<1x16xf32> to vector<16xf32>
      %swap3A_422 = vector.shape_cast %add3A_417 : vector<16xf32> to vector<1x16xf32>
      tpu.vector_store %arg8[%swap3A_418, %swap3A_419], %swap3A_422 {strides = array<i32>} : memref<16x1024xf32, #tpu.memory_space<vmem>>, vector<1x16xf32>,
      %get3A_423 = arith.index_cast %scan3A_88 : i32 to index
      %get3A_424 = arith.constant 384 : index
      %get3A_425 = tpu.vector_load %arg8[%get3A_423, %get3A_424] {strides = array<i32>} : memref<16x1024xf32, #tpu.memory_space<vmem>>, vector<1x16xf32>,
      %get3A_426 = vector.shape_cast %get3A_425 : vector<1x16xf32> to vector<16xf32>
      %get3A_427 = arith.index_cast %scan3A_88 : i32 to index
      %get3A_428 = arith.constant 384 : index
      %get3A_429 = tpu.vector_load %arg9[%get3A_427, %get3A_428] {strides = array<i32>} : memref<16x1024xf32, #tpu.memory_space<vmem>>, vector<1x16xf32>,
      %get3A_430 = vector.shape_cast %get3A_429 : vector<1x16xf32> to vector<16xf32>
      %add3A_431 = arith.addf %get3A_426, %get3A_430 : vector<16xf32>
      %swap3A_432 = arith.index_cast %scan3A_88 : i32 to index
      %swap3A_433 = arith.constant 384 : index
      %swap3A_434 = tpu.vector_load %arg8[%swap3A_432, %swap3A_433] {strides = array<i32>} : memref<16x1024xf32, #tpu.memory_space<vmem>>, vector<1x16xf32>,
      %swap3A_435 = vector.shape_cast %swap3A_434 : vector<1x16xf32> to vector<16xf32>
      %swap3A_436 = vector.shape_cast %add3A_431 : vector<16xf32> to vector<1x16xf32>
      tpu.vector_store %arg8[%swap3A_432, %swap3A_433], %swap3A_436 {strides = array<i32>} : memref<16x1024xf32, #tpu.memory_space<vmem>>, vector<1x16xf32>,
      %get3A_437 = arith.index_cast %scan3A_88 : i32 to index
      %get3A_438 = arith.constant 400 : index
      %get3A_439 = tpu.vector_load %arg8[%get3A_437, %get3A_438] {strides = array<i32>} : memref<16x1024xf32, #tpu.memory_space<vmem>>, vector<1x16xf32>,
      %get3A_440 = vector.shape_cast %get3A_439 : vector<1x16xf32> to vector<16xf32>
      %get3A_441 = arith.index_cast %scan3A_88 : i32 to index
      %get3A_442 = arith.constant 400 : index
      %get3A_443 = tpu.vector_load %arg9[%get3A_441, %get3A_442] {strides = array<i32>} : memref<16x1024xf32, #tpu.memory_space<vmem>>, vector<1x16xf32>,
      %get3A_444 = vector.shape_cast %get3A_443 : vector<1x16xf32> to vector<16xf32>
      %add3A_445 = arith.addf %get3A_440, %get3A_444 : vector<16xf32>
      %swap3A_446 = arith.index_cast %scan3A_88 : i32 to index
      %swap3A_447 = arith.constant 400 : index
      %swap3A_448 = tpu.vector_load %arg8[%swap3A_446, %swap3A_447] {strides = array<i32>} : memref<16x1024xf32, #tpu.memory_space<vmem>>, vector<1x16xf32>,
      %swap3A_449 = vector.shape_cast %swap3A_448 : vector<1x16xf32> to vector<16xf32>
      %swap3A_450 = vector.shape_cast %add3A_445 : vector<16xf32> to vector<1x16xf32>
      tpu.vector_store %arg8[%swap3A_446, %swap3A_447], %swap3A_450 {strides = array<i32>} : memref<16x1024xf32, #tpu.memory_space<vmem>>, vector<1x16xf32>,
      %get3A_451 = arith.index_cast %scan3A_88 : i32 to index
      %get3A_452 = arith.constant 416 : index
      %get3A_453 = tpu.vector_load %arg8[%get3A_451, %get3A_452] {strides = array<i32>} : memref<16x1024xf32, #tpu.memory_space<vmem>>, vector<1x16xf32>,
      %get3A_454 = vector.shape_cast %get3A_453 : vector<1x16xf32> to vector<16xf32>
      %get3A_455 = arith.index_cast %scan3A_88 : i32 to index
      %get3A_456 = arith.constant 416 : index
      %get3A_457 = tpu.vector_load %arg9[%get3A_455, %get3A_456] {strides = array<i32>} : memref<16x1024xf32, #tpu.memory_space<vmem>>, vector<1x16xf32>,
      %get3A_458 = vector.shape_cast %get3A_457 : vector<1x16xf32> to vector<16xf32>
      %add3A_459 = arith.addf %get3A_454, %get3A_458 : vector<16xf32>
      %swap3A_460 = arith.index_cast %scan3A_88 : i32 to index
      %swap3A_461 = arith.constant 416 : index
      %swap3A_462 = tpu.vector_load %arg8[%swap3A_460, %swap3A_461] {strides = array<i32>} : memref<16x1024xf32, #tpu.memory_space<vmem>>, vector<1x16xf32>,
      %swap3A_463 = vector.shape_cast %swap3A_462 : vector<1x16xf32> to vector<16xf32>
      %swap3A_464 = vector.shape_cast %add3A_459 : vector<16xf32> to vector<1x16xf32>
      tpu.vector_store %arg8[%swap3A_460, %swap3A_461], %swap3A_464 {strides = array<i32>} : memref<16x1024xf32, #tpu.memory_space<vmem>>, vector<1x16xf32>,
      %get3A_465 = arith.index_cast %scan3A_88 : i32 to index
      %get3A_466 = arith.constant 432 : index
      %get3A_467 = tpu.vector_load %arg8[%get3A_465, %get3A_466] {strides = array<i32>} : memref<16x1024xf32, #tpu.memory_space<vmem>>, vector<1x16xf32>,
      %get3A_468 = vector.shape_cast %get3A_467 : vector<1x16xf32> to vector<16xf32>
      %get3A_469 = arith.index_cast %scan3A_88 : i32 to index
      %get3A_470 = arith.constant 432 : index
      %get3A_471 = tpu.vector_load %arg9[%get3A_469, %get3A_470] {strides = array<i32>} : memref<16x1024xf32, #tpu.memory_space<vmem>>, vector<1x16xf32>,
      %get3A_472 = vector.shape_cast %get3A_471 : vector<1x16xf32> to vector<16xf32>
      %add3A_473 = arith.addf %get3A_468, %get3A_472 : vector<16xf32>
      %swap3A_474 = arith.index_cast %scan3A_88 : i32 to index
      %swap3A_475 = arith.constant 432 : index
      %swap3A_476 = tpu.vector_load %arg8[%swap3A_474, %swap3A_475] {strides = array<i32>} : memref<16x1024xf32, #tpu.memory_space<vmem>>, vector<1x16xf32>,
      %swap3A_477 = vector.shape_cast %swap3A_476 : vector<1x16xf32> to vector<16xf32>
      %swap3A_478 = vector.shape_cast %add3A_473 : vector<16xf32> to vector<1x16xf32>
      tpu.vector_store %arg8[%swap3A_474, %swap3A_475], %swap3A_478 {strides = array<i32>} : memref<16x1024xf32, #tpu.memory_space<vmem>>, vector<1x16xf32>,
      %get3A_479 = arith.index_cast %scan3A_88 : i32 to index
      %get3A_480 = arith.constant 448 : index
      %get3A_481 = tpu.vector_load %arg8[%get3A_479, %get3A_480] {strides = array<i32>} : memref<16x1024xf32, #tpu.memory_space<vmem>>, vector<1x16xf32>,
      %get3A_482 = vector.shape_cast %get3A_481 : vector<1x16xf32> to vector<16xf32>
      %get3A_483 = arith.index_cast %scan3A_88 : i32 to index
      %get3A_484 = arith.constant 448 : index
      %get3A_485 = tpu.vector_load %arg9[%get3A_483, %get3A_484] {strides = array<i32>} : memref<16x1024xf32, #tpu.memory_space<vmem>>, vector<1x16xf32>,
      %get3A_486 = vector.shape_cast %get3A_485 : vector<1x16xf32> to vector<16xf32>
      %add3A_487 = arith.addf %get3A_482, %get3A_486 : vector<16xf32>
      %swap3A_488 = arith.index_cast %scan3A_88 : i32 to index
      %swap3A_489 = arith.constant 448 : index
      %swap3A_490 = tpu.vector_load %arg8[%swap3A_488, %swap3A_489] {strides = array<i32>} : memref<16x1024xf32, #tpu.memory_space<vmem>>, vector<1x16xf32>,
      %swap3A_491 = vector.shape_cast %swap3A_490 : vector<1x16xf32> to vector<16xf32>
      %swap3A_492 = vector.shape_cast %add3A_487 : vector<16xf32> to vector<1x16xf32>
      tpu.vector_store %arg8[%swap3A_488, %swap3A_489], %swap3A_492 {strides = array<i32>} : memref<16x1024xf32, #tpu.memory_space<vmem>>, vector<1x16xf32>,
      %get3A_493 = arith.index_cast %scan3A_88 : i32 to index
      %get3A_494 = arith.constant 464 : index
      %get3A_495 = tpu.vector_load %arg8[%get3A_493, %get3A_494] {strides = array<i32>} : memref<16x1024xf32, #tpu.memory_space<vmem>>, vector<1x16xf32>,
      %get3A_496 = vector.shape_cast %get3A_495 : vector<1x16xf32> to vector<16xf32>
      %get3A_497 = arith.index_cast %scan3A_88 : i32 to index
      %get3A_498 = arith.constant 464 : index
      %get3A_499 = tpu.vector_load %arg9[%get3A_497, %get3A_498] {strides = array<i32>} : memref<16x1024xf32, #tpu.memory_space<vmem>>, vector<1x16xf32>,
      %get3A_500 = vector.shape_cast %get3A_499 : vector<1x16xf32> to vector<16xf32>
      %add3A_501 = arith.addf %get3A_496, %get3A_500 : vector<16xf32>
      %swap3A_502 = arith.index_cast %scan3A_88 : i32 to index
      %swap3A_503 = arith.constant 464 : index
      %swap3A_504 = tpu.vector_load %arg8[%swap3A_502, %swap3A_503] {strides = array<i32>} : memref<16x1024xf32, #tpu.memory_space<vmem>>, vector<1x16xf32>,
      %swap3A_505 = vector.shape_cast %swap3A_504 : vector<1x16xf32> to vector<16xf32>
      %swap3A_506 = vector.shape_cast %add3A_501 : vector<16xf32> to vector<1x16xf32>
      tpu.vector_store %arg8[%swap3A_502, %swap3A_503], %swap3A_506 {strides = array<i32>} : memref<16x1024xf32, #tpu.memory_space<vmem>>, vector<1x16xf32>,
      %get3A_507 = arith.index_cast %scan3A_88 : i32 to index
      %get3A_508 = arith.constant 480 : index
      %get3A_509 = tpu.vector_load %arg8[%get3A_507, %get3A_508] {strides = array<i32>} : memref<16x1024xf32, #tpu.memory_space<vmem>>, vector<1x16xf32>,
      %get3A_510 = vector.shape_cast %get3A_509 : vector<1x16xf32> to vector<16xf32>
      %get3A_511 = arith.index_cast %scan3A_88 : i32 to index
      %get3A_512 = arith.constant 480 : index
      %get3A_513 = tpu.vector_load %arg9[%get3A_511, %get3A_512] {strides = array<i32>} : memref<16x1024xf32, #tpu.memory_space<vmem>>, vector<1x16xf32>,
      %get3A_514 = vector.shape_cast %get3A_513 : vector<1x16xf32> to vector<16xf32>
      %add3A_515 = arith.addf %get3A_510, %get3A_514 : vector<16xf32>
      %swap3A_516 = arith.index_cast %scan3A_88 : i32 to index
      %swap3A_517 = arith.constant 480 : index
      %swap3A_518 = tpu.vector_load %arg8[%swap3A_516, %swap3A_517] {strides = array<i32>} : memref<16x1024xf32, #tpu.memory_space<vmem>>, vector<1x16xf32>,
      %swap3A_519 = vector.shape_cast %swap3A_518 : vector<1x16xf32> to vector<16xf32>
      %swap3A_520 = vector.shape_cast %add3A_515 : vector<16xf32> to vector<1x16xf32>
      tpu.vector_store %arg8[%swap3A_516, %swap3A_517], %swap3A_520 {strides = array<i32>} : memref<16x1024xf32, #tpu.memory_space<vmem>>, vector<1x16xf32>,
      %get3A_521 = arith.index_cast %scan3A_88 : i32 to index
      %get3A_522 = arith.constant 496 : index
      %get3A_523 = tpu.vector_load %arg8[%get3A_521, %get3A_522] {strides = array<i32>} : memref<16x1024xf32, #tpu.memory_space<vmem>>, vector<1x16xf32>,
      %get3A_524 = vector.shape_cast %get3A_523 : vector<1x16xf32> to vector<16xf32>
      %get3A_525 = arith.index_cast %scan3A_88 : i32 to index
      %get3A_526 = arith.constant 496 : index
      %get3A_527 = tpu.vector_load %arg9[%get3A_525, %get3A_526] {strides = array<i32>} : memref<16x1024xf32, #tpu.memory_space<vmem>>, vector<1x16xf32>,
      %get3A_528 = vector.shape_cast %get3A_527 : vector<1x16xf32> to vector<16xf32>
      %add3A_529 = arith.addf %get3A_524, %get3A_528 : vector<16xf32>
      %swap3A_530 = arith.index_cast %scan3A_88 : i32 to index
      %swap3A_531 = arith.constant 496 : index
      %swap3A_532 = tpu.vector_load %arg8[%swap3A_530, %swap3A_531] {strides = array<i32>} : memref<16x1024xf32, #tpu.memory_space<vmem>>, vector<1x16xf32>,
      %swap3A_533 = vector.shape_cast %swap3A_532 : vector<1x16xf32> to vector<16xf32>
      %swap3A_534 = vector.shape_cast %add3A_529 : vector<16xf32> to vector<1x16xf32>
      tpu.vector_store %arg8[%swap3A_530, %swap3A_531], %swap3A_534 {strides = array<i32>} : memref<16x1024xf32, #tpu.memory_space<vmem>>, vector<1x16xf32>,
      %get3A_535 = arith.index_cast %scan3A_88 : i32 to index
      %get3A_536 = arith.constant 512 : index
      %get3A_537 = tpu.vector_load %arg8[%get3A_535, %get3A_536] {strides = array<i32>} : memref<16x1024xf32, #tpu.memory_space<vmem>>, vector<1x16xf32>,
      %get3A_538 = vector.shape_cast %get3A_537 : vector<1x16xf32> to vector<16xf32>
      %get3A_539 = arith.index_cast %scan3A_88 : i32 to index
      %get3A_540 = arith.constant 512 : index
      %get3A_541 = tpu.vector_load %arg9[%get3A_539, %get3A_540] {strides = array<i32>} : memref<16x1024xf32, #tpu.memory_space<vmem>>, vector<1x16xf32>,
      %get3A_542 = vector.shape_cast %get3A_541 : vector<1x16xf32> to vector<16xf32>
      %add3A_543 = arith.addf %get3A_538, %get3A_542 : vector<16xf32>
      %swap3A_544 = arith.index_cast %scan3A_88 : i32 to index
      %swap3A_545 = arith.constant 512 : index
      %swap3A_546 = tpu.vector_load %arg8[%swap3A_544, %swap3A_545] {strides = array<i32>} : memref<16x1024xf32, #tpu.memory_space<vmem>>, vector<1x16xf32>,
      %swap3A_547 = vector.shape_cast %swap3A_546 : vector<1x16xf32> to vector<16xf32>
      %swap3A_548 = vector.shape_cast %add3A_543 : vector<16xf32> to vector<1x16xf32>
      tpu.vector_store %arg8[%swap3A_544, %swap3A_545], %swap3A_548 {strides = array<i32>} : memref<16x1024xf32, #tpu.memory_space<vmem>>, vector<1x16xf32>,
      %get3A_549 = arith.index_cast %scan3A_88 : i32 to index
      %get3A_550 = arith.constant 528 : index
      %get3A_551 = tpu.vector_load %arg8[%get3A_549, %get3A_550] {strides = array<i32>} : memref<16x1024xf32, #tpu.memory_space<vmem>>, vector<1x16xf32>,
      %get3A_552 = vector.shape_cast %get3A_551 : vector<1x16xf32> to vector<16xf32>
      %get3A_553 = arith.index_cast %scan3A_88 : i32 to index
      %get3A_554 = arith.constant 528 : index
      %get3A_555 = tpu.vector_load %arg9[%get3A_553, %get3A_554] {strides = array<i32>} : memref<16x1024xf32, #tpu.memory_space<vmem>>, vector<1x16xf32>,
      %get3A_556 = vector.shape_cast %get3A_555 : vector<1x16xf32> to vector<16xf32>
      %add3A_557 = arith.addf %get3A_552, %get3A_556 : vector<16xf32>
      %swap3A_558 = arith.index_cast %scan3A_88 : i32 to index
      %swap3A_559 = arith.constant 528 : index
      %swap3A_560 = tpu.vector_load %arg8[%swap3A_558, %swap3A_559] {strides = array<i32>} : memref<16x1024xf32, #tpu.memory_space<vmem>>, vector<1x16xf32>,
      %swap3A_561 = vector.shape_cast %swap3A_560 : vector<1x16xf32> to vector<16xf32>
      %swap3A_562 = vector.shape_cast %add3A_557 : vector<16xf32> to vector<1x16xf32>
      tpu.vector_store %arg8[%swap3A_558, %swap3A_559], %swap3A_562 {strides = array<i32>} : memref<16x1024xf32, #tpu.memory_space<vmem>>, vector<1x16xf32>,
      %get3A_563 = arith.index_cast %scan3A_88 : i32 to index
      %get3A_564 = arith.constant 544 : index
      %get3A_565 = tpu.vector_load %arg8[%get3A_563, %get3A_564] {strides = array<i32>} : memref<16x1024xf32, #tpu.memory_space<vmem>>, vector<1x16xf32>,
      %get3A_566 = vector.shape_cast %get3A_565 : vector<1x16xf32> to vector<16xf32>
      %get3A_567 = arith.index_cast %scan3A_88 : i32 to index
      %get3A_568 = arith.constant 544 : index
      %get3A_569 = tpu.vector_load %arg9[%get3A_567, %get3A_568] {strides = array<i32>} : memref<16x1024xf32, #tpu.memory_space<vmem>>, vector<1x16xf32>,
      %get3A_570 = vector.shape_cast %get3A_569 : vector<1x16xf32> to vector<16xf32>
      %add3A_571 = arith.addf %get3A_566, %get3A_570 : vector<16xf32>
      %swap3A_572 = arith.index_cast %scan3A_88 : i32 to index
      %swap3A_573 = arith.constant 544 : index
      %swap3A_574 = tpu.vector_load %arg8[%swap3A_572, %swap3A_573] {strides = array<i32>} : memref<16x1024xf32, #tpu.memory_space<vmem>>, vector<1x16xf32>,
      %swap3A_575 = vector.shape_cast %swap3A_574 : vector<1x16xf32> to vector<16xf32>
      %swap3A_576 = vector.shape_cast %add3A_571 : vector<16xf32> to vector<1x16xf32>
      tpu.vector_store %arg8[%swap3A_572, %swap3A_573], %swap3A_576 {strides = array<i32>} : memref<16x1024xf32, #tpu.memory_space<vmem>>, vector<1x16xf32>,
      %get3A_577 = arith.index_cast %scan3A_88 : i32 to index
      %get3A_578 = arith.constant 560 : index
      %get3A_579 = tpu.vector_load %arg8[%get3A_577, %get3A_578] {strides = array<i32>} : memref<16x1024xf32, #tpu.memory_space<vmem>>, vector<1x16xf32>,
      %get3A_580 = vector.shape_cast %get3A_579 : vector<1x16xf32> to vector<16xf32>
      %get3A_581 = arith.index_cast %scan3A_88 : i32 to index
      %get3A_582 = arith.constant 560 : index
      %get3A_583 = tpu.vector_load %arg9[%get3A_581, %get3A_582] {strides = array<i32>} : memref<16x1024xf32, #tpu.memory_space<vmem>>, vector<1x16xf32>,
      %get3A_584 = vector.shape_cast %get3A_583 : vector<1x16xf32> to vector<16xf32>
      %add3A_585 = arith.addf %get3A_580, %get3A_584 : vector<16xf32>
      %swap3A_586 = arith.index_cast %scan3A_88 : i32 to index
      %swap3A_587 = arith.constant 560 : index
      %swap3A_588 = tpu.vector_load %arg8[%swap3A_586, %swap3A_587] {strides = array<i32>} : memref<16x1024xf32, #tpu.memory_space<vmem>>, vector<1x16xf32>,
      %swap3A_589 = vector.shape_cast %swap3A_588 : vector<1x16xf32> to vector<16xf32>
      %swap3A_590 = vector.shape_cast %add3A_585 : vector<16xf32> to vector<1x16xf32>
      tpu.vector_store %arg8[%swap3A_586, %swap3A_587], %swap3A_590 {strides = array<i32>} : memref<16x1024xf32, #tpu.memory_space<vmem>>, vector<1x16xf32>,
      %get3A_591 = arith.index_cast %scan3A_88 : i32 to index
      %get3A_592 = arith.constant 576 : index
      %get3A_593 = tpu.vector_load %arg8[%get3A_591, %get3A_592] {strides = array<i32>} : memref<16x1024xf32, #tpu.memory_space<vmem>>, vector<1x16xf32>,
      %get3A_594 = vector.shape_cast %get3A_593 : vector<1x16xf32> to vector<16xf32>
      %get3A_595 = arith.index_cast %scan3A_88 : i32 to index
      %get3A_596 = arith.constant 576 : index
      %get3A_597 = tpu.vector_load %arg9[%get3A_595, %get3A_596] {strides = array<i32>} : memref<16x1024xf32, #tpu.memory_space<vmem>>, vector<1x16xf32>,
      %get3A_598 = vector.shape_cast %get3A_597 : vector<1x16xf32> to vector<16xf32>
      %add3A_599 = arith.addf %get3A_594, %get3A_598 : vector<16xf32>
      %swap3A_600 = arith.index_cast %scan3A_88 : i32 to index
      %swap3A_601 = arith.constant 576 : index
      %swap3A_602 = tpu.vector_load %arg8[%swap3A_600, %swap3A_601] {strides = array<i32>} : memref<16x1024xf32, #tpu.memory_space<vmem>>, vector<1x16xf32>,
      %swap3A_603 = vector.shape_cast %swap3A_602 : vector<1x16xf32> to vector<16xf32>
      %swap3A_604 = vector.shape_cast %add3A_599 : vector<16xf32> to vector<1x16xf32>
      tpu.vector_store %arg8[%swap3A_600, %swap3A_601], %swap3A_604 {strides = array<i32>} : memref<16x1024xf32, #tpu.memory_space<vmem>>, vector<1x16xf32>,
      %get3A_605 = arith.index_cast %scan3A_88 : i32 to index
      %get3A_606 = arith.constant 592 : index
      %get3A_607 = tpu.vector_load %arg8[%get3A_605, %get3A_606] {strides = array<i32>} : memref<16x1024xf32, #tpu.memory_space<vmem>>, vector<1x16xf32>,
      %get3A_608 = vector.shape_cast %get3A_607 : vector<1x16xf32> to vector<16xf32>
      %get3A_609 = arith.index_cast %scan3A_88 : i32 to index
      %get3A_610 = arith.constant 592 : index
      %get3A_611 = tpu.vector_load %arg9[%get3A_609, %get3A_610] {strides = array<i32>} : memref<16x1024xf32, #tpu.memory_space<vmem>>, vector<1x16xf32>,
      %get3A_612 = vector.shape_cast %get3A_611 : vector<1x16xf32> to vector<16xf32>
      %add3A_613 = arith.addf %get3A_608, %get3A_612 : vector<16xf32>
      %swap3A_614 = arith.index_cast %scan3A_88 : i32 to index
      %swap3A_615 = arith.constant 592 : index
      %swap3A_616 = tpu.vector_load %arg8[%swap3A_614, %swap3A_615] {strides = array<i32>} : memref<16x1024xf32, #tpu.memory_space<vmem>>, vector<1x16xf32>,
      %swap3A_617 = vector.shape_cast %swap3A_616 : vector<1x16xf32> to vector<16xf32>
      %swap3A_618 = vector.shape_cast %add3A_613 : vector<16xf32> to vector<1x16xf32>
      tpu.vector_store %arg8[%swap3A_614, %swap3A_615], %swap3A_618 {strides = array<i32>} : memref<16x1024xf32, #tpu.memory_space<vmem>>, vector<1x16xf32>,
      %get3A_619 = arith.index_cast %scan3A_88 : i32 to index
      %get3A_620 = arith.constant 608 : index
      %get3A_621 = tpu.vector_load %arg8[%get3A_619, %get3A_620] {strides = array<i32>} : memref<16x1024xf32, #tpu.memory_space<vmem>>, vector<1x16xf32>,
      %get3A_622 = vector.shape_cast %get3A_621 : vector<1x16xf32> to vector<16xf32>
      %get3A_623 = arith.index_cast %scan3A_88 : i32 to index
      %get3A_624 = arith.constant 608 : index
      %get3A_625 = tpu.vector_load %arg9[%get3A_623, %get3A_624] {strides = array<i32>} : memref<16x1024xf32, #tpu.memory_space<vmem>>, vector<1x16xf32>,
      %get3A_626 = vector.shape_cast %get3A_625 : vector<1x16xf32> to vector<16xf32>
      %add3A_627 = arith.addf %get3A_622, %get3A_626 : vector<16xf32>
      %swap3A_628 = arith.index_cast %scan3A_88 : i32 to index
      %swap3A_629 = arith.constant 608 : index
      %swap3A_630 = tpu.vector_load %arg8[%swap3A_628, %swap3A_629] {strides = array<i32>} : memref<16x1024xf32, #tpu.memory_space<vmem>>, vector<1x16xf32>,
      %swap3A_631 = vector.shape_cast %swap3A_630 : vector<1x16xf32> to vector<16xf32>
      %swap3A_632 = vector.shape_cast %add3A_627 : vector<16xf32> to vector<1x16xf32>
      tpu.vector_store %arg8[%swap3A_628, %swap3A_629], %swap3A_632 {strides = array<i32>} : memref<16x1024xf32, #tpu.memory_space<vmem>>, vector<1x16xf32>,
      %get3A_633 = arith.index_cast %scan3A_88 : i32 to index
      %get3A_634 = arith.constant 624 : index
      %get3A_635 = tpu.vector_load %arg8[%get3A_633, %get3A_634] {strides = array<i32>} : memref<16x1024xf32, #tpu.memory_space<vmem>>, vector<1x16xf32>,
      %get3A_636 = vector.shape_cast %get3A_635 : vector<1x16xf32> to vector<16xf32>
      %get3A_637 = arith.index_cast %scan3A_88 : i32 to index
      %get3A_638 = arith.constant 624 : index
      %get3A_639 = tpu.vector_load %arg9[%get3A_637, %get3A_638] {strides = array<i32>} : memref<16x1024xf32, #tpu.memory_space<vmem>>, vector<1x16xf32>,
      %get3A_640 = vector.shape_cast %get3A_639 : vector<1x16xf32> to vector<16xf32>
      %add3A_641 = arith.addf %get3A_636, %get3A_640 : vector<16xf32>
      %swap3A_642 = arith.index_cast %scan3A_88 : i32 to index
      %swap3A_643 = arith.constant 624 : index
      %swap3A_644 = tpu.vector_load %arg8[%swap3A_642, %swap3A_643] {strides = array<i32>} : memref<16x1024xf32, #tpu.memory_space<vmem>>, vector<1x16xf32>,
      %swap3A_645 = vector.shape_cast %swap3A_644 : vector<1x16xf32> to vector<16xf32>
      %swap3A_646 = vector.shape_cast %add3A_641 : vector<16xf32> to vector<1x16xf32>
      tpu.vector_store %arg8[%swap3A_642, %swap3A_643], %swap3A_646 {strides = array<i32>} : memref<16x1024xf32, #tpu.memory_space<vmem>>, vector<1x16xf32>,
      %get3A_647 = arith.index_cast %scan3A_88 : i32 to index
      %get3A_648 = arith.constant 640 : index
      %get3A_649 = tpu.vector_load %arg8[%get3A_647, %get3A_648] {strides = array<i32>} : memref<16x1024xf32, #tpu.memory_space<vmem>>, vector<1x16xf32>,
      %get3A_650 = vector.shape_cast %get3A_649 : vector<1x16xf32> to vector<16xf32>
      %get3A_651 = arith.index_cast %scan3A_88 : i32 to index
      %get3A_652 = arith.constant 640 : index
      %get3A_653 = tpu.vector_load %arg9[%get3A_651, %get3A_652] {strides = array<i32>} : memref<16x1024xf32, #tpu.memory_space<vmem>>, vector<1x16xf32>,
      %get3A_654 = vector.shape_cast %get3A_653 : vector<1x16xf32> to vector<16xf32>
      %add3A_655 = arith.addf %get3A_650, %get3A_654 : vector<16xf32>
      %swap3A_656 = arith.index_cast %scan3A_88 : i32 to index
      %swap3A_657 = arith.constant 640 : index
      %swap3A_658 = tpu.vector_load %arg8[%swap3A_656, %swap3A_657] {strides = array<i32>} : memref<16x1024xf32, #tpu.memory_space<vmem>>, vector<1x16xf32>,
      %swap3A_659 = vector.shape_cast %swap3A_658 : vector<1x16xf32> to vector<16xf32>
      %swap3A_660 = vector.shape_cast %add3A_655 : vector<16xf32> to vector<1x16xf32>
      tpu.vector_store %arg8[%swap3A_656, %swap3A_657], %swap3A_660 {strides = array<i32>} : memref<16x1024xf32, #tpu.memory_space<vmem>>, vector<1x16xf32>,
      %get3A_661 = arith.index_cast %scan3A_88 : i32 to index
      %get3A_662 = arith.constant 656 : index
      %get3A_663 = tpu.vector_load %arg8[%get3A_661, %get3A_662] {strides = array<i32>} : memref<16x1024xf32, #tpu.memory_space<vmem>>, vector<1x16xf32>,
      %get3A_664 = vector.shape_cast %get3A_663 : vector<1x16xf32> to vector<16xf32>
      %get3A_665 = arith.index_cast %scan3A_88 : i32 to index
      %get3A_666 = arith.constant 656 : index
      %get3A_667 = tpu.vector_load %arg9[%get3A_665, %get3A_666] {strides = array<i32>} : memref<16x1024xf32, #tpu.memory_space<vmem>>, vector<1x16xf32>,
      %get3A_668 = vector.shape_cast %get3A_667 : vector<1x16xf32> to vector<16xf32>
      %add3A_669 = arith.addf %get3A_664, %get3A_668 : vector<16xf32>
      %swap3A_670 = arith.index_cast %scan3A_88 : i32 to index
      %swap3A_671 = arith.constant 656 : index
      %swap3A_672 = tpu.vector_load %arg8[%swap3A_670, %swap3A_671] {strides = array<i32>} : memref<16x1024xf32, #tpu.memory_space<vmem>>, vector<1x16xf32>,
      %swap3A_673 = vector.shape_cast %swap3A_672 : vector<1x16xf32> to vector<16xf32>
      %swap3A_674 = vector.shape_cast %add3A_669 : vector<16xf32> to vector<1x16xf32>
      tpu.vector_store %arg8[%swap3A_670, %swap3A_671], %swap3A_674 {strides = array<i32>} : memref<16x1024xf32, #tpu.memory_space<vmem>>, vector<1x16xf32>,
      %get3A_675 = arith.index_cast %scan3A_88 : i32 to index
      %get3A_676 = arith.constant 672 : index
      %get3A_677 = tpu.vector_load %arg8[%get3A_675, %get3A_676] {strides = array<i32>} : memref<16x1024xf32, #tpu.memory_space<vmem>>, vector<1x16xf32>,
      %get3A_678 = vector.shape_cast %get3A_677 : vector<1x16xf32> to vector<16xf32>
      %get3A_679 = arith.index_cast %scan3A_88 : i32 to index
      %get3A_680 = arith.constant 672 : index
      %get3A_681 = tpu.vector_load %arg9[%get3A_679, %get3A_680] {strides = array<i32>} : memref<16x1024xf32, #tpu.memory_space<vmem>>, vector<1x16xf32>,
      %get3A_682 = vector.shape_cast %get3A_681 : vector<1x16xf32> to vector<16xf32>
      %add3A_683 = arith.addf %get3A_678, %get3A_682 : vector<16xf32>
      %swap3A_684 = arith.index_cast %scan3A_88 : i32 to index
      %swap3A_685 = arith.constant 672 : index
      %swap3A_686 = tpu.vector_load %arg8[%swap3A_684, %swap3A_685] {strides = array<i32>} : memref<16x1024xf32, #tpu.memory_space<vmem>>, vector<1x16xf32>,
      %swap3A_687 = vector.shape_cast %swap3A_686 : vector<1x16xf32> to vector<16xf32>
      %swap3A_688 = vector.shape_cast %add3A_683 : vector<16xf32> to vector<1x16xf32>
      tpu.vector_store %arg8[%swap3A_684, %swap3A_685], %swap3A_688 {strides = array<i32>} : memref<16x1024xf32, #tpu.memory_space<vmem>>, vector<1x16xf32>,
      %get3A_689 = arith.index_cast %scan3A_88 : i32 to index
      %get3A_690 = arith.constant 688 : index
      %get3A_691 = tpu.vector_load %arg8[%get3A_689, %get3A_690] {strides = array<i32>} : memref<16x1024xf32, #tpu.memory_space<vmem>>, vector<1x16xf32>,
      %get3A_692 = vector.shape_cast %get3A_691 : vector<1x16xf32> to vector<16xf32>
      %get3A_693 = arith.index_cast %scan3A_88 : i32 to index
      %get3A_694 = arith.constant 688 : index
      %get3A_695 = tpu.vector_load %arg9[%get3A_693, %get3A_694] {strides = array<i32>} : memref<16x1024xf32, #tpu.memory_space<vmem>>, vector<1x16xf32>,
      %get3A_696 = vector.shape_cast %get3A_695 : vector<1x16xf32> to vector<16xf32>
      %add3A_697 = arith.addf %get3A_692, %get3A_696 : vector<16xf32>
      %swap3A_698 = arith.index_cast %scan3A_88 : i32 to index
      %swap3A_699 = arith.constant 688 : index
      %swap3A_700 = tpu.vector_load %arg8[%swap3A_698, %swap3A_699] {strides = array<i32>} : memref<16x1024xf32, #tpu.memory_space<vmem>>, vector<1x16xf32>,
      %swap3A_701 = vector.shape_cast %swap3A_700 : vector<1x16xf32> to vector<16xf32>
      %swap3A_702 = vector.shape_cast %add3A_697 : vector<16xf32> to vector<1x16xf32>
      tpu.vector_store %arg8[%swap3A_698, %swap3A_699], %swap3A_702 {strides = array<i32>} : memref<16x1024xf32, #tpu.memory_space<vmem>>, vector<1x16xf32>,
      %get3A_703 = arith.index_cast %scan3A_88 : i32 to index
      %get3A_704 = arith.constant 704 : index
      %get3A_705 = tpu.vector_load %arg8[%get3A_703, %get3A_704] {strides = array<i32>} : memref<16x1024xf32, #tpu.memory_space<vmem>>, vector<1x16xf32>,
      %get3A_706 = vector.shape_cast %get3A_705 : vector<1x16xf32> to vector<16xf32>
      %get3A_707 = arith.index_cast %scan3A_88 : i32 to index
      %get3A_708 = arith.constant 704 : index
      %get3A_709 = tpu.vector_load %arg9[%get3A_707, %get3A_708] {strides = array<i32>} : memref<16x1024xf32, #tpu.memory_space<vmem>>, vector<1x16xf32>,
      %get3A_710 = vector.shape_cast %get3A_709 : vector<1x16xf32> to vector<16xf32>
      %add3A_711 = arith.addf %get3A_706, %get3A_710 : vector<16xf32>
      %swap3A_712 = arith.index_cast %scan3A_88 : i32 to index
      %swap3A_713 = arith.constant 704 : index
      %swap3A_714 = tpu.vector_load %arg8[%swap3A_712, %swap3A_713] {strides = array<i32>} : memref<16x1024xf32, #tpu.memory_space<vmem>>, vector<1x16xf32>,
      %swap3A_715 = vector.shape_cast %swap3A_714 : vector<1x16xf32> to vector<16xf32>
      %swap3A_716 = vector.shape_cast %add3A_711 : vector<16xf32> to vector<1x16xf32>
      tpu.vector_store %arg8[%swap3A_712, %swap3A_713], %swap3A_716 {strides = array<i32>} : memref<16x1024xf32, #tpu.memory_space<vmem>>, vector<1x16xf32>,
      %get3A_717 = arith.index_cast %scan3A_88 : i32 to index
      %get3A_718 = arith.constant 720 : index
      %get3A_719 = tpu.vector_load %arg8[%get3A_717, %get3A_718] {strides = array<i32>} : memref<16x1024xf32, #tpu.memory_space<vmem>>, vector<1x16xf32>,
      %get3A_720 = vector.shape_cast %get3A_719 : vector<1x16xf32> to vector<16xf32>
      %get3A_721 = arith.index_cast %scan3A_88 : i32 to index
      %get3A_722 = arith.constant 720 : index
      %get3A_723 = tpu.vector_load %arg9[%get3A_721, %get3A_722] {strides = array<i32>} : memref<16x1024xf32, #tpu.memory_space<vmem>>, vector<1x16xf32>,
      %get3A_724 = vector.shape_cast %get3A_723 : vector<1x16xf32> to vector<16xf32>
      %add3A_725 = arith.addf %get3A_720, %get3A_724 : vector<16xf32>
      %swap3A_726 = arith.index_cast %scan3A_88 : i32 to index
      %swap3A_727 = arith.constant 720 : index
      %swap3A_728 = tpu.vector_load %arg8[%swap3A_726, %swap3A_727] {strides = array<i32>} : memref<16x1024xf32, #tpu.memory_space<vmem>>, vector<1x16xf32>,
      %swap3A_729 = vector.shape_cast %swap3A_728 : vector<1x16xf32> to vector<16xf32>
      %swap3A_730 = vector.shape_cast %add3A_725 : vector<16xf32> to vector<1x16xf32>
      tpu.vector_store %arg8[%swap3A_726, %swap3A_727], %swap3A_730 {strides = array<i32>} : memref<16x1024xf32, #tpu.memory_space<vmem>>, vector<1x16xf32>,
      %get3A_731 = arith.index_cast %scan3A_88 : i32 to index
      %get3A_732 = arith.constant 736 : index
      %get3A_733 = tpu.vector_load %arg8[%get3A_731, %get3A_732] {strides = array<i32>} : memref<16x1024xf32, #tpu.memory_space<vmem>>, vector<1x16xf32>,
      %get3A_734 = vector.shape_cast %get3A_733 : vector<1x16xf32> to vector<16xf32>
      %get3A_735 = arith.index_cast %scan3A_88 : i32 to index
      %get3A_736 = arith.constant 736 : index
      %get3A_737 = tpu.vector_load %arg9[%get3A_735, %get3A_736] {strides = array<i32>} : memref<16x1024xf32, #tpu.memory_space<vmem>>, vector<1x16xf32>,
      %get3A_738 = vector.shape_cast %get3A_737 : vector<1x16xf32> to vector<16xf32>
      %add3A_739 = arith.addf %get3A_734, %get3A_738 : vector<16xf32>
      %swap3A_740 = arith.index_cast %scan3A_88 : i32 to index
      %swap3A_741 = arith.constant 736 : index
      %swap3A_742 = tpu.vector_load %arg8[%swap3A_740, %swap3A_741] {strides = array<i32>} : memref<16x1024xf32, #tpu.memory_space<vmem>>, vector<1x16xf32>,
      %swap3A_743 = vector.shape_cast %swap3A_742 : vector<1x16xf32> to vector<16xf32>
      %swap3A_744 = vector.shape_cast %add3A_739 : vector<16xf32> to vector<1x16xf32>
      tpu.vector_store %arg8[%swap3A_740, %swap3A_741], %swap3A_744 {strides = array<i32>} : memref<16x1024xf32, #tpu.memory_space<vmem>>, vector<1x16xf32>,
      %get3A_745 = arith.index_cast %scan3A_88 : i32 to index
      %get3A_746 = arith.constant 752 : index
      %get3A_747 = tpu.vector_load %arg8[%get3A_745, %get3A_746] {strides = array<i32>} : memref<16x1024xf32, #tpu.memory_space<vmem>>, vector<1x16xf32>,
      %get3A_748 = vector.shape_cast %get3A_747 : vector<1x16xf32> to vector<16xf32>
      %get3A_749 = arith.index_cast %scan3A_88 : i32 to index
      %get3A_750 = arith.constant 752 : index
      %get3A_751 = tpu.vector_load %arg9[%get3A_749, %get3A_750] {strides = array<i32>} : memref<16x1024xf32, #tpu.memory_space<vmem>>, vector<1x16xf32>,
      %get3A_752 = vector.shape_cast %get3A_751 : vector<1x16xf32> to vector<16xf32>
      %add3A_753 = arith.addf %get3A_748, %get3A_752 : vector<16xf32>
      %swap3A_754 = arith.index_cast %scan3A_88 : i32 to index
      %swap3A_755 = arith.constant 752 : index
      %swap3A_756 = tpu.vector_load %arg8[%swap3A_754, %swap3A_755] {strides = array<i32>} : memref<16x1024xf32, #tpu.memory_space<vmem>>, vector<1x16xf32>,
      %swap3A_757 = vector.shape_cast %swap3A_756 : vector<1x16xf32> to vector<16xf32>
      %swap3A_758 = vector.shape_cast %add3A_753 : vector<16xf32> to vector<1x16xf32>
      tpu.vector_store %arg8[%swap3A_754, %swap3A_755], %swap3A_758 {strides = array<i32>} : memref<16x1024xf32, #tpu.memory_space<vmem>>, vector<1x16xf32>,
      %get3A_759 = arith.index_cast %scan3A_88 : i32 to index
      %get3A_760 = arith.constant 768 : index
      %get3A_761 = tpu.vector_load %arg8[%get3A_759, %get3A_760] {strides = array<i32>} : memref<16x1024xf32, #tpu.memory_space<vmem>>, vector<1x16xf32>,
      %get3A_762 = vector.shape_cast %get3A_761 : vector<1x16xf32> to vector<16xf32>
      %get3A_763 = arith.index_cast %scan3A_88 : i32 to index
      %get3A_764 = arith.constant 768 : index
      %get3A_765 = tpu.vector_load %arg9[%get3A_763, %get3A_764] {strides = array<i32>} : memref<16x1024xf32, #tpu.memory_space<vmem>>, vector<1x16xf32>,
      %get3A_766 = vector.shape_cast %get3A_765 : vector<1x16xf32> to vector<16xf32>
      %add3A_767 = arith.addf %get3A_762, %get3A_766 : vector<16xf32>
      %swap3A_768 = arith.index_cast %scan3A_88 : i32 to index
      %swap3A_769 = arith.constant 768 : index
      %swap3A_770 = tpu.vector_load %arg8[%swap3A_768, %swap3A_769] {strides = array<i32>} : memref<16x1024xf32, #tpu.memory_space<vmem>>, vector<1x16xf32>,
      %swap3A_771 = vector.shape_cast %swap3A_770 : vector<1x16xf32> to vector<16xf32>
      %swap3A_772 = vector.shape_cast %add3A_767 : vector<16xf32> to vector<1x16xf32>
      tpu.vector_store %arg8[%swap3A_768, %swap3A_769], %swap3A_772 {strides = array<i32>} : memref<16x1024xf32, #tpu.memory_space<vmem>>, vector<1x16xf32>,
      %get3A_773 = arith.index_cast %scan3A_88 : i32 to index
      %get3A_774 = arith.constant 784 : index
      %get3A_775 = tpu.vector_load %arg8[%get3A_773, %get3A_774] {strides = array<i32>} : memref<16x1024xf32, #tpu.memory_space<vmem>>, vector<1x16xf32>,
      %get3A_776 = vector.shape_cast %get3A_775 : vector<1x16xf32> to vector<16xf32>
      %get3A_777 = arith.index_cast %scan3A_88 : i32 to index
      %get3A_778 = arith.constant 784 : index
      %get3A_779 = tpu.vector_load %arg9[%get3A_777, %get3A_778] {strides = array<i32>} : memref<16x1024xf32, #tpu.memory_space<vmem>>, vector<1x16xf32>,
      %get3A_780 = vector.shape_cast %get3A_779 : vector<1x16xf32> to vector<16xf32>
      %add3A_781 = arith.addf %get3A_776, %get3A_780 : vector<16xf32>
      %swap3A_782 = arith.index_cast %scan3A_88 : i32 to index
      %swap3A_783 = arith.constant 784 : index
      %swap3A_784 = tpu.vector_load %arg8[%swap3A_782, %swap3A_783] {strides = array<i32>} : memref<16x1024xf32, #tpu.memory_space<vmem>>, vector<1x16xf32>,
      %swap3A_785 = vector.shape_cast %swap3A_784 : vector<1x16xf32> to vector<16xf32>
      %swap3A_786 = vector.shape_cast %add3A_781 : vector<16xf32> to vector<1x16xf32>
      tpu.vector_store %arg8[%swap3A_782, %swap3A_783], %swap3A_786 {strides = array<i32>} : memref<16x1024xf32, #tpu.memory_space<vmem>>, vector<1x16xf32>,
      %get3A_787 = arith.index_cast %scan3A_88 : i32 to index
      %get3A_788 = arith.constant 800 : index
      %get3A_789 = tpu.vector_load %arg8[%get3A_787, %get3A_788] {strides = array<i32>} : memref<16x1024xf32, #tpu.memory_space<vmem>>, vector<1x16xf32>,
      %get3A_790 = vector.shape_cast %get3A_789 : vector<1x16xf32> to vector<16xf32>
      %get3A_791 = arith.index_cast %scan3A_88 : i32 to index
      %get3A_792 = arith.constant 800 : index
      %get3A_793 = tpu.vector_load %arg9[%get3A_791, %get3A_792] {strides = array<i32>} : memref<16x1024xf32, #tpu.memory_space<vmem>>, vector<1x16xf32>,
      %get3A_794 = vector.shape_cast %get3A_793 : vector<1x16xf32> to vector<16xf32>
      %add3A_795 = arith.addf %get3A_790, %get3A_794 : vector<16xf32>
      %swap3A_796 = arith.index_cast %scan3A_88 : i32 to index
      %swap3A_797 = arith.constant 800 : index
      %swap3A_798 = tpu.vector_load %arg8[%swap3A_796, %swap3A_797] {strides = array<i32>} : memref<16x1024xf32, #tpu.memory_space<vmem>>, vector<1x16xf32>,
      %swap3A_799 = vector.shape_cast %swap3A_798 : vector<1x16xf32> to vector<16xf32>
      %swap3A_800 = vector.shape_cast %add3A_795 : vector<16xf32> to vector<1x16xf32>
      tpu.vector_store %arg8[%swap3A_796, %swap3A_797], %swap3A_800 {strides = array<i32>} : memref<16x1024xf32, #tpu.memory_space<vmem>>, vector<1x16xf32>,
      %get3A_801 = arith.index_cast %scan3A_88 : i32 to index
      %get3A_802 = arith.constant 816 : index
      %get3A_803 = tpu.vector_load %arg8[%get3A_801, %get3A_802] {strides = array<i32>} : memref<16x1024xf32, #tpu.memory_space<vmem>>, vector<1x16xf32>,
      %get3A_804 = vector.shape_cast %get3A_803 : vector<1x16xf32> to vector<16xf32>
      %get3A_805 = arith.index_cast %scan3A_88 : i32 to index
      %get3A_806 = arith.constant 816 : index
      %get3A_807 = tpu.vector_load %arg9[%get3A_805, %get3A_806] {strides = array<i32>} : memref<16x1024xf32, #tpu.memory_space<vmem>>, vector<1x16xf32>,
      %get3A_808 = vector.shape_cast %get3A_807 : vector<1x16xf32> to vector<16xf32>
      %add3A_809 = arith.addf %get3A_804, %get3A_808 : vector<16xf32>
      %swap3A_810 = arith.index_cast %scan3A_88 : i32 to index
      %swap3A_811 = arith.constant 816 : index
      %swap3A_812 = tpu.vector_load %arg8[%swap3A_810, %swap3A_811] {strides = array<i32>} : memref<16x1024xf32, #tpu.memory_space<vmem>>, vector<1x16xf32>,
      %swap3A_813 = vector.shape_cast %swap3A_812 : vector<1x16xf32> to vector<16xf32>
      %swap3A_814 = vector.shape_cast %add3A_809 : vector<16xf32> to vector<1x16xf32>
      tpu.vector_store %arg8[%swap3A_810, %swap3A_811], %swap3A_814 {strides = array<i32>} : memref<16x1024xf32, #tpu.memory_space<vmem>>, vector<1x16xf32>,
      %get3A_815 = arith.index_cast %scan3A_88 : i32 to index
      %get3A_816 = arith.constant 832 : index
      %get3A_817 = tpu.vector_load %arg8[%get3A_815, %get3A_816] {strides = array<i32>} : memref<16x1024xf32, #tpu.memory_space<vmem>>, vector<1x16xf32>,
      %get3A_818 = vector.shape_cast %get3A_817 : vector<1x16xf32> to vector<16xf32>
      %get3A_819 = arith.index_cast %scan3A_88 : i32 to index
      %get3A_820 = arith.constant 832 : index
      %get3A_821 = tpu.vector_load %arg9[%get3A_819, %get3A_820] {strides = array<i32>} : memref<16x1024xf32, #tpu.memory_space<vmem>>, vector<1x16xf32>,
      %get3A_822 = vector.shape_cast %get3A_821 : vector<1x16xf32> to vector<16xf32>
      %add3A_823 = arith.addf %get3A_818, %get3A_822 : vector<16xf32>
      %swap3A_824 = arith.index_cast %scan3A_88 : i32 to index
      %swap3A_825 = arith.constant 832 : index
      %swap3A_826 = tpu.vector_load %arg8[%swap3A_824, %swap3A_825] {strides = array<i32>} : memref<16x1024xf32, #tpu.memory_space<vmem>>, vector<1x16xf32>,
      %swap3A_827 = vector.shape_cast %swap3A_826 : vector<1x16xf32> to vector<16xf32>
      %swap3A_828 = vector.shape_cast %add3A_823 : vector<16xf32> to vector<1x16xf32>
      tpu.vector_store %arg8[%swap3A_824, %swap3A_825], %swap3A_828 {strides = array<i32>} : memref<16x1024xf32, #tpu.memory_space<vmem>>, vector<1x16xf32>,
      %get3A_829 = arith.index_cast %scan3A_88 : i32 to index
      %get3A_830 = arith.constant 848 : index
      %get3A_831 = tpu.vector_load %arg8[%get3A_829, %get3A_830] {strides = array<i32>} : memref<16x1024xf32, #tpu.memory_space<vmem>>, vector<1x16xf32>,
      %get3A_832 = vector.shape_cast %get3A_831 : vector<1x16xf32> to vector<16xf32>
      %get3A_833 = arith.index_cast %scan3A_88 : i32 to index
      %get3A_834 = arith.constant 848 : index
      %get3A_835 = tpu.vector_load %arg9[%get3A_833, %get3A_834] {strides = array<i32>} : memref<16x1024xf32, #tpu.memory_space<vmem>>, vector<1x16xf32>,
      %get3A_836 = vector.shape_cast %get3A_835 : vector<1x16xf32> to vector<16xf32>
      %add3A_837 = arith.addf %get3A_832, %get3A_836 : vector<16xf32>
      %swap3A_838 = arith.index_cast %scan3A_88 : i32 to index
      %swap3A_839 = arith.constant 848 : index
      %swap3A_840 = tpu.vector_load %arg8[%swap3A_838, %swap3A_839] {strides = array<i32>} : memref<16x1024xf32, #tpu.memory_space<vmem>>, vector<1x16xf32>,
      %swap3A_841 = vector.shape_cast %swap3A_840 : vector<1x16xf32> to vector<16xf32>
      %swap3A_842 = vector.shape_cast %add3A_837 : vector<16xf32> to vector<1x16xf32>
      tpu.vector_store %arg8[%swap3A_838, %swap3A_839], %swap3A_842 {strides = array<i32>} : memref<16x1024xf32, #tpu.memory_space<vmem>>, vector<1x16xf32>,
      %get3A_843 = arith.index_cast %scan3A_88 : i32 to index
      %get3A_844 = arith.constant 864 : index
      %get3A_845 = tpu.vector_load %arg8[%get3A_843, %get3A_844] {strides = array<i32>} : memref<16x1024xf32, #tpu.memory_space<vmem>>, vector<1x16xf32>,
      %get3A_846 = vector.shape_cast %get3A_845 : vector<1x16xf32> to vector<16xf32>
      %get3A_847 = arith.index_cast %scan3A_88 : i32 to index
      %get3A_848 = arith.constant 864 : index
      %get3A_849 = tpu.vector_load %arg9[%get3A_847, %get3A_848] {strides = array<i32>} : memref<16x1024xf32, #tpu.memory_space<vmem>>, vector<1x16xf32>,
      %get3A_850 = vector.shape_cast %get3A_849 : vector<1x16xf32> to vector<16xf32>
      %add3A_851 = arith.addf %get3A_846, %get3A_850 : vector<16xf32>
      %swap3A_852 = arith.index_cast %scan3A_88 : i32 to index
      %swap3A_853 = arith.constant 864 : index
      %swap3A_854 = tpu.vector_load %arg8[%swap3A_852, %swap3A_853] {strides = array<i32>} : memref<16x1024xf32, #tpu.memory_space<vmem>>, vector<1x16xf32>,
      %swap3A_855 = vector.shape_cast %swap3A_854 : vector<1x16xf32> to vector<16xf32>
      %swap3A_856 = vector.shape_cast %add3A_851 : vector<16xf32> to vector<1x16xf32>
      tpu.vector_store %arg8[%swap3A_852, %swap3A_853], %swap3A_856 {strides = array<i32>} : memref<16x1024xf32, #tpu.memory_space<vmem>>, vector<1x16xf32>,
      %get3A_857 = arith.index_cast %scan3A_88 : i32 to index
      %get3A_858 = arith.constant 880 : index
      %get3A_859 = tpu.vector_load %arg8[%get3A_857, %get3A_858] {strides = array<i32>} : memref<16x1024xf32, #tpu.memory_space<vmem>>, vector<1x16xf32>,
      %get3A_860 = vector.shape_cast %get3A_859 : vector<1x16xf32> to vector<16xf32>
      %get3A_861 = arith.index_cast %scan3A_88 : i32 to index
      %get3A_862 = arith.constant 880 : index
      %get3A_863 = tpu.vector_load %arg9[%get3A_861, %get3A_862] {strides = array<i32>} : memref<16x1024xf32, #tpu.memory_space<vmem>>, vector<1x16xf32>,
      %get3A_864 = vector.shape_cast %get3A_863 : vector<1x16xf32> to vector<16xf32>
      %add3A_865 = arith.addf %get3A_860, %get3A_864 : vector<16xf32>
      %swap3A_866 = arith.index_cast %scan3A_88 : i32 to index
      %swap3A_867 = arith.constant 880 : index
      %swap3A_868 = tpu.vector_load %arg8[%swap3A_866, %swap3A_867] {strides = array<i32>} : memref<16x1024xf32, #tpu.memory_space<vmem>>, vector<1x16xf32>,
      %swap3A_869 = vector.shape_cast %swap3A_868 : vector<1x16xf32> to vector<16xf32>
      %swap3A_870 = vector.shape_cast %add3A_865 : vector<16xf32> to vector<1x16xf32>
      tpu.vector_store %arg8[%swap3A_866, %swap3A_867], %swap3A_870 {strides = array<i32>} : memref<16x1024xf32, #tpu.memory_space<vmem>>, vector<1x16xf32>,
      %get3A_871 = arith.index_cast %scan3A_88 : i32 to index
      %get3A_872 = arith.constant 896 : index
      %get3A_873 = tpu.vector_load %arg8[%get3A_871, %get3A_872] {strides = array<i32>} : memref<16x1024xf32, #tpu.memory_space<vmem>>, vector<1x16xf32>,
      %get3A_874 = vector.shape_cast %get3A_873 : vector<1x16xf32> to vector<16xf32>
      %get3A_875 = arith.index_cast %scan3A_88 : i32 to index
      %get3A_876 = arith.constant 896 : index
      %get3A_877 = tpu.vector_load %arg9[%get3A_875, %get3A_876] {strides = array<i32>} : memref<16x1024xf32, #tpu.memory_space<vmem>>, vector<1x16xf32>,
      %get3A_878 = vector.shape_cast %get3A_877 : vector<1x16xf32> to vector<16xf32>
      %add3A_879 = arith.addf %get3A_874, %get3A_878 : vector<16xf32>
      %swap3A_880 = arith.index_cast %scan3A_88 : i32 to index
      %swap3A_881 = arith.constant 896 : index
      %swap3A_882 = tpu.vector_load %arg8[%swap3A_880, %swap3A_881] {strides = array<i32>} : memref<16x1024xf32, #tpu.memory_space<vmem>>, vector<1x16xf32>,
      %swap3A_883 = vector.shape_cast %swap3A_882 : vector<1x16xf32> to vector<16xf32>
      %swap3A_884 = vector.shape_cast %add3A_879 : vector<16xf32> to vector<1x16xf32>
      tpu.vector_store %arg8[%swap3A_880, %swap3A_881], %swap3A_884 {strides = array<i32>} : memref<16x1024xf32, #tpu.memory_space<vmem>>, vector<1x16xf32>,
      %get3A_885 = arith.index_cast %scan3A_88 : i32 to index
      %get3A_886 = arith.constant 912 : index
      %get3A_887 = tpu.vector_load %arg8[%get3A_885, %get3A_886] {strides = array<i32>} : memref<16x1024xf32, #tpu.memory_space<vmem>>, vector<1x16xf32>,
      %get3A_888 = vector.shape_cast %get3A_887 : vector<1x16xf32> to vector<16xf32>
      %get3A_889 = arith.index_cast %scan3A_88 : i32 to index
      %get3A_890 = arith.constant 912 : index
      %get3A_891 = tpu.vector_load %arg9[%get3A_889, %get3A_890] {strides = array<i32>} : memref<16x1024xf32, #tpu.memory_space<vmem>>, vector<1x16xf32>,
      %get3A_892 = vector.shape_cast %get3A_891 : vector<1x16xf32> to vector<16xf32>
      %add3A_893 = arith.addf %get3A_888, %get3A_892 : vector<16xf32>
      %swap3A_894 = arith.index_cast %scan3A_88 : i32 to index
      %swap3A_895 = arith.constant 912 : index
      %swap3A_896 = tpu.vector_load %arg8[%swap3A_894, %swap3A_895] {strides = array<i32>} : memref<16x1024xf32, #tpu.memory_space<vmem>>, vector<1x16xf32>,
      %swap3A_897 = vector.shape_cast %swap3A_896 : vector<1x16xf32> to vector<16xf32>
      %swap3A_898 = vector.shape_cast %add3A_893 : vector<16xf32> to vector<1x16xf32>
      tpu.vector_store %arg8[%swap3A_894, %swap3A_895], %swap3A_898 {strides = array<i32>} : memref<16x1024xf32, #tpu.memory_space<vmem>>, vector<1x16xf32>,
      %get3A_899 = arith.index_cast %scan3A_88 : i32 to index
      %get3A_900 = arith.constant 928 : index
      %get3A_901 = tpu.vector_load %arg8[%get3A_899, %get3A_900] {strides = array<i32>} : memref<16x1024xf32, #tpu.memory_space<vmem>>, vector<1x16xf32>,
      %get3A_902 = vector.shape_cast %get3A_901 : vector<1x16xf32> to vector<16xf32>
      %get3A_903 = arith.index_cast %scan3A_88 : i32 to index
      %get3A_904 = arith.constant 928 : index
      %get3A_905 = tpu.vector_load %arg9[%get3A_903, %get3A_904] {strides = array<i32>} : memref<16x1024xf32, #tpu.memory_space<vmem>>, vector<1x16xf32>,
      %get3A_906 = vector.shape_cast %get3A_905 : vector<1x16xf32> to vector<16xf32>
      %add3A_907 = arith.addf %get3A_902, %get3A_906 : vector<16xf32>
      %swap3A_908 = arith.index_cast %scan3A_88 : i32 to index
      %swap3A_909 = arith.constant 928 : index
      %swap3A_910 = tpu.vector_load %arg8[%swap3A_908, %swap3A_909] {strides = array<i32>} : memref<16x1024xf32, #tpu.memory_space<vmem>>, vector<1x16xf32>,
      %swap3A_911 = vector.shape_cast %swap3A_910 : vector<1x16xf32> to vector<16xf32>
      %swap3A_912 = vector.shape_cast %add3A_907 : vector<16xf32> to vector<1x16xf32>
      tpu.vector_store %arg8[%swap3A_908, %swap3A_909], %swap3A_912 {strides = array<i32>} : memref<16x1024xf32, #tpu.memory_space<vmem>>, vector<1x16xf32>,
      %get3A_913 = arith.index_cast %scan3A_88 : i32 to index
      %get3A_914 = arith.constant 944 : index
      %get3A_915 = tpu.vector_load %arg8[%get3A_913, %get3A_914] {strides = array<i32>} : memref<16x1024xf32, #tpu.memory_space<vmem>>, vector<1x16xf32>,
      %get3A_916 = vector.shape_cast %get3A_915 : vector<1x16xf32> to vector<16xf32>
      %get3A_917 = arith.index_cast %scan3A_88 : i32 to index
      %get3A_918 = arith.constant 944 : index
      %get3A_919 = tpu.vector_load %arg9[%get3A_917, %get3A_918] {strides = array<i32>} : memref<16x1024xf32, #tpu.memory_space<vmem>>, vector<1x16xf32>,
      %get3A_920 = vector.shape_cast %get3A_919 : vector<1x16xf32> to vector<16xf32>
      %add3A_921 = arith.addf %get3A_916, %get3A_920 : vector<16xf32>
      %swap3A_922 = arith.index_cast %scan3A_88 : i32 to index
      %swap3A_923 = arith.constant 944 : index
      %swap3A_924 = tpu.vector_load %arg8[%swap3A_922, %swap3A_923] {strides = array<i32>} : memref<16x1024xf32, #tpu.memory_space<vmem>>, vector<1x16xf32>,
      %swap3A_925 = vector.shape_cast %swap3A_924 : vector<1x16xf32> to vector<16xf32>
      %swap3A_926 = vector.shape_cast %add3A_921 : vector<16xf32> to vector<1x16xf32>
      tpu.vector_store %arg8[%swap3A_922, %swap3A_923], %swap3A_926 {strides = array<i32>} : memref<16x1024xf32, #tpu.memory_space<vmem>>, vector<1x16xf32>,
      %get3A_927 = arith.index_cast %scan3A_88 : i32 to index
      %get3A_928 = arith.constant 960 : index
      %get3A_929 = tpu.vector_load %arg8[%get3A_927, %get3A_928] {strides = array<i32>} : memref<16x1024xf32, #tpu.memory_space<vmem>>, vector<1x16xf32>,
      %get3A_930 = vector.shape_cast %get3A_929 : vector<1x16xf32> to vector<16xf32>
      %get3A_931 = arith.index_cast %scan3A_88 : i32 to index
      %get3A_932 = arith.constant 960 : index
      %get3A_933 = tpu.vector_load %arg9[%get3A_931, %get3A_932] {strides = array<i32>} : memref<16x1024xf32, #tpu.memory_space<vmem>>, vector<1x16xf32>,
      %get3A_934 = vector.shape_cast %get3A_933 : vector<1x16xf32> to vector<16xf32>
      %add3A_935 = arith.addf %get3A_930, %get3A_934 : vector<16xf32>
      %swap3A_936 = arith.index_cast %scan3A_88 : i32 to index
      %swap3A_937 = arith.constant 960 : index
      %swap3A_938 = tpu.vector_load %arg8[%swap3A_936, %swap3A_937] {strides = array<i32>} : memref<16x1024xf32, #tpu.memory_space<vmem>>, vector<1x16xf32>,
      %swap3A_939 = vector.shape_cast %swap3A_938 : vector<1x16xf32> to vector<16xf32>
      %swap3A_940 = vector.shape_cast %add3A_935 : vector<16xf32> to vector<1x16xf32>
      tpu.vector_store %arg8[%swap3A_936, %swap3A_937], %swap3A_940 {strides = array<i32>} : memref<16x1024xf32, #tpu.memory_space<vmem>>, vector<1x16xf32>,
      %get3A_941 = arith.index_cast %scan3A_88 : i32 to index
      %get3A_942 = arith.constant 976 : index
      %get3A_943 = tpu.vector_load %arg8[%get3A_941, %get3A_942] {strides = array<i32>} : memref<16x1024xf32, #tpu.memory_space<vmem>>, vector<1x16xf32>,
      %get3A_944 = vector.shape_cast %get3A_943 : vector<1x16xf32> to vector<16xf32>
      %get3A_945 = arith.index_cast %scan3A_88 : i32 to index
      %get3A_946 = arith.constant 976 : index
      %get3A_947 = tpu.vector_load %arg9[%get3A_945, %get3A_946] {strides = array<i32>} : memref<16x1024xf32, #tpu.memory_space<vmem>>, vector<1x16xf32>,
      %get3A_948 = vector.shape_cast %get3A_947 : vector<1x16xf32> to vector<16xf32>
      %add3A_949 = arith.addf %get3A_944, %get3A_948 : vector<16xf32>
      %swap3A_950 = arith.index_cast %scan3A_88 : i32 to index
      %swap3A_951 = arith.constant 976 : index
      %swap3A_952 = tpu.vector_load %arg8[%swap3A_950, %swap3A_951] {strides = array<i32>} : memref<16x1024xf32, #tpu.memory_space<vmem>>, vector<1x16xf32>,
      %swap3A_953 = vector.shape_cast %swap3A_952 : vector<1x16xf32> to vector<16xf32>
      %swap3A_954 = vector.shape_cast %add3A_949 : vector<16xf32> to vector<1x16xf32>
      tpu.vector_store %arg8[%swap3A_950, %swap3A_951], %swap3A_954 {strides = array<i32>} : memref<16x1024xf32, #tpu.memory_space<vmem>>, vector<1x16xf32>,
      %get3A_955 = arith.index_cast %scan3A_88 : i32 to index
      %get3A_956 = arith.constant 992 : index
      %get3A_957 = tpu.vector_load %arg8[%get3A_955, %get3A_956] {strides = array<i32>} : memref<16x1024xf32, #tpu.memory_space<vmem>>, vector<1x16xf32>,
      %get3A_958 = vector.shape_cast %get3A_957 : vector<1x16xf32> to vector<16xf32>
      %get3A_959 = arith.index_cast %scan3A_88 : i32 to index
      %get3A_960 = arith.constant 992 : index
      %get3A_961 = tpu.vector_load %arg9[%get3A_959, %get3A_960] {strides = array<i32>} : memref<16x1024xf32, #tpu.memory_space<vmem>>, vector<1x16xf32>,
      %get3A_962 = vector.shape_cast %get3A_961 : vector<1x16xf32> to vector<16xf32>
      %add3A_963 = arith.addf %get3A_958, %get3A_962 : vector<16xf32>
      %swap3A_964 = arith.index_cast %scan3A_88 : i32 to index
      %swap3A_965 = arith.constant 992 : index
      %swap3A_966 = tpu.vector_load %arg8[%swap3A_964, %swap3A_965] {strides = array<i32>} : memref<16x1024xf32, #tpu.memory_space<vmem>>, vector<1x16xf32>,
      %swap3A_967 = vector.shape_cast %swap3A_966 : vector<1x16xf32> to vector<16xf32>
      %swap3A_968 = vector.shape_cast %add3A_963 : vector<16xf32> to vector<1x16xf32>
      tpu.vector_store %arg8[%swap3A_964, %swap3A_965], %swap3A_968 {strides = array<i32>} : memref<16x1024xf32, #tpu.memory_space<vmem>>, vector<1x16xf32>,
      %get3A_969 = arith.index_cast %scan3A_88 : i32 to index
      %get3A_970 = arith.constant 1008 : index
      %get3A_971 = tpu.vector_load %arg8[%get3A_969, %get3A_970] {strides = array<i32>} : memref<16x1024xf32, #tpu.memory_space<vmem>>, vector<1x16xf32>,
      %get3A_972 = vector.shape_cast %get3A_971 : vector<1x16xf32> to vector<16xf32>
      %get3A_973 = arith.index_cast %scan3A_88 : i32 to index
      %get3A_974 = arith.constant 1008 : index
      %get3A_975 = tpu.vector_load %arg9[%get3A_973, %get3A_974] {strides = array<i32>} : memref<16x1024xf32, #tpu.memory_space<vmem>>, vector<1x16xf32>,
      %get3A_976 = vector.shape_cast %get3A_975 : vector<1x16xf32> to vector<16xf32>
      %add3A_977 = arith.addf %get3A_972, %get3A_976 : vector<16xf32>
      %swap3A_978 = arith.index_cast %scan3A_88 : i32 to index
      %swap3A_979 = arith.constant 1008 : index
      %swap3A_980 = tpu.vector_load %arg8[%swap3A_978, %swap3A_979] {strides = array<i32>} : memref<16x1024xf32, #tpu.memory_space<vmem>>, vector<1x16xf32>,
      %swap3A_981 = vector.shape_cast %swap3A_980 : vector<1x16xf32> to vector<16xf32>
      %swap3A_982 = vector.shape_cast %add3A_977 : vector<16xf32> to vector<1x16xf32>
      tpu.vector_store %arg8[%swap3A_978, %swap3A_979], %swap3A_982 {strides = array<i32>} : memref<16x1024xf32, #tpu.memory_space<vmem>>, vector<1x16xf32>,
    }
    %scan3A_85 = arith.constant 16 : i32
    %add3A_86 = arith.constant 48 : i32
    %add3A_87 = arith.addi %mul3A_2, %add3A_86 : i32
    "tpu.region"() ({
      %run_scoped3A = tpu.sem_alloc : memref<!tpu.dma_semaphore, #tpu.memory_space<semaphore_mem>>
      %dma_start3A_88 = arith.constant 0 : i32
      %dma_start3A_89 = tpu.memref_slice %arg5[%add3A_87, %dma_start3A_88] : memref<2048x1024xf32, #tpu.memory_space<hbm>> -> memref<16x1024xf32, #tpu.memory_space<hbm>>
      %dma_start3A_90 = arith.constant 0 : i32
      %dma_start3A_91 = tpu.memref_slice %arg5[%add3A_87, %dma_start3A_90] : memref<2048x1024xf32, #tpu.memory_space<hbm>> -> memref<16x1024xf32, #tpu.memory_space<hbm>>
      tpu.enqueue_dma source(%arg8 : memref<16x1024xf32, #tpu.memory_space<vmem>>) target(%dma_start3A_91 : memref<16x1024xf32, #tpu.memory_space<hbm>>) target_semaphore(%run_scoped3A : memref<!tpu.dma_semaphore, #tpu.memory_space<semaphore_mem>>)
      %dma_wait3A_92 = arith.constant 0 : i32
      %dma_wait3A_93 = tpu.memref_slice %arg5[%add3A_87, %dma_wait3A_92] : memref<2048x1024xf32, #tpu.memory_space<hbm>> -> memref<16x1024xf32, #tpu.memory_space<hbm>>
      %dma_wait3A_94 = arith.constant 0 : i32
      %dma_wait3A_95 = tpu.memref_slice %arg5[%add3A_87, %dma_wait3A_94] : memref<2048x1024xf32, #tpu.memory_space<hbm>> -> memref<16x1024xf32, #tpu.memory_space<hbm>>
      tpu.wait_dma2 semaphore(%run_scoped3A : memref<!tpu.dma_semaphore, #tpu.memory_space<semaphore_mem>>) src(%arg8 : memref<16x1024xf32, #tpu.memory_space<vmem>>) dst(%dma_wait3A_95 : memref<16x1024xf32, #tpu.memory_space<hbm>>)
      tpu.yield
    }) : () -> ()
    return
  }
}

module attributes {stable_mosaic.version = 14 : i64} {
  func.func @_router_kernel(%arg0: memref<2048x1024xf32, #tpu.memory_space<vmem>>, %arg1: memref<1024xf32, #tpu.memory_space<vmem>>, %arg2: memref<1024xf32, #tpu.memory_space<vmem>>, %arg3: memref<1024x8xf32, #tpu.memory_space<vmem>>, %arg4: memref<2048x1024xf32, #tpu.memory_space<vmem>>, %arg5: memref<2048x1xi32, #tpu.memory_space<vmem>>, %arg6: memref<2048x1xi32, #tpu.memory_space<vmem>>, %arg7: memref<2048x1xi32, #tpu.memory_space<vmem>>, %arg8: memref<2048x1xi32, #tpu.memory_space<vmem>>, %arg9: memref<640x8xf32, #tpu.memory_space<vmem>>) attributes {dimension_semantics = [], scalar_prefetch = 0 : i64, scratch_operands = 0 : i64, tpu.core_type = #tpu.core_type<tc>} {
    %get3A = arith.constant 0 : index
    %get3A_0 = arith.constant 0 : index
    %get3A_1 = vector.load %arg0[%get3A, %get3A_0] : memref<2048x1024xf32, #tpu.memory_space<vmem>>, vector<2048x1024xf32>
    %reduce_sum3A = arith.constant dense<0.000000e+00> : vector<2048xf32>
    %reduce_sum3A_2 = vector.multi_reduction <add>, %get3A_1, %reduce_sum3A [1] : vector<2048x1024xf32> to vector<2048xf32>
    %broadcast_in_dim3A = vector.shape_cast %reduce_sum3A_2 : vector<2048xf32> to vector<2048x1xf32>
    %div3A = arith.constant 1.024000e+03 : f32
    %div3A_3 = vector.broadcast %div3A : f32 to vector<2048x1xf32>
    %div3A_4 = arith.divf %broadcast_in_dim3A, %div3A_3 : vector<2048x1xf32>
    %sub3A = vector.broadcast %div3A_4 : vector<2048x1xf32> to vector<2048x1024xf32>
    %sub3A_5 = arith.subf %get3A_1, %sub3A : vector<2048x1024xf32>
    %mul3A = arith.mulf %sub3A_5, %sub3A_5 : vector<2048x1024xf32>
    %reduce_sum3A_6 = arith.constant dense<0.000000e+00> : vector<2048xf32>
    %reduce_sum3A_7 = vector.multi_reduction <add>, %mul3A, %reduce_sum3A_6 [1] : vector<2048x1024xf32> to vector<2048xf32>
    %broadcast_in_dim3A_8 = vector.shape_cast %reduce_sum3A_7 : vector<2048xf32> to vector<2048x1xf32>
    %div3A_9 = arith.constant 1.024000e+03 : f32
    %div3A_10 = vector.broadcast %div3A_9 : f32 to vector<2048x1xf32>
    %div3A_11 = arith.divf %broadcast_in_dim3A_8, %div3A_10 : vector<2048x1xf32>
    %add3A = arith.constant 9.99999974E-6 : f32
    %add3A_12 = vector.broadcast %add3A : f32 to vector<2048x1xf32>
    %add3A_13 = arith.addf %div3A_11, %add3A_12 : vector<2048x1xf32>
    %sqrt3A = math.sqrt %add3A_13 : vector<2048x1xf32>
    %div3A_14 = vector.broadcast %sqrt3A : vector<2048x1xf32> to vector<2048x1024xf32>
    %div3A_15 = arith.divf %sub3A_5, %div3A_14 : vector<2048x1024xf32>
    %get3A_16 = arith.constant 0 : index
    %get3A_17 = vector.load %arg1[%get3A_16] : memref<1024xf32, #tpu.memory_space<vmem>>, vector<1024xf32>
    %broadcast_in_dim3A_18 = vector.shape_cast %get3A_17 : vector<1024xf32> to vector<1x1024xf32>
    %mul3A_19 = vector.broadcast %broadcast_in_dim3A_18 : vector<1x1024xf32> to vector<2048x1024xf32>
    %mul3A_20 = arith.mulf %div3A_15, %mul3A_19 : vector<2048x1024xf32>
    %get3A_21 = arith.constant 0 : index
    %get3A_22 = vector.load %arg2[%get3A_21] : memref<1024xf32, #tpu.memory_space<vmem>>, vector<1024xf32>
    %broadcast_in_dim3A_23 = vector.shape_cast %get3A_22 : vector<1024xf32> to vector<1x1024xf32>
    %add3A_24 = vector.broadcast %broadcast_in_dim3A_23 : vector<1x1024xf32> to vector<2048x1024xf32>
    %add3A_25 = arith.addf %mul3A_20, %add3A_24 : vector<2048x1024xf32>
    %swap3A = arith.constant 0 : index
    %swap3A_26 = arith.constant 0 : index
    %swap3A_27 = vector.load %arg4[%swap3A, %swap3A_26] : memref<2048x1024xf32, #tpu.memory_space<vmem>>, vector<2048x1024xf32>
    tpu.vector_store %arg4[%swap3A, %swap3A_26], %add3A_25 {strides = array<i32>} : memref<2048x1024xf32, #tpu.memory_space<vmem>>, vector<2048x1024xf32>,
    %get3A_28 = arith.constant 0 : index
    %get3A_29 = arith.constant 0 : index
    %get3A_30 = vector.load %arg3[%get3A_28, %get3A_29] : memref<1024x8xf32, #tpu.memory_space<vmem>>, vector<1024x8xf32>
    %dot_general3A = arith.constant dense<0.000000e+00> : vector<2048x8xf32>
    %dot_general3A_31 = tpu.matmul %add3A_25, %get3A_30, %dot_general3A {dimension_numbers = #tpu.dot_dimension_numbers<[1], [0], [0], [1], [0, 0, 1, 1], [], []>, transpose_lhs_hint = false} : vector<2048x1024xf32>, vector<1024x8xf32>, vector<2048x8xf32> -> vector<2048x8xf32>
    %reduce_max3A = arith.constant dense<0xFF800000> : vector<2048xf32>
    %reduce_max3A_32 = vector.multi_reduction <maximumf>, %dot_general3A_31, %reduce_max3A [1] : vector<2048x8xf32> to vector<2048xf32>
    %broadcast_in_dim3A_33 = vector.shape_cast %reduce_max3A_32 : vector<2048xf32> to vector<2048x1xf32>
    %sub3A_34 = vector.broadcast %broadcast_in_dim3A_33 : vector<2048x1xf32> to vector<2048x8xf32>
    %sub3A_35 = arith.subf %dot_general3A_31, %sub3A_34 : vector<2048x8xf32>
    %exp3A = math.exp %sub3A_35 : vector<2048x8xf32>
    %reduce_sum3A_36 = arith.constant dense<0.000000e+00> : vector<2048xf32>
    %reduce_sum3A_37 = vector.multi_reduction <add>, %exp3A, %reduce_sum3A_36 [1] : vector<2048x8xf32> to vector<2048xf32>
    %broadcast_in_dim3A_38 = vector.shape_cast %reduce_sum3A_37 : vector<2048xf32> to vector<2048x1xf32>
    %div3A_39 = vector.broadcast %broadcast_in_dim3A_38 : vector<2048x1xf32> to vector<2048x8xf32>
    %div3A_40 = arith.divf %exp3A, %div3A_39 : vector<2048x8xf32>
    %iota3A = tpu.iota {dimensions = array<i32: 1>} : vector<2048x8xi32>
    %reduce_max3A_41 = arith.constant dense<0xFF800000> : vector<2048xf32>
    %reduce_max3A_42 = vector.multi_reduction <maximumf>, %div3A_40, %reduce_max3A_41 [1] : vector<2048x8xf32> to vector<2048xf32>
    %broadcast_in_dim3A_43 = vector.shape_cast %reduce_max3A_42 : vector<2048xf32> to vector<2048x1xf32>
    %eq3A = vector.broadcast %broadcast_in_dim3A_43 : vector<2048x1xf32> to vector<2048x8xf32>
    %eq3A_44 = arith.cmpf oeq, %div3A_40, %eq3A : vector<2048x8xf32>
    %jit3A = arith.constant 8 : i32
    %broadcast_in_dim3A_45 = vector.broadcast %jit3A : i32 to vector<2048x8xi32>
    %select_n3A = arith.select %eq3A_44, %iota3A, %broadcast_in_dim3A_45 : vector<2048x8xi1>, vector<2048x8xi32>
    %reduce_min3A = arith.constant dense<2147483647> : vector<2048xi32>
    %reduce_min3A_46 = vector.multi_reduction <minsi>, %select_n3A, %reduce_min3A [1] : vector<2048x8xi32> to vector<2048xi32>
    %broadcast_in_dim3A_47 = vector.shape_cast %reduce_min3A_46 : vector<2048xi32> to vector<2048x1xi32>
    %eq3A_48 = vector.broadcast %broadcast_in_dim3A_47 : vector<2048x1xi32> to vector<2048x8xi32>
    %eq3A_49 = arith.cmpi eq, %iota3A, %eq3A_48 : vector<2048x8xi32>
    %jit3A_50 = arith.constant 0xFF800000 : f32
    %broadcast_in_dim3A_51 = vector.broadcast %jit3A_50 : f32 to vector<2048x8xf32>
    %select_n3A_52 = arith.select %eq3A_49, %broadcast_in_dim3A_51, %div3A_40 : vector<2048x8xi1>, vector<2048x8xf32>
    %reduce_max3A_53 = arith.constant dense<0xFF800000> : vector<2048xf32>
    %reduce_max3A_54 = vector.multi_reduction <maximumf>, %select_n3A_52, %reduce_max3A_53 [1] : vector<2048x8xf32> to vector<2048xf32>
    %broadcast_in_dim3A_55 = vector.shape_cast %reduce_max3A_54 : vector<2048xf32> to vector<2048x1xf32>
    %eq3A_56 = vector.broadcast %broadcast_in_dim3A_55 : vector<2048x1xf32> to vector<2048x8xf32>
    %eq3A_57 = arith.cmpf oeq, %select_n3A_52, %eq3A_56 : vector<2048x8xf32>
    %jit3A_58 = arith.constant 8 : i32
    %broadcast_in_dim3A_59 = vector.broadcast %jit3A_58 : i32 to vector<2048x8xi32>
    %select_n3A_60 = arith.select %eq3A_57, %iota3A, %broadcast_in_dim3A_59 : vector<2048x8xi1>, vector<2048x8xi32>
    %reduce_min3A_61 = arith.constant dense<2147483647> : vector<2048xi32>
    %reduce_min3A_62 = vector.multi_reduction <minsi>, %select_n3A_60, %reduce_min3A_61 [1] : vector<2048x8xi32> to vector<2048xi32>
    %broadcast_in_dim3A_63 = vector.shape_cast %reduce_min3A_62 : vector<2048xi32> to vector<2048x1xi32>
    %add3A_64 = arith.addf %broadcast_in_dim3A_43, %broadcast_in_dim3A_55 : vector<2048x1xf32>
    %add3A_65 = arith.constant 9.99999993E-9 : f32
    %add3A_66 = vector.broadcast %add3A_65 : f32 to vector<2048x1xf32>
    %add3A_67 = arith.addf %add3A_64, %add3A_66 : vector<2048x1xf32>
    %div3A_68 = arith.divf %broadcast_in_dim3A_43, %add3A_67 : vector<2048x1xf32>
    %div3A_69 = arith.divf %broadcast_in_dim3A_55, %add3A_67 : vector<2048x1xf32>
    %concatenate3A = tpu.concatenate %div3A_68, %div3A_69 in 1 : vector<2048x1xf32>, vector<2048x1xf32> -> vector<2048x2xf32>
    %iota3A_70 = tpu.iota {dimensions = array<i32: 1>} : vector<2048x8xi32>
    %eq3A_71 = vector.broadcast %broadcast_in_dim3A_47 : vector<2048x1xi32> to vector<2048x8xi32>
    %eq3A_72 = arith.cmpi eq, %eq3A_71, %iota3A_70 : vector<2048x8xi32>
    %convert_element_type3A = arith.extui %eq3A_72 : vector<2048x8xi1> to vector<2048x8xi32>
    %convert_element_type3A_73 = arith.sitofp %convert_element_type3A : vector<2048x8xi32> to vector<2048x8xf32>
    %eq3A_74 = vector.broadcast %broadcast_in_dim3A_63 : vector<2048x1xi32> to vector<2048x8xi32>
    %eq3A_75 = arith.cmpi eq, %eq3A_74, %iota3A_70 : vector<2048x8xi32>
    %convert_element_type3A_76 = arith.extui %eq3A_75 : vector<2048x8xi1> to vector<2048x8xi32>
    %convert_element_type3A_77 = arith.sitofp %convert_element_type3A_76 : vector<2048x8xi32> to vector<2048x8xf32>
    %add3A_78 = arith.addf %convert_element_type3A_73, %convert_element_type3A_77 : vector<2048x8xf32>
    %iota3A_79 = tpu.iota {dimensions = array<i32: 0>} : vector<2048x2048xi32>
    %iota3A_80 = tpu.iota {dimensions = array<i32: 1>} : vector<2048x2048xi32>
    %lt3A = arith.cmpi slt, %iota3A_80, %iota3A_79 : vector<2048x2048xi32>
    %convert_element_type3A_81 = arith.extui %lt3A : vector<2048x2048xi1> to vector<2048x2048xi32>
    %convert_element_type3A_82 = arith.sitofp %convert_element_type3A_81 : vector<2048x2048xi32> to vector<2048x2048xf32>
    %dot_general3A_83 = arith.constant dense<0.000000e+00> : vector<2048x8xf32>
    %dot_general3A_84 = tpu.matmul %convert_element_type3A_82, %add3A_78, %dot_general3A_83 {dimension_numbers = #tpu.dot_dimension_numbers<[1], [0], [0], [1], [0, 0, 1, 1], [], []>, transpose_lhs_hint = false} : vector<2048x2048xf32>, vector<2048x8xf32>, vector<2048x8xf32> -> vector<2048x8xf32>
    %mul3A_85 = arith.mulf %dot_general3A_84, %convert_element_type3A_73 : vector<2048x8xf32>
    %reduce_sum3A_86 = arith.constant dense<0.000000e+00> : vector<2048xf32>
    %reduce_sum3A_87 = vector.multi_reduction <add>, %mul3A_85, %reduce_sum3A_86 [1] : vector<2048x8xf32> to vector<2048xf32>
    %broadcast_in_dim3A_88 = vector.shape_cast %reduce_sum3A_87 : vector<2048xf32> to vector<2048x1xf32>
    %mul3A_89 = arith.mulf %dot_general3A_84, %convert_element_type3A_77 : vector<2048x8xf32>
    %reduce_sum3A_90 = arith.constant dense<0.000000e+00> : vector<2048xf32>
    %reduce_sum3A_91 = vector.multi_reduction <add>, %mul3A_89, %reduce_sum3A_90 [1] : vector<2048x8xf32> to vector<2048xf32>
    %broadcast_in_dim3A_92 = vector.shape_cast %reduce_sum3A_91 : vector<2048xf32> to vector<2048x1xf32>
    %lt3A_93 = arith.constant 6.400000e+02 : f32
    %lt3A_94 = vector.broadcast %lt3A_93 : f32 to vector<2048x1xf32>
    %lt3A_95 = arith.cmpf olt, %broadcast_in_dim3A_88, %lt3A_94 : vector<2048x1xf32>
    %lt3A_96 = arith.constant 6.400000e+02 : f32
    %lt3A_97 = vector.broadcast %lt3A_96 : f32 to vector<2048x1xf32>
    %lt3A_98 = arith.cmpf olt, %broadcast_in_dim3A_92, %lt3A_97 : vector<2048x1xf32>
    %mul3A_99 = arith.constant 640 : i32
    %mul3A_100 = vector.broadcast %mul3A_99 : i32 to vector<2048x1xi32>
    %mul3A_101 = arith.muli %broadcast_in_dim3A_47, %mul3A_100 : vector<2048x1xi32>
    %convert_element_type3A_102 = arith.fptosi %broadcast_in_dim3A_88 : vector<2048x1xf32> to vector<2048x1xi32>
    %add3A_103 = arith.addi %mul3A_101, %convert_element_type3A_102 : vector<2048x1xi32>
    %mul3A_104 = arith.constant 640 : i32
    %mul3A_105 = vector.broadcast %mul3A_104 : i32 to vector<2048x1xi32>
    %mul3A_106 = arith.muli %broadcast_in_dim3A_63, %mul3A_105 : vector<2048x1xi32>
    %convert_element_type3A_107 = arith.fptosi %broadcast_in_dim3A_92 : vector<2048x1xf32> to vector<2048x1xi32>
    %add3A_108 = arith.addi %mul3A_106, %convert_element_type3A_107 : vector<2048x1xi32>
    %jit3A_109 = arith.constant 5120 : i32
    %broadcast_in_dim3A_110 = vector.broadcast %jit3A_109 : i32 to vector<2048x1xi32>
    %select_n3A_111 = arith.select %lt3A_95, %add3A_103, %broadcast_in_dim3A_110 : vector<2048x1xi1>, vector<2048x1xi32>
    %swap3A_112 = arith.constant 0 : index
    %swap3A_113 = arith.constant 0 : index
    %swap3A_114 = vector.load %arg5[%swap3A_112, %swap3A_113] : memref<2048x1xi32, #tpu.memory_space<vmem>>, vector<2048x1xi32>
    tpu.vector_store %arg5[%swap3A_112, %swap3A_113], %select_n3A_111 {strides = array<i32>} : memref<2048x1xi32, #tpu.memory_space<vmem>>, vector<2048x1xi32>,
    %jit3A_115 = arith.constant 5120 : i32
    %broadcast_in_dim3A_116 = vector.broadcast %jit3A_115 : i32 to vector<2048x1xi32>
    %select_n3A_117 = arith.select %lt3A_98, %add3A_108, %broadcast_in_dim3A_116 : vector<2048x1xi1>, vector<2048x1xi32>
    %swap3A_118 = arith.constant 0 : index
    %swap3A_119 = arith.constant 0 : index
    %swap3A_120 = vector.load %arg6[%swap3A_118, %swap3A_119] : memref<2048x1xi32, #tpu.memory_space<vmem>>, vector<2048x1xi32>
    tpu.vector_store %arg6[%swap3A_118, %swap3A_119], %select_n3A_117 {strides = array<i32>} : memref<2048x1xi32, #tpu.memory_space<vmem>>, vector<2048x1xi32>,
    %slice3A = vector.extract_strided_slice %dot_general3A_84 {offsets = [2047, 0], sizes = [1, 8], strides = [1, 1]} : vector<2048x8xf32> to vector<1x8xf32>
    %slice3A_121 = vector.extract_strided_slice %add3A_78 {offsets = [2047, 0], sizes = [1, 8], strides = [1, 1]} : vector<2048x8xf32> to vector<1x8xf32>
    %add3A_122 = arith.addf %slice3A, %slice3A_121 : vector<1x8xf32>
    %reduce_min3A_123 = arith.constant dense<0x7F800000> : vector<1xf32>
    %reduce_min3A_124 = vector.multi_reduction <minimumf>, %add3A_122, %reduce_min3A_123 [1] : vector<1x8xf32> to vector<1xf32>
    %broadcast_in_dim3A_125 = vector.shape_cast %reduce_min3A_124 : vector<1xf32> to vector<1x1xf32>
    %iota3A_126 = tpu.iota {dimensions = array<i32: 1>} : vector<1x8xi32>
    %eq3A_127 = vector.broadcast %broadcast_in_dim3A_125 : vector<1x1xf32> to vector<1x8xf32>
    %eq3A_128 = arith.cmpf oeq, %add3A_122, %eq3A_127 : vector<1x8xf32>
    %jit3A_129 = arith.constant 8 : i32
    %broadcast_in_dim3A_130 = vector.broadcast %jit3A_129 : i32 to vector<1x8xi32>
    %select_n3A_131 = arith.select %eq3A_128, %iota3A_126, %broadcast_in_dim3A_130 : vector<1x8xi1>, vector<1x8xi32>
    %reduce_min3A_132 = arith.constant dense<2147483647> : vector<1xi32>
    %reduce_min3A_133 = vector.multi_reduction <minsi>, %select_n3A_131, %reduce_min3A_132 [1] : vector<1x8xi32> to vector<1xi32>
    %broadcast_in_dim3A_134 = vector.shape_cast %reduce_min3A_133 : vector<1xi32> to vector<1x1xi32>
    %mul3A_135 = arith.constant 640 : i32
    %mul3A_136 = vector.broadcast %mul3A_135 : i32 to vector<1x1xi32>
    %mul3A_137 = arith.muli %broadcast_in_dim3A_134, %mul3A_136 : vector<1x1xi32>
    %add3A_138 = arith.constant 639 : i32
    %add3A_139 = vector.broadcast %add3A_138 : i32 to vector<1x1xi32>
    %add3A_140 = arith.addi %mul3A_137, %add3A_139 : vector<1x1xi32>
    %broadcast_in_dim3A_141 = vector.shape_cast %add3A_140 : vector<1x1xi32> to vector<1x1xi32>
    %broadcast_in_dim3A_142 = vector.broadcast %broadcast_in_dim3A_141 : vector<1x1xi32> to vector<2048x1xi32>
    %select_n3A_143 = arith.select %lt3A_95, %add3A_103, %broadcast_in_dim3A_142 : vector<2048x1xi1>, vector<2048x1xi32>
    %swap3A_144 = arith.constant 0 : index
    %swap3A_145 = arith.constant 0 : index
    %swap3A_146 = vector.load %arg7[%swap3A_144, %swap3A_145] : memref<2048x1xi32, #tpu.memory_space<vmem>>, vector<2048x1xi32>
    tpu.vector_store %arg7[%swap3A_144, %swap3A_145], %select_n3A_143 {strides = array<i32>} : memref<2048x1xi32, #tpu.memory_space<vmem>>, vector<2048x1xi32>,
    %broadcast_in_dim3A_147 = vector.shape_cast %add3A_140 : vector<1x1xi32> to vector<1x1xi32>
    %broadcast_in_dim3A_148 = vector.broadcast %broadcast_in_dim3A_147 : vector<1x1xi32> to vector<2048x1xi32>
    %select_n3A_149 = arith.select %lt3A_98, %add3A_108, %broadcast_in_dim3A_148 : vector<2048x1xi1>, vector<2048x1xi32>
    %swap3A_150 = arith.constant 0 : index
    %swap3A_151 = arith.constant 0 : index
    %swap3A_152 = vector.load %arg8[%swap3A_150, %swap3A_151] : memref<2048x1xi32, #tpu.memory_space<vmem>>, vector<2048x1xi32>
    tpu.vector_store %arg8[%swap3A_150, %swap3A_151], %select_n3A_149 {strides = array<i32>} : memref<2048x1xi32, #tpu.memory_space<vmem>>, vector<2048x1xi32>,
    %concatenate3A_153 = tpu.concatenate %broadcast_in_dim3A_88, %broadcast_in_dim3A_92 in 1 : vector<2048x1xf32>, vector<2048x1xf32> -> vector<2048x2xf32>
    %transpose3A = tpu.transpose %concatenate3A_153, [1, 0] : vector<2048x2xf32> -> vector<2x2048xf32>
    %convert_element_type3A_154 = arith.fptosi %transpose3A : vector<2x2048xf32> to vector<2x2048xi32>
    %iota3A_155 = tpu.iota {dimensions = array<i32: 0>} : vector<640x2048xi32>
    %slice3A_156 = vector.extract_strided_slice %convert_element_type3A_154 {offsets = [0, 0], sizes = [1, 2048], strides = [1, 1]} : vector<2x2048xi32> to vector<1x2048xi32>
    %eq3A_157 = vector.broadcast %slice3A_156 : vector<1x2048xi32> to vector<640x2048xi32>
    %eq3A_158 = arith.cmpi eq, %eq3A_157, %iota3A_155 : vector<640x2048xi32>
    %slice3A_159 = vector.extract_strided_slice %convert_element_type3A_154 {offsets = [1, 0], sizes = [1, 2048], strides = [1, 1]} : vector<2x2048xi32> to vector<1x2048xi32>
    %eq3A_160 = vector.broadcast %slice3A_159 : vector<1x2048xi32> to vector<640x2048xi32>
    %eq3A_161 = arith.cmpi eq, %eq3A_160, %iota3A_155 : vector<640x2048xi32>
    %convert_element_type3A_162 = arith.extui %lt3A_95 : vector<2048x1xi1> to vector<2048x1xi32>
    %convert_element_type3A_163 = arith.sitofp %convert_element_type3A_162 : vector<2048x1xi32> to vector<2048x1xf32>
    %convert_element_type3A_164 = arith.extui %lt3A_98 : vector<2048x1xi1> to vector<2048x1xi32>
    %convert_element_type3A_165 = arith.sitofp %convert_element_type3A_164 : vector<2048x1xi32> to vector<2048x1xf32>
    %concatenate3A_166 = tpu.concatenate %convert_element_type3A_163, %convert_element_type3A_165 in 1 : vector<2048x1xf32>, vector<2048x1xf32> -> vector<2048x2xf32>
    %mul3A_167 = arith.mulf %concatenate3A, %concatenate3A_166 : vector<2048x2xf32>
    %slice3A_168 = vector.extract_strided_slice %mul3A_167 {offsets = [0, 0], sizes = [2048, 1], strides = [1, 1]} : vector<2048x2xf32> to vector<2048x1xf32>
    %mul3A_169 = vector.broadcast %slice3A_168 : vector<2048x1xf32> to vector<2048x8xf32>
    %mul3A_170 = arith.mulf %convert_element_type3A_73, %mul3A_169 : vector<2048x8xf32>
    %slice3A_171 = vector.extract_strided_slice %mul3A_167 {offsets = [0, 1], sizes = [2048, 1], strides = [1, 1]} : vector<2048x2xf32> to vector<2048x1xf32>
    %mul3A_172 = vector.broadcast %slice3A_171 : vector<2048x1xf32> to vector<2048x8xf32>
    %mul3A_173 = arith.mulf %convert_element_type3A_77, %mul3A_172 : vector<2048x8xf32>
    %convert_element_type3A_174 = arith.extui %eq3A_158 : vector<640x2048xi1> to vector<640x2048xi32>
    %convert_element_type3A_175 = arith.sitofp %convert_element_type3A_174 : vector<640x2048xi32> to vector<640x2048xf32>
    %dot_general3A_176 = arith.constant dense<0.000000e+00> : vector<640x8xf32>
    %dot_general3A_177 = tpu.matmul %convert_element_type3A_175, %mul3A_170, %dot_general3A_176 {dimension_numbers = #tpu.dot_dimension_numbers<[1], [0], [0], [1], [0, 0, 1, 1], [], []>, transpose_lhs_hint = false} : vector<640x2048xf32>, vector<2048x8xf32>, vector<640x8xf32> -> vector<640x8xf32>
    %convert_element_type3A_178 = arith.extui %eq3A_161 : vector<640x2048xi1> to vector<640x2048xi32>
    %convert_element_type3A_179 = arith.sitofp %convert_element_type3A_178 : vector<640x2048xi32> to vector<640x2048xf32>
    %dot_general3A_180 = arith.constant dense<0.000000e+00> : vector<640x8xf32>
    %dot_general3A_181 = tpu.matmul %convert_element_type3A_179, %mul3A_173, %dot_general3A_180 {dimension_numbers = #tpu.dot_dimension_numbers<[1], [0], [0], [1], [0, 0, 1, 1], [], []>, transpose_lhs_hint = false} : vector<640x2048xf32>, vector<2048x8xf32>, vector<640x8xf32> -> vector<640x8xf32>
    %add3A_182 = arith.addf %dot_general3A_177, %dot_general3A_181 : vector<640x8xf32>
    %swap3A_183 = arith.constant 0 : index
    %swap3A_184 = arith.constant 0 : index
    %swap3A_185 = vector.load %arg9[%swap3A_183, %swap3A_184] : memref<640x8xf32, #tpu.memory_space<vmem>>, vector<640x8xf32>
    tpu.vector_store %arg9[%swap3A_183, %swap3A_184], %add3A_182 {strides = array<i32>} : memref<640x8xf32, #tpu.memory_space<vmem>>, vector<640x8xf32>,
    return
  }
}

module attributes {stable_mosaic.version = 14 : i64} {
  func.func @_moe_kernel(%arg0: i32, %arg1: i32, %arg2: memref<640x1024xf32, #tpu.memory_space<vmem>>, %arg3: memref<1x1024x1024xf32, #tpu.memory_space<vmem>>, %arg4: memref<1x1x1024xf32, #tpu.memory_space<vmem>>, %arg5: memref<1x1024x1024xf32, #tpu.memory_space<vmem>>, %arg6: memref<1x1x1024xf32, #tpu.memory_space<vmem>>, %arg7: memref<640x8xf32, #tpu.memory_space<vmem>>, %arg8: memref<640x1024xf32, #tpu.memory_space<vmem>>, %arg9: memref<640x1024xbf16, #tpu.memory_space<vmem>>, %arg10: memref<640x1024xf32, #tpu.memory_space<vmem>>) attributes {dimension_semantics = [#tpu.dimension_semantics<arbitrary>, #tpu.dimension_semantics<arbitrary>], iteration_bounds = array<i64: 8, 4>, scalar_prefetch = 0 : i64, scratch_operands = 2 : i64, tpu.core_type = #tpu.core_type<tc>, window_params = [{transform_indices = @transform_0, window_bounds = array<i64: 640, 1024>}, {transform_indices = @transform_1, window_bounds = array<i64: 1, 1024, 1024>}, {transform_indices = @transform_2, window_bounds = array<i64: 1, 1, 1024>}, {transform_indices = @transform_3, window_bounds = array<i64: 1, 1024, 1024>}, {transform_indices = @transform_4, window_bounds = array<i64: 1, 1, 1024>}, {pipeline_mode = #tpu.pipeline_mode<synchronous>, transform_indices = @transform_5, window_bounds = array<i64: 640, 8>}, {transform_indices = @transform_6, window_bounds = array<i64: 640, 1024>}]} {
    %eq3A = arith.constant 0 : i32
    %eq3A_0 = arith.cmpi eq, %arg1, %eq3A : i32
    %convert_element_type3A = arith.extui %eq3A_0 : i1 to i32
    %cond3A = arith.constant 0 : i32
    %cond3A_1 = arith.cmpi ne, %convert_element_type3A, %cond3A : i32
    scf.if %cond3A_1 {
      %get3A_44 = arith.constant 0 : index
      %get3A_45 = arith.constant 0 : index
      %get3A_46 = vector.load %arg2[%get3A_44, %get3A_45] : memref<640x1024xf32, #tpu.memory_space<vmem>>, vector<640x1024xf32>
      %is_finite3A = tpu.weird %get3A_46 : vector<640x1024xf32> -> vector<640x1024xi1>
      %is_finite3A_47 = arith.constant dense<true> : vector<640x1024xi1>
      %is_finite3A_48 = arith.xori %is_finite3A, %is_finite3A_47 : vector<640x1024xi1>
      %jit3A = arith.constant 0.000000e+00 : f32
      %broadcast_in_dim3A = vector.broadcast %jit3A : f32 to vector<640x1024xf32>
      %select_n3A = arith.select %is_finite3A_48, %get3A_46, %broadcast_in_dim3A : vector<640x1024xi1>, vector<640x1024xf32>
      %convert_element_type3A_49 = arith.truncf %select_n3A : vector<640x1024xf32> to vector<640x1024xbf16>
      %swap3A = arith.constant 0 : index
      %swap3A_50 = arith.constant 0 : index
      %swap3A_51 = vector.load %arg9[%swap3A, %swap3A_50] : memref<640x1024xbf16, #tpu.memory_space<vmem>>, vector<640x1024xbf16>
      tpu.vector_store %arg9[%swap3A, %swap3A_50], %convert_element_type3A_49 {strides = array<i32>} : memref<640x1024xbf16, #tpu.memory_space<vmem>>, vector<640x1024xbf16>,
    } else {
    }
    %get3A = arith.constant 0 : index
    %get3A_2 = arith.constant 0 : index
    %get3A_3 = vector.load %arg9[%get3A, %get3A_2] : memref<640x1024xbf16, #tpu.memory_space<vmem>>, vector<640x1024xbf16>
    %get3A_4 = arith.constant 0 : index
    %get3A_5 = arith.constant 0 : index
    %get3A_6 = arith.constant 0 : index
    %get3A_7 = vector.load %arg3[%get3A_4, %get3A_5, %get3A_6] : memref<1x1024x1024xf32, #tpu.memory_space<vmem>>, vector<1x1024x1024xf32>
    %get3A_8 = vector.shape_cast %get3A_7 : vector<1x1024x1024xf32> to vector<1024x1024xf32>
    %convert_element_type3A_9 = arith.truncf %get3A_8 : vector<1024x1024xf32> to vector<1024x1024xbf16>
    %dot_general3A = arith.constant dense<0.000000e+00> : vector<640x1024xf32>
    %dot_general3A_10 = tpu.matmul %get3A_3, %convert_element_type3A_9, %dot_general3A {dimension_numbers = #tpu.dot_dimension_numbers<[1], [0], [0], [1], [0, 0, 1, 1], [], []>, transpose_lhs_hint = false} : vector<640x1024xbf16>, vector<1024x1024xbf16>, vector<640x1024xf32> -> vector<640x1024xf32>
    %get3A_11 = arith.constant 0 : index
    %get3A_12 = arith.constant 0 : index
    %get3A_13 = arith.constant 0 : index
    %get3A_14 = vector.load %arg4[%get3A_11, %get3A_12, %get3A_13] : memref<1x1x1024xf32, #tpu.memory_space<vmem>>, vector<1x1x1024xf32>
    %get3A_15 = vector.shape_cast %get3A_14 : vector<1x1x1024xf32> to vector<1x1024xf32>
    %add3A = vector.broadcast %get3A_15 : vector<1x1024xf32> to vector<640x1024xf32>
    %add3A_16 = arith.addf %dot_general3A_10, %add3A : vector<640x1024xf32>
    %max3A = arith.constant 0.000000e+00 : f32
    %max3A_17 = vector.broadcast %max3A : f32 to vector<640x1024xf32>
    %max3A_18 = arith.maximumf %add3A_16, %max3A_17 : vector<640x1024xf32>
    %convert_element_type3A_19 = arith.truncf %max3A_18 : vector<640x1024xf32> to vector<640x1024xbf16>
    %get3A_20 = arith.constant 0 : index
    %get3A_21 = arith.constant 0 : index
    %get3A_22 = arith.constant 0 : index
    %get3A_23 = vector.load %arg5[%get3A_20, %get3A_21, %get3A_22] : memref<1x1024x1024xf32, #tpu.memory_space<vmem>>, vector<1x1024x1024xf32>
    %get3A_24 = vector.shape_cast %get3A_23 : vector<1x1024x1024xf32> to vector<1024x1024xf32>
    %convert_element_type3A_25 = arith.truncf %get3A_24 : vector<1024x1024xf32> to vector<1024x1024xbf16>
    %dot_general3A_26 = arith.constant dense<0.000000e+00> : vector<640x1024xf32>
    %dot_general3A_27 = tpu.matmul %convert_element_type3A_19, %convert_element_type3A_25, %dot_general3A_26 {dimension_numbers = #tpu.dot_dimension_numbers<[1], [0], [0], [1], [0, 0, 1, 1], [], []>, transpose_lhs_hint = false} : vector<640x1024xbf16>, vector<1024x1024xbf16>, vector<640x1024xf32> -> vector<640x1024xf32>
    %eq3A_28 = arith.constant 0 : i32
    %eq3A_29 = arith.cmpi eq, %arg1, %eq3A_28 : i32
    %convert_element_type3A_30 = arith.extui %eq3A_29 : i1 to i32
    %cond3A_31 = arith.constant 0 : i32
    %cond3A_32 = arith.cmpi ne, %convert_element_type3A_30, %cond3A_31 : i32
    scf.if %cond3A_32 {
      %swap3A = arith.constant 0 : index
      %swap3A_44 = arith.constant 0 : index
      %swap3A_45 = vector.load %arg10[%swap3A, %swap3A_44] : memref<640x1024xf32, #tpu.memory_space<vmem>>, vector<640x1024xf32>
      tpu.vector_store %arg10[%swap3A, %swap3A_44], %dot_general3A_27 {strides = array<i32>} : memref<640x1024xf32, #tpu.memory_space<vmem>>, vector<640x1024xf32>,
    } else {
    }
    %ne3A = arith.constant 0 : i32
    %ne3A_33 = arith.cmpi ne, %arg1, %ne3A : i32
    %ne3A_34 = arith.constant 3 : i32
    %ne3A_35 = arith.cmpi ne, %arg1, %ne3A_34 : i32
    %and3A = arith.andi %ne3A_33, %ne3A_35 : i1
    %convert_element_type3A_36 = arith.extui %and3A : i1 to i32
    %cond3A_37 = arith.constant 0 : i32
    %cond3A_38 = arith.cmpi ne, %convert_element_type3A_36, %cond3A_37 : i32
    scf.if %cond3A_38 {
      %get3A_44 = arith.constant 0 : index
      %get3A_45 = arith.constant 0 : index
      %get3A_46 = vector.load %arg10[%get3A_44, %get3A_45] : memref<640x1024xf32, #tpu.memory_space<vmem>>, vector<640x1024xf32>
      %add3A_47 = arith.addf %get3A_46, %dot_general3A_27 : vector<640x1024xf32>
      %swap3A = arith.constant 0 : index
      %swap3A_48 = arith.constant 0 : index
      %swap3A_49 = vector.load %arg10[%swap3A, %swap3A_48] : memref<640x1024xf32, #tpu.memory_space<vmem>>, vector<640x1024xf32>
      tpu.vector_store %arg10[%swap3A, %swap3A_48], %add3A_47 {strides = array<i32>} : memref<640x1024xf32, #tpu.memory_space<vmem>>, vector<640x1024xf32>,
    } else {
    }
    %eq3A_39 = arith.constant 3 : i32
    %eq3A_40 = arith.cmpi eq, %arg1, %eq3A_39 : i32
    %convert_element_type3A_41 = arith.extui %eq3A_40 : i1 to i32
    %cond3A_42 = arith.constant 0 : i32
    %cond3A_43 = arith.cmpi ne, %convert_element_type3A_41, %cond3A_42 : i32
    scf.if %cond3A_43 {
      %iota3A = tpu.iota {dimensions = array<i32: 1>} : vector<640x8xi32>
      %eq3A_44 = vector.broadcast %arg0 : i32 to vector<640x8xi32>
      %eq3A_45 = arith.cmpi eq, %iota3A, %eq3A_44 : vector<640x8xi32>
      %get3A_46 = arith.constant 0 : index
      %get3A_47 = arith.constant 0 : index
      %get3A_48 = vector.load %arg7[%get3A_46, %get3A_47] : memref<640x8xf32, #tpu.memory_space<vmem>>, vector<640x8xf32>
      %jit3A = arith.constant 0.000000e+00 : f32
      %broadcast_in_dim3A = vector.broadcast %jit3A : f32 to vector<640x8xf32>
      %select_n3A = arith.select %eq3A_45, %get3A_48, %broadcast_in_dim3A : vector<640x8xi1>, vector<640x8xf32>
      %reduce_sum3A = arith.constant dense<0.000000e+00> : vector<640xf32>
      %reduce_sum3A_49 = vector.multi_reduction <add>, %select_n3A, %reduce_sum3A [1] : vector<640x8xf32> to vector<640xf32>
      %broadcast_in_dim3A_50 = vector.shape_cast %reduce_sum3A_49 : vector<640xf32> to vector<640x1xf32>
      %get3A_51 = arith.constant 0 : index
      %get3A_52 = arith.constant 0 : index
      %get3A_53 = vector.load %arg10[%get3A_51, %get3A_52] : memref<640x1024xf32, #tpu.memory_space<vmem>>, vector<640x1024xf32>
      %add3A_54 = arith.addf %get3A_53, %dot_general3A_27 : vector<640x1024xf32>
      %get3A_55 = arith.constant 0 : index
      %get3A_56 = arith.constant 0 : index
      %get3A_57 = arith.constant 0 : index
      %get3A_58 = vector.load %arg6[%get3A_55, %get3A_56, %get3A_57] : memref<1x1x1024xf32, #tpu.memory_space<vmem>>, vector<1x1x1024xf32>
      %get3A_59 = vector.shape_cast %get3A_58 : vector<1x1x1024xf32> to vector<1x1024xf32>
      %add3A_60 = vector.broadcast %get3A_59 : vector<1x1024xf32> to vector<640x1024xf32>
      %add3A_61 = arith.addf %add3A_54, %add3A_60 : vector<640x1024xf32>
      %mul3A = vector.broadcast %broadcast_in_dim3A_50 : vector<640x1xf32> to vector<640x1024xf32>
      %mul3A_62 = arith.mulf %add3A_61, %mul3A : vector<640x1024xf32>
      %swap3A = arith.constant 0 : index
      %swap3A_63 = arith.constant 0 : index
      %swap3A_64 = vector.load %arg8[%swap3A, %swap3A_63] : memref<640x1024xf32, #tpu.memory_space<vmem>>, vector<640x1024xf32>
      tpu.vector_store %arg8[%swap3A, %swap3A_63], %mul3A_62 {strides = array<i32>} : memref<640x1024xf32, #tpu.memory_space<vmem>>, vector<640x1024xf32>,
    } else {
    }
    return
  }
  func.func @transform_0(%arg0: i32, %arg1: i32) -> (i32, i32) {
    %c0_i32 = arith.constant 0 : i32
    %c0_i32_0 = arith.constant 0 : i32
    return %arg0, %c0_i32 : i32, i32
  }
  func.func @transform_1(%arg0: i32, %arg1: i32) -> (i32, i32, i32) {
    %c0_i32 = arith.constant 0 : i32
    %c0_i32_0 = arith.constant 0 : i32
    return %arg0, %c0_i32, %arg1 : i32, i32, i32
  }
  func.func @transform_2(%arg0: i32, %arg1: i32) -> (i32, i32, i32) {
    %c0_i32 = arith.constant 0 : i32
    %c0_i32_0 = arith.constant 0 : i32
    return %arg0, %c0_i32, %arg1 : i32, i32, i32
  }
  func.func @transform_3(%arg0: i32, %arg1: i32) -> (i32, i32, i32) {
    %c0_i32 = arith.constant 0 : i32
    %c0_i32_0 = arith.constant 0 : i32
    return %arg0, %arg1, %c0_i32 : i32, i32, i32
  }
  func.func @transform_4(%arg0: i32, %arg1: i32) -> (i32, i32, i32) {
    %c0_i32 = arith.constant 0 : i32
    %c0_i32_0 = arith.constant 0 : i32
    %c0_i32_1 = arith.constant 0 : i32
    return %arg0, %c0_i32, %c0_i32_0 : i32, i32, i32
  }
  func.func @transform_5(%arg0: i32, %arg1: i32) -> (i32, i32) {
    %c0_i32 = arith.constant 0 : i32
    %c0_i32_0 = arith.constant 0 : i32
    %c0_i32_1 = arith.constant 0 : i32
    return %c0_i32, %c0_i32_0 : i32, i32
  }
  func.func @transform_6(%arg0: i32, %arg1: i32) -> (i32, i32) {
    %c0_i32 = arith.constant 0 : i32
    %c0_i32_0 = arith.constant 0 : i32
    return %arg0, %c0_i32 : i32, i32
  }
}

</mosaic_0001>

<sc_bundles>
// kernel: kernel.6.cloned.1.call-start
scs
__scs_entry_jumppad:
0x0: {  	(pc) =	sbr.rel $0x88, $3  }
0x1: {  	(tag) =	ssettag $0x0;
	lr =	simm.s32 $0x1  }
0x2: {  	[smem:$0x3F99] =	sst lr;
	_ =	strace $0xD0000000  }
0x3: {  	_ = 	snop  }
0x4: {  	_ = 	snop  }
0x5: {  	_ = 	snop  }
0x6: {  	_ = 	snop  }
0x7: {  	_ = 	snop  }
__scs_overlays_trampoline_lowered:
0x8: {  	[smem:$0x3FA8] =	sst s0  }
0x9: {  	[smem:$0x3FA9] =	sst s1  }
0xa: {  	[smem:$0x3FAA] =	sst s2  }
0xb: {  	[smem:$0x3FAB] =	sst s3  }
0xc: {  	[smem:$0x3FAC] =	sst s4  }
0xd: {  	[smem:$0x3FAD] =	sst s5  }
0xe: {  	[smem:$0x3FAE] =	sst s6  }
0xf: {  	[smem:$0x3FAF] =	sst s7  }
0x10: {  	[smem:$0x3FB0] =	sst s8  }
0x11: {  	[smem:$0x3FB1] =	sst s9;
	s0 =	simm.s32 @!p0 $0x0  }
0x12: {  	s1 =	sld [smem:$0x3F97];
	s0 =	simm.s32 @p0 $0x1  }
0x13: {  	[smem:$0x3FB2] =	sst s0;
	s0 =	simm.s32 @!p1 $0x0  }
0x14: {  	s2 =	sld [smem:$0x3F96];
	s0 =	simm.s32 @p1 $0x1  }
0x15: {  	[smem:$0x3FB3] =	sst s0;
	s0 =	simm.s32 @!p2 $0x0  }
0x16: {  	s3 =	sld [smem:$0x3FDB];
	s0 =	simm.s32 @p2 $0x1  }
0x17: {  	s4 =	simm.s32 $0x1BF5;
	[smem:$0x3FB5] =	sst s0  }
0x18: {  	s0 =	sld [smem:$0x3F98];
	_ =	swait.ge [sflag:s4], $0x0  }
0x19: {  	s7 =	sld [smem:$0x3F99]  }
0x1a: {  	s8 =	sadd.s32 $0xFFFFE003, lr  }
0x1b: {  	s9 =	sadd.s32 $0xFFFFFEF7, lr;
	s5 =	simm.s32 $0xFFFFFFFF;
	p2 =	slt.u32 s8, $0xFFFFF086  }
0x1c: {  	p1 =	slt.u32 s9, $0xF7A;
	s5 =	simm.s32 @!p2 $0x0  }
0x1d: {  	s5 =	simm.s32 @p1 $0x1;
	p0 =	seq.s32 s7, s2  }
0x1e: {  	s7 =	smul.u32 @!p0 $0xF7A, s2;
	p2 =	seq.s32 @!p0 s5, $0x0  }
0x1f: {  	s9 =	smul.u32 $0xF7A, s1;
	s8 =	simm.s32 @!p0 $0x1BF5;
	p2 =	por !p2, p0  }
0x20: {  	[sflag:s8] =	ssyncset.s32 @!p0 $0xFFFFF086;
	s6 =	sadd.s32 @!p0 s3, s7;
	s7 =	simm.s32 @!p0 $0x108  }
0x21: {  	s3 =	sadd.s32 s3, s9;
	s6 =	sadd.s32 @!p0 $0x88, s6;
	s7 =	simm.s32 @p2 $0x1082  }
0x22: {  	[simem:s7], [sflag:s8] =	dma.local @!p0 [hbm:s6], $0xF7A  }
0x23: {  	s9 =	sor.u32 $0xD0000000, s2;
	s6 =	simm.s32 $0x108;
	_ =	swait.ge @!p0 [sflag:s8], $0x0  }
0x24: {  	s3 =	sadd.s32 $0x88, s3;
	s6 =	simm.s32 @!p1 $0x1082;
	[sflag:s4] =	ssyncset.s32 $0xFFFFF086  }
0x25: {  	[simem:s6], [sflag:s4] =	dma.local [hbm:s3], $0xF7A  }
0x26: {  	[smem:$0x3F99] =	sst s1;
	(tag) =	ssettag s2;
	_ =	strace s9  }
0x27: {  	s1 =	sld [smem:$0x3FA9]  }
0x28: {  	s2 =	sld [smem:$0x3FAA]  }
0x29: {  	s4 =	sld [smem:$0x3FAC]  }
0x2a: {  	p0 =	seq.s32 s5, $0x0;
	s5 =	sld [smem:$0x3FAD]  }
0x2b: {  	s6 =	sld [smem:$0x3FAE]  }
0x2c: {  	s7 =	sld [smem:$0x3FAF]  }
0x2d: {  	s3 =	simm.s32 $0x108;
	s8 =	sld [smem:$0x3FB0]  }
0x2e: {  	s3 =	simm.s32 @!p0 $0x1082;
	s9 =	sld [smem:$0x3FB1]  }
0x2f: {  	lr =	sadd.s32 s0, s3;
	s0 =	sld [smem:$0x3FA8]  }
0x30: {  	s3 =	sld [smem:$0x3FAB]  }
0x31: {  	[smem:$0x3FB4] =	sst s10  }
0x32: {  	s10 =	sld [smem:$0x3FB2];
	_ =	sdelay $0x3  }
0x33: {  	p0 =	seq.s32 s10, $0x1;
	s10 =	sld [smem:$0x3FB4];
	_ =	sdelay $0x3  }
0x34: {  	[smem:$0x3FB4] =	sst s10  }
0x35: {  	s10 =	sld [smem:$0x3FB3];
	_ =	sdelay $0x3  }
0x36: {  	p1 =	seq.s32 s10, $0x1;
	s10 =	sld [smem:$0x3FB4];
	_ =	sdelay $0x3  }
0x37: {  	[smem:$0x3FB4] =	sst s10  }
0x38: {  	s10 =	sld [smem:$0x3FB5]  }
0x39: {  	_ = 	snop;
	(pc) =	sbr.ind lr, $3  }
0x3a: {  	_ = 	snop  }
0x3b: {  	_ = 	snop  }
0x3c: {  	p2 =	seq.s32 s10, $0x1;
	s10 =	sld [smem:$0x3FB4]  }
0x3d: {  	_ =	shalt  }
0x3e: {  	_ =	shalt  }
0x3f: {  	_ =	shalt  }
0x40: {  	_ =	shalt  }
0x41: {  	_ =	shalt  }
0x42: {  	_ =	shalt  }
0x43: {  	_ =	shalt  }
0x44: {  	_ =	shalt  }
0x45: {  	_ =	shalt  }
0x46: {  	_ =	shalt  }
0x47: {  	_ =	shalt  }
0x48: {  	_ =	shalt  }
0x49: {  	_ =	shalt  }
0x4a: {  	_ =	shalt  }
0x4b: {  	_ =	shalt  }
0x4c: {  	_ =	shalt  }
0x4d: {  	_ =	shalt  }
0x4e: {  	_ =	shalt  }
0x4f: {  	_ =	shalt  }
0x50: {  	_ =	shalt  }
0x51: {  	_ =	shalt  }
0x52: {  	_ =	shalt  }
0x53: {  	_ =	shalt  }
0x54: {  	_ =	shalt  }
0x55: {  	_ =	shalt  }
0x56: {  	_ =	shalt  }
0x57: {  	_ =	shalt  }
0x58: {  	_ =	shalt  }
0x59: {  	_ =	shalt  }
0x5a: {  	_ =	shalt  }
0x5b: {  	_ =	shalt  }
0x5c: {  	_ =	shalt  }
0x5d: {  	_ =	shalt  }
0x5e: {  	_ =	shalt  }
0x5f: {  	_ =	shalt  }
0x60: {  	_ =	shalt  }
0x61: {  	_ =	shalt  }
0x62: {  	_ =	shalt  }
0x63: {  	_ =	shalt  }
0x64: {  	_ =	shalt  }
0x65: {  	_ =	shalt  }
0x66: {  	_ =	shalt  }
0x67: {  	_ =	shalt  }
0x68: {  	_ =	shalt  }
0x69: {  	_ =	shalt  }
0x6a: {  	_ =	shalt  }
0x6b: {  	_ =	shalt  }
0x6c: {  	_ =	shalt  }
0x6d: {  	_ =	shalt  }
0x6e: {  	_ =	shalt  }
0x6f: {  	_ =	shalt  }
0x70: {  	_ =	shalt  }
0x71: {  	_ =	shalt  }
0x72: {  	_ =	shalt  }
0x73: {  	_ =	shalt  }
0x74: {  	_ =	shalt  }
0x75: {  	_ =	shalt  }
0x76: {  	_ =	shalt  }
0x77: {  	_ =	shalt  }
0x78: {  	_ =	shalt  }
0x79: {  	_ =	shalt  }
0x7a: {  	_ =	shalt  }
0x7b: {  	_ =	shalt  }
0x7c: {  	_ =	shalt  }
0x7d: {  	_ =	shalt  }
0x7e: {  	_ =	shalt  }
0x7f: {  	_ =	shalt  }
0x80: {  	_ =	shalt  }
0x81: {  	_ =	shalt  }
0x82: {  	_ =	shalt  }
0x83: {  	_ =	shalt  }
0x84: {  	_ =	shalt  }
0x85: {  	_ =	shalt  }
0x86: {  	_ =	shalt  }
0x87: {  	_ =	shalt  }
.Lfunc_end0:
.L_simem_size_0:
called_computation_lowered:
.L_overlay_start_0:
0x88: {  	s2 =	sld [smem:$0x3FD9]  }
0x89: {  	s3 =	sld [smem:$0x3FFE];
	_ =	sdelay $0x1  }
0x8a: {  	s1 =	srdreg.scid  }
0x8b: {  	s0 =	sand.u32 $0x1, s1  }
0x8c: {  	s17 =	sshll.u32 s0, $0xA;
	s2 =	sadd.s32 s3, s2  }
0x8d: {  	s2 =	sadd.s32 s2, s17  }
0x8e: {  	[smem:$0x3FC0] =	sst s2  }
0x8f: {  	_ = 	snop  }
0x90: {  	s2 =	sld [smem:$0x3FD0];
	(tm) =	ssettm $0x1  }
0x91: {  	s18 =	sld [smem:$0x3FFB];
	_ =	sdelay $0x3  }
0x92: {  	_ =	strace s18  }
0x93: {  	s3 =	sld [smem:$0x3FFC];
	_ =	sdelay $0x3  }
0x94: {  	_ =	strace s3  }
0x95: {  	s3 =	sld [smem:$0x3FFD];
	_ =	sdelay $0x3  }
0x96: {  	_ =	strace s3  }
0x97: {  	_ =	strace $0x8FFFFFFF  }
0x98: {  	s19 =	sld [smem:$0x3FDB];
	_ =	sdelay $0x1  }
0x99: {  	s4 =	simm.s32 $_scs_section_size  }
0x9a: {  	s5 =	simm.s32 $_size__tile_overlayer_lowered;
	s6 =	simm.s32 $_tile_overlayer_lowered  }
0x9b: {  	s22 =	simm.s32 $0x1BFF;
	s21 =	sshll.u32 s6, $0x1;
	s3 =	sadd.s32 s4, s19  }
0x9c: {  	s7 =	simm.s32 $0x0;
	s20 =	sshll.u32 s5, $0x1;
	s5 =	sadd.s32 s21, s3  }
0x9d: {  	[timem:s7], [sflag:s22] =	dma.local [hbm:s5], s20  }
0x9e: {  	_ =	swait.ge [sflag:s22], s20  }
0x9f: {  	s4 =	ssub.s32 $0x0, s20;
	[sflag:s22] =	ssyncset.done $0x0  }
0xa0: {  	[sflag:s22] =	ssyncadd.s32 s4;
	_ =	sdelay $0x1  }
0xa1: {  	s23 =	simm.s32 $0x1B8B  }
0xa2: {  	_ =	swait.ge [sflag:s23], $0x1  }
0xa3: {  	[sflag:s23] =	ssyncset.done $0x0  }
0xa4: {  	s25 =	simm.s32 $0x1B8E;
	s24 =	sld [smem:$0x3FFE];
	[sflag:s23] =	ssyncadd.s32 $0xFFFFFFFF  }
0xa5: {  	s26 =	simm.s32 $execute0_lowered;
	[smem:$0x3FD2] =	sst s25  }
0xa6: {  	s5 =	sshll.u32 s26, $0x1;
	_ =	strace $0x80000046;
	[dreg:$0x1] =	wrdreg $0xFFFFFFFF  }
0xa7: {  	s28 =	simm.s32 $_size_execute0_lowered;
	s3 =	sadd.s32 s3, s5;
	[dreg:$0x0] =	wrdreg $0x0  }
0xa8: {  	s5 =	sshll.u32 s28, $0x1;
	[dreg:$0x2] =	wrdreg s3  }
0xa9: {  	[dreg:$0x3] =	wrdreg s5  }
0xaa: {  	[dreg:$0x4] =	wrdreg $0xC0  }
0xab: {  	_ =	task [dreg:s7], $0x5FFFF  }
0xac: {  	[dreg:$0x1] =	wrdreg $0xFFFFFFFF  }
0xad: {  	[dreg:$0x0] =	wrdreg $0x60  }
0xae: {  	[dreg:$0x2] =	wrdreg s2  }
0xaf: {  	[dreg:$0x3] =	wrdreg s24  }
0xb0: {  	[dreg:$0x4] =	wrdreg $0x9  }
0xb1: {  	_ =	task.clear_ibuf [dreg:s7], $0x5FFFF;
	_ =	strace $0x90000046  }
0xb2: {  	s29 =	simm.s32 $0x9;
	_ =	strace $0x80000048  }
0xb3: {  	_ =	swait.ge [sflag:s29], $0x1  }
0xb4: {  	[sflag:s29] =	ssyncadd.s32 $0xFFFFFFFF  }
0xb5: {  	_ =	strace $0x90000048  }
0xb6: {  	_ =	sfence  }
0xb7: {  	s30 =	sld [smem:$0x0];
	_ =	sdelay $0x2  }
0xb8: {  	s31 =	sshll.u32 s1, $0xD;
	s1 =	sshrl.u32 s1, $0x2  }
0xb9: {  	s3 =	sand.u32 $0x4000, s31;
	s1 =	sadd.s32 s1, s30  }
0xba: {  	s0 =	sor.u32 s3, s0;
	s1 =	sshll.u32 s1, $0x11  }
0xbb: {  	s0 =	sor.u32 s1, s0  }
0xbc: {  	s0 =	sadd.s32 $0x8F2B, s0  }
0xbd: {  	[sflag:s0] =	ssyncadd.remote.s32 $0x1  }
0xbe: {  	_ =	sfence.sel $0xFFFF  }
0xbf: {  	[dreg:$0x0] =	wrdreg $0xFFFFFFFF;
	(pc) =	sbr.abs _section_cstart, $3  }
0xc0: {  	[dreg:$0x1] =	wrdreg $0xFFFFFFFF  }
0xc1: {  	_ =	task.clear_ibuf [dreg:s7], $0x2FFFF;
	_ =	strace $0x9FFFFFFF  }
0xc2: {  	(tm) =	ssettm $0x7FFFFFFF  }
0xc3: {  	_ =	shalt  }
tec
execute0_lowered:
.L_overlay_start_1:
0x0: {  	(tag) =	ssettag $0x1  }
0x1: {  	s0 =	srdreg.scid  }
0x2: {  	s1 =	rddreg [dreg:$0x0];
	s2 =	stileid.u32  }
0x3: {  	s6 =	rddreg [dreg:$0x1];
	s25 =	simm.s32 $0x10000;
	s8 =	simm.s32 $0x2  }
0x4: {  	s26 =	simm.s32 $0x10080;
	s19 =	simm.s32 $0x1800;
	s20 =	simm.s32 $0x2000  }
0x5: {  	s21 =	simm.s32 $0x2800;
	s28 =	simm.s32 $0x5800;
	s29 =	simm.s32 $0x6000  }
0x6: {  	s30 =	simm.s32 $0x6800;
	s31 =	simm.s32 $0x7000;
	s9 =	simm.s32 $0x8800  }
0x7: {  	s10 =	simm.s32 $0x9000;
	s11 =	simm.s32 $0x9800;
	s12 =	simm.s32 $0xA000  }
0x8: {  	s13 =	simm.s32 $0xA800;
	s14 =	simm.s32 $0xB000;
	s15 =	simm.s32 $0xB800  }
0x9: {  	s0 =	sand.u32 $0x1, s0;
	s3 =	sshll.u32 s2, $0x7;
	s2 =	simm.s32 $0x0  }
0xa: {  	s16 =	simm.s32 $0xC000;
	s4 =	sshll.u32 s0, $0x6;
	[smem:$0x7FF] =	sst s2  }
0xb: {  	s0 =	ssub.s32 $0x2, s0;
	_ =	strace $0x80000047;
	[dreg:$0x6] =	wrdreg s25  }
0xc: {  	s3 =	sor.u32 s4, s3;
	s22 =	sshrl.u32 s0, $0x1;
	[dreg:$0x7] =	wrdreg s26  }
0xd: {  	s25 =	simm.s32 $0x4800;
	s26 =	simm.s32 $0x5000;
	s4 =	sshrl.u32 s3, $0x3  }
0xe: {  	s5 =	sshll.u32 s3, $0x7;
	s3 =	sadd.s32 $0x600, s6;
	s0 =	ssub.s32 s0, s22  }
0xf: {  	s22 =	simm.s32 $0x3000;
	s4 =	sadd.s32 s4, s6;
	s1 =	sadd.s32 s1, s5  }
0x10: {  	s5 =	sadd.s32 $0x800, s6;
	s7 =	smax.u32 s0, $0x1;
	[dreg:$0x3] =	wrdreg s1  }
0x11: {  	v2 =	vlaneseq.u32;
	s23 =	sadd.s32 $0x200, s4;
	s24 =	sadd.s32 $0x400, s4;
	s4 =	sadd.s32 $0x700, s6  }
0x12: {  	vm0 =	vmmov $0xffff;
	v1 =	vshrl.u32 v2, $0x3;
	s6 =	sadd.s32 $0x900, s6;
	s1 =	simm.s32 $0x7800;
	[dreg:$0x4] =	wrdreg s23  }
0x13: {  	v0 =	vand.u32 $0x7, v2;
	v2 =	vor.u32 $0x8, v2;
	v1 =	vmul.u32 $0x8, v1;
	[dreg:$0x5] =	wrdreg s24;
	s23 =	simm.s32 $0x3800;
	s24 =	simm.s32 $0x4000  }
.LBB2_1:
0x14: {  	s17 =	rddreg [dreg:$0x3]  }
0x15: {  	[tilespmem:s2], [sflag:$0x2] =	stream.linear.gather [hbm4b:s17+s2], $0x10000, $0x38;
	[tilespmem:$0x10100] =	vst v63  }
0x16: {  	_ =	swait.ge [sflag:s8], $0x10000  }
0x17: {  	s0 =	rddreg [dreg:$0x4];
	[sflag:s8] =	ssyncset.done $0x0  }
0x18: {  	s18 =	rddreg [dreg:$0x6];
	[sflag:s8] =	ssyncadd.s32 $0xFFFF0000  }
0x19: {  	[tilespmem:s18], [sflag:$0x2] =	stream.linear.gather [hbm4b:s0+s2], $0x40, $0x38;
	[tilespmem:$0x10100] =	vst v63  }
0x1a: {  	_ =	swait.ge [sflag:s8], $0x40  }
0x1b: {  	s18 =	rddreg [dreg:$0x5];
	[sflag:s8] =	ssyncset.done $0x0  }
0x1c: {  	s0 =	rddreg [dreg:$0x7];
	[sflag:s8] =	ssyncadd.s32 $0xFFFFFFC0  }
0x1d: {  	[tilespmem:s0], [sflag:$0x2] =	stream.linear.gather [hbm4b:s18+s2], $0x40, $0x38;
	[tilespmem:$0x10100] =	vst v63  }
0x1e: {  	_ =	swait.ge [sflag:s8], $0x40  }
0x1f: {  	[sflag:s8] =	ssyncset.done $0x0  }
0x20: {  	[sflag:s8] =	ssyncadd.s32 $0xFFFFFFC0  }
0x21: {  	v3 =	vld [tilespmem:$0x10000];
	_ =	sdelay $0x4  }
0x22: {  	v4 =	vshll.u32 v3, $0x3  }
0x23: {  	v3 =	vand.u32 $0x7, v3;
	v4 =	vand.u32 $0xFFFFFFC0, v4  }
0x24: {  	v3 =	vor.u32 v3, v4  }
0x25: {  	v4 =	vperm.xlane v3, v0;
	_ =	sdelay $0x1  }
0x26: {  	v4 =	vadd.s32 v1, v4;
	_ =	sdelay $0x4  }
0x27: {  	[hbm4b:s3+s2] =	stream.indirect_vreg.scatter [tilespmem:s2], [sflag:$0x1], $0x80, v4, vm0, $0xb8;
	[tilespmem:$0x10100] =	vst v63  }
0x28: {  	s17 =	simm.s32 $0x800;
	v3 =	vperm.xlane v3, v2  }
0x29: {  	[hbm4b:s4+s2] =	stream.indirect_vreg.scatter [tilespmem:s17], [sflag:$0x1], $0x80, v4, vm0, $0xb8;
	[tilespmem:$0x10100] =	vst v63  }
0x2a: {  	s18 =	simm.s32 $0x1000;
	v3 =	vadd.s32 v1, v3  }
0x2b: {  	[hbm4b:s5+s2] =	stream.indirect_vreg.scatter [tilespmem:s18], [sflag:$0x1], $0x80, v4, vm0, $0xb8;
	[tilespmem:$0x10100] =	vst v63  }
0x2c: {  	_ = 	snop  }
0x2d: {  	[hbm4b:s6+s2] =	stream.indirect_vreg.scatter [tilespmem:s19], [sflag:$0x1], $0x80, v4, vm0, $0xb8;
	[tilespmem:$0x10100] =	vst v63  }
0x2e: {  	_ = 	snop  }
0x2f: {  	[hbm4b:s3+s2] =	stream.indirect_vreg.scatter [tilespmem:s20], [sflag:$0x1], $0x80, v3, vm0, $0xb8;
	[tilespmem:$0x10100] =	vst v63  }
0x30: {  	_ = 	snop  }
0x31: {  	[hbm4b:s4+s2] =	stream.indirect_vreg.scatter [tilespmem:s21], [sflag:$0x1], $0x80, v3, vm0, $0xb8;
	[tilespmem:$0x10100] =	vst v63  }
0x32: {  	_ = 	snop  }
0x33: {  	[hbm4b:s5+s2] =	stream.indirect_vreg.scatter [tilespmem:s22], [sflag:$0x1], $0x80, v3, vm0, $0xb8;
	[tilespmem:$0x10100] =	vst v63  }
0x34: {  	_ = 	snop  }
0x35: {  	[hbm4b:s6+s2] =	stream.indirect_vreg.scatter [tilespmem:s23], [sflag:$0x1], $0x80, v3, vm0, $0xb8;
	[tilespmem:$0x10100] =	vst v63  }
0x36: {  	v3 =	vld [tilespmem:$0x10010];
	_ =	sdelay $0x4  }
0x37: {  	v57 =	vshll.u32 v3, $0x3  }
0x38: {  	v3 =	vand.u32 $0x7, v3;
	v4 =	vand.u32 $0xFFFFFFC0, v57  }
0x39: {  	v3 =	vor.u32 v3, v4  }
0x3a: {  	v4 =	vperm.xlane v3, v0;
	_ =	sdelay $0x1  }
0x3b: {  	v4 =	vadd.s32 v1, v4;
	_ =	sdelay $0x4  }
0x3c: {  	[hbm4b:s3+s2] =	stream.indirect_vreg.scatter [tilespmem:s24], [sflag:$0x1], $0x80, v4, vm0, $0xb8;
	[tilespmem:$0x10100] =	vst v63  }
0x3d: {  	v3 =	vperm.xlane v3, v2  }
0x3e: {  	[hbm4b:s4+s2] =	stream.indirect_vreg.scatter [tilespmem:s25], [sflag:$0x1], $0x80, v4, vm0, $0xb8;
	[tilespmem:$0x10100] =	vst v63  }
0x3f: {  	v3 =	vadd.s32 v1, v3  }
0x40: {  	[hbm4b:s5+s2] =	stream.indirect_vreg.scatter [tilespmem:s26], [sflag:$0x1], $0x80, v4, vm0, $0xb8;
	[tilespmem:$0x10100] =	vst v63  }
0x41: {  	_ = 	snop  }
0x42: {  	[hbm4b:s6+s2] =	stream.indirect_vreg.scatter [tilespmem:s28], [sflag:$0x1], $0x80, v4, vm0, $0xb8;
	[tilespmem:$0x10100] =	vst v63  }
0x43: {  	_ = 	snop  }
0x44: {  	[hbm4b:s3+s2] =	stream.indirect_vreg.scatter [tilespmem:s29], [sflag:$0x1], $0x80, v3, vm0, $0xb8;
	[tilespmem:$0x10100] =	vst v63  }
0x45: {  	_ = 	snop  }
0x46: {  	[hbm4b:s4+s2] =	stream.indirect_vreg.scatter [tilespmem:s30], [sflag:$0x1], $0x80, v3, vm0, $0xb8;
	[tilespmem:$0x10100] =	vst v63  }
0x47: {  	_ = 	snop  }
0x48: {  	[hbm4b:s5+s2] =	stream.indirect_vreg.scatter [tilespmem:s31], [sflag:$0x1], $0x80, v3, vm0, $0xb8;
	[tilespmem:$0x10100] =	vst v63  }
0x49: {  	_ = 	snop  }
0x4a: {  	[hbm4b:s6+s2] =	stream.indirect_vreg.scatter [tilespmem:s1], [sflag:$0x1], $0x80, v3, vm0, $0xb8;
	[tilespmem:$0x10100] =	vst v63  }
0x4b: {  	v3 =	vld [tilespmem:$0x10020];
	_ =	sdelay $0x4  }
0x4c: {  	v58 =	vshll.u32 v3, $0x3  }
0x4d: {  	v3 =	vand.u32 $0x7, v3;
	v4 =	vand.u32 $0xFFFFFFC0, v58  }
0x4e: {  	v3 =	vor.u32 v3, v4  }
0x4f: {  	v4 =	vperm.xlane v3, v0;
	_ =	sdelay $0x1  }
0x50: {  	v4 =	vadd.s32 v1, v4;
	_ =	sdelay $0x3  }
0x51: {  	s0 =	simm.s32 $0x8000  }
0x52: {  	[hbm4b:s3+s2] =	stream.indirect_vreg.scatter [tilespmem:s0], [sflag:$0x1], $0x80, v4, vm0, $0xb8;
	[tilespmem:$0x10100] =	vst v63  }
0x53: {  	v3 =	vperm.xlane v3, v2  }
0x54: {  	[hbm4b:s4+s2] =	stream.indirect_vreg.scatter [tilespmem:s9], [sflag:$0x1], $0x80, v4, vm0, $0xb8;
	[tilespmem:$0x10100] =	vst v63  }
0x55: {  	v3 =	vadd.s32 v1, v3  }
0x56: {  	[hbm4b:s5+s2] =	stream.indirect_vreg.scatter [tilespmem:s10], [sflag:$0x1], $0x80, v4, vm0, $0xb8;
	[tilespmem:$0x10100] =	vst v63  }
0x57: {  	_ = 	snop  }
0x58: {  	[hbm4b:s6+s2] =	stream.indirect_vreg.scatter [tilespmem:s11], [sflag:$0x1], $0x80, v4, vm0, $0xb8;
	[tilespmem:$0x10100] =	vst v63  }
0x59: {  	_ = 	snop  }
0x5a: {  	[hbm4b:s3+s2] =	stream.indirect_vreg.scatter [tilespmem:s12], [sflag:$0x1], $0x80, v3, vm0, $0xb8;
	[tilespmem:$0x10100] =	vst v63  }
0x5b: {  	_ = 	snop  }
0x5c: {  	[hbm4b:s4+s2] =	stream.indirect_vreg.scatter [tilespmem:s13], [sflag:$0x1], $0x80, v3, vm0, $0xb8;
	[tilespmem:$0x10100] =	vst v63  }
0x5d: {  	_ = 	snop  }
0x5e: {  	[hbm4b:s5+s2] =	stream.indirect_vreg.scatter [tilespmem:s14], [sflag:$0x1], $0x80, v3, vm0, $0xb8;
	[tilespmem:$0x10100] =	vst v63  }
0x5f: {  	_ = 	snop  }
0x60: {  	[hbm4b:s6+s2] =	stream.indirect_vreg.scatter [tilespmem:s15], [sflag:$0x1], $0x80, v3, vm0, $0xb8;
	[tilespmem:$0x10100] =	vst v63  }
0x61: {  	v3 =	vld [tilespmem:$0x10030];
	_ =	sdelay $0x4  }
0x62: {  	v59 =	vshll.u32 v3, $0x3  }
0x63: {  	v3 =	vand.u32 $0x7, v3;
	v4 =	vand.u32 $0xFFFFFFC0, v59  }
0x64: {  	v3 =	vor.u32 v3, v4  }
0x65: {  	v4 =	vperm.xlane v3, v0;
	_ =	sdelay $0x1  }
0x66: {  	v4 =	vadd.s32 v1, v4;
	_ =	sdelay $0x4  }
0x67: {  	[hbm4b:s3+s2] =	stream.indirect_vreg.scatter [tilespmem:s16], [sflag:$0x1], $0x80, v4, vm0, $0xb8;
	[tilespmem:$0x10100] =	vst v63  }
0x68: {  	s0 =	simm.s32 $0xC800;
	v3 =	vperm.xlane v3, v2  }
0x69: {  	[hbm4b:s4+s2] =	stream.indirect_vreg.scatter [tilespmem:s0], [sflag:$0x1], $0x80, v4, vm0, $0xb8;
	[tilespmem:$0x10100] =	vst v63  }
0x6a: {  	v3 =	vadd.s32 v1, v3;
	s0 =	simm.s32 $0xD000  }
0x6b: {  	[hbm4b:s5+s2] =	stream.indirect_vreg.scatter [tilespmem:s0], [sflag:$0x1], $0x80, v4, vm0, $0xb8;
	[tilespmem:$0x10100] =	vst v63  }
0x6c: {  	s0 =	simm.s32 $0xD800  }
0x6d: {  	[hbm4b:s6+s2] =	stream.indirect_vreg.scatter [tilespmem:s0], [sflag:$0x1], $0x80, v4, vm0, $0xb8;
	[tilespmem:$0x10100] =	vst v63  }
0x6e: {  	s0 =	simm.s32 $0xE000  }
0x6f: {  	[hbm4b:s3+s2] =	stream.indirect_vreg.scatter [tilespmem:s0], [sflag:$0x1], $0x80, v3, vm0, $0xb8;
	[tilespmem:$0x10100] =	vst v63  }
0x70: {  	s0 =	simm.s32 $0xE800  }
0x71: {  	[hbm4b:s4+s2] =	stream.indirect_vreg.scatter [tilespmem:s0], [sflag:$0x1], $0x80, v3, vm0, $0xb8;
	[tilespmem:$0x10100] =	vst v63  }
0x72: {  	s0 =	simm.s32 $0xF000  }
0x73: {  	[hbm4b:s5+s2] =	stream.indirect_vreg.scatter [tilespmem:s0], [sflag:$0x1], $0x80, v3, vm0, $0xb8;
	[tilespmem:$0x10100] =	vst v63  }
0x74: {  	s0 =	simm.s32 $0xF800  }
0x75: {  	[hbm4b:s6+s2] =	stream.indirect_vreg.scatter [tilespmem:s0], [sflag:$0x1], $0x80, v3, vm0, $0xb8;
	[tilespmem:$0x10100] =	vst v63  }
0x76: {  	v3 =	vld [tilespmem:$0x10080];
	_ =	sdelay $0x4  }
0x77: {  	v60 =	vshll.u32 v3, $0x3  }
0x78: {  	v3 =	vand.u32 $0x7, v3;
	v4 =	vand.u32 $0xFFFFFFC0, v60  }
0x79: {  	v3 =	vor.u32 v3, v4  }
0x7a: {  	v4 =	vperm.xlane v3, v0;
	_ =	sdelay $0x1  }
0x7b: {  	v4 =	vadd.s32 v1, v4;
	_ =	sdelay $0x4  }
0x7c: {  	[hbm4b:s3+s2] =	stream.indirect_vreg.scatter [tilespmem:s2], [sflag:$0x1], $0x80, v4, vm0, $0xb8;
	[tilespmem:$0x10100] =	vst v63  }
0x7d: {  	v3 =	vperm.xlane v3, v2  }
0x7e: {  	[hbm4b:s4+s2] =	stream.indirect_vreg.scatter [tilespmem:s17], [sflag:$0x1], $0x80, v4, vm0, $0xb8;
	[tilespmem:$0x10100] =	vst v63  }
0x7f: {  	v3 =	vadd.s32 v1, v3  }
0x80: {  	[hbm4b:s5+s2] =	stream.indirect_vreg.scatter [tilespmem:s18], [sflag:$0x1], $0x80, v4, vm0, $0xb8;
	[tilespmem:$0x10100] =	vst v63  }
0x81: {  	_ = 	snop  }
0x82: {  	[hbm4b:s6+s2] =	stream.indirect_vreg.scatter [tilespmem:s19], [sflag:$0x1], $0x80, v4, vm0, $0xb8;
	[tilespmem:$0x10100] =	vst v63  }
0x83: {  	_ = 	snop  }
0x84: {  	[hbm4b:s3+s2] =	stream.indirect_vreg.scatter [tilespmem:s20], [sflag:$0x1], $0x80, v3, vm0, $0xb8;
	[tilespmem:$0x10100] =	vst v63  }
0x85: {  	_ = 	snop  }
0x86: {  	[hbm4b:s4+s2] =	stream.indirect_vreg.scatter [tilespmem:s21], [sflag:$0x1], $0x80, v3, vm0, $0xb8;
	[tilespmem:$0x10100] =	vst v63  }
0x87: {  	_ = 	snop  }
0x88: {  	[hbm4b:s5+s2] =	stream.indirect_vreg.scatter [tilespmem:s22], [sflag:$0x1], $0x80, v3, vm0, $0xb8;
	[tilespmem:$0x10100] =	vst v63  }
0x89: {  	_ = 	snop  }
0x8a: {  	[hbm4b:s6+s2] =	stream.indirect_vreg.scatter [tilespmem:s23], [sflag:$0x1], $0x80, v3, vm0, $0xb8;
	[tilespmem:$0x10100] =	vst v63  }
0x8b: {  	v3 =	vld [tilespmem:$0x10090];
	_ =	sdelay $0x4  }
0x8c: {  	v61 =	vshll.u32 v3, $0x3  }
0x8d: {  	v3 =	vand.u32 $0x7, v3;
	v4 =	vand.u32 $0xFFFFFFC0, v61  }
0x8e: {  	v3 =	vor.u32 v3, v4  }
0x8f: {  	v4 =	vperm.xlane v3, v0;
	_ =	sdelay $0x1  }
0x90: {  	v4 =	vadd.s32 v1, v4;
	_ =	sdelay $0x4  }
0x91: {  	[hbm4b:s3+s2] =	stream.indirect_vreg.scatter [tilespmem:s24], [sflag:$0x1], $0x80, v4, vm0, $0xb8;
	[tilespmem:$0x10100] =	vst v63  }
0x92: {  	v3 =	vperm.xlane v3, v2  }
0x93: {  	[hbm4b:s4+s2] =	stream.indirect_vreg.scatter [tilespmem:s25], [sflag:$0x1], $0x80, v4, vm0, $0xb8;
	[tilespmem:$0x10100] =	vst v63  }
0x94: {  	v3 =	vadd.s32 v1, v3  }
0x95: {  	[hbm4b:s5+s2] =	stream.indirect_vreg.scatter [tilespmem:s26], [sflag:$0x1], $0x80, v4, vm0, $0xb8;
	[tilespmem:$0x10100] =	vst v63  }
0x96: {  	_ = 	snop  }
0x97: {  	[hbm4b:s6+s2] =	stream.indirect_vreg.scatter [tilespmem:s28], [sflag:$0x1], $0x80, v4, vm0, $0xb8;
	[tilespmem:$0x10100] =	vst v63  }
0x98: {  	_ = 	snop  }
0x99: {  	[hbm4b:s3+s2] =	stream.indirect_vreg.scatter [tilespmem:s29], [sflag:$0x1], $0x80, v3, vm0, $0xb8;
	[tilespmem:$0x10100] =	vst v63  }
0x9a: {  	_ = 	snop  }
0x9b: {  	[hbm4b:s4+s2] =	stream.indirect_vreg.scatter [tilespmem:s30], [sflag:$0x1], $0x80, v3, vm0, $0xb8;
	[tilespmem:$0x10100] =	vst v63  }
0x9c: {  	_ = 	snop  }
0x9d: {  	[hbm4b:s5+s2] =	stream.indirect_vreg.scatter [tilespmem:s31], [sflag:$0x1], $0x80, v3, vm0, $0xb8;
	[tilespmem:$0x10100] =	vst v63  }
0x9e: {  	_ = 	snop  }
0x9f: {  	[hbm4b:s6+s2] =	stream.indirect_vreg.scatter [tilespmem:s1], [sflag:$0x1], $0x80, v3, vm0, $0xb8;
	[tilespmem:$0x10100] =	vst v63  }
0xa0: {  	v3 =	vld [tilespmem:$0x100A0];
	_ =	sdelay $0x4  }
0xa1: {  	v62 =	vshll.u32 v3, $0x3  }
0xa2: {  	v3 =	vand.u32 $0x7, v3;
	v4 =	vand.u32 $0xFFFFFFC0, v62  }
0xa3: {  	v3 =	vor.u32 v3, v4  }
0xa4: {  	v4 =	vperm.xlane v3, v0;
	_ =	sdelay $0x1  }
0xa5: {  	v4 =	vadd.s32 v1, v4;
	_ =	sdelay $0x3  }
0xa6: {  	s18 =	simm.s32 $0x8000  }
0xa7: {  	[hbm4b:s3+s2] =	stream.indirect_vreg.scatter [tilespmem:s18], [sflag:$0x1], $0x80, v4, vm0, $0xb8;
	[tilespmem:$0x10100] =	vst v63  }
0xa8: {  	v3 =	vperm.xlane v3, v2  }
0xa9: {  	[hbm4b:s4+s2] =	stream.indirect_vreg.scatter [tilespmem:s9], [sflag:$0x1], $0x80, v4, vm0, $0xb8;
	[tilespmem:$0x10100] =	vst v63  }
0xaa: {  	v3 =	vadd.s32 v1, v3  }
0xab: {  	[hbm4b:s5+s2] =	stream.indirect_vreg.scatter [tilespmem:s10], [sflag:$0x1], $0x80, v4, vm0, $0xb8;
	[tilespmem:$0x10100] =	vst v63  }
0xac: {  	_ = 	snop  }
0xad: {  	[hbm4b:s6+s2] =	stream.indirect_vreg.scatter [tilespmem:s11], [sflag:$0x1], $0x80, v4, vm0, $0xb8;
	[tilespmem:$0x10100] =	vst v63  }
0xae: {  	_ = 	snop  }
0xaf: {  	[hbm4b:s3+s2] =	stream.indirect_vreg.scatter [tilespmem:s12], [sflag:$0x1], $0x80, v3, vm0, $0xb8;
	[tilespmem:$0x10100] =	vst v63  }
0xb0: {  	_ = 	snop  }
0xb1: {  	[hbm4b:s4+s2] =	stream.indirect_vreg.scatter [tilespmem:s13], [sflag:$0x1], $0x80, v3, vm0, $0xb8;
	[tilespmem:$0x10100] =	vst v63  }
0xb2: {  	_ = 	snop  }
0xb3: {  	[hbm4b:s5+s2] =	stream.indirect_vreg.scatter [tilespmem:s14], [sflag:$0x1], $0x80, v3, vm0, $0xb8;
	[tilespmem:$0x10100] =	vst v63  }
0xb4: {  	_ = 	snop  }
0xb5: {  	[hbm4b:s6+s2] =	stream.indirect_vreg.scatter [tilespmem:s15], [sflag:$0x1], $0x80, v3, vm0, $0xb8;
	[tilespmem:$0x10100] =	vst v63  }
0xb6: {  	v3 =	vld [tilespmem:$0x100B0];
	_ =	sdelay $0x4  }
0xb7: {  	v63 =	vshll.u32 v3, $0x3  }
0xb8: {  	v3 =	vand.u32 $0x7, v3;
	v4 =	vand.u32 $0xFFFFFFC0, v63  }
0xb9: {  	v3 =	vor.u32 v3, v4  }
0xba: {  	v4 =	vperm.xlane v3, v0;
	_ =	sdelay $0x1  }
0xbb: {  	v4 =	vadd.s32 v1, v4;
	_ =	sdelay $0x4  }
0xbc: {  	[hbm4b:s3+s2] =	stream.indirect_vreg.scatter [tilespmem:s16], [sflag:$0x1], $0x80, v4, vm0, $0xb8;
	[tilespmem:$0x10100] =	vst v63  }
0xbd: {  	s17 =	simm.s32 $0xC800;
	v3 =	vperm.xlane v3, v2  }
0xbe: {  	[hbm4b:s4+s2] =	stream.indirect_vreg.scatter [tilespmem:s17], [sflag:$0x1], $0x80, v4, vm0, $0xb8;
	[tilespmem:$0x10100] =	vst v63  }
0xbf: {  	s18 =	simm.s32 $0xD000;
	v3 =	vadd.s32 v1, v3  }
0xc0: {  	[hbm4b:s5+s2] =	stream.indirect_vreg.scatter [tilespmem:s18], [sflag:$0x1], $0x80, v4, vm0, $0xb8;
	[tilespmem:$0x10100] =	vst v63  }
0xc1: {  	s17 =	simm.s32 $0xD800  }
0xc2: {  	[hbm4b:s6+s2] =	stream.indirect_vreg.scatter [tilespmem:s17], [sflag:$0x1], $0x80, v4, vm0, $0xb8;
	[tilespmem:$0x10100] =	vst v63  }
0xc3: {  	s18 =	simm.s32 $0xE000  }
0xc4: {  	[hbm4b:s3+s2] =	stream.indirect_vreg.scatter [tilespmem:s18], [sflag:$0x1], $0x80, v3, vm0, $0xb8;
	[tilespmem:$0x10100] =	vst v63  }
0xc5: {  	s17 =	simm.s32 $0xE800  }
0xc6: {  	[hbm4b:s4+s2] =	stream.indirect_vreg.scatter [tilespmem:s17], [sflag:$0x1], $0x80, v3, vm0, $0xb8;
	[tilespmem:$0x10100] =	vst v63  }
0xc7: {  	s18 =	simm.s32 $0xF000  }
0xc8: {  	[hbm4b:s5+s2] =	stream.indirect_vreg.scatter [tilespmem:s18], [sflag:$0x1], $0x80, v3, vm0, $0xb8;
	[tilespmem:$0x10100] =	vst v63  }
0xc9: {  	s17 =	simm.s32 $0xF800;
	s18 =	simm.s32 $0x1  }
0xca: {  	[hbm4b:s6+s2] =	stream.indirect_vreg.scatter [tilespmem:s17], [sflag:$0x1], $0x80, v3, vm0, $0xb8;
	[tilespmem:$0x10100] =	vst v63  }
0xcb: {  	p0 =	sne.s32 s7, $0x1;
	_ =	swait.ge [sflag:s18], $0x10000  }
.Ltmp0:
0xcc: {  	[sflag:s18] =	ssyncset.done $0x0;
	(pc) =	sbr.rel @p0 .LBB2_1-.Ltmp0, $4  }
0xcd: {  	[sflag:s18] =	ssyncadd.s32 $0xFFFF0000  }
0xce: {  	_ =	swait.ge [sflag:s18], $0x10000  }
0xcf: {  	[sflag:s18] =	ssyncset.done $0x0  }
0xd0: {  	s7 =	sadd.s32 $0xFFFFFFFF, s7;
	[sflag:s18] =	ssyncadd.s32 $0xFFFF0000  }
0xd1: {  	_ =	sfence.sel $0x180000  }
0xd2: {  	[bflag:$0x0] =	sbarrier.arrive $0xFFFF  }
0xd3: {  	_ =	strace $0x90000047  }
0xd4: {  	s0 =	stileid.u32;
	[bflag:$0x2] =	sbarrier.arrive $0xFFFF  }
0xd5: {  	p0 =	sne.s32 s0, $0x0;
	s0 =	rddreg [dreg:$0x2]  }
0xd6: {  	s0 =	sadd.s32 @!p0 $0x100000, s0  }
0xd7: {  	[sflag:s0] =	ssyncadd.tile.s32 @!p0 $0x1;
	_ =	shalt  }
.Lfunc_end2:
_tile_overlayer_lowered:
.L_overlay_start_2:
0xd8: {  	(tag) =	ssettag $0x2  }
0xd9: {  	s0 =	rddreg [dreg:$0x0];
	s2 =	stileid.u32  }
0xda: {  	s1 =	rddreg [dreg:$0x1];
	p0 =	sne.s32 s2, $0x0  }
0xdb: {  	s3 =	rddreg [dreg:$0x2];
	[bflag:$0x3] =	sbarrier.arrive $0xFFFF;
	s2 =	simm.s32 @!p0 $0x1C02  }
0xdc: {  	[timem:s3], [sflag:s2] =	dma.local @!p0 [hbm:s0], s1  }
0xdd: {  	s0 =	simm.s32 @!p0 $0x2  }
0xde: {  	_ =	swait.ge @!p0 [sflag:s0], s1  }
0xdf: {  	s1 =	ssub.s32 @!p0 $0x0, s1;
	[sflag:s0] =	ssyncset.done @!p0 $0x0  }
0xe0: {  	[sflag:s0] =	ssyncadd.s32 @!p0 s1  }
0xe1: {  	[bflag:$0x3] =	sbarrier.arrive $0xFFFF  }
0xe2: {  	_ =	shalt  }

// kernel: kernel.9.cloned.1.call-start
scs
__scs_entry_jumppad:
0x0: {  	(pc) =	sbr.rel $0x88, $3  }
0x1: {  	(tag) =	ssettag $0x0;
	lr =	simm.s32 $0x1  }
0x2: {  	[smem:$0x3F99] =	sst lr;
	_ =	strace $0xD0000000  }
0x3: {  	_ = 	snop  }
0x4: {  	_ = 	snop  }
0x5: {  	_ = 	snop  }
0x6: {  	_ = 	snop  }
0x7: {  	_ = 	snop  }
__scs_overlays_trampoline_lowered:
0x8: {  	[smem:$0x3FA8] =	sst s0  }
0x9: {  	[smem:$0x3FA9] =	sst s1  }
0xa: {  	[smem:$0x3FAA] =	sst s2  }
0xb: {  	[smem:$0x3FAB] =	sst s3  }
0xc: {  	[smem:$0x3FAC] =	sst s4  }
0xd: {  	[smem:$0x3FAD] =	sst s5  }
0xe: {  	[smem:$0x3FAE] =	sst s6  }
0xf: {  	[smem:$0x3FAF] =	sst s7  }
0x10: {  	[smem:$0x3FB0] =	sst s8  }
0x11: {  	[smem:$0x3FB1] =	sst s9;
	s0 =	simm.s32 @!p0 $0x0  }
0x12: {  	s1 =	sld [smem:$0x3F97];
	s0 =	simm.s32 @p0 $0x1  }
0x13: {  	[smem:$0x3FB2] =	sst s0;
	s0 =	simm.s32 @!p1 $0x0  }
0x14: {  	s2 =	sld [smem:$0x3F96];
	s0 =	simm.s32 @p1 $0x1  }
0x15: {  	[smem:$0x3FB3] =	sst s0;
	s0 =	simm.s32 @!p2 $0x0  }
0x16: {  	s3 =	sld [smem:$0x3FDB];
	s0 =	simm.s32 @p2 $0x1  }
0x17: {  	s4 =	simm.s32 $0x1BF5;
	[smem:$0x3FB5] =	sst s0  }
0x18: {  	s0 =	sld [smem:$0x3F98];
	_ =	swait.ge [sflag:s4], $0x0  }
0x19: {  	s7 =	sld [smem:$0x3F99]  }
0x1a: {  	s8 =	sadd.s32 $0xFFFFE003, lr  }
0x1b: {  	s9 =	sadd.s32 $0xFFFFFEF7, lr;
	s5 =	simm.s32 $0xFFFFFFFF;
	p2 =	slt.u32 s8, $0xFFFFF086  }
0x1c: {  	p1 =	slt.u32 s9, $0xF7A;
	s5 =	simm.s32 @!p2 $0x0  }
0x1d: {  	s5 =	simm.s32 @p1 $0x1;
	p0 =	seq.s32 s7, s2  }
0x1e: {  	s7 =	smul.u32 @!p0 $0xF7A, s2;
	p2 =	seq.s32 @!p0 s5, $0x0  }
0x1f: {  	s9 =	smul.u32 $0xF7A, s1;
	s8 =	simm.s32 @!p0 $0x1BF5;
	p2 =	por !p2, p0  }
0x20: {  	[sflag:s8] =	ssyncset.s32 @!p0 $0xFFFFF086;
	s6 =	sadd.s32 @!p0 s3, s7;
	s7 =	simm.s32 @!p0 $0x108  }
0x21: {  	s3 =	sadd.s32 s3, s9;
	s6 =	sadd.s32 @!p0 $0x88, s6;
	s7 =	simm.s32 @p2 $0x1082  }
0x22: {  	[simem:s7], [sflag:s8] =	dma.local @!p0 [hbm:s6], $0xF7A  }
0x23: {  	s9 =	sor.u32 $0xD0000000, s2;
	s6 =	simm.s32 $0x108;
	_ =	swait.ge @!p0 [sflag:s8], $0x0  }
0x24: {  	s3 =	sadd.s32 $0x88, s3;
	s6 =	simm.s32 @!p1 $0x1082;
	[sflag:s4] =	ssyncset.s32 $0xFFFFF086  }
0x25: {  	[simem:s6], [sflag:s4] =	dma.local [hbm:s3], $0xF7A  }
0x26: {  	[smem:$0x3F99] =	sst s1;
	(tag) =	ssettag s2;
	_ =	strace s9  }
0x27: {  	s1 =	sld [smem:$0x3FA9]  }
0x28: {  	s2 =	sld [smem:$0x3FAA]  }
0x29: {  	s4 =	sld [smem:$0x3FAC]  }
0x2a: {  	p0 =	seq.s32 s5, $0x0;
	s5 =	sld [smem:$0x3FAD]  }
0x2b: {  	s6 =	sld [smem:$0x3FAE]  }
0x2c: {  	s7 =	sld [smem:$0x3FAF]  }
0x2d: {  	s3 =	simm.s32 $0x108;
	s8 =	sld [smem:$0x3FB0]  }
0x2e: {  	s3 =	simm.s32 @!p0 $0x1082;
	s9 =	sld [smem:$0x3FB1]  }
0x2f: {  	lr =	sadd.s32 s0, s3;
	s0 =	sld [smem:$0x3FA8]  }
0x30: {  	s3 =	sld [smem:$0x3FAB]  }
0x31: {  	[smem:$0x3FB4] =	sst s10  }
0x32: {  	s10 =	sld [smem:$0x3FB2];
	_ =	sdelay $0x3  }
0x33: {  	p0 =	seq.s32 s10, $0x1;
	s10 =	sld [smem:$0x3FB4];
	_ =	sdelay $0x3  }
0x34: {  	[smem:$0x3FB4] =	sst s10  }
0x35: {  	s10 =	sld [smem:$0x3FB3];
	_ =	sdelay $0x3  }
0x36: {  	p1 =	seq.s32 s10, $0x1;
	s10 =	sld [smem:$0x3FB4];
	_ =	sdelay $0x3  }
0x37: {  	[smem:$0x3FB4] =	sst s10  }
0x38: {  	s10 =	sld [smem:$0x3FB5]  }
0x39: {  	_ = 	snop;
	(pc) =	sbr.ind lr, $3  }
0x3a: {  	_ = 	snop  }
0x3b: {  	_ = 	snop  }
0x3c: {  	p2 =	seq.s32 s10, $0x1;
	s10 =	sld [smem:$0x3FB4]  }
0x3d: {  	_ =	shalt  }
0x3e: {  	_ =	shalt  }
0x3f: {  	_ =	shalt  }
0x40: {  	_ =	shalt  }
0x41: {  	_ =	shalt  }
0x42: {  	_ =	shalt  }
0x43: {  	_ =	shalt  }
0x44: {  	_ =	shalt  }
0x45: {  	_ =	shalt  }
0x46: {  	_ =	shalt  }
0x47: {  	_ =	shalt  }
0x48: {  	_ =	shalt  }
0x49: {  	_ =	shalt  }
0x4a: {  	_ =	shalt  }
0x4b: {  	_ =	shalt  }
0x4c: {  	_ =	shalt  }
0x4d: {  	_ =	shalt  }
0x4e: {  	_ =	shalt  }
0x4f: {  	_ =	shalt  }
0x50: {  	_ =	shalt  }
0x51: {  	_ =	shalt  }
0x52: {  	_ =	shalt  }
0x53: {  	_ =	shalt  }
0x54: {  	_ =	shalt  }
0x55: {  	_ =	shalt  }
0x56: {  	_ =	shalt  }
0x57: {  	_ =	shalt  }
0x58: {  	_ =	shalt  }
0x59: {  	_ =	shalt  }
0x5a: {  	_ =	shalt  }
0x5b: {  	_ =	shalt  }
0x5c: {  	_ =	shalt  }
0x5d: {  	_ =	shalt  }
0x5e: {  	_ =	shalt  }
0x5f: {  	_ =	shalt  }
0x60: {  	_ =	shalt  }
0x61: {  	_ =	shalt  }
0x62: {  	_ =	shalt  }
0x63: {  	_ =	shalt  }
0x64: {  	_ =	shalt  }
0x65: {  	_ =	shalt  }
0x66: {  	_ =	shalt  }
0x67: {  	_ =	shalt  }
0x68: {  	_ =	shalt  }
0x69: {  	_ =	shalt  }
0x6a: {  	_ =	shalt  }
0x6b: {  	_ =	shalt  }
0x6c: {  	_ =	shalt  }
0x6d: {  	_ =	shalt  }
0x6e: {  	_ =	shalt  }
0x6f: {  	_ =	shalt  }
0x70: {  	_ =	shalt  }
0x71: {  	_ =	shalt  }
0x72: {  	_ =	shalt  }
0x73: {  	_ =	shalt  }
0x74: {  	_ =	shalt  }
0x75: {  	_ =	shalt  }
0x76: {  	_ =	shalt  }
0x77: {  	_ =	shalt  }
0x78: {  	_ =	shalt  }
0x79: {  	_ =	shalt  }
0x7a: {  	_ =	shalt  }
0x7b: {  	_ =	shalt  }
0x7c: {  	_ =	shalt  }
0x7d: {  	_ =	shalt  }
0x7e: {  	_ =	shalt  }
0x7f: {  	_ =	shalt  }
0x80: {  	_ =	shalt  }
0x81: {  	_ =	shalt  }
0x82: {  	_ =	shalt  }
0x83: {  	_ =	shalt  }
0x84: {  	_ =	shalt  }
0x85: {  	_ =	shalt  }
0x86: {  	_ =	shalt  }
0x87: {  	_ =	shalt  }
.Lfunc_end0:
.L_simem_size_0:
called_computation.1_lowered:
.L_overlay_start_0:
0x88: {  	s2 =	sld [smem:$0x3FD9]  }
0x89: {  	s3 =	sld [smem:$0x3FFE];
	_ =	sdelay $0x1  }
0x8a: {  	s1 =	srdreg.scid  }
0x8b: {  	s0 =	sand.u32 $0x1, s1  }
0x8c: {  	s17 =	sshll.u32 s0, $0xA;
	s2 =	sadd.s32 s3, s2  }
0x8d: {  	s2 =	sadd.s32 s2, s17  }
0x8e: {  	[smem:$0x3FC0] =	sst s2  }
0x8f: {  	_ = 	snop  }
0x90: {  	s2 =	sld [smem:$0x3FD0];
	(tm) =	ssettm $0x1  }
0x91: {  	s18 =	sld [smem:$0x3FFB];
	_ =	sdelay $0x3  }
0x92: {  	_ =	strace s18  }
0x93: {  	s3 =	sld [smem:$0x3FFC];
	_ =	sdelay $0x3  }
0x94: {  	_ =	strace s3  }
0x95: {  	s3 =	sld [smem:$0x3FFD];
	_ =	sdelay $0x3  }
0x96: {  	_ =	strace s3  }
0x97: {  	_ =	strace $0x8FFFFFFF  }
0x98: {  	s19 =	sld [smem:$0x3FDB];
	_ =	sdelay $0x1  }
0x99: {  	s4 =	simm.s32 $_scs_section_size  }
0x9a: {  	s5 =	simm.s32 $_size__tile_overlayer_lowered;
	s6 =	simm.s32 $_tile_overlayer_lowered  }
0x9b: {  	s22 =	simm.s32 $0x1BFF;
	s21 =	sshll.u32 s6, $0x1;
	s3 =	sadd.s32 s4, s19  }
0x9c: {  	s7 =	simm.s32 $0x0;
	s20 =	sshll.u32 s5, $0x1;
	s5 =	sadd.s32 s21, s3  }
0x9d: {  	[timem:s7], [sflag:s22] =	dma.local [hbm:s5], s20  }
0x9e: {  	_ =	swait.ge [sflag:s22], s20  }
0x9f: {  	s4 =	ssub.s32 $0x0, s20;
	[sflag:s22] =	ssyncset.done $0x0  }
0xa0: {  	[sflag:s22] =	ssyncadd.s32 s4;
	_ =	sdelay $0x1  }
0xa1: {  	s23 =	simm.s32 $0x1B8B  }
0xa2: {  	_ =	swait.ge [sflag:s23], $0x1  }
0xa3: {  	[sflag:s23] =	ssyncset.done $0x0  }
0xa4: {  	s25 =	simm.s32 $0x1B8E;
	s24 =	sld [smem:$0x3FFE];
	[sflag:s23] =	ssyncadd.s32 $0xFFFFFFFF  }
0xa5: {  	s26 =	simm.s32 $execute0_lowered;
	[smem:$0x3FD2] =	sst s25  }
0xa6: {  	s5 =	sshll.u32 s26, $0x1;
	_ =	strace $0x80000049;
	[dreg:$0x1] =	wrdreg $0xFFFFFFFF  }
0xa7: {  	s28 =	simm.s32 $_size_execute0_lowered;
	s3 =	sadd.s32 s3, s5;
	[dreg:$0x0] =	wrdreg $0x0  }
0xa8: {  	s5 =	sshll.u32 s28, $0x1;
	[dreg:$0x2] =	wrdreg s3  }
0xa9: {  	[dreg:$0x3] =	wrdreg s5  }
0xaa: {  	[dreg:$0x4] =	wrdreg $0xC0  }
0xab: {  	_ =	task [dreg:s7], $0x5FFFF  }
0xac: {  	[dreg:$0x1] =	wrdreg $0xFFFFFFFF  }
0xad: {  	[dreg:$0x0] =	wrdreg $0x60  }
0xae: {  	[dreg:$0x2] =	wrdreg s24  }
0xaf: {  	[dreg:$0x3] =	wrdreg s2  }
0xb0: {  	[dreg:$0x4] =	wrdreg $0x9  }
0xb1: {  	_ =	task.clear_ibuf [dreg:s7], $0x5FFFF;
	_ =	strace $0x90000049  }
0xb2: {  	s29 =	simm.s32 $0x9;
	_ =	strace $0x8000004B  }
0xb3: {  	_ =	swait.ge [sflag:s29], $0x1  }
0xb4: {  	[sflag:s29] =	ssyncadd.s32 $0xFFFFFFFF  }
0xb5: {  	_ =	strace $0x9000004B  }
0xb6: {  	_ =	sfence  }
0xb7: {  	s30 =	sld [smem:$0x0];
	_ =	sdelay $0x2  }
0xb8: {  	s31 =	sshll.u32 s1, $0xD;
	s1 =	sshrl.u32 s1, $0x2  }
0xb9: {  	s3 =	sand.u32 $0x4000, s31;
	s1 =	sadd.s32 s1, s30  }
0xba: {  	s0 =	sor.u32 s3, s0;
	s1 =	sshll.u32 s1, $0x11  }
0xbb: {  	s0 =	sor.u32 s1, s0  }
0xbc: {  	s0 =	sadd.s32 $0x8F2B, s0  }
0xbd: {  	[sflag:s0] =	ssyncadd.remote.s32 $0x1  }
0xbe: {  	_ =	sfence.sel $0xFFFF  }
0xbf: {  	[dreg:$0x0] =	wrdreg $0xFFFFFFFF;
	(pc) =	sbr.abs _section_cstart, $3  }
0xc0: {  	[dreg:$0x1] =	wrdreg $0xFFFFFFFF  }
0xc1: {  	_ =	task.clear_ibuf [dreg:s7], $0x2FFFF;
	_ =	strace $0x9FFFFFFF  }
0xc2: {  	(tm) =	ssettm $0x7FFFFFFF  }
0xc3: {  	_ =	shalt  }
tec
execute0_lowered:
.L_overlay_start_1:
0x0: {  	(tag) =	ssettag $0x1  }
0x1: {  	s0 =	rddreg [dreg:$0x0]  }
0x2: {  	s1 =	rddreg [dreg:$0x1];
	s2 =	simm.s32 $0x0;
	s3 =	srdreg.scid  }
0x3: {  	s5 =	stileid.u32;
	s28 =	simm.s32 $0xA000;
	s29 =	simm.s32 $0xA800  }
0x4: {  	s30 =	simm.s32 $0xB000;
	s31 =	simm.s32 $0xC000;
	[smem:$0x7FF] =	sst s2  }
0x5: {  	s4 =	sand.u32 $0x1, s3;
	s3 =	sadd.s32 $0x200, s0;
	s5 =	sshll.u32 s5, $0x7  }
0x6: {  	s9 =	sadd.s32 $0xA0A00, s0;
	s10 =	sadd.s32 $0xA0C00, s0;
	s8 =	sadd.s32 $0x500, s0  }
0x7: {  	_ =	strace $0x8000004A;
	s6 =	sshll.u32 s4, $0x6;
	s4 =	ssub.s32 $0x2, s4  }
0x8: {  	s5 =	sor.u32 s6, s5;
	s12 =	sshrl.u32 s4, $0x1;
	s6 =	sadd.s32 $0x300, s0  }
0x9: {  	s7 =	sshrl.u32 s5, $0x3;
	s4 =	ssub.s32 s4, s12;
	s11 =	sor.u32 $0x10, s5  }
0xa: {  	s17 =	sshll.u32 s5, $0x7;
	s18 =	sor.u32 $0x20, s5;
	s5 =	sor.u32 $0x30, s5  }
0xb: {  	s13 =	sadd.s32 s9, s7;
	s14 =	sadd.s32 s10, s7;
	s12 =	sshrl.u32 s11, $0x3  }
0xc: {  	s7 =	sadd.s32 $0x400, s0;
	s0 =	sadd.s32 s1, s17;
	[dreg:$0x3] =	wrdreg s13  }
0xd: {  	s19 =	sshrl.u32 s18, $0x3;
	s11 =	sshll.u32 s11, $0x7;
	[dreg:$0x4] =	wrdreg s14  }
0xe: {  	s20 =	sshrl.u32 s5, $0x3;
	s26 =	smax.u32 s4, $0x1;
	[dreg:$0x7] =	wrdreg s0  }
0xf: {  	s24 =	sshll.u32 s18, $0x7;
	s15 =	sadd.s32 s9, s12;
	[dreg:$0xf] =	wrdreg s26  }
0x10: {  	s5 =	sshll.u32 s5, $0x7;
	s16 =	sadd.s32 s10, s12;
	[dreg:$0x5] =	wrdreg s15  }
0x11: {  	s4 =	simm.s32 $0xE000;
	s13 =	sadd.s32 s9, s19;
	[dreg:$0x6] =	wrdreg s16  }
0x12: {  	s0 =	sadd.s32 s10, s19;
	s21 =	sadd.s32 s1, s11;
	[dreg:$0x8] =	wrdreg s13  }
0x13: {  	s22 =	sadd.s32 s9, s20;
	s23 =	sadd.s32 s10, s20;
	[dreg:$0x9] =	wrdreg s0  }
0x14: {  	s25 =	sadd.s32 s1, s5;
	s26 =	simm.s32 $0x9000;
	[dreg:$0xa] =	wrdreg s21  }
0x15: {  	s11 =	simm.s32 $0x9800;
	s12 =	simm.s32 $0xB800;
	[dreg:$0xb] =	wrdreg s22  }
0x16: {  	s14 =	simm.s32 $0xE800;
	s5 =	simm.s32 $0xF000;
	[dreg:$0xc] =	wrdreg s23  }
0x17: {  	s20 =	simm.s32 $0x1;
	s0 =	sadd.s32 s1, s24;
	[dreg:$0xe] =	wrdreg s25  }
0x18: {  	v2 =	vlaneseq.u32;
	s21 =	simm.s32 $0x3;
	s24 =	simm.s32 $0x8000;
	s1 =	simm.s32 $0xD000  }
0x19: {  	vm0 =	vmmov $0xffff;
	v1 =	vshrl.u32 v2, $0x3;
	s13 =	simm.s32 $0xD800;
	s15 =	simm.s32 $0xF800;
	s16 =	simm.s32 $0x2  }
0x1a: {  	v0 =	vand.u32 $0x7, v2;
	v2 =	vor.u32 $0x8, v2;
	v1 =	vmul.u32 $0x8, v1;
	s22 =	simm.s32 $0x0;
	[dreg:$0xd] =	wrdreg s0;
	s0 =	simm.s32 $0xC800  }
.LBB2_1:
0x1b: {  	s9 =	rddreg [dreg:$0x3];
	s10 =	simm.s32 $0x10000  }
0x1c: {  	[tilespmem:s10], [sflag:$0x3] =	stream.linear.gather [hbm4b:s9+s2], $0x10, $0x38;
	[tilespmem:$0x10200] =	vst v63  }
0x1d: {  	_ =	swait.ge [sflag:s21], $0x10  }
0x1e: {  	[sflag:s21] =	ssyncset.done $0x0  }
0x1f: {  	s19 =	simm.s32 $0x10080;
	s18 =	rddreg [dreg:$0x4];
	[sflag:s21] =	ssyncadd.s32 $0xFFFFFFF0  }
0x20: {  	[tilespmem:s19], [sflag:$0x3] =	stream.linear.gather [hbm4b:s18+s2], $0x10, $0x38;
	[tilespmem:$0x10200] =	vst v63  }
0x21: {  	_ =	swait.ge [sflag:s21], $0x10  }
0x22: {  	[sflag:s21] =	ssyncset.done $0x0  }
0x23: {  	[sflag:s21] =	ssyncadd.s32 $0xFFFFFFF0  }
0x24: {  	v3 =	vld [tilespmem:$0x10000];
	_ =	sdelay $0x4  }
0x25: {  	v4 =	vshll.u32 v3, $0x3  }
0x26: {  	v3 =	vand.u32 $0x7, v3;
	v4 =	vand.u32 $0xFFFFFFC0, v4  }
0x27: {  	v3 =	vor.u32 v3, v4  }
0x28: {  	v4 =	vperm.xlane v3, v0;
	_ =	sdelay $0x1  }
0x29: {  	v4 =	vadd.s32 v1, v4;
	_ =	sdelay $0x4  }
0x2a: {  	[tilespmem:s2], [sflag:$0x1] =	stream.indirect_vreg.gather [hbm4b:s3+s2], $0x80, v4, vm0, $0xb8;
	[tilespmem:$0x10200] =	vst v63  }
0x2b: {  	s23 =	simm.s32 $0x800;
	v3 =	vperm.xlane v3, v2  }
0x2c: {  	[tilespmem:s23], [sflag:$0x1] =	stream.indirect_vreg.gather [hbm4b:s6+s2], $0x80, v4, vm0, $0xb8;
	[tilespmem:$0x10200] =	vst v63  }
0x2d: {  	s25 =	simm.s32 $0x1000;
	v3 =	vadd.s32 v1, v3  }
0x2e: {  	[tilespmem:s25], [sflag:$0x1] =	stream.indirect_vreg.gather [hbm4b:s7+s2], $0x80, v4, vm0, $0xb8;
	[tilespmem:$0x10200] =	vst v63  }
0x2f: {  	s10 =	simm.s32 $0x1800  }
0x30: {  	[tilespmem:s10], [sflag:$0x1] =	stream.indirect_vreg.gather [hbm4b:s8+s2], $0x80, v4, vm0, $0xb8;
	[tilespmem:$0x10200] =	vst v63  }
0x31: {  	s17 =	simm.s32 $0x2000  }
0x32: {  	[tilespmem:s17], [sflag:$0x1] =	stream.indirect_vreg.gather [hbm4b:s3+s2], $0x80, v3, vm0, $0xb8;
	[tilespmem:$0x10200] =	vst v63  }
0x33: {  	s18 =	simm.s32 $0x2800  }
0x34: {  	[tilespmem:s18], [sflag:$0x1] =	stream.indirect_vreg.gather [hbm4b:s6+s2], $0x80, v3, vm0, $0xb8;
	[tilespmem:$0x10200] =	vst v63  }
0x35: {  	s19 =	simm.s32 $0x3000  }
0x36: {  	[tilespmem:s19], [sflag:$0x1] =	stream.indirect_vreg.gather [hbm4b:s7+s2], $0x80, v3, vm0, $0xb8;
	[tilespmem:$0x10200] =	vst v63  }
0x37: {  	s23 =	simm.s32 $0x3800  }
0x38: {  	[tilespmem:s23], [sflag:$0x1] =	stream.indirect_vreg.gather [hbm4b:s8+s2], $0x80, v3, vm0, $0xb8;
	[tilespmem:$0x10200] =	vst v63  }
0x39: {  	v3 =	vld [tilespmem:$0x10080];
	_ =	sdelay $0x4  }
0x3a: {  	v61 =	vshll.u32 v3, $0x3  }
0x3b: {  	v3 =	vand.u32 $0x7, v3;
	v4 =	vand.u32 $0xFFFFFFC0, v61  }
0x3c: {  	v3 =	vor.u32 v3, v4  }
0x3d: {  	v4 =	vperm.xlane v3, v0;
	_ =	sdelay $0x1  }
0x3e: {  	v4 =	vadd.s32 v1, v4;
	_ =	sdelay $0x3  }
0x3f: {  	s25 =	simm.s32 $0x4000  }
0x40: {  	[tilespmem:s25], [sflag:$0x1] =	stream.indirect_vreg.gather [hbm4b:s3+s2], $0x80, v4, vm0, $0xb8;
	[tilespmem:$0x10200] =	vst v63  }
0x41: {  	s10 =	simm.s32 $0x4800;
	v3 =	vperm.xlane v3, v2  }
0x42: {  	[tilespmem:s10], [sflag:$0x1] =	stream.indirect_vreg.gather [hbm4b:s6+s2], $0x80, v4, vm0, $0xb8;
	[tilespmem:$0x10200] =	vst v63  }
0x43: {  	s17 =	simm.s32 $0x5000;
	v3 =	vadd.s32 v1, v3  }
0x44: {  	[tilespmem:s17], [sflag:$0x1] =	stream.indirect_vreg.gather [hbm4b:s7+s2], $0x80, v4, vm0, $0xb8;
	[tilespmem:$0x10200] =	vst v63  }
0x45: {  	s18 =	simm.s32 $0x5800  }
0x46: {  	[tilespmem:s18], [sflag:$0x1] =	stream.indirect_vreg.gather [hbm4b:s8+s2], $0x80, v4, vm0, $0xb8;
	[tilespmem:$0x10200] =	vst v63  }
0x47: {  	s19 =	simm.s32 $0x6000  }
0x48: {  	[tilespmem:s19], [sflag:$0x1] =	stream.indirect_vreg.gather [hbm4b:s3+s2], $0x80, v3, vm0, $0xb8;
	[tilespmem:$0x10200] =	vst v63  }
0x49: {  	s23 =	simm.s32 $0x6800  }
0x4a: {  	[tilespmem:s23], [sflag:$0x1] =	stream.indirect_vreg.gather [hbm4b:s6+s2], $0x80, v3, vm0, $0xb8;
	[tilespmem:$0x10200] =	vst v63  }
0x4b: {  	s25 =	simm.s32 $0x7000  }
0x4c: {  	[tilespmem:s25], [sflag:$0x1] =	stream.indirect_vreg.gather [hbm4b:s7+s2], $0x80, v3, vm0, $0xb8;
	[tilespmem:$0x10200] =	vst v63  }
0x4d: {  	s10 =	simm.s32 $0x7800  }
0x4e: {  	[tilespmem:s10], [sflag:$0x1] =	stream.indirect_vreg.gather [hbm4b:s8+s2], $0x80, v3, vm0, $0xb8;
	[tilespmem:$0x10200] =	vst v63  }
0x4f: {  	s17 =	rddreg [dreg:$0x5];
	s18 =	simm.s32 $0x10100  }
0x50: {  	[tilespmem:s18], [sflag:$0x3] =	stream.linear.gather [hbm4b:s17+s2], $0x10, $0x38;
	[tilespmem:$0x10200] =	vst v63  }
0x51: {  	_ =	swait.ge [sflag:s21], $0x10  }
0x52: {  	[sflag:s21] =	ssyncset.done $0x0  }
0x53: {  	s23 =	simm.s32 $0x10180;
	s19 =	rddreg [dreg:$0x6];
	[sflag:s21] =	ssyncadd.s32 $0xFFFFFFF0  }
0x54: {  	[tilespmem:s23], [sflag:$0x3] =	stream.linear.gather [hbm4b:s19+s2], $0x10, $0x38;
	[tilespmem:$0x10200] =	vst v63  }
0x55: {  	_ =	swait.ge [sflag:s21], $0x10  }
0x56: {  	[sflag:s21] =	ssyncset.done $0x0  }
0x57: {  	[sflag:s21] =	ssyncadd.s32 $0xFFFFFFF0  }
0x58: {  	v3 =	vld [tilespmem:$0x10100];
	_ =	sdelay $0x4  }
0x59: {  	v62 =	vshll.u32 v3, $0x3  }
0x5a: {  	v3 =	vand.u32 $0x7, v3;
	v4 =	vand.u32 $0xFFFFFFC0, v62  }
0x5b: {  	v3 =	vor.u32 v3, v4  }
0x5c: {  	v4 =	vperm.xlane v3, v0;
	_ =	sdelay $0x1  }
0x5d: {  	v4 =	vadd.s32 v1, v4;
	_ =	sdelay $0x4  }
0x5e: {  	[tilespmem:s24], [sflag:$0x2] =	stream.indirect_vreg.gather [hbm4b:s3+s2], $0x80, v4, vm0, $0xb8;
	[tilespmem:$0x10200] =	vst v63  }
0x5f: {  	s25 =	simm.s32 $0x8800;
	v3 =	vperm.xlane v3, v2  }
0x60: {  	[tilespmem:s25], [sflag:$0x2] =	stream.indirect_vreg.gather [hbm4b:s6+s2], $0x80, v4, vm0, $0xb8;
	[tilespmem:$0x10200] =	vst v63  }
0x61: {  	v3 =	vadd.s32 v1, v3  }
0x62: {  	[tilespmem:s26], [sflag:$0x2] =	stream.indirect_vreg.gather [hbm4b:s7+s2], $0x80, v4, vm0, $0xb8;
	[tilespmem:$0x10200] =	vst v63  }
0x63: {  	_ = 	snop  }
0x64: {  	[tilespmem:s11], [sflag:$0x2] =	stream.indirect_vreg.gather [hbm4b:s8+s2], $0x80, v4, vm0, $0xb8;
	[tilespmem:$0x10200] =	vst v63  }
0x65: {  	_ = 	snop  }
0x66: {  	[tilespmem:s28], [sflag:$0x2] =	stream.indirect_vreg.gather [hbm4b:s3+s2], $0x80, v3, vm0, $0xb8;
	[tilespmem:$0x10200] =	vst v63  }
0x67: {  	_ = 	snop  }
0x68: {  	[tilespmem:s29], [sflag:$0x2] =	stream.indirect_vreg.gather [hbm4b:s6+s2], $0x80, v3, vm0, $0xb8;
	[tilespmem:$0x10200] =	vst v63  }
0x69: {  	_ = 	snop  }
0x6a: {  	[tilespmem:s30], [sflag:$0x2] =	stream.indirect_vreg.gather [hbm4b:s7+s2], $0x80, v3, vm0, $0xb8;
	[tilespmem:$0x10200] =	vst v63  }
0x6b: {  	_ = 	snop  }
0x6c: {  	[tilespmem:s12], [sflag:$0x2] =	stream.indirect_vreg.gather [hbm4b:s8+s2], $0x80, v3, vm0, $0xb8;
	[tilespmem:$0x10200] =	vst v63  }
0x6d: {  	v3 =	vld [tilespmem:$0x10180];
	_ =	sdelay $0x4  }
0x6e: {  	v63 =	vshll.u32 v3, $0x3  }
0x6f: {  	v3 =	vand.u32 $0x7, v3;
	v4 =	vand.u32 $0xFFFFFFC0, v63  }
0x70: {  	v3 =	vor.u32 v3, v4  }
0x71: {  	v4 =	vperm.xlane v3, v0;
	_ =	sdelay $0x1  }
0x72: {  	v4 =	vadd.s32 v1, v4;
	_ =	sdelay $0x4  }
0x73: {  	[tilespmem:s31], [sflag:$0x2] =	stream.indirect_vreg.gather [hbm4b:s3+s2], $0x80, v4, vm0, $0xb8;
	[tilespmem:$0x10200] =	vst v63  }
0x74: {  	v3 =	vperm.xlane v3, v2  }
0x75: {  	[tilespmem:s0], [sflag:$0x2] =	stream.indirect_vreg.gather [hbm4b:s6+s2], $0x80, v4, vm0, $0xb8;
	[tilespmem:$0x10200] =	vst v63  }
0x76: {  	v3 =	vadd.s32 v1, v3  }
0x77: {  	[tilespmem:s1], [sflag:$0x2] =	stream.indirect_vreg.gather [hbm4b:s7+s2], $0x80, v4, vm0, $0xb8;
	[tilespmem:$0x10200] =	vst v63  }
0x78: {  	_ = 	snop  }
0x79: {  	[tilespmem:s13], [sflag:$0x2] =	stream.indirect_vreg.gather [hbm4b:s8+s2], $0x80, v4, vm0, $0xb8;
	[tilespmem:$0x10200] =	vst v63  }
0x7a: {  	_ = 	snop  }
0x7b: {  	[tilespmem:s4], [sflag:$0x2] =	stream.indirect_vreg.gather [hbm4b:s3+s2], $0x80, v3, vm0, $0xb8;
	[tilespmem:$0x10200] =	vst v63  }
0x7c: {  	_ = 	snop  }
0x7d: {  	[tilespmem:s14], [sflag:$0x2] =	stream.indirect_vreg.gather [hbm4b:s6+s2], $0x80, v3, vm0, $0xb8;
	[tilespmem:$0x10200] =	vst v63  }
0x7e: {  	_ = 	snop  }
0x7f: {  	[tilespmem:s5], [sflag:$0x2] =	stream.indirect_vreg.gather [hbm4b:s7+s2], $0x80, v3, vm0, $0xb8;
	[tilespmem:$0x10200] =	vst v63  }
0x80: {  	_ = 	snop  }
0x81: {  	[tilespmem:s15], [sflag:$0x2] =	stream.indirect_vreg.gather [hbm4b:s8+s2], $0x80, v3, vm0, $0xb8;
	[tilespmem:$0x10200] =	vst v63  }
0x82: {  	_ =	swait.ge [sflag:s20], $0x4000  }
0x83: {  	[sflag:s20] =	ssyncset.done $0x0  }
0x84: {  	[sflag:s20] =	ssyncadd.s32 $0xFFFFC000  }
0x85: {  	_ =	swait.ge [sflag:s20], $0x4000  }
0x86: {  	s9 =	simm.s32 $0xFFFFC000;
	s10 =	simm.s32 $0x0;
	[sflag:s20] =	ssyncset.done $0x0  }
0x87: {  	s17 =	simm.s32 $0x0;
	s23 =	simm.s32 $0x0;
	[sflag:s20] =	ssyncadd.s32 $0xFFFFC000  }
.LBB2_2:
0x88: {  	s18 =	sadd.s32 $0x4000, s9  }
0x89: {  	s19 =	sand.u32 $0x380, s10;
	s18 =	sand.u32 $0x2000, s18  }
0x8a: {  	s18 =	sor.u32 s19, s18  }
0x8b: {  	v3 =	vld [tilespmem:s18+$0x0]  }
0x8c: {  	v4 =	vld [tilespmem:s18+$0x4000]  }
0x8d: {  	v5 =	vld [tilespmem:s18+$0x10]  }
0x8e: {  	v6 =	vld [tilespmem:s18+$0x4010]  }
0x8f: {  	v7 =	vld [tilespmem:s18+$0x20]  }
0x90: {  	v8 =	vld [tilespmem:s18+$0x4020]  }
0x91: {  	v9 =	vld [tilespmem:s18+$0x30]  }
0x92: {  	v10 =	vld [tilespmem:s18+$0x4030]  }
0x93: {  	v11 =	vld [tilespmem:s18+$0x40]  }
0x94: {  	v12 =	vld [tilespmem:s18+$0x4040]  }
0x95: {  	v13 =	vld [tilespmem:s18+$0x50]  }
0x96: {  	v14 =	vld [tilespmem:s18+$0x4050]  }
0x97: {  	v15 =	vld [tilespmem:s18+$0x60]  }
0x98: {  	v16 =	vld [tilespmem:s18+$0x4060]  }
0x99: {  	v17 =	vld [tilespmem:s18+$0x70]  }
0x9a: {  	v18 =	vld [tilespmem:s18+$0x4070]  }
0x9b: {  	v19 =	vld [tilespmem:s18+$0x400]  }
0x9c: {  	v20 =	vld [tilespmem:s18+$0x4400]  }
0x9d: {  	v21 =	vld [tilespmem:s18+$0x410]  }
0x9e: {  	v22 =	vld [tilespmem:s18+$0x4410]  }
0x9f: {  	v23 =	vld [tilespmem:s18+$0x420]  }
0xa0: {  	v24 =	vld [tilespmem:s18+$0x4420]  }
0xa1: {  	v25 =	vld [tilespmem:s18+$0x430]  }
0xa2: {  	v26 =	vld [tilespmem:s18+$0x4430]  }
0xa3: {  	v27 =	vld [tilespmem:s18+$0x440]  }
0xa4: {  	v28 =	vld [tilespmem:s18+$0x4440]  }
0xa5: {  	v29 =	vld [tilespmem:s18+$0x450]  }
0xa6: {  	v30 =	vld [tilespmem:s18+$0x4450]  }
0xa7: {  	v31 =	vld [tilespmem:s18+$0x460]  }
0xa8: {  	v32 =	vld [tilespmem:s18+$0x4460]  }
0xa9: {  	v33 =	vld [tilespmem:s18+$0x470]  }
0xaa: {  	v34 =	vld [tilespmem:s18+$0x4470]  }
0xab: {  	v35 =	vld [tilespmem:s18+$0x800]  }
0xac: {  	v36 =	vld [tilespmem:s18+$0x4800]  }
0xad: {  	v37 =	vld [tilespmem:s18+$0x810]  }
0xae: {  	v38 =	vld [tilespmem:s18+$0x4810]  }
0xaf: {  	v39 =	vld [tilespmem:s18+$0x820]  }
0xb0: {  	v40 =	vld [tilespmem:s18+$0x4820]  }
0xb1: {  	v41 =	vld [tilespmem:s18+$0x830]  }
0xb2: {  	v42 =	vld [tilespmem:s18+$0x4830]  }
0xb3: {  	v43 =	vld [tilespmem:s18+$0x840]  }
0xb4: {  	v44 =	vld [tilespmem:s18+$0x4840]  }
0xb5: {  	v45 =	vld [tilespmem:s18+$0x850]  }
0xb6: {  	v46 =	vld [tilespmem:s18+$0x4850]  }
0xb7: {  	v47 =	vld [tilespmem:s18+$0x860]  }
0xb8: {  	v48 =	vld [tilespmem:s18+$0x4860]  }
0xb9: {  	v49 =	vld [tilespmem:s18+$0x870]  }
0xba: {  	v50 =	vld [tilespmem:s18+$0x4870]  }
0xbb: {  	v51 =	vld [tilespmem:s18+$0xC00]  }
0xbc: {  	v52 =	vld [tilespmem:s18+$0x4C00]  }
0xbd: {  	v53 =	vld [tilespmem:s18+$0xC10]  }
0xbe: {  	v54 =	vld [tilespmem:s18+$0x4C10]  }
0xbf: {  	v55 =	vld [tilespmem:s18+$0xC20]  }
0xc0: {  	v56 =	vld [tilespmem:s18+$0x4C20]  }
0xc1: {  	v57 =	vld [tilespmem:s18+$0xC30]  }
0xc2: {  	v58 =	vld [tilespmem:s18+$0x4C30]  }
0xc3: {  	v59 =	vld [tilespmem:s18+$0xC40]  }
0xc4: {  	v60 =	vld [tilespmem:s18+$0x4C40]  }
0xc5: {  	v61 =	vld [tilespmem:s18+$0xC50]  }
0xc6: {  	v62 =	vld [tilespmem:s18+$0x4C50]  }
0xc7: {  	v63 =	vld [tilespmem:s18+$0xC60]  }
0xc8: {  	v3 =	vadd.f32 v4, v3;
	v4 =	vld [tilespmem:s18+$0x4C60]  }
0xc9: {  	v5 =	vadd.f32 v6, v5;
	v6 =	vld [tilespmem:s18+$0xC70]  }
0xca: {  	v14 =	vadd.f32 v14, v13;
	v13 =	vld [tilespmem:s18+$0x5020];
	[tilespmem:s18+$0x0] =	vst v3;
	v3 =	vadd.f32 v8, v7  }
0xcb: {  	v18 =	vadd.f32 v18, v17;
	v17 =	vld [tilespmem:s18+$0x5040];
	[tilespmem:s18+$0x10] =	vst v5  }
0xcc: {  	v22 =	vadd.f32 v22, v21;
	v21 =	vld [tilespmem:s18+$0x5060];
	[tilespmem:s18+$0x20] =	vst v3;
	v3 =	vadd.f32 v12, v11  }
0xcd: {  	v7 =	vld [tilespmem:s18+$0x4C70];
	[tilespmem:s18+$0x50] =	vst v14  }
0xce: {  	v8 =	vld [tilespmem:s18+$0x1000];
	[tilespmem:s18+$0x40] =	vst v3;
	v3 =	vadd.f32 v16, v15  }
0xcf: {  	v5 =	vadd.f32 v10, v9;
	v9 =	vld [tilespmem:s18+$0x5000];
	[tilespmem:s18+$0x70] =	vst v18  }
0xd0: {  	v10 =	vld [tilespmem:s18+$0x1010];
	[tilespmem:s18+$0x60] =	vst v3;
	v3 =	vadd.f32 v20, v19  }
0xd1: {  	v26 =	vadd.f32 v26, v25;
	v14 =	vld [tilespmem:s18+$0x1030];
	[tilespmem:s18+$0x410] =	vst v22  }
0xd2: {  	v18 =	vld [tilespmem:s18+$0x1050];
	[tilespmem:s18+$0x400] =	vst v3;
	v3 =	vadd.f32 v24, v23  }
0xd3: {  	v30 =	vadd.f32 v30, v29;
	[tilespmem:s18+$0x430] =	vst v26;
	v22 =	vld [tilespmem:s18+$0x1070]  }
0xd4: {  	v19 =	vld [tilespmem:s18+$0x5050];
	[tilespmem:s18+$0x420] =	vst v3;
	v3 =	vadd.f32 v28, v27  }
0xd5: {  	v34 =	vadd.f32 v34, v33;
	[tilespmem:s18+$0x450] =	vst v30;
	v11 =	vld [tilespmem:s18+$0x5010]  }
0xd6: {  	v12 =	vld [tilespmem:s18+$0x1020];
	[tilespmem:s18+$0x440] =	vst v3;
	v3 =	vadd.f32 v32, v31  }
0xd7: {  	[tilespmem:s18+$0x470] =	vst v34;
	v15 =	vld [tilespmem:s18+$0x5030]  }
0xd8: {  	v16 =	vld [tilespmem:s18+$0x1040];
	[tilespmem:s18+$0x460] =	vst v3;
	v3 =	vadd.f32 v36, v35  }
0xd9: {  	[tilespmem:s18+$0x30] =	vst v5;
	v20 =	vld [tilespmem:s18+$0x1060];
	v19 =	vadd.f32 v19, v18  }
0xda: {  	v24 =	vld [tilespmem:s18+$0x1400];
	[tilespmem:s18+$0x800] =	vst v3;
	v3 =	vadd.f32 v40, v39  }
0xdb: {  	[tilespmem:s18+$0x1050] =	vst v19;
	v36 =	vadd.f32 v38, v37;
	v37 =	vld [tilespmem:s18+$0x5070]  }
0xdc: {  	v38 =	vadd.f32 v42, v41;
	v41 =	vld [tilespmem:s18+$0x1410];
	[tilespmem:s18+$0x820] =	vst v3;
	v3 =	vadd.f32 v44, v43  }
0xdd: {  	v42 =	vld [tilespmem:s18+$0x5410];
	[tilespmem:s18+$0x810] =	vst v36  }
0xde: {  	v35 =	vld [tilespmem:s18+$0x1810];
	[tilespmem:s18+$0x840] =	vst v3;
	v3 =	vadd.f32 v48, v47  }
0xdf: {  	v39 =	vld [tilespmem:s18+$0x5400];
	[tilespmem:s18+$0x830] =	vst v38;
	v40 =	vadd.f32 v46, v45  }
0xe0: {  	v45 =	vld [tilespmem:s18+$0x5420];
	[tilespmem:s18+$0x860] =	vst v3;
	v3 =	vadd.f32 v52, v51  }
0xe1: {  	v46 =	vadd.f32 v54, v53;
	v53 =	vld [tilespmem:s18+$0x1450];
	[tilespmem:s18+$0x850] =	vst v40  }
0xe2: {  	v54 =	vld [tilespmem:s18+$0x5450];
	[tilespmem:s18+$0xC00] =	vst v3;
	v3 =	vadd.f32 v56, v55  }
0xe3: {  	v36 =	vld [tilespmem:s18+$0x5810];
	v43 =	vadd.f32 v50, v49;
	[tilespmem:s18+$0xC10] =	vst v46  }
0xe4: {  	v38 =	vld [tilespmem:s18+$0x1820];
	[tilespmem:s18+$0xC20] =	vst v3;
	v3 =	vadd.f32 v60, v59  }
0xe5: {  	v44 =	vld [tilespmem:s18+$0x1420];
	v49 =	vadd.f32 v58, v57;
	[tilespmem:s18+$0x870] =	vst v43  }
0xe6: {  	v50 =	vld [tilespmem:s18+$0x1440];
	[tilespmem:s18+$0xC40] =	vst v3;
	v3 =	vadd.f32 v4, v63  }
0xe7: {  	v57 =	vld [tilespmem:s18+$0x5460];
	v58 =	vadd.f32 v11, v10;
	[tilespmem:s18+$0xC30] =	vst v49  }
0xe8: {  	v46 =	vld [tilespmem:s18+$0x5850];
	[tilespmem:s18+$0xC60] =	vst v3;
	v3 =	vadd.f32 v9, v8  }
0xe9: {  	v37 =	vadd.f32 v37, v22;
	v40 =	vadd.f32 v42, v41;
	v41 =	vld [tilespmem:s18+$0x1830];
	[tilespmem:s18+$0x1010] =	vst v58  }
0xea: {  	v42 =	vld [tilespmem:s18+$0x5830];
	[tilespmem:s18+$0x1000] =	vst v3;
	v3 =	vadd.f32 v13, v12  }
0xeb: {  	v47 =	vld [tilespmem:s18+$0x1430];
	[tilespmem:s18+$0x1070] =	vst v37  }
0xec: {  	v48 =	vld [tilespmem:s18+$0x5430];
	[tilespmem:s18+$0x1020] =	vst v3;
	v3 =	vadd.f32 v17, v16  }
0xed: {  	v49 =	vld [tilespmem:s18+$0x5860];
	[tilespmem:s18+$0x1410] =	vst v40;
	v52 =	vadd.f32 v62, v61  }
0xee: {  	v51 =	vld [tilespmem:s18+$0x5440];
	[tilespmem:s18+$0x1040] =	vst v3;
	v3 =	vadd.f32 v21, v20  }
0xef: {  	v61 =	vadd.f32 v15, v14;
	v62 =	vld [tilespmem:s18+$0x1800];
	[tilespmem:s18+$0xC50] =	vst v52  }
0xf0: {  	v56 =	vld [tilespmem:s18+$0x1460];
	[tilespmem:s18+$0x1060] =	vst v3;
	v3 =	vadd.f32 v39, v24  }
0xf1: {  	v55 =	vadd.f32 v7, v6;
	[tilespmem:s18+$0x1030] =	vst v61;
	v52 =	vld [tilespmem:s18+$0x5870]  }
0xf2: {  	v43 =	vadd.f32 v48, v47;
	v47 =	vld [tilespmem:s18+$0x1860];
	[tilespmem:s18+$0x1400] =	vst v3;
	v3 =	vadd.f32 v45, v44  }
0xf3: {  	[tilespmem:s18+$0xC70] =	vst v55;
	v63 =	vld [tilespmem:s18+$0x5800]  }
0xf4: {  	v59 =	vld [tilespmem:s18+$0x1470];
	[tilespmem:s18+$0x1420] =	vst v3;
	v3 =	vadd.f32 v51, v50  }
0xf5: {  	[tilespmem:s18+$0x1430] =	vst v43;
	v4 =	vadd.f32 v54, v53;
	v39 =	vld [tilespmem:s18+$0x5820]  }
0xf6: {  	v60 =	vld [tilespmem:s18+$0x5470];
	[tilespmem:s18+$0x1440] =	vst v3;
	v3 =	vadd.f32 v57, v56  }
0xf7: {  	v54 =	vadd.f32 v42, v41;
	[tilespmem:s18+$0x1450] =	vst v4;
	v45 =	vld [tilespmem:s18+$0x1850]  }
0xf8: {  	v53 =	vld [tilespmem:s18+$0x5840];
	[tilespmem:s18+$0x1460] =	vst v3;
	v3 =	vadd.f32 v63, v62  }
0xf9: {  	[tilespmem:s18+$0x1830] =	vst v54;
	v55 =	vadd.f32 v49, v47;
	v50 =	vld [tilespmem:s18+$0x1870]  }
0xfa: {  	v44 =	vld [tilespmem:s18+$0x1840];
	[tilespmem:s18+$0x1800] =	vst v3;
	v3 =	vadd.f32 v39, v38  }
0xfb: {  	v48 =	vadd.f32 v60, v59;
	[tilespmem:s18+$0x1860] =	vst v55  }
0xfc: {  	[tilespmem:s18+$0x1820] =	vst v3;
	v3 =	vadd.f32 v46, v45  }
0xfd: {  	s25 =	sand.u32 $0x7, s23;
	[tilespmem:s18+$0x1470] =	vst v48;
	v51 =	vadd.f32 v36, v35  }
0xfe: {  	s19 =	sshll.u32 s25, $0x7;
	[tilespmem:s18+$0x1850] =	vst v3;
	v3 =	vadd.f32 v52, v50  }
0xff: {  	s19 =	sadd.s32 s19, s17;
	[tilespmem:s18+$0x1810] =	vst v51;
	v56 =	vadd.f32 v53, v44  }
0x100: {  	s25 =	sor.u32 $0x1C00, s19;
	[tilespmem:s18+$0x1870] =	vst v3  }
0x101: {  	[tilespmem:s18+$0x1840] =	vst v56;
	v3 =	vld [tilespmem:s25+$0x0]  }
0x102: {  	v4 =	vld [tilespmem:s25+$0x4000];
	_ =	sdelay $0x4  }
0x103: {  	v3 =	vadd.f32 v4, v3;
	_ =	sdelay $0x1  }
0x104: {  	[tilespmem:s25+$0x0] =	vst v3;
	s25 =	sor.u32 $0x1C10, s19  }
0x105: {  	v3 =	vld [tilespmem:s25+$0x0]  }
0x106: {  	v57 =	vld [tilespmem:s25+$0x4000];
	_ =	sdelay $0x4  }
0x107: {  	v3 =	vadd.f32 v57, v3;
	_ =	sdelay $0x1  }
0x108: {  	[tilespmem:s25+$0x0] =	vst v3;
	s25 =	sor.u32 $0x1C20, s19  }
0x109: {  	v3 =	vld [tilespmem:s25+$0x0]  }
0x10a: {  	v58 =	vld [tilespmem:s25+$0x4000];
	_ =	sdelay $0x4  }
0x10b: {  	v3 =	vadd.f32 v58, v3;
	_ =	sdelay $0x1  }
0x10c: {  	[tilespmem:s25+$0x0] =	vst v3;
	s25 =	sor.u32 $0x1C30, s19  }
0x10d: {  	v3 =	vld [tilespmem:s25+$0x0]  }
0x10e: {  	v59 =	vld [tilespmem:s25+$0x4000];
	_ =	sdelay $0x4  }
0x10f: {  	v3 =	vadd.f32 v59, v3;
	_ =	sdelay $0x1  }
0x110: {  	[tilespmem:s25+$0x0] =	vst v3;
	s25 =	sor.u32 $0x1C40, s19  }
0x111: {  	v3 =	vld [tilespmem:s25+$0x0]  }
0x112: {  	v60 =	vld [tilespmem:s25+$0x4000];
	_ =	sdelay $0x4  }
0x113: {  	v3 =	vadd.f32 v60, v3;
	_ =	sdelay $0x1  }
0x114: {  	[tilespmem:s25+$0x0] =	vst v3;
	s25 =	sor.u32 $0x1C50, s19  }
0x115: {  	v3 =	vld [tilespmem:s25+$0x0]  }
0x116: {  	v61 =	vld [tilespmem:s25+$0x4000];
	_ =	sdelay $0x4  }
0x117: {  	v3 =	vadd.f32 v61, v3;
	_ =	sdelay $0x1  }
0x118: {  	[tilespmem:s25+$0x0] =	vst v3;
	s25 =	sor.u32 $0x1C60, s19  }
0x119: {  	v3 =	vld [tilespmem:s25+$0x0]  }
0x11a: {  	v62 =	vld [tilespmem:s25+$0x4000];
	_ =	sdelay $0x4  }
0x11b: {  	v3 =	vadd.f32 v62, v3;
	_ =	sdelay $0x1  }
0x11c: {  	[tilespmem:s25+$0x0] =	vst v3;
	s25 =	sor.u32 $0x1C70, s19  }
0x11d: {  	v3 =	vld [tilespmem:s25+$0x0]  }
0x11e: {  	v63 =	vld [tilespmem:s25+$0x4000];
	_ =	sdelay $0x1  }
0x11f: {  	p0 =	sne.s32 s10, $0x780  }
.Ltmp0:
0x120: {  	_ = 	snop;
	(pc) =	sbr.rel @p0 .LBB2_2-.Ltmp0, $4  }
0x121: {  	_ = 	snop  }
0x122: {  	v3 =	vadd.f32 v63, v3  }
0x123: {  	s23 =	sadd.s32 $0x1, s23  }
0x124: {  	s9 =	sadd.s32 $0x400, s9;
	s10 =	sadd.s32 $0x80, s10;
	s17 =	sadd.s32 $0x400, s17;
	[tilespmem:s25+$0x0] =	vst v3  }
0x125: {  	s9 =	simm.s32 $0x0;
	s10 =	rddreg [dreg:$0x7]  }
0x126: {  	[hbm4b:s10+s9] =	stream.linear.scatter [tilespmem:s9], [sflag:$0x3], $0x4000, $0x38;
	[tilespmem:$0x10200] =	vst v63  }
0x127: {  	_ =	swait.ge [sflag:s21], $0x4000  }
0x128: {  	[sflag:s21] =	ssyncset.done $0x0  }
0x129: {  	s17 =	simm.s32 $0x10000;
	s19 =	rddreg [dreg:$0x8];
	[sflag:s21] =	ssyncadd.s32 $0xFFFFC000  }
0x12a: {  	[tilespmem:s17], [sflag:$0x3] =	stream.linear.gather [hbm4b:s19+s9], $0x10, $0x38;
	[tilespmem:$0x10200] =	vst v63  }
0x12b: {  	_ =	swait.ge [sflag:s21], $0x10  }
0x12c: {  	[sflag:s21] =	ssyncset.done $0x0  }
0x12d: {  	s25 =	simm.s32 $0x10080;
	s23 =	rddreg [dreg:$0x9];
	[sflag:s21] =	ssyncadd.s32 $0xFFFFFFF0  }
0x12e: {  	[tilespmem:s25], [sflag:$0x3] =	stream.linear.gather [hbm4b:s23+s9], $0x10, $0x38;
	[tilespmem:$0x10200] =	vst v63  }
0x12f: {  	_ =	swait.ge [sflag:s21], $0x10  }
0x130: {  	[sflag:s21] =	ssyncset.done $0x0  }
0x131: {  	[sflag:s21] =	ssyncadd.s32 $0xFFFFFFF0  }
0x132: {  	v3 =	vld [tilespmem:$0x10000];
	_ =	sdelay $0x4  }
0x133: {  	v4 =	vshll.u32 v3, $0x3  }
0x134: {  	v3 =	vand.u32 $0x7, v3;
	v4 =	vand.u32 $0xFFFFFFC0, v4  }
0x135: {  	v3 =	vor.u32 v3, v4  }
0x136: {  	v4 =	vperm.xlane v3, v0;
	_ =	sdelay $0x1  }
0x137: {  	v4 =	vadd.s32 v1, v4;
	_ =	sdelay $0x4  }
0x138: {  	[tilespmem:s9], [sflag:$0x1] =	stream.indirect_vreg.gather [hbm4b:s3+s9], $0x80, v4, vm0, $0xb8;
	[tilespmem:$0x10200] =	vst v63  }
0x139: {  	s17 =	simm.s32 $0x800;
	v3 =	vperm.xlane v3, v2  }
0x13a: {  	[tilespmem:s17], [sflag:$0x1] =	stream.indirect_vreg.gather [hbm4b:s6+s9], $0x80, v4, vm0, $0xb8;
	[tilespmem:$0x10200] =	vst v63  }
0x13b: {  	s18 =	simm.s32 $0x1000;
	v3 =	vadd.s32 v1, v3  }
0x13c: {  	[tilespmem:s18], [sflag:$0x1] =	stream.indirect_vreg.gather [hbm4b:s7+s9], $0x80, v4, vm0, $0xb8;
	[tilespmem:$0x10200] =	vst v63  }
0x13d: {  	s19 =	simm.s32 $0x1800  }
0x13e: {  	[tilespmem:s19], [sflag:$0x1] =	stream.indirect_vreg.gather [hbm4b:s8+s9], $0x80, v4, vm0, $0xb8;
	[tilespmem:$0x10200] =	vst v63  }
0x13f: {  	s23 =	simm.s32 $0x2000  }
0x140: {  	[tilespmem:s23], [sflag:$0x1] =	stream.indirect_vreg.gather [hbm4b:s3+s9], $0x80, v3, vm0, $0xb8;
	[tilespmem:$0x10200] =	vst v63  }
0x141: {  	s25 =	simm.s32 $0x2800  }
0x142: {  	[tilespmem:s25], [sflag:$0x1] =	stream.indirect_vreg.gather [hbm4b:s6+s9], $0x80, v3, vm0, $0xb8;
	[tilespmem:$0x10200] =	vst v63  }
0x143: {  	s17 =	simm.s32 $0x3000  }
0x144: {  	[tilespmem:s17], [sflag:$0x1] =	stream.indirect_vreg.gather [hbm4b:s7+s9], $0x80, v3, vm0, $0xb8;
	[tilespmem:$0x10200] =	vst v63  }
0x145: {  	s18 =	simm.s32 $0x3800  }
0x146: {  	[tilespmem:s18], [sflag:$0x1] =	stream.indirect_vreg.gather [hbm4b:s8+s9], $0x80, v3, vm0, $0xb8;
	[tilespmem:$0x10200] =	vst v63  }
0x147: {  	v3 =	vld [tilespmem:$0x10080];
	_ =	sdelay $0x4  }
0x148: {  	v63 =	vshll.u32 v3, $0x3  }
0x149: {  	v3 =	vand.u32 $0x7, v3;
	v4 =	vand.u32 $0xFFFFFFC0, v63  }
0x14a: {  	v3 =	vor.u32 v3, v4  }
0x14b: {  	v4 =	vperm.xlane v3, v0;
	_ =	sdelay $0x1  }
0x14c: {  	v4 =	vadd.s32 v1, v4;
	_ =	sdelay $0x3  }
0x14d: {  	s19 =	simm.s32 $0x4000  }
0x14e: {  	[tilespmem:s19], [sflag:$0x1] =	stream.indirect_vreg.gather [hbm4b:s3+s9], $0x80, v4, vm0, $0xb8;
	[tilespmem:$0x10200] =	vst v63  }
0x14f: {  	s23 =	simm.s32 $0x4800;
	v3 =	vperm.xlane v3, v2  }
0x150: {  	[tilespmem:s23], [sflag:$0x1] =	stream.indirect_vreg.gather [hbm4b:s6+s9], $0x80, v4, vm0, $0xb8;
	[tilespmem:$0x10200] =	vst v63  }
0x151: {  	s25 =	simm.s32 $0x5000;
	v3 =	vadd.s32 v1, v3  }
0x152: {  	[tilespmem:s25], [sflag:$0x1] =	stream.indirect_vreg.gather [hbm4b:s7+s9], $0x80, v4, vm0, $0xb8;
	[tilespmem:$0x10200] =	vst v63  }
0x153: {  	s17 =	simm.s32 $0x5800  }
0x154: {  	[tilespmem:s17], [sflag:$0x1] =	stream.indirect_vreg.gather [hbm4b:s8+s9], $0x80, v4, vm0, $0xb8;
	[tilespmem:$0x10200] =	vst v63  }
0x155: {  	s18 =	simm.s32 $0x6000  }
0x156: {  	[tilespmem:s18], [sflag:$0x1] =	stream.indirect_vreg.gather [hbm4b:s3+s9], $0x80, v3, vm0, $0xb8;
	[tilespmem:$0x10200] =	vst v63  }
0x157: {  	s19 =	simm.s32 $0x6800  }
0x158: {  	[tilespmem:s19], [sflag:$0x1] =	stream.indirect_vreg.gather [hbm4b:s6+s9], $0x80, v3, vm0, $0xb8;
	[tilespmem:$0x10200] =	vst v63  }
0x159: {  	s23 =	simm.s32 $0x7000  }
0x15a: {  	[tilespmem:s23], [sflag:$0x1] =	stream.indirect_vreg.gather [hbm4b:s7+s9], $0x80, v3, vm0, $0xb8;
	[tilespmem:$0x10200] =	vst v63  }
0x15b: {  	s25 =	simm.s32 $0x7800  }
0x15c: {  	[tilespmem:s25], [sflag:$0x1] =	stream.indirect_vreg.gather [hbm4b:s8+s9], $0x80, v3, vm0, $0xb8;
	[tilespmem:$0x10200] =	vst v63  }
0x15d: {  	_ =	swait.ge [sflag:s16], $0x4000  }
0x15e: {  	[sflag:s16] =	ssyncset.done $0x0  }
0x15f: {  	[sflag:s16] =	ssyncadd.s32 $0xFFFFC000  }
0x160: {  	_ =	swait.ge [sflag:s16], $0x4000  }
0x161: {  	s10 =	simm.s32 $0x0;
	[sflag:s16] =	ssyncset.done $0x0  }
0x162: {  	s17 =	simm.s32 $0x0;
	s23 =	simm.s32 $0xFFFFC000;
	[sflag:s16] =	ssyncadd.s32 $0xFFFFC000  }
.LBB2_4:
0x163: {  	s18 =	sadd.s32 $0x4000, s23  }
0x164: {  	s19 =	sand.u32 $0x380, s10;
	s18 =	sand.u32 $0x2000, s18  }
0x165: {  	s18 =	sor.u32 s19, s18  }
0x166: {  	v3 =	vld [tilespmem:s18+$0x8000]  }
0x167: {  	v4 =	vld [tilespmem:s18+$0xC000]  }
0x168: {  	v5 =	vld [tilespmem:s18+$0x8010]  }
0x169: {  	v6 =	vld [tilespmem:s18+$0xC010]  }
0x16a: {  	v7 =	vld [tilespmem:s18+$0x8020]  }
0x16b: {  	v8 =	vld [tilespmem:s18+$0xC020]  }
0x16c: {  	v9 =	vld [tilespmem:s18+$0x8030]  }
0x16d: {  	v10 =	vld [tilespmem:s18+$0xC030]  }
0x16e: {  	v11 =	vld [tilespmem:s18+$0x8040]  }
0x16f: {  	v12 =	vld [tilespmem:s18+$0xC040]  }
0x170: {  	v13 =	vld [tilespmem:s18+$0x8050]  }
0x171: {  	v14 =	vld [tilespmem:s18+$0xC050]  }
0x172: {  	v15 =	vld [tilespmem:s18+$0x8060]  }
0x173: {  	v16 =	vld [tilespmem:s18+$0xC060]  }
0x174: {  	v17 =	vld [tilespmem:s18+$0x8070]  }
0x175: {  	v18 =	vld [tilespmem:s18+$0xC070]  }
0x176: {  	v19 =	vld [tilespmem:s18+$0x8400]  }
0x177: {  	v20 =	vld [tilespmem:s18+$0xC400]  }
0x178: {  	v21 =	vld [tilespmem:s18+$0x8410]  }
0x179: {  	v22 =	vld [tilespmem:s18+$0xC410]  }
0x17a: {  	v23 =	vld [tilespmem:s18+$0x8420]  }
0x17b: {  	v24 =	vld [tilespmem:s18+$0xC420]  }
0x17c: {  	v25 =	vld [tilespmem:s18+$0x8430]  }
0x17d: {  	v26 =	vld [tilespmem:s18+$0xC430]  }
0x17e: {  	v27 =	vld [tilespmem:s18+$0x8440]  }
0x17f: {  	v28 =	vld [tilespmem:s18+$0xC440]  }
0x180: {  	v29 =	vld [tilespmem:s18+$0x8450]  }
0x181: {  	v30 =	vld [tilespmem:s18+$0xC450]  }
0x182: {  	v31 =	vld [tilespmem:s18+$0x8460]  }
0x183: {  	v32 =	vld [tilespmem:s18+$0xC460]  }
0x184: {  	v33 =	vld [tilespmem:s18+$0x8470]  }
0x185: {  	v34 =	vld [tilespmem:s18+$0xC470]  }
0x186: {  	v35 =	vld [tilespmem:s18+$0x8800]  }
0x187: {  	v36 =	vld [tilespmem:s18+$0xC800]  }
0x188: {  	v37 =	vld [tilespmem:s18+$0x8810]  }
0x189: {  	v38 =	vld [tilespmem:s18+$0xC810]  }
0x18a: {  	v39 =	vld [tilespmem:s18+$0x8820]  }
0x18b: {  	v40 =	vld [tilespmem:s18+$0xC820]  }
0x18c: {  	v41 =	vld [tilespmem:s18+$0x8830]  }
0x18d: {  	v42 =	vld [tilespmem:s18+$0xC830]  }
0x18e: {  	v43 =	vld [tilespmem:s18+$0x8840]  }
0x18f: {  	v44 =	vld [tilespmem:s18+$0xC840]  }
0x190: {  	v45 =	vld [tilespmem:s18+$0x8850]  }
0x191: {  	v46 =	vld [tilespmem:s18+$0xC850]  }
0x192: {  	v47 =	vld [tilespmem:s18+$0x8860]  }
0x193: {  	v48 =	vld [tilespmem:s18+$0xC860]  }
0x194: {  	v49 =	vld [tilespmem:s18+$0x8870]  }
0x195: {  	v50 =	vld [tilespmem:s18+$0xC870]  }
0x196: {  	v51 =	vld [tilespmem:s18+$0x8C00]  }
0x197: {  	v52 =	vld [tilespmem:s18+$0xCC00]  }
0x198: {  	v53 =	vld [tilespmem:s18+$0x8C10]  }
0x199: {  	v54 =	vld [tilespmem:s18+$0xCC10]  }
0x19a: {  	v55 =	vld [tilespmem:s18+$0x8C20]  }
0x19b: {  	v56 =	vld [tilespmem:s18+$0xCC20]  }
0x19c: {  	v57 =	vld [tilespmem:s18+$0x8C30]  }
0x19d: {  	v58 =	vld [tilespmem:s18+$0xCC30]  }
0x19e: {  	v59 =	vld [tilespmem:s18+$0x8C40]  }
0x19f: {  	v60 =	vld [tilespmem:s18+$0xCC40]  }
0x1a0: {  	v61 =	vld [tilespmem:s18+$0x8C50]  }
0x1a1: {  	v62 =	vld [tilespmem:s18+$0xCC50]  }
0x1a2: {  	v63 =	vld [tilespmem:s18+$0x8C60]  }
0x1a3: {  	v3 =	vadd.f32 v4, v3;
	v4 =	vld [tilespmem:s18+$0xCC60]  }
0x1a4: {  	v5 =	vadd.f32 v6, v5;
	v6 =	vld [tilespmem:s18+$0x8C70]  }
0x1a5: {  	v14 =	vadd.f32 v14, v13;
	v13 =	vld [tilespmem:s18+$0xD020];
	[tilespmem:s18+$0x8000] =	vst v3;
	v3 =	vadd.f32 v8, v7  }
0x1a6: {  	v18 =	vadd.f32 v18, v17;
	v17 =	vld [tilespmem:s18+$0xD040];
	[tilespmem:s18+$0x8010] =	vst v5  }
0x1a7: {  	v22 =	vadd.f32 v22, v21;
	v21 =	vld [tilespmem:s18+$0xD060];
	[tilespmem:s18+$0x8020] =	vst v3;
	v3 =	vadd.f32 v12, v11  }
0x1a8: {  	v7 =	vld [tilespmem:s18+$0xCC70];
	[tilespmem:s18+$0x8050] =	vst v14  }
0x1a9: {  	v8 =	vld [tilespmem:s18+$0x9000];
	[tilespmem:s18+$0x8040] =	vst v3;
	v3 =	vadd.f32 v16, v15  }
0x1aa: {  	v5 =	vadd.f32 v10, v9;
	v9 =	vld [tilespmem:s18+$0xD000];
	[tilespmem:s18+$0x8070] =	vst v18  }
0x1ab: {  	v10 =	vld [tilespmem:s18+$0x9010];
	[tilespmem:s18+$0x8060] =	vst v3;
	v3 =	vadd.f32 v20, v19  }
0x1ac: {  	v26 =	vadd.f32 v26, v25;
	v14 =	vld [tilespmem:s18+$0x9030];
	[tilespmem:s18+$0x8410] =	vst v22  }
0x1ad: {  	v18 =	vld [tilespmem:s18+$0x9050];
	[tilespmem:s18+$0x8400] =	vst v3;
	v3 =	vadd.f32 v24, v23  }
0x1ae: {  	v30 =	vadd.f32 v30, v29;
	[tilespmem:s18+$0x8430] =	vst v26;
	v22 =	vld [tilespmem:s18+$0x9070]  }
0x1af: {  	v19 =	vld [tilespmem:s18+$0xD050];
	[tilespmem:s18+$0x8420] =	vst v3;
	v3 =	vadd.f32 v28, v27  }
0x1b0: {  	v34 =	vadd.f32 v34, v33;
	[tilespmem:s18+$0x8450] =	vst v30;
	v11 =	vld [tilespmem:s18+$0xD010]  }
0x1b1: {  	v12 =	vld [tilespmem:s18+$0x9020];
	[tilespmem:s18+$0x8440] =	vst v3;
	v3 =	vadd.f32 v32, v31  }
0x1b2: {  	[tilespmem:s18+$0x8470] =	vst v34;
	v15 =	vld [tilespmem:s18+$0xD030]  }
0x1b3: {  	v16 =	vld [tilespmem:s18+$0x9040];
	[tilespmem:s18+$0x8460] =	vst v3;
	v3 =	vadd.f32 v36, v35  }
0x1b4: {  	[tilespmem:s18+$0x8030] =	vst v5;
	v20 =	vld [tilespmem:s18+$0x9060];
	v19 =	vadd.f32 v19, v18  }
0x1b5: {  	v24 =	vld [tilespmem:s18+$0x9400];
	[tilespmem:s18+$0x8800] =	vst v3;
	v3 =	vadd.f32 v40, v39  }
0x1b6: {  	[tilespmem:s18+$0x9050] =	vst v19;
	v36 =	vadd.f32 v38, v37;
	v37 =	vld [tilespmem:s18+$0xD070]  }
0x1b7: {  	v38 =	vadd.f32 v42, v41;
	v41 =	vld [tilespmem:s18+$0x9410];
	[tilespmem:s18+$0x8820] =	vst v3;
	v3 =	vadd.f32 v44, v43  }
0x1b8: {  	v42 =	vld [tilespmem:s18+$0xD410];
	[tilespmem:s18+$0x8810] =	vst v36  }
0x1b9: {  	v35 =	vld [tilespmem:s18+$0x9810];
	[tilespmem:s18+$0x8840] =	vst v3;
	v3 =	vadd.f32 v48, v47  }
0x1ba: {  	v39 =	vld [tilespmem:s18+$0xD400];
	[tilespmem:s18+$0x8830] =	vst v38;
	v40 =	vadd.f32 v46, v45  }
0x1bb: {  	v45 =	vld [tilespmem:s18+$0xD420];
	[tilespmem:s18+$0x8860] =	vst v3;
	v3 =	vadd.f32 v52, v51  }
0x1bc: {  	v46 =	vadd.f32 v54, v53;
	v53 =	vld [tilespmem:s18+$0x9450];
	[tilespmem:s18+$0x8850] =	vst v40  }
0x1bd: {  	v54 =	vld [tilespmem:s18+$0xD450];
	[tilespmem:s18+$0x8C00] =	vst v3;
	v3 =	vadd.f32 v56, v55  }
0x1be: {  	v36 =	vld [tilespmem:s18+$0xD810];
	v43 =	vadd.f32 v50, v49;
	[tilespmem:s18+$0x8C10] =	vst v46  }
0x1bf: {  	v38 =	vld [tilespmem:s18+$0x9820];
	[tilespmem:s18+$0x8C20] =	vst v3;
	v3 =	vadd.f32 v60, v59  }
0x1c0: {  	v44 =	vld [tilespmem:s18+$0x9420];
	v49 =	vadd.f32 v58, v57;
	[tilespmem:s18+$0x8870] =	vst v43  }
0x1c1: {  	v50 =	vld [tilespmem:s18+$0x9440];
	[tilespmem:s18+$0x8C40] =	vst v3;
	v3 =	vadd.f32 v4, v63  }
0x1c2: {  	v57 =	vld [tilespmem:s18+$0xD460];
	v58 =	vadd.f32 v11, v10;
	[tilespmem:s18+$0x8C30] =	vst v49  }
0x1c3: {  	v46 =	vld [tilespmem:s18+$0xD850];
	[tilespmem:s18+$0x8C60] =	vst v3;
	v3 =	vadd.f32 v9, v8  }
0x1c4: {  	v37 =	vadd.f32 v37, v22;
	v40 =	vadd.f32 v42, v41;
	v41 =	vld [tilespmem:s18+$0x9830];
	[tilespmem:s18+$0x9010] =	vst v58  }
0x1c5: {  	v42 =	vld [tilespmem:s18+$0xD830];
	[tilespmem:s18+$0x9000] =	vst v3;
	v3 =	vadd.f32 v13, v12  }
0x1c6: {  	v47 =	vld [tilespmem:s18+$0x9430];
	[tilespmem:s18+$0x9070] =	vst v37  }
0x1c7: {  	v48 =	vld [tilespmem:s18+$0xD430];
	[tilespmem:s18+$0x9020] =	vst v3;
	v3 =	vadd.f32 v17, v16  }
0x1c8: {  	v49 =	vld [tilespmem:s18+$0xD860];
	[tilespmem:s18+$0x9410] =	vst v40;
	v52 =	vadd.f32 v62, v61  }
0x1c9: {  	v51 =	vld [tilespmem:s18+$0xD440];
	[tilespmem:s18+$0x9040] =	vst v3;
	v3 =	vadd.f32 v21, v20  }
0x1ca: {  	v61 =	vadd.f32 v15, v14;
	v62 =	vld [tilespmem:s18+$0x9800];
	[tilespmem:s18+$0x8C50] =	vst v52  }
0x1cb: {  	v56 =	vld [tilespmem:s18+$0x9460];
	[tilespmem:s18+$0x9060] =	vst v3;
	v3 =	vadd.f32 v39, v24  }
0x1cc: {  	v55 =	vadd.f32 v7, v6;
	[tilespmem:s18+$0x9030] =	vst v61;
	v52 =	vld [tilespmem:s18+$0xD870]  }
0x1cd: {  	v43 =	vadd.f32 v48, v47;
	v47 =	vld [tilespmem:s18+$0x9860];
	[tilespmem:s18+$0x9400] =	vst v3;
	v3 =	vadd.f32 v45, v44  }
0x1ce: {  	[tilespmem:s18+$0x8C70] =	vst v55;
	v63 =	vld [tilespmem:s18+$0xD800]  }
0x1cf: {  	v59 =	vld [tilespmem:s18+$0x9470];
	[tilespmem:s18+$0x9420] =	vst v3;
	v3 =	vadd.f32 v51, v50  }
0x1d0: {  	[tilespmem:s18+$0x9430] =	vst v43;
	v4 =	vadd.f32 v54, v53;
	v39 =	vld [tilespmem:s18+$0xD820]  }
0x1d1: {  	v60 =	vld [tilespmem:s18+$0xD470];
	[tilespmem:s18+$0x9440] =	vst v3;
	v3 =	vadd.f32 v57, v56  }
0x1d2: {  	v54 =	vadd.f32 v42, v41;
	[tilespmem:s18+$0x9450] =	vst v4;
	v45 =	vld [tilespmem:s18+$0x9850]  }
0x1d3: {  	v53 =	vld [tilespmem:s18+$0xD840];
	[tilespmem:s18+$0x9460] =	vst v3;
	v3 =	vadd.f32 v63, v62  }
0x1d4: {  	[tilespmem:s18+$0x9830] =	vst v54;
	v55 =	vadd.f32 v49, v47;
	v50 =	vld [tilespmem:s18+$0x9870]  }
0x1d5: {  	v44 =	vld [tilespmem:s18+$0x9840];
	[tilespmem:s18+$0x9800] =	vst v3;
	v3 =	vadd.f32 v39, v38  }
0x1d6: {  	v48 =	vadd.f32 v60, v59;
	[tilespmem:s18+$0x9860] =	vst v55  }
0x1d7: {  	[tilespmem:s18+$0x9820] =	vst v3;
	v3 =	vadd.f32 v46, v45  }
0x1d8: {  	s25 =	sand.u32 $0x7, s9;
	[tilespmem:s18+$0x9470] =	vst v48;
	v51 =	vadd.f32 v36, v35  }
0x1d9: {  	s19 =	sshll.u32 s25, $0x7;
	[tilespmem:s18+$0x9850] =	vst v3;
	v3 =	vadd.f32 v52, v50  }
0x1da: {  	s19 =	sadd.s32 s19, s17;
	[tilespmem:s18+$0x9810] =	vst v51;
	v56 =	vadd.f32 v53, v44  }
0x1db: {  	s25 =	sor.u32 $0x1C00, s19;
	[tilespmem:s18+$0x9870] =	vst v3  }
0x1dc: {  	[tilespmem:s18+$0x9840] =	vst v56;
	v3 =	vld [tilespmem:s25+$0x8000]  }
0x1dd: {  	v4 =	vld [tilespmem:s25+$0xC000];
	_ =	sdelay $0x4  }
0x1de: {  	v3 =	vadd.f32 v4, v3;
	_ =	sdelay $0x1  }
0x1df: {  	[tilespmem:s25+$0x8000] =	vst v3;
	s25 =	sor.u32 $0x1C10, s19  }
0x1e0: {  	v3 =	vld [tilespmem:s25+$0x8000]  }
0x1e1: {  	v57 =	vld [tilespmem:s25+$0xC000];
	_ =	sdelay $0x4  }
0x1e2: {  	v3 =	vadd.f32 v57, v3;
	_ =	sdelay $0x1  }
0x1e3: {  	[tilespmem:s25+$0x8000] =	vst v3;
	s25 =	sor.u32 $0x1C20, s19  }
0x1e4: {  	v3 =	vld [tilespmem:s25+$0x8000]  }
0x1e5: {  	v58 =	vld [tilespmem:s25+$0xC000];
	_ =	sdelay $0x4  }
0x1e6: {  	v3 =	vadd.f32 v58, v3;
	_ =	sdelay $0x1  }
0x1e7: {  	[tilespmem:s25+$0x8000] =	vst v3;
	s25 =	sor.u32 $0x1C30, s19  }
0x1e8: {  	v3 =	vld [tilespmem:s25+$0x8000]  }
0x1e9: {  	v59 =	vld [tilespmem:s25+$0xC000];
	_ =	sdelay $0x4  }
0x1ea: {  	v3 =	vadd.f32 v59, v3;
	_ =	sdelay $0x1  }
0x1eb: {  	[tilespmem:s25+$0x8000] =	vst v3;
	s25 =	sor.u32 $0x1C40, s19  }
0x1ec: {  	v3 =	vld [tilespmem:s25+$0x8000]  }
0x1ed: {  	v60 =	vld [tilespmem:s25+$0xC000];
	_ =	sdelay $0x4  }
0x1ee: {  	v3 =	vadd.f32 v60, v3;
	_ =	sdelay $0x1  }
0x1ef: {  	[tilespmem:s25+$0x8000] =	vst v3;
	s25 =	sor.u32 $0x1C50, s19  }
0x1f0: {  	v3 =	vld [tilespmem:s25+$0x8000]  }
0x1f1: {  	v61 =	vld [tilespmem:s25+$0xC000];
	_ =	sdelay $0x4  }
0x1f2: {  	v3 =	vadd.f32 v61, v3;
	_ =	sdelay $0x1  }
0x1f3: {  	[tilespmem:s25+$0x8000] =	vst v3;
	s25 =	sor.u32 $0x1C60, s19  }
0x1f4: {  	v3 =	vld [tilespmem:s25+$0x8000]  }
0x1f5: {  	v62 =	vld [tilespmem:s25+$0xC000];
	_ =	sdelay $0x4  }
0x1f6: {  	v3 =	vadd.f32 v62, v3;
	_ =	sdelay $0x1  }
0x1f7: {  	[tilespmem:s25+$0x8000] =	vst v3;
	s25 =	sor.u32 $0x1C70, s19  }
0x1f8: {  	v3 =	vld [tilespmem:s25+$0x8000]  }
0x1f9: {  	v63 =	vld [tilespmem:s25+$0xC000];
	_ =	sdelay $0x1  }
0x1fa: {  	p0 =	sne.s32 s10, $0x780  }
.Ltmp1:
0x1fb: {  	_ = 	snop;
	(pc) =	sbr.rel @p0 .LBB2_4-.Ltmp1, $4  }
0x1fc: {  	_ = 	snop  }
0x1fd: {  	v3 =	vadd.f32 v63, v3  }
0x1fe: {  	s9 =	sadd.s32 $0x1, s9  }
0x1ff: {  	s23 =	sadd.s32 $0x400, s23;
	s10 =	sadd.s32 $0x80, s10;
	s17 =	sadd.s32 $0x400, s17;
	[tilespmem:s25+$0x8000] =	vst v3  }
0x200: {  	s9 =	simm.s32 $0x0;
	s10 =	rddreg [dreg:$0xa]  }
0x201: {  	[hbm4b:s10+s9] =	stream.linear.scatter [tilespmem:s24], [sflag:$0x3], $0x4000, $0x38;
	[tilespmem:$0x10200] =	vst v63  }
0x202: {  	_ =	swait.ge [sflag:s21], $0x4000  }
0x203: {  	[sflag:s21] =	ssyncset.done $0x0  }
0x204: {  	s17 =	simm.s32 $0x10100;
	s18 =	rddreg [dreg:$0xb];
	[sflag:s21] =	ssyncadd.s32 $0xFFFFC000  }
0x205: {  	[tilespmem:s17], [sflag:$0x3] =	stream.linear.gather [hbm4b:s18+s9], $0x10, $0x38;
	[tilespmem:$0x10200] =	vst v63  }
0x206: {  	_ =	swait.ge [sflag:s21], $0x10  }
0x207: {  	[sflag:s21] =	ssyncset.done $0x0  }
0x208: {  	s23 =	simm.s32 $0x10180;
	s19 =	rddreg [dreg:$0xc];
	[sflag:s21] =	ssyncadd.s32 $0xFFFFFFF0  }
0x209: {  	[tilespmem:s23], [sflag:$0x3] =	stream.linear.gather [hbm4b:s19+s9], $0x10, $0x38;
	[tilespmem:$0x10200] =	vst v63  }
0x20a: {  	_ =	swait.ge [sflag:s21], $0x10  }
0x20b: {  	[sflag:s21] =	ssyncset.done $0x0  }
0x20c: {  	[sflag:s21] =	ssyncadd.s32 $0xFFFFFFF0  }
0x20d: {  	v3 =	vld [tilespmem:$0x10100];
	_ =	sdelay $0x4  }
0x20e: {  	v4 =	vshll.u32 v3, $0x3  }
0x20f: {  	v3 =	vand.u32 $0x7, v3;
	v4 =	vand.u32 $0xFFFFFFC0, v4  }
0x210: {  	v3 =	vor.u32 v3, v4  }
0x211: {  	v4 =	vperm.xlane v3, v0;
	_ =	sdelay $0x1  }
0x212: {  	v4 =	vadd.s32 v1, v4;
	_ =	sdelay $0x4  }
0x213: {  	[tilespmem:s24], [sflag:$0x2] =	stream.indirect_vreg.gather [hbm4b:s3+s9], $0x80, v4, vm0, $0xb8;
	[tilespmem:$0x10200] =	vst v63  }
0x214: {  	s25 =	simm.s32 $0x8800;
	v3 =	vperm.xlane v3, v2  }
0x215: {  	[tilespmem:s25], [sflag:$0x2] =	stream.indirect_vreg.gather [hbm4b:s6+s9], $0x80, v4, vm0, $0xb8;
	[tilespmem:$0x10200] =	vst v63  }
0x216: {  	v3 =	vadd.s32 v1, v3  }
0x217: {  	[tilespmem:s26], [sflag:$0x2] =	stream.indirect_vreg.gather [hbm4b:s7+s9], $0x80, v4, vm0, $0xb8;
	[tilespmem:$0x10200] =	vst v63  }
0x218: {  	_ = 	snop  }
0x219: {  	[tilespmem:s11], [sflag:$0x2] =	stream.indirect_vreg.gather [hbm4b:s8+s9], $0x80, v4, vm0, $0xb8;
	[tilespmem:$0x10200] =	vst v63  }
0x21a: {  	_ = 	snop  }
0x21b: {  	[tilespmem:s28], [sflag:$0x2] =	stream.indirect_vreg.gather [hbm4b:s3+s9], $0x80, v3, vm0, $0xb8;
	[tilespmem:$0x10200] =	vst v63  }
0x21c: {  	_ = 	snop  }
0x21d: {  	[tilespmem:s29], [sflag:$0x2] =	stream.indirect_vreg.gather [hbm4b:s6+s9], $0x80, v3, vm0, $0xb8;
	[tilespmem:$0x10200] =	vst v63  }
0x21e: {  	_ = 	snop  }
0x21f: {  	[tilespmem:s30], [sflag:$0x2] =	stream.indirect_vreg.gather [hbm4b:s7+s9], $0x80, v3, vm0, $0xb8;
	[tilespmem:$0x10200] =	vst v63  }
0x220: {  	_ = 	snop  }
0x221: {  	[tilespmem:s12], [sflag:$0x2] =	stream.indirect_vreg.gather [hbm4b:s8+s9], $0x80, v3, vm0, $0xb8;
	[tilespmem:$0x10200] =	vst v63  }
0x222: {  	v3 =	vld [tilespmem:$0x10180];
	_ =	sdelay $0x4  }
0x223: {  	v63 =	vshll.u32 v3, $0x3  }
0x224: {  	v3 =	vand.u32 $0x7, v3;
	v4 =	vand.u32 $0xFFFFFFC0, v63  }
0x225: {  	v3 =	vor.u32 v3, v4  }
0x226: {  	v4 =	vperm.xlane v3, v0;
	_ =	sdelay $0x1  }
0x227: {  	v4 =	vadd.s32 v1, v4;
	_ =	sdelay $0x4  }
0x228: {  	[tilespmem:s31], [sflag:$0x2] =	stream.indirect_vreg.gather [hbm4b:s3+s9], $0x80, v4, vm0, $0xb8;
	[tilespmem:$0x10200] =	vst v63  }
0x229: {  	v3 =	vperm.xlane v3, v2  }
0x22a: {  	[tilespmem:s0], [sflag:$0x2] =	stream.indirect_vreg.gather [hbm4b:s6+s9], $0x80, v4, vm0, $0xb8;
	[tilespmem:$0x10200] =	vst v63  }
0x22b: {  	v3 =	vadd.s32 v1, v3  }
0x22c: {  	[tilespmem:s1], [sflag:$0x2] =	stream.indirect_vreg.gather [hbm4b:s7+s9], $0x80, v4, vm0, $0xb8;
	[tilespmem:$0x10200] =	vst v63  }
0x22d: {  	_ = 	snop  }
0x22e: {  	[tilespmem:s13], [sflag:$0x2] =	stream.indirect_vreg.gather [hbm4b:s8+s9], $0x80, v4, vm0, $0xb8;
	[tilespmem:$0x10200] =	vst v63  }
0x22f: {  	_ = 	snop  }
0x230: {  	[tilespmem:s4], [sflag:$0x2] =	stream.indirect_vreg.gather [hbm4b:s3+s9], $0x80, v3, vm0, $0xb8;
	[tilespmem:$0x10200] =	vst v63  }
0x231: {  	_ = 	snop  }
0x232: {  	[tilespmem:s14], [sflag:$0x2] =	stream.indirect_vreg.gather [hbm4b:s6+s9], $0x80, v3, vm0, $0xb8;
	[tilespmem:$0x10200] =	vst v63  }
0x233: {  	_ = 	snop  }
0x234: {  	[tilespmem:s5], [sflag:$0x2] =	stream.indirect_vreg.gather [hbm4b:s7+s9], $0x80, v3, vm0, $0xb8;
	[tilespmem:$0x10200] =	vst v63  }
0x235: {  	_ = 	snop  }
0x236: {  	[tilespmem:s15], [sflag:$0x2] =	stream.indirect_vreg.gather [hbm4b:s8+s9], $0x80, v3, vm0, $0xb8;
	[tilespmem:$0x10200] =	vst v63  }
0x237: {  	_ =	swait.ge [sflag:s20], $0x4000  }
0x238: {  	[sflag:s20] =	ssyncset.done $0x0  }
0x239: {  	[sflag:s20] =	ssyncadd.s32 $0xFFFFC000  }
0x23a: {  	_ =	swait.ge [sflag:s20], $0x4000  }
0x23b: {  	s10 =	simm.s32 $0x0;
	[sflag:s20] =	ssyncset.done $0x0  }
0x23c: {  	s17 =	simm.s32 $0x0;
	s23 =	simm.s32 $0xFFFFC000;
	[sflag:s20] =	ssyncadd.s32 $0xFFFFC000  }
.LBB2_6:
0x23d: {  	s18 =	sadd.s32 $0x4000, s23  }
0x23e: {  	s19 =	sand.u32 $0x380, s10;
	s18 =	sand.u32 $0x2000, s18  }
0x23f: {  	s18 =	sor.u32 s19, s18  }
0x240: {  	v3 =	vld [tilespmem:s18+$0x0]  }
0x241: {  	v4 =	vld [tilespmem:s18+$0x4000]  }
0x242: {  	v5 =	vld [tilespmem:s18+$0x10]  }
0x243: {  	v6 =	vld [tilespmem:s18+$0x4010]  }
0x244: {  	v7 =	vld [tilespmem:s18+$0x20]  }
0x245: {  	v8 =	vld [tilespmem:s18+$0x4020]  }
0x246: {  	v9 =	vld [tilespmem:s18+$0x30]  }
0x247: {  	v10 =	vld [tilespmem:s18+$0x4030]  }
0x248: {  	v11 =	vld [tilespmem:s18+$0x40]  }
0x249: {  	v12 =	vld [tilespmem:s18+$0x4040]  }
0x24a: {  	v13 =	vld [tilespmem:s18+$0x50]  }
0x24b: {  	v14 =	vld [tilespmem:s18+$0x4050]  }
0x24c: {  	v15 =	vld [tilespmem:s18+$0x60]  }
0x24d: {  	v16 =	vld [tilespmem:s18+$0x4060]  }
0x24e: {  	v17 =	vld [tilespmem:s18+$0x70]  }
0x24f: {  	v18 =	vld [tilespmem:s18+$0x4070]  }
0x250: {  	v19 =	vld [tilespmem:s18+$0x400]  }
0x251: {  	v20 =	vld [tilespmem:s18+$0x4400]  }
0x252: {  	v21 =	vld [tilespmem:s18+$0x410]  }
0x253: {  	v22 =	vld [tilespmem:s18+$0x4410]  }
0x254: {  	v23 =	vld [tilespmem:s18+$0x420]  }
0x255: {  	v24 =	vld [tilespmem:s18+$0x4420]  }
0x256: {  	v25 =	vld [tilespmem:s18+$0x430]  }
0x257: {  	v26 =	vld [tilespmem:s18+$0x4430]  }
0x258: {  	v27 =	vld [tilespmem:s18+$0x440]  }
0x259: {  	v28 =	vld [tilespmem:s18+$0x4440]  }
0x25a: {  	v29 =	vld [tilespmem:s18+$0x450]  }
0x25b: {  	v30 =	vld [tilespmem:s18+$0x4450]  }
0x25c: {  	v31 =	vld [tilespmem:s18+$0x460]  }
0x25d: {  	v32 =	vld [tilespmem:s18+$0x4460]  }
0x25e: {  	v33 =	vld [tilespmem:s18+$0x470]  }
0x25f: {  	v34 =	vld [tilespmem:s18+$0x4470]  }
0x260: {  	v35 =	vld [tilespmem:s18+$0x800]  }
0x261: {  	v36 =	vld [tilespmem:s18+$0x4800]  }
0x262: {  	v37 =	vld [tilespmem:s18+$0x810]  }
0x263: {  	v38 =	vld [tilespmem:s18+$0x4810]  }
0x264: {  	v39 =	vld [tilespmem:s18+$0x820]  }
0x265: {  	v40 =	vld [tilespmem:s18+$0x4820]  }
0x266: {  	v41 =	vld [tilespmem:s18+$0x830]  }
0x267: {  	v42 =	vld [tilespmem:s18+$0x4830]  }
0x268: {  	v43 =	vld [tilespmem:s18+$0x840]  }
0x269: {  	v44 =	vld [tilespmem:s18+$0x4840]  }
0x26a: {  	v45 =	vld [tilespmem:s18+$0x850]  }
0x26b: {  	v46 =	vld [tilespmem:s18+$0x4850]  }
0x26c: {  	v47 =	vld [tilespmem:s18+$0x860]  }
0x26d: {  	v48 =	vld [tilespmem:s18+$0x4860]  }
0x26e: {  	v49 =	vld [tilespmem:s18+$0x870]  }
0x26f: {  	v50 =	vld [tilespmem:s18+$0x4870]  }
0x270: {  	v51 =	vld [tilespmem:s18+$0xC00]  }
0x271: {  	v52 =	vld [tilespmem:s18+$0x4C00]  }
0x272: {  	v53 =	vld [tilespmem:s18+$0xC10]  }
0x273: {  	v54 =	vld [tilespmem:s18+$0x4C10]  }
0x274: {  	v55 =	vld [tilespmem:s18+$0xC20]  }
0x275: {  	v56 =	vld [tilespmem:s18+$0x4C20]  }
0x276: {  	v57 =	vld [tilespmem:s18+$0xC30]  }
0x277: {  	v58 =	vld [tilespmem:s18+$0x4C30]  }
0x278: {  	v59 =	vld [tilespmem:s18+$0xC40]  }
0x279: {  	v60 =	vld [tilespmem:s18+$0x4C40]  }
0x27a: {  	v61 =	vld [tilespmem:s18+$0xC50]  }
0x27b: {  	v62 =	vld [tilespmem:s18+$0x4C50]  }
0x27c: {  	v63 =	vld [tilespmem:s18+$0xC60]  }
0x27d: {  	v3 =	vadd.f32 v4, v3;
	v4 =	vld [tilespmem:s18+$0x4C60]  }
0x27e: {  	v5 =	vadd.f32 v6, v5;
	v6 =	vld [tilespmem:s18+$0xC70]  }
0x27f: {  	v14 =	vadd.f32 v14, v13;
	v13 =	vld [tilespmem:s18+$0x5020];
	[tilespmem:s18+$0x0] =	vst v3;
	v3 =	vadd.f32 v8, v7  }
0x280: {  	v18 =	vadd.f32 v18, v17;
	v17 =	vld [tilespmem:s18+$0x5040];
	[tilespmem:s18+$0x10] =	vst v5  }
0x281: {  	v22 =	vadd.f32 v22, v21;
	v21 =	vld [tilespmem:s18+$0x5060];
	[tilespmem:s18+$0x20] =	vst v3;
	v3 =	vadd.f32 v12, v11  }
0x282: {  	v7 =	vld [tilespmem:s18+$0x4C70];
	[tilespmem:s18+$0x50] =	vst v14  }
0x283: {  	v8 =	vld [tilespmem:s18+$0x1000];
	[tilespmem:s18+$0x40] =	vst v3;
	v3 =	vadd.f32 v16, v15  }
0x284: {  	v5 =	vadd.f32 v10, v9;
	v9 =	vld [tilespmem:s18+$0x5000];
	[tilespmem:s18+$0x70] =	vst v18  }
0x285: {  	v10 =	vld [tilespmem:s18+$0x1010];
	[tilespmem:s18+$0x60] =	vst v3;
	v3 =	vadd.f32 v20, v19  }
0x286: {  	v26 =	vadd.f32 v26, v25;
	v14 =	vld [tilespmem:s18+$0x1030];
	[tilespmem:s18+$0x410] =	vst v22  }
0x287: {  	v18 =	vld [tilespmem:s18+$0x1050];
	[tilespmem:s18+$0x400] =	vst v3;
	v3 =	vadd.f32 v24, v23  }
0x288: {  	v30 =	vadd.f32 v30, v29;
	[tilespmem:s18+$0x430] =	vst v26;
	v22 =	vld [tilespmem:s18+$0x1070]  }
0x289: {  	v19 =	vld [tilespmem:s18+$0x5050];
	[tilespmem:s18+$0x420] =	vst v3;
	v3 =	vadd.f32 v28, v27  }
0x28a: {  	v34 =	vadd.f32 v34, v33;
	[tilespmem:s18+$0x450] =	vst v30;
	v11 =	vld [tilespmem:s18+$0x5010]  }
0x28b: {  	v12 =	vld [tilespmem:s18+$0x1020];
	[tilespmem:s18+$0x440] =	vst v3;
	v3 =	vadd.f32 v32, v31  }
0x28c: {  	[tilespmem:s18+$0x470] =	vst v34;
	v15 =	vld [tilespmem:s18+$0x5030]  }
0x28d: {  	v16 =	vld [tilespmem:s18+$0x1040];
	[tilespmem:s18+$0x460] =	vst v3;
	v3 =	vadd.f32 v36, v35  }
0x28e: {  	[tilespmem:s18+$0x30] =	vst v5;
	v20 =	vld [tilespmem:s18+$0x1060];
	v19 =	vadd.f32 v19, v18  }
0x28f: {  	v24 =	vld [tilespmem:s18+$0x1400];
	[tilespmem:s18+$0x800] =	vst v3;
	v3 =	vadd.f32 v40, v39  }
0x290: {  	[tilespmem:s18+$0x1050] =	vst v19;
	v36 =	vadd.f32 v38, v37;
	v37 =	vld [tilespmem:s18+$0x5070]  }
0x291: {  	v38 =	vadd.f32 v42, v41;
	v41 =	vld [tilespmem:s18+$0x1410];
	[tilespmem:s18+$0x820] =	vst v3;
	v3 =	vadd.f32 v44, v43  }
0x292: {  	v42 =	vld [tilespmem:s18+$0x5410];
	[tilespmem:s18+$0x810] =	vst v36  }
0x293: {  	v35 =	vld [tilespmem:s18+$0x1810];
	[tilespmem:s18+$0x840] =	vst v3;
	v3 =	vadd.f32 v48, v47  }
0x294: {  	v39 =	vld [tilespmem:s18+$0x5400];
	[tilespmem:s18+$0x830] =	vst v38;
	v40 =	vadd.f32 v46, v45  }
0x295: {  	v45 =	vld [tilespmem:s18+$0x5420];
	[tilespmem:s18+$0x860] =	vst v3;
	v3 =	vadd.f32 v52, v51  }
0x296: {  	v46 =	vadd.f32 v54, v53;
	v53 =	vld [tilespmem:s18+$0x1450];
	[tilespmem:s18+$0x850] =	vst v40  }
0x297: {  	v54 =	vld [tilespmem:s18+$0x5450];
	[tilespmem:s18+$0xC00] =	vst v3;
	v3 =	vadd.f32 v56, v55  }
0x298: {  	v36 =	vld [tilespmem:s18+$0x5810];
	v43 =	vadd.f32 v50, v49;
	[tilespmem:s18+$0xC10] =	vst v46  }
0x299: {  	v38 =	vld [tilespmem:s18+$0x1820];
	[tilespmem:s18+$0xC20] =	vst v3;
	v3 =	vadd.f32 v60, v59  }
0x29a: {  	v44 =	vld [tilespmem:s18+$0x1420];
	v49 =	vadd.f32 v58, v57;
	[tilespmem:s18+$0x870] =	vst v43  }
0x29b: {  	v50 =	vld [tilespmem:s18+$0x1440];
	[tilespmem:s18+$0xC40] =	vst v3;
	v3 =	vadd.f32 v4, v63  }
0x29c: {  	v57 =	vld [tilespmem:s18+$0x5460];
	v58 =	vadd.f32 v11, v10;
	[tilespmem:s18+$0xC30] =	vst v49  }
0x29d: {  	v46 =	vld [tilespmem:s18+$0x5850];
	[tilespmem:s18+$0xC60] =	vst v3;
	v3 =	vadd.f32 v9, v8  }
0x29e: {  	v37 =	vadd.f32 v37, v22;
	v40 =	vadd.f32 v42, v41;
	v41 =	vld [tilespmem:s18+$0x1830];
	[tilespmem:s18+$0x1010] =	vst v58  }
0x29f: {  	v42 =	vld [tilespmem:s18+$0x5830];
	[tilespmem:s18+$0x1000] =	vst v3;
	v3 =	vadd.f32 v13, v12  }
0x2a0: {  	v47 =	vld [tilespmem:s18+$0x1430];
	[tilespmem:s18+$0x1070] =	vst v37  }
0x2a1: {  	v48 =	vld [tilespmem:s18+$0x5430];
	[tilespmem:s18+$0x1020] =	vst v3;
	v3 =	vadd.f32 v17, v16  }
0x2a2: {  	v49 =	vld [tilespmem:s18+$0x5860];
	[tilespmem:s18+$0x1410] =	vst v40;
	v52 =	vadd.f32 v62, v61  }
0x2a3: {  	v51 =	vld [tilespmem:s18+$0x5440];
	[tilespmem:s18+$0x1040] =	vst v3;
	v3 =	vadd.f32 v21, v20  }
0x2a4: {  	v61 =	vadd.f32 v15, v14;
	v62 =	vld [tilespmem:s18+$0x1800];
	[tilespmem:s18+$0xC50] =	vst v52  }
0x2a5: {  	v56 =	vld [tilespmem:s18+$0x1460];
	[tilespmem:s18+$0x1060] =	vst v3;
	v3 =	vadd.f32 v39, v24  }
0x2a6: {  	v55 =	vadd.f32 v7, v6;
	[tilespmem:s18+$0x1030] =	vst v61;
	v52 =	vld [tilespmem:s18+$0x5870]  }
0x2a7: {  	v43 =	vadd.f32 v48, v47;
	v47 =	vld [tilespmem:s18+$0x1860];
	[tilespmem:s18+$0x1400] =	vst v3;
	v3 =	vadd.f32 v45, v44  }
0x2a8: {  	[tilespmem:s18+$0xC70] =	vst v55;
	v63 =	vld [tilespmem:s18+$0x5800]  }
0x2a9: {  	v59 =	vld [tilespmem:s18+$0x1470];
	[tilespmem:s18+$0x1420] =	vst v3;
	v3 =	vadd.f32 v51, v50  }
0x2aa: {  	[tilespmem:s18+$0x1430] =	vst v43;
	v4 =	vadd.f32 v54, v53;
	v39 =	vld [tilespmem:s18+$0x5820]  }
0x2ab: {  	v60 =	vld [tilespmem:s18+$0x5470];
	[tilespmem:s18+$0x1440] =	vst v3;
	v3 =	vadd.f32 v57, v56  }
0x2ac: {  	v54 =	vadd.f32 v42, v41;
	[tilespmem:s18+$0x1450] =	vst v4;
	v45 =	vld [tilespmem:s18+$0x1850]  }
0x2ad: {  	v53 =	vld [tilespmem:s18+$0x5840];
	[tilespmem:s18+$0x1460] =	vst v3;
	v3 =	vadd.f32 v63, v62  }
0x2ae: {  	[tilespmem:s18+$0x1830] =	vst v54;
	v55 =	vadd.f32 v49, v47;
	v50 =	vld [tilespmem:s18+$0x1870]  }
0x2af: {  	v44 =	vld [tilespmem:s18+$0x1840];
	[tilespmem:s18+$0x1800] =	vst v3;
	v3 =	vadd.f32 v39, v38  }
0x2b0: {  	v48 =	vadd.f32 v60, v59;
	[tilespmem:s18+$0x1860] =	vst v55  }
0x2b1: {  	[tilespmem:s18+$0x1820] =	vst v3;
	v3 =	vadd.f32 v46, v45  }
0x2b2: {  	s25 =	sand.u32 $0x7, s9;
	[tilespmem:s18+$0x1470] =	vst v48;
	v51 =	vadd.f32 v36, v35  }
0x2b3: {  	s19 =	sshll.u32 s25, $0x7;
	[tilespmem:s18+$0x1850] =	vst v3;
	v3 =	vadd.f32 v52, v50  }
0x2b4: {  	s19 =	sadd.s32 s19, s17;
	[tilespmem:s18+$0x1810] =	vst v51;
	v56 =	vadd.f32 v53, v44  }
0x2b5: {  	s25 =	sor.u32 $0x1C00, s19;
	[tilespmem:s18+$0x1870] =	vst v3  }
0x2b6: {  	[tilespmem:s18+$0x1840] =	vst v56;
	v3 =	vld [tilespmem:s25+$0x0]  }
0x2b7: {  	v4 =	vld [tilespmem:s25+$0x4000];
	_ =	sdelay $0x4  }
0x2b8: {  	v3 =	vadd.f32 v4, v3;
	_ =	sdelay $0x1  }
0x2b9: {  	[tilespmem:s25+$0x0] =	vst v3;
	s25 =	sor.u32 $0x1C10, s19  }
0x2ba: {  	v3 =	vld [tilespmem:s25+$0x0]  }
0x2bb: {  	v57 =	vld [tilespmem:s25+$0x4000];
	_ =	sdelay $0x4  }
0x2bc: {  	v3 =	vadd.f32 v57, v3;
	_ =	sdelay $0x1  }
0x2bd: {  	[tilespmem:s25+$0x0] =	vst v3;
	s25 =	sor.u32 $0x1C20, s19  }
0x2be: {  	v3 =	vld [tilespmem:s25+$0x0]  }
0x2bf: {  	v58 =	vld [tilespmem:s25+$0x4000];
	_ =	sdelay $0x4  }
0x2c0: {  	v3 =	vadd.f32 v58, v3;
	_ =	sdelay $0x1  }
0x2c1: {  	[tilespmem:s25+$0x0] =	vst v3;
	s25 =	sor.u32 $0x1C30, s19  }
0x2c2: {  	v3 =	vld [tilespmem:s25+$0x0]  }
0x2c3: {  	v59 =	vld [tilespmem:s25+$0x4000];
	_ =	sdelay $0x4  }
0x2c4: {  	v3 =	vadd.f32 v59, v3;
	_ =	sdelay $0x1  }
0x2c5: {  	[tilespmem:s25+$0x0] =	vst v3;
	s25 =	sor.u32 $0x1C40, s19  }
0x2c6: {  	v3 =	vld [tilespmem:s25+$0x0]  }
0x2c7: {  	v60 =	vld [tilespmem:s25+$0x4000];
	_ =	sdelay $0x4  }
0x2c8: {  	v3 =	vadd.f32 v60, v3;
	_ =	sdelay $0x1  }
0x2c9: {  	[tilespmem:s25+$0x0] =	vst v3;
	s25 =	sor.u32 $0x1C50, s19  }
0x2ca: {  	v3 =	vld [tilespmem:s25+$0x0]  }
0x2cb: {  	v61 =	vld [tilespmem:s25+$0x4000];
	_ =	sdelay $0x4  }
0x2cc: {  	v3 =	vadd.f32 v61, v3;
	_ =	sdelay $0x1  }
0x2cd: {  	[tilespmem:s25+$0x0] =	vst v3;
	s25 =	sor.u32 $0x1C60, s19  }
0x2ce: {  	v3 =	vld [tilespmem:s25+$0x0]  }
0x2cf: {  	v62 =	vld [tilespmem:s25+$0x4000];
	_ =	sdelay $0x4  }
0x2d0: {  	v3 =	vadd.f32 v62, v3;
	_ =	sdelay $0x1  }
0x2d1: {  	[tilespmem:s25+$0x0] =	vst v3;
	s25 =	sor.u32 $0x1C70, s19  }
0x2d2: {  	v3 =	vld [tilespmem:s25+$0x0]  }
0x2d3: {  	v63 =	vld [tilespmem:s25+$0x4000];
	_ =	sdelay $0x1  }
0x2d4: {  	p0 =	sne.s32 s10, $0x780  }
.Ltmp2:
0x2d5: {  	_ = 	snop;
	(pc) =	sbr.rel @p0 .LBB2_6-.Ltmp2, $4  }
0x2d6: {  	_ = 	snop  }
0x2d7: {  	v3 =	vadd.f32 v63, v3  }
0x2d8: {  	s9 =	sadd.s32 $0x1, s9  }
0x2d9: {  	s23 =	sadd.s32 $0x400, s23;
	s10 =	sadd.s32 $0x80, s10;
	s17 =	sadd.s32 $0x400, s17;
	[tilespmem:s25+$0x0] =	vst v3  }
0x2da: {  	s9 =	simm.s32 $0x0;
	s10 =	rddreg [dreg:$0xd]  }
0x2db: {  	[hbm4b:s10+s9] =	stream.linear.scatter [tilespmem:s9], [sflag:$0x3], $0x4000, $0x38;
	[tilespmem:$0x10200] =	vst v63  }
0x2dc: {  	_ =	swait.ge [sflag:s21], $0x4000  }
0x2dd: {  	[sflag:s21] =	ssyncset.done $0x0  }
0x2de: {  	[sflag:s21] =	ssyncadd.s32 $0xFFFFC000  }
0x2df: {  	_ =	swait.ge [sflag:s16], $0x4000  }
0x2e0: {  	[sflag:s16] =	ssyncset.done $0x0  }
0x2e1: {  	[sflag:s16] =	ssyncadd.s32 $0xFFFFC000  }
0x2e2: {  	_ =	swait.ge [sflag:s16], $0x4000  }
0x2e3: {  	s23 =	simm.s32 $0xFFFFC000;
	[sflag:s16] =	ssyncset.done $0x0  }
0x2e4: {  	s17 =	simm.s32 $0x0;
	s10 =	simm.s32 $0x0;
	[sflag:s16] =	ssyncadd.s32 $0xFFFFC000  }
.LBB2_8:
0x2e5: {  	s18 =	sadd.s32 $0x4000, s23  }
0x2e6: {  	s19 =	sand.u32 $0x380, s10;
	s18 =	sand.u32 $0x2000, s18  }
0x2e7: {  	s18 =	sor.u32 s19, s18  }
0x2e8: {  	v3 =	vld [tilespmem:s18+$0x8000]  }
0x2e9: {  	v4 =	vld [tilespmem:s18+$0xC000]  }
0x2ea: {  	v5 =	vld [tilespmem:s18+$0x8010]  }
0x2eb: {  	v6 =	vld [tilespmem:s18+$0xC010]  }
0x2ec: {  	v7 =	vld [tilespmem:s18+$0x8020]  }
0x2ed: {  	v8 =	vld [tilespmem:s18+$0xC020]  }
0x2ee: {  	v9 =	vld [tilespmem:s18+$0x8030]  }
0x2ef: {  	v10 =	vld [tilespmem:s18+$0xC030]  }
0x2f0: {  	v11 =	vld [tilespmem:s18+$0x8040]  }
0x2f1: {  	v12 =	vld [tilespmem:s18+$0xC040]  }
0x2f2: {  	v13 =	vld [tilespmem:s18+$0x8050]  }
0x2f3: {  	v14 =	vld [tilespmem:s18+$0xC050]  }
0x2f4: {  	v15 =	vld [tilespmem:s18+$0x8060]  }
0x2f5: {  	v16 =	vld [tilespmem:s18+$0xC060]  }
0x2f6: {  	v17 =	vld [tilespmem:s18+$0x8070]  }
0x2f7: {  	v18 =	vld [tilespmem:s18+$0xC070]  }
0x2f8: {  	v19 =	vld [tilespmem:s18+$0x8400]  }
0x2f9: {  	v20 =	vld [tilespmem:s18+$0xC400]  }
0x2fa: {  	v21 =	vld [tilespmem:s18+$0x8410]  }
0x2fb: {  	v22 =	vld [tilespmem:s18+$0xC410]  }
0x2fc: {  	v23 =	vld [tilespmem:s18+$0x8420]  }
0x2fd: {  	v24 =	vld [tilespmem:s18+$0xC420]  }
0x2fe: {  	v25 =	vld [tilespmem:s18+$0x8430]  }
0x2ff: {  	v26 =	vld [tilespmem:s18+$0xC430]  }
0x300: {  	v27 =	vld [tilespmem:s18+$0x8440]  }
0x301: {  	v28 =	vld [tilespmem:s18+$0xC440]  }
0x302: {  	v29 =	vld [tilespmem:s18+$0x8450]  }
0x303: {  	v30 =	vld [tilespmem:s18+$0xC450]  }
0x304: {  	v31 =	vld [tilespmem:s18+$0x8460]  }
0x305: {  	v32 =	vld [tilespmem:s18+$0xC460]  }
0x306: {  	v33 =	vld [tilespmem:s18+$0x8470]  }
0x307: {  	v34 =	vld [tilespmem:s18+$0xC470]  }
0x308: {  	v35 =	vld [tilespmem:s18+$0x8800]  }
0x309: {  	v36 =	vld [tilespmem:s18+$0xC800]  }
0x30a: {  	v37 =	vld [tilespmem:s18+$0x8810]  }
0x30b: {  	v38 =	vld [tilespmem:s18+$0xC810]  }
0x30c: {  	v39 =	vld [tilespmem:s18+$0x8820]  }
0x30d: {  	v40 =	vld [tilespmem:s18+$0xC820]  }
0x30e: {  	v41 =	vld [tilespmem:s18+$0x8830]  }
0x30f: {  	v42 =	vld [tilespmem:s18+$0xC830]  }
0x310: {  	v43 =	vld [tilespmem:s18+$0x8840]  }
0x311: {  	v44 =	vld [tilespmem:s18+$0xC840]  }
0x312: {  	v45 =	vld [tilespmem:s18+$0x8850]  }
0x313: {  	v46 =	vld [tilespmem:s18+$0xC850]  }
0x314: {  	v47 =	vld [tilespmem:s18+$0x8860]  }
0x315: {  	v48 =	vld [tilespmem:s18+$0xC860]  }
0x316: {  	v49 =	vld [tilespmem:s18+$0x8870]  }
0x317: {  	v50 =	vld [tilespmem:s18+$0xC870]  }
0x318: {  	v51 =	vld [tilespmem:s18+$0x8C00]  }
0x319: {  	v52 =	vld [tilespmem:s18+$0xCC00]  }
0x31a: {  	v53 =	vld [tilespmem:s18+$0x8C10]  }
0x31b: {  	v54 =	vld [tilespmem:s18+$0xCC10]  }
0x31c: {  	v55 =	vld [tilespmem:s18+$0x8C20]  }
0x31d: {  	v56 =	vld [tilespmem:s18+$0xCC20]  }
0x31e: {  	v57 =	vld [tilespmem:s18+$0x8C30]  }
0x31f: {  	v58 =	vld [tilespmem:s18+$0xCC30]  }
0x320: {  	v59 =	vld [tilespmem:s18+$0x8C40]  }
0x321: {  	v60 =	vld [tilespmem:s18+$0xCC40]  }
0x322: {  	v61 =	vld [tilespmem:s18+$0x8C50]  }
0x323: {  	v62 =	vld [tilespmem:s18+$0xCC50]  }
0x324: {  	v63 =	vld [tilespmem:s18+$0x8C60]  }
0x325: {  	v3 =	vadd.f32 v4, v3;
	v4 =	vld [tilespmem:s18+$0xCC60]  }
0x326: {  	v5 =	vadd.f32 v6, v5;
	v6 =	vld [tilespmem:s18+$0x8C70]  }
0x327: {  	v14 =	vadd.f32 v14, v13;
	v13 =	vld [tilespmem:s18+$0xD020];
	[tilespmem:s18+$0x8000] =	vst v3;
	v3 =	vadd.f32 v8, v7  }
0x328: {  	v18 =	vadd.f32 v18, v17;
	v17 =	vld [tilespmem:s18+$0xD040];
	[tilespmem:s18+$0x8010] =	vst v5  }
0x329: {  	v22 =	vadd.f32 v22, v21;
	v21 =	vld [tilespmem:s18+$0xD060];
	[tilespmem:s18+$0x8020] =	vst v3;
	v3 =	vadd.f32 v12, v11  }
0x32a: {  	v7 =	vld [tilespmem:s18+$0xCC70];
	[tilespmem:s18+$0x8050] =	vst v14  }
0x32b: {  	v8 =	vld [tilespmem:s18+$0x9000];
	[tilespmem:s18+$0x8040] =	vst v3;
	v3 =	vadd.f32 v16, v15  }
0x32c: {  	v5 =	vadd.f32 v10, v9;
	v9 =	vld [tilespmem:s18+$0xD000];
	[tilespmem:s18+$0x8070] =	vst v18  }
0x32d: {  	v10 =	vld [tilespmem:s18+$0x9010];
	[tilespmem:s18+$0x8060] =	vst v3;
	v3 =	vadd.f32 v20, v19  }
0x32e: {  	v26 =	vadd.f32 v26, v25;
	v14 =	vld [tilespmem:s18+$0x9030];
	[tilespmem:s18+$0x8410] =	vst v22  }
0x32f: {  	v18 =	vld [tilespmem:s18+$0x9050];
	[tilespmem:s18+$0x8400] =	vst v3;
	v3 =	vadd.f32 v24, v23  }
0x330: {  	v30 =	vadd.f32 v30, v29;
	[tilespmem:s18+$0x8430] =	vst v26;
	v22 =	vld [tilespmem:s18+$0x9070]  }
0x331: {  	v19 =	vld [tilespmem:s18+$0xD050];
	[tilespmem:s18+$0x8420] =	vst v3;
	v3 =	vadd.f32 v28, v27  }
0x332: {  	v34 =	vadd.f32 v34, v33;
	[tilespmem:s18+$0x8450] =	vst v30;
	v11 =	vld [tilespmem:s18+$0xD010]  }
0x333: {  	v12 =	vld [tilespmem:s18+$0x9020];
	[tilespmem:s18+$0x8440] =	vst v3;
	v3 =	vadd.f32 v32, v31  }
0x334: {  	[tilespmem:s18+$0x8470] =	vst v34;
	v15 =	vld [tilespmem:s18+$0xD030]  }
0x335: {  	v16 =	vld [tilespmem:s18+$0x9040];
	[tilespmem:s18+$0x8460] =	vst v3;
	v3 =	vadd.f32 v36, v35  }
0x336: {  	[tilespmem:s18+$0x8030] =	vst v5;
	v20 =	vld [tilespmem:s18+$0x9060];
	v19 =	vadd.f32 v19, v18  }
0x337: {  	v24 =	vld [tilespmem:s18+$0x9400];
	[tilespmem:s18+$0x8800] =	vst v3;
	v3 =	vadd.f32 v40, v39  }
0x338: {  	[tilespmem:s18+$0x9050] =	vst v19;
	v36 =	vadd.f32 v38, v37;
	v37 =	vld [tilespmem:s18+$0xD070]  }
0x339: {  	v38 =	vadd.f32 v42, v41;
	v41 =	vld [tilespmem:s18+$0x9410];
	[tilespmem:s18+$0x8820] =	vst v3;
	v3 =	vadd.f32 v44, v43  }
0x33a: {  	v42 =	vld [tilespmem:s18+$0xD410];
	[tilespmem:s18+$0x8810] =	vst v36  }
0x33b: {  	v35 =	vld [tilespmem:s18+$0x9810];
	[tilespmem:s18+$0x8840] =	vst v3;
	v3 =	vadd.f32 v48, v47  }
0x33c: {  	v39 =	vld [tilespmem:s18+$0xD400];
	[tilespmem:s18+$0x8830] =	vst v38;
	v40 =	vadd.f32 v46, v45  }
0x33d: {  	v45 =	vld [tilespmem:s18+$0xD420];
	[tilespmem:s18+$0x8860] =	vst v3;
	v3 =	vadd.f32 v52, v51  }
0x33e: {  	v46 =	vadd.f32 v54, v53;
	v53 =	vld [tilespmem:s18+$0x9450];
	[tilespmem:s18+$0x8850] =	vst v40  }
0x33f: {  	v54 =	vld [tilespmem:s18+$0xD450];
	[tilespmem:s18+$0x8C00] =	vst v3;
	v3 =	vadd.f32 v56, v55  }
0x340: {  	v36 =	vld [tilespmem:s18+$0xD810];
	v43 =	vadd.f32 v50, v49;
	[tilespmem:s18+$0x8C10] =	vst v46  }
0x341: {  	v38 =	vld [tilespmem:s18+$0x9820];
	[tilespmem:s18+$0x8C20] =	vst v3;
	v3 =	vadd.f32 v60, v59  }
0x342: {  	v44 =	vld [tilespmem:s18+$0x9420];
	v49 =	vadd.f32 v58, v57;
	[tilespmem:s18+$0x8870] =	vst v43  }
0x343: {  	v50 =	vld [tilespmem:s18+$0x9440];
	[tilespmem:s18+$0x8C40] =	vst v3;
	v3 =	vadd.f32 v4, v63  }
0x344: {  	v57 =	vld [tilespmem:s18+$0xD460];
	v58 =	vadd.f32 v11, v10;
	[tilespmem:s18+$0x8C30] =	vst v49  }
0x345: {  	v46 =	vld [tilespmem:s18+$0xD850];
	[tilespmem:s18+$0x8C60] =	vst v3;
	v3 =	vadd.f32 v9, v8  }
0x346: {  	v37 =	vadd.f32 v37, v22;
	v40 =	vadd.f32 v42, v41;
	v41 =	vld [tilespmem:s18+$0x9830];
	[tilespmem:s18+$0x9010] =	vst v58  }
0x347: {  	v42 =	vld [tilespmem:s18+$0xD830];
	[tilespmem:s18+$0x9000] =	vst v3;
	v3 =	vadd.f32 v13, v12  }
0x348: {  	v47 =	vld [tilespmem:s18+$0x9430];
	[tilespmem:s18+$0x9070] =	vst v37  }
0x349: {  	v48 =	vld [tilespmem:s18+$0xD430];
	[tilespmem:s18+$0x9020] =	vst v3;
	v3 =	vadd.f32 v17, v16  }
0x34a: {  	v49 =	vld [tilespmem:s18+$0xD860];
	[tilespmem:s18+$0x9410] =	vst v40;
	v52 =	vadd.f32 v62, v61  }
0x34b: {  	v51 =	vld [tilespmem:s18+$0xD440];
	[tilespmem:s18+$0x9040] =	vst v3;
	v3 =	vadd.f32 v21, v20  }
0x34c: {  	v61 =	vadd.f32 v15, v14;
	v62 =	vld [tilespmem:s18+$0x9800];
	[tilespmem:s18+$0x8C50] =	vst v52  }
0x34d: {  	v56 =	vld [tilespmem:s18+$0x9460];
	[tilespmem:s18+$0x9060] =	vst v3;
	v3 =	vadd.f32 v39, v24  }
0x34e: {  	v55 =	vadd.f32 v7, v6;
	[tilespmem:s18+$0x9030] =	vst v61;
	v52 =	vld [tilespmem:s18+$0xD870]  }
0x34f: {  	v43 =	vadd.f32 v48, v47;
	v47 =	vld [tilespmem:s18+$0x9860];
	[tilespmem:s18+$0x9400] =	vst v3;
	v3 =	vadd.f32 v45, v44  }
0x350: {  	[tilespmem:s18+$0x8C70] =	vst v55;
	v63 =	vld [tilespmem:s18+$0xD800]  }
0x351: {  	v59 =	vld [tilespmem:s18+$0x9470];
	[tilespmem:s18+$0x9420] =	vst v3;
	v3 =	vadd.f32 v51, v50  }
0x352: {  	[tilespmem:s18+$0x9430] =	vst v43;
	v4 =	vadd.f32 v54, v53;
	v39 =	vld [tilespmem:s18+$0xD820]  }
0x353: {  	v60 =	vld [tilespmem:s18+$0xD470];
	[tilespmem:s18+$0x9440] =	vst v3;
	v3 =	vadd.f32 v57, v56  }
0x354: {  	v54 =	vadd.f32 v42, v41;
	[tilespmem:s18+$0x9450] =	vst v4;
	v45 =	vld [tilespmem:s18+$0x9850]  }
0x355: {  	v53 =	vld [tilespmem:s18+$0xD840];
	[tilespmem:s18+$0x9460] =	vst v3;
	v3 =	vadd.f32 v63, v62  }
0x356: {  	[tilespmem:s18+$0x9830] =	vst v54;
	v55 =	vadd.f32 v49, v47;
	v50 =	vld [tilespmem:s18+$0x9870]  }
0x357: {  	v44 =	vld [tilespmem:s18+$0x9840];
	[tilespmem:s18+$0x9800] =	vst v3;
	v3 =	vadd.f32 v39, v38  }
0x358: {  	v48 =	vadd.f32 v60, v59;
	[tilespmem:s18+$0x9860] =	vst v55  }
0x359: {  	[tilespmem:s18+$0x9820] =	vst v3;
	v3 =	vadd.f32 v46, v45  }
0x35a: {  	s25 =	sand.u32 $0x7, s9;
	[tilespmem:s18+$0x9470] =	vst v48;
	v51 =	vadd.f32 v36, v35  }
0x35b: {  	s19 =	sshll.u32 s25, $0x7;
	[tilespmem:s18+$0x9850] =	vst v3;
	v3 =	vadd.f32 v52, v50  }
0x35c: {  	s19 =	sadd.s32 s19, s17;
	[tilespmem:s18+$0x9810] =	vst v51;
	v56 =	vadd.f32 v53, v44  }
0x35d: {  	s25 =	sor.u32 $0x1C00, s19;
	[tilespmem:s18+$0x9870] =	vst v3  }
0x35e: {  	[tilespmem:s18+$0x9840] =	vst v56;
	v3 =	vld [tilespmem:s25+$0x8000]  }
0x35f: {  	v4 =	vld [tilespmem:s25+$0xC000];
	_ =	sdelay $0x4  }
0x360: {  	v3 =	vadd.f32 v4, v3;
	_ =	sdelay $0x1  }
0x361: {  	[tilespmem:s25+$0x8000] =	vst v3;
	s25 =	sor.u32 $0x1C10, s19  }
0x362: {  	v3 =	vld [tilespmem:s25+$0x8000]  }
0x363: {  	v57 =	vld [tilespmem:s25+$0xC000];
	_ =	sdelay $0x4  }
0x364: {  	v3 =	vadd.f32 v57, v3;
	_ =	sdelay $0x1  }
0x365: {  	[tilespmem:s25+$0x8000] =	vst v3;
	s25 =	sor.u32 $0x1C20, s19  }
0x366: {  	v3 =	vld [tilespmem:s25+$0x8000]  }
0x367: {  	v58 =	vld [tilespmem:s25+$0xC000];
	_ =	sdelay $0x4  }
0x368: {  	v3 =	vadd.f32 v58, v3;
	_ =	sdelay $0x1  }
0x369: {  	[tilespmem:s25+$0x8000] =	vst v3;
	s25 =	sor.u32 $0x1C30, s19  }
0x36a: {  	v3 =	vld [tilespmem:s25+$0x8000]  }
0x36b: {  	v59 =	vld [tilespmem:s25+$0xC000];
	_ =	sdelay $0x4  }
0x36c: {  	v3 =	vadd.f32 v59, v3;
	_ =	sdelay $0x1  }
0x36d: {  	[tilespmem:s25+$0x8000] =	vst v3;
	s25 =	sor.u32 $0x1C40, s19  }
0x36e: {  	v3 =	vld [tilespmem:s25+$0x8000]  }
0x36f: {  	v60 =	vld [tilespmem:s25+$0xC000];
	_ =	sdelay $0x4  }
0x370: {  	v3 =	vadd.f32 v60, v3;
	_ =	sdelay $0x1  }
0x371: {  	[tilespmem:s25+$0x8000] =	vst v3;
	s25 =	sor.u32 $0x1C50, s19  }
0x372: {  	v3 =	vld [tilespmem:s25+$0x8000]  }
0x373: {  	v61 =	vld [tilespmem:s25+$0xC000];
	_ =	sdelay $0x4  }
0x374: {  	v3 =	vadd.f32 v61, v3;
	_ =	sdelay $0x1  }
0x375: {  	[tilespmem:s25+$0x8000] =	vst v3;
	s25 =	sor.u32 $0x1C60, s19  }
0x376: {  	v3 =	vld [tilespmem:s25+$0x8000]  }
0x377: {  	v62 =	vld [tilespmem:s25+$0xC000];
	_ =	sdelay $0x4  }
0x378: {  	v3 =	vadd.f32 v62, v3;
	_ =	sdelay $0x1  }
0x379: {  	[tilespmem:s25+$0x8000] =	vst v3;
	s25 =	sor.u32 $0x1C70, s19  }
0x37a: {  	v3 =	vld [tilespmem:s25+$0x8000]  }
0x37b: {  	v63 =	vld [tilespmem:s25+$0xC000];
	_ =	sdelay $0x1  }
0x37c: {  	p0 =	sne.s32 s10, $0x780  }
.Ltmp3:
0x37d: {  	_ = 	snop;
	(pc) =	sbr.rel @p0 .LBB2_8-.Ltmp3, $4  }
0x37e: {  	_ = 	snop  }
0x37f: {  	v3 =	vadd.f32 v63, v3  }
0x380: {  	s9 =	sadd.s32 $0x1, s9  }
0x381: {  	s23 =	sadd.s32 $0x400, s23;
	s10 =	sadd.s32 $0x80, s10;
	s17 =	sadd.s32 $0x400, s17;
	[tilespmem:s25+$0x8000] =	vst v3  }
0x382: {  	s9 =	rddreg [dreg:$0xe]  }
0x383: {  	[hbm4b:s9+s2] =	stream.linear.scatter [tilespmem:s24], [sflag:$0x3], $0x4000, $0x38;
	[tilespmem:$0x10200] =	vst v63  }
0x384: {  	_ =	swait.ge [sflag:s21], $0x4000  }
0x385: {  	s22 =	sadd.s32 $0x1, s22;
	s25 =	rddreg [dreg:$0xf]  }
0x386: {  	p0 =	sne.s32 s22, s25  }
.Ltmp4:
0x387: {  	_ = 	snop;
	(pc) =	sbr.rel @p0 .LBB2_1-.Ltmp4, $3  }
0x388: {  	_ =	sdelay $0x1  }
0x389: {  	[sflag:s21] =	ssyncset.done $0x0  }
0x38a: {  	[sflag:s21] =	ssyncadd.s32 $0xFFFFC000  }
0x38b: {  	_ =	sfence.sel $0x180000  }
0x38c: {  	[bflag:$0x0] =	sbarrier.arrive $0xFFFF  }
0x38d: {  	_ =	strace $0x9000004A  }
0x38e: {  	s0 =	stileid.u32;
	[bflag:$0x2] =	sbarrier.arrive $0xFFFF  }
0x38f: {  	p0 =	sne.s32 s0, $0x0;
	s0 =	rddreg [dreg:$0x2]  }
0x390: {  	s0 =	sadd.s32 @!p0 $0x100000, s0  }
0x391: {  	[sflag:s0] =	ssyncadd.tile.s32 @!p0 $0x1;
	_ =	shalt  }
.Lfunc_end2:
_tile_overlayer_lowered:
.L_overlay_start_2:
0x392: {  	(tag) =	ssettag $0x2  }
0x393: {  	s0 =	rddreg [dreg:$0x0];
	s2 =	stileid.u32  }
0x394: {  	s1 =	rddreg [dreg:$0x1];
	p0 =	sne.s32 s2, $0x0  }
0x395: {  	s3 =	rddreg [dreg:$0x2];
	[bflag:$0x3] =	sbarrier.arrive $0xFFFF;
	s2 =	simm.s32 @!p0 $0x1C03  }
0x396: {  	[timem:s3], [sflag:s2] =	dma.local @!p0 [hbm:s0], s1  }
0x397: {  	s0 =	simm.s32 @!p0 $0x3  }
0x398: {  	_ =	swait.ge @!p0 [sflag:s0], s1  }
0x399: {  	s1 =	ssub.s32 @!p0 $0x0, s1;
	[sflag:s0] =	ssyncset.done @!p0 $0x0  }
0x39a: {  	[sflag:s0] =	ssyncadd.s32 @!p0 s1  }
0x39b: {  	[bflag:$0x3] =	sbarrier.arrive $0xFFFF  }
0x39c: {  	_ =	shalt  }

</sc_bundles>
